<compile_context>
chip_gen: v7x
topology: tpu7x:2x2x1
jax: 0.10.2.dev20260603
libtpu: 0.0.44.dev20260713+nightly
codegen_flags: <defaults>
</compile_context>

<pallas_src>
import functools

import jax
import jax.numpy as jnp
from jax import lax
from jax.experimental import pallas as pl
from jax.experimental.pallas import tpu as pltpu
from jax.experimental.pallas import tpu_sc as plsc

NUM_CLASSES = 91
C1 = NUM_CLASSES + 1
EOS_COEF = 0.1
W_CLASS, W_BBOX, W_GIOU = 1.0, 5.0, 2.0
EPS = 1e-7
B, Q, G = 64, 300, 50
LANES = 16
GPAD = 56
QROW = 384
NCHUNK = QROW // LANES
NSCAN = 19
ROWELEMS = GPAD * QROW


BSTEP = 8
HB = B // 2


def _dense_body(pc_ref, pb_ref, gb_ref, gcc_ref, gcall_ref,
                cost_ref, lossp_ref):
    gcall = gcall_ref[...]
    nvalid = jnp.sum((gcall != 0).astype(jnp.float32))
    class_den = EOS_COEF * (B * Q) + (1.0 - EOS_COEF) * nvalid
    num_objs = jnp.maximum(nvalid, 1.0)
    infpad = jnp.full((G, QROW - Q), jnp.inf, jnp.float32)
    row0 = lax.broadcasted_iota(jnp.int32, (G, Q), 0) == 0
    cls_iota = lax.broadcasted_iota(jnp.int32, (G, C1), 1)

    for j in range(BSTEP):
        pc = pc_ref[j]
        pbt = jnp.swapaxes(pb_ref[j], 0, 1)
        gb = gb_ref[j]
        gcc = gcc_ref[j]

        pct = jnp.swapaxes(pc, 0, 1)
        m = jnp.max(pct, axis=0, keepdims=True)
        e = jnp.exp(pct - m)
        lse = jnp.log(jnp.sum(e, axis=0, keepdims=True)) + m
        logp0 = pct[0:1, :] - lse

        oht = (cls_iota == gcc).astype(jnp.float32)
        pcg = jnp.dot(oht, pct, preferred_element_type=jnp.float32)
        logp_g = pcg - lse
        prob_g = jnp.exp(logp_g)

        px0, py0, px1, py1 = pbt[0:1, :], pbt[1:2, :], pbt[2:3, :], pbt[3:4, :]
        gx0, gy0, gx1, gy1 = gb[:, 0:1], gb[:, 1:2], gb[:, 2:3], gb[:, 3:4]
        l1 = (jnp.abs(px0 - gx0) + jnp.abs(py0 - gy0)
              + jnp.abs(px1 - gx1) + jnp.abs(py1 - gy1))
        ix1 = jnp.maximum(px0, gx0)
        iy1 = jnp.maximum(py0, gy0)
        ix2 = jnp.minimum(px1, gx1)
        iy2 = jnp.minimum(py1, gy1)
        inter = jnp.maximum(ix2 - ix1, 0.0) * jnp.maximum(iy2 - iy1, 0.0)
        a1 = (px1 - px0) * (py1 - py0)
        a2 = (gx1 - gx0) * (gy1 - gy0)
        union = a1 + a2 - inter
        iou = inter / (union + EPS)
        ex1 = jnp.minimum(px0, gx0)
        ey1 = jnp.minimum(py0, gy0)
        ex2 = jnp.maximum(px1, gx1)
        ey2 = jnp.maximum(py1, gy1)
        enc = (ex2 - ex1) * (ey2 - ey1)
        giou = iou - (enc - union) / (enc + EPS)

        cost = -W_CLASS * prob_g + W_BBOX * l1 - W_GIOU * giou

        wg = jnp.where(gcc == 0, EOS_COEF, 1.0).astype(jnp.float32)
        validg = (gcc != 0).astype(jnp.float32)
        lossp = (W_CLASS * (wg * (-logp_g) + EOS_COEF * logp0) / class_den
                 + validg * (W_BBOX * l1 + W_GIOU * (1.0 - giou)) / num_objs)
        extra = W_CLASS * EOS_COEF * (-jnp.sum(logp0)) / class_den
        lossp = lossp + jnp.where(row0, extra, 0.0)

        cost_ref[j, 0:G, 0:Q] = cost
        cost_ref[j, 0:G, Q:QROW] = infpad
        lossp_ref[j, 0:G, 0:Q] = lossp


def _dense_call(pred_class, pred_bbox, gt_bbox, gt_class_col, gt_class, phase):
    off = phase * (HB // BSTEP)
    return pl.pallas_call(
        _dense_body,
        grid=(HB // BSTEP,),
        in_specs=[
            pl.BlockSpec((BSTEP, Q, C1), lambda b: (b + off, 0, 0)),
            pl.BlockSpec((BSTEP, Q, 4), lambda b: (b + off, 0, 0)),
            pl.BlockSpec((BSTEP, G, 4), lambda b: (b + off, 0, 0)),
            pl.BlockSpec((BSTEP, G, 1), lambda b: (b + off, 0, 0)),
            pl.BlockSpec((B, G), lambda b: (0, 0)),
        ],
        out_specs=[
            pl.BlockSpec((BSTEP, GPAD, QROW), lambda b: (b, 0, 0)),
            pl.BlockSpec((BSTEP, GPAD, QROW), lambda b: (b, 0, 0)),
        ],
        out_shape=[
            jax.ShapeDtypeStruct((HB, GPAD, QROW), jnp.float32),
            jax.ShapeDtypeStruct((HB, GPAD, QROW), jnp.float32),
        ],
        compiler_params=pltpu.CompilerParams(
            dimension_semantics=("parallel",)),
    )(pred_class, pred_bbox, gt_bbox, gt_class_col, gt_class)


@functools.lru_cache(maxsize=1)
def _get_match_kernel():
    mesh = plsc.VectorSubcoreMesh(core_axis_name="c", subcore_axis_name="s",
                                  num_cores=2, num_subcores=16)
    return functools.partial(
        pl.kernel,
        out_type=jax.ShapeDtypeStruct((HB, LANES), jnp.float32),
        mesh=mesh,
        scratch_types=[
            pltpu.VMEM((GPAD, QROW), jnp.float32),
            pltpu.VMEM((GPAD, QROW), jnp.float32),
            pltpu.VMEM((QROW,), jnp.float32),
            pltpu.VMEM((LANES,), jnp.float32),
        ],
        compiler_params=pltpu.CompilerParams(needs_layout_passes=False),
    )(_match_body)


def _match_body(cost_hbm, lossp_hbm, out_hbm, cost_v, lossp_v, pen_v, acc_v):
    wid = lax.axis_index("s") * 2 + lax.axis_index("c")
    lane = lax.iota(jnp.int32, LANES)
    lane0 = lane == 0
    zeros = jnp.zeros((LANES,), jnp.float32)
    ones = jnp.ones((LANES,), jnp.float32)

    for i in range(HB // 32):
        b = wid + 32 * i
        pltpu.sync_copy(cost_hbm.at[b], cost_v)
        pltpu.sync_copy(lossp_hbm.at[b], lossp_v)
        for k in range(NSCAN):
            pen_v[pl.ds(k * LANES, LANES)] = zeros

        def gbody(g, acc):
            mvec = jnp.full((LANES,), jnp.inf, jnp.float32)
            kidx = jnp.zeros((LANES,), jnp.int32)
            for k in range(NSCAN):
                vals = cost_v[g, pl.ds(k * LANES, LANES)]
                pen = pen_v[pl.ds(k * LANES, LANES)]
                aug = jnp.where(pen > 0.5, jnp.inf, vals)
                better = aug < mvec
                mvec = jnp.where(better, aug, mvec)
                kidx = jnp.where(better, k, kidx)
            mval = jnp.min(mvec)
            cand = jnp.where(mvec == mval, kidx * LANES + lane,
                             jnp.int32(1 << 30))
            q = jnp.min(cand)
            plsc.store_scatter(pen_v, [jnp.full((LANES,), q, jnp.int32)],
                               ones, mask=lane0)
            lv = plsc.load_gather(lossp_v, [jnp.full((LANES,), g, jnp.int32),
                                            jnp.full((LANES,), q, jnp.int32)])
            return acc + jnp.where(lane0, lv, 0.0)

        acc = lax.fori_loop(0, G, gbody, jnp.zeros((LANES,), jnp.float32))
        acc_v[...] = acc
        pltpu.sync_copy(acc_v, out_hbm.at[b])


def kernel(pred_class, pred_bbox, gt_class, gt_bbox):
    gt_class = gt_class.astype(jnp.int32)
    gt_class_col = gt_class[:, :, None]
    match = _get_match_kernel()
    cost0, lossp0 = _dense_call(
        pred_class, pred_bbox, gt_bbox, gt_class_col, gt_class, 0)
    parts0 = match(cost0, lossp0)
    cost1, lossp1 = _dense_call(
        pred_class, pred_bbox, gt_bbox, gt_class_col, gt_class, 1)
    parts1 = match(cost1, lossp1)
    return jnp.sum(parts0) + jnp.sum(parts1)

# --- scband reference (transcript-rebuilt; emitter-appended) ---
"""Pipeline reference for scband-set-criterion-53008486367433 (READ-ONLY COPY).

The authoritative reference and input builder live on the scoring server;
editing this copy changes nothing except your own understanding.
"""

import jax, jax.numpy as jnp
import numpy as np

NUM_CLASSES = 91
EOS_COEF = 0.1
W_CLASS, W_BBOX, W_GIOU = 1.0, 5.0, 2.0
EPS = 1e-7
B, Q, G = 64, 300, 50


def _giou_elem(b1, b2):
    # elementwise (broadcasting) generalized IoU for xyxy boxes; equals diag of _box_giou on matched pairs
    x1 = jnp.maximum(b1[..., 0], b2[..., 0])
    y1 = jnp.maximum(b1[..., 1], b2[..., 1])
    x2 = jnp.minimum(b1[..., 2], b2[..., 2])
    y2 = jnp.minimum(b1[..., 3], b2[..., 3])
    inter = jnp.clip(x2 - x1, 0.0, None) * jnp.clip(y2 - y1, 0.0, None)
    a1 = (b1[..., 2] - b1[..., 0]) * (b1[..., 3] - b1[..., 1])
    a2 = (b2[..., 2] - b2[..., 0]) * (b2[..., 3] - b2[..., 1])
    union = a1 + a2 - inter
    iou = inter / (union + EPS)
    ex1 = jnp.minimum(b1[..., 0], b2[..., 0])
    ey1 = jnp.minimum(b1[..., 1], b2[..., 1])
    ex2 = jnp.maximum(b1[..., 2], b2[..., 2])
    ey2 = jnp.maximum(b1[..., 3], b2[..., 3])
    enc = (ex2 - ex1) * (ey2 - ey1)
    return iou - (enc - union) / (enc + EPS)


def _greedy_match(pred_class, pred_bbox, gt_class, gt_bbox):
    # bipartite matching with DETR-style cost (class/bbox/giou); greedy assignment per gt
    Bn, Qn, Cp1 = pred_class.shape
    Gn = gt_class.shape[1]
    prob = jax.nn.softmax(pred_class, axis=-1)
    idx = jnp.broadcast_to(gt_class[:, None, :], (Bn, Qn, Gn))
    cost_class = -jnp.take_along_axis(prob, idx, axis=2)
    cost_bbox = jnp.sum(jnp.abs(pred_bbox[:, :, None, :] - gt_bbox[:, None, :, :]), axis=-1)
    cost_giou = -_giou_elem(pred_bbox[:, :, None, :], gt_bbox[:, None, :, :])
    cost = W_CLASS * cost_class + W_BBOX * cost_bbox + W_GIOU * cost_giou
    assigned = jnp.zeros((Bn, Qn), dtype=bool)
    b_idx = jnp.arange(Bn)
    cols = []
    for g in range(Gn):
        c = jnp.where(assigned, jnp.inf, cost[:, :, g])
        q = jnp.argmin(c, axis=1)
        cols.append(q)
        assigned = assigned.at[b_idx, q].set(True)
    col_inds = jnp.stack(cols, axis=1)  # [B, G]: matched query per gt
    g_grid = jnp.broadcast_to(jnp.arange(Gn)[None, :], (Bn, Gn))
    row_inds = jnp.full((Bn, Qn), -1, dtype=jnp.int32)
    row_inds = row_inds.at[b_idx[:, None], col_inds].set(g_grid)  # [B, Q]: matched gt per query or -1
    return row_inds, col_inds


def _loss(pred_class, pred_bbox, gt_class, gt_bbox, row_inds, col_inds):
    Bn, Qn, Cp1 = pred_class.shape
    b_idx = jnp.arange(Bn)
    gt_class_expanded = jnp.zeros((Bn, Qn), dtype=gt_class.dtype).at[b_idx[:, None], col_inds].set(gt_class)
    empty_weight = jnp.ones((Cp1,), dtype=pred_class.dtype).at[0].set(EOS_COEF)
    logp = jax.nn.log_softmax(pred_class.reshape(Bn * Qn, Cp1), axis=-1)
    tgt = gt_class_expanded.reshape(-1)
    nll = -jnp.take_along_axis(logp, tgt[:, None], axis=1)[:, 0]
    w = empty_weight[tgt]
    class_loss = jnp.sum(w * nll) / jnp.sum(w)  # matches F.cross_entropy with class weights
    gt_bbox_expanded = jnp.zeros((Bn, Qn, 4), dtype=gt_bbox.dtype).at[b_idx[:, None], col_inds].set(gt_bbox)
    invalid = (row_inds == -1) | (gt_class_expanded == 0)  # [B, Q]
    valid = ~invalid
    pred_m = jnp.where(invalid[..., None], 0.0, pred_bbox)
    gt_m = jnp.where(invalid[..., None], 0.0, gt_bbox_expanded)
    num_objs = jnp.maximum(jnp.sum(valid), 1).astype(pred_bbox.dtype)
    bbox_loss = jnp.sum(jnp.abs(pred_m - gt_m)) / num_objs
    giou = _giou_elem(pred_bbox, gt_bbox_expanded)
    giou_loss = jnp.sum(jnp.where(valid, 1.0 - giou, 0.0)) / num_objs  # == mean over selected pairs
    return W_CLASS * class_loss + W_BBOX * bbox_loss + W_GIOU * giou_loss


def setup_inputs(seed: int = 0) -> dict:
    key = jax.random.key(seed)
    k1, k2, k3, k4 = jax.random.split(key, 4)
    pred_class = jax.random.normal(k1, (B, Q, NUM_CLASSES + 1), dtype=jnp.float32)
    pred_bbox = jax.random.uniform(k2, (B, Q, 4), dtype=jnp.float32)
    gt_class = jax.random.randint(k3, (B, G), 0, NUM_CLASSES + 1)
    gt_bbox = jax.random.uniform(k4, (B, G, 4), dtype=jnp.float32)
    return {"pred_class": pred_class, "pred_bbox": pred_bbox, "gt_class": gt_class, "gt_bbox": gt_bbox}


def reference(pred_class, pred_bbox, gt_class, gt_bbox):
    row_inds, col_inds = _greedy_match(jax.lax.stop_gradient(pred_class), jax.lax.stop_gradient(pred_bbox), gt_class, jax.lax.stop_gradient(gt_bbox))
    return _loss(pred_class, pred_bbox, gt_class, gt_bbox, row_inds, col_inds)

if __name__ == "__main__":
    import jax
    _d = setup_inputs()
    print(jax.jit(kernel)(*tuple(_d.values())))

</pallas_src>

<mosaic_0001>
#map = affine_map<(d0, d1) -> (0, 0, 0)>
#map1 = affine_map<(d0, d1) -> (0, 0)>
module attributes {stable_mosaic.version = 14 : i64} {
  func.func @_match_body(%arg0: i32, %arg1: i32, %arg2: memref<32x56x384xf32, #tpu.memory_space<hbm>>, %arg3: memref<32x56x384xf32, #tpu.memory_space<hbm>>, %arg4: memref<32x16xf32, #tpu.memory_space<hbm>>, %arg5: memref<56x384xf32, #tpu.memory_space<vmem>>, %arg6: memref<56x384xf32, #tpu.memory_space<vmem>>, %arg7: memref<384xf32, #tpu.memory_space<vmem>>, %arg8: memref<16xf32, #tpu.memory_space<vmem>>) attributes {dimension_semantics = [#tpu.dimension_semantics<core_parallel>, #tpu.dimension_semantics<subcore_parallel>], iteration_bounds = array<i64: 2, 16>, scalar_prefetch = 0 : i64, scratch_operands = 4 : i64, tpu.core_type = #tpu.core_type<sc_vector_subcore>, window_params = [{transform_indices = #map}, {transform_indices = #map}, {transform_indices = #map1}]} {
    %mul3A = arith.constant 2 : i32
    %mul3A_0 = arith.muli %arg1, %mul3A : i32
    %add3A = arith.addi %mul3A_0, %arg0 : i32
    %iota3A = tpu.iota {dimensions = array<i32: 0>} : vector<16xi32>
    %eq3A = arith.constant 0 : i32
    %eq3A_1 = vector.broadcast %eq3A : i32 to vector<16xi32>
    %eq3A_2 = arith.cmpi eq, %iota3A, %eq3A_1 : vector<16xi32>
    %broadcast_in_dim3A = arith.constant 0.000000e+00 : f32
    %broadcast_in_dim3A_3 = vector.broadcast %broadcast_in_dim3A : f32 to vector<16xf32>
    %broadcast_in_dim3A_4 = arith.constant 1.000000e+00 : f32
    %broadcast_in_dim3A_5 = vector.broadcast %broadcast_in_dim3A_4 : f32 to vector<16xf32>
    %add3A_6 = arith.constant 0 : i32
    %add3A_7 = arith.addi %add3A, %add3A_6 : i32
    "tpu.region"() ({
      %run_scoped3A = tpu.sem_alloc : memref<!tpu.dma_semaphore, #tpu.memory_space<semaphore_mem>>
      %dma_start3A = arith.constant 0 : i32
      %dma_start3A_54 = arith.constant 0 : i32
      %dma_start3A_55 = tpu.memref_slice %arg2[%add3A_7, %dma_start3A, %dma_start3A_54] : memref<32x56x384xf32, #tpu.memory_space<hbm>> -> memref<1x56x384xf32, #tpu.memory_space<hbm>>
      %dma_start3A_56 = tpu.memref_squeeze %dma_start3A_55 : memref<1x56x384xf32, #tpu.memory_space<hbm>> -> memref<56x384xf32, #tpu.memory_space<hbm>>
      %dma_start3A_57 = arith.constant 0 : i32
      %dma_start3A_58 = arith.constant 0 : i32
      %dma_start3A_59 = tpu.memref_slice %arg2[%add3A_7, %dma_start3A_57, %dma_start3A_58] : memref<32x56x384xf32, #tpu.memory_space<hbm>> -> memref<1x56x384xf32, #tpu.memory_space<hbm>>
      %dma_start3A_60 = tpu.memref_squeeze %dma_start3A_59 : memref<1x56x384xf32, #tpu.memory_space<hbm>> -> memref<56x384xf32, #tpu.memory_space<hbm>>
      tpu.enqueue_dma source(%dma_start3A_60 : memref<56x384xf32, #tpu.memory_space<hbm>>) target(%arg5 : memref<56x384xf32, #tpu.memory_space<vmem>>) target_semaphore(%run_scoped3A : memref<!tpu.dma_semaphore, #tpu.memory_space<semaphore_mem>>)
      %dma_wait3A = arith.constant 0 : i32
      %dma_wait3A_61 = arith.constant 0 : i32
      %dma_wait3A_62 = tpu.memref_slice %arg2[%add3A_7, %dma_wait3A, %dma_wait3A_61] : memref<32x56x384xf32, #tpu.memory_space<hbm>> -> memref<1x56x384xf32, #tpu.memory_space<hbm>>
      %dma_wait3A_63 = tpu.memref_squeeze %dma_wait3A_62 : memref<1x56x384xf32, #tpu.memory_space<hbm>> -> memref<56x384xf32, #tpu.memory_space<hbm>>
      %dma_wait3A_64 = arith.constant 0 : i32
      %dma_wait3A_65 = arith.constant 0 : i32
      %dma_wait3A_66 = tpu.memref_slice %arg2[%add3A_7, %dma_wait3A_64, %dma_wait3A_65] : memref<32x56x384xf32, #tpu.memory_space<hbm>> -> memref<1x56x384xf32, #tpu.memory_space<hbm>>
      %dma_wait3A_67 = tpu.memref_squeeze %dma_wait3A_66 : memref<1x56x384xf32, #tpu.memory_space<hbm>> -> memref<56x384xf32, #tpu.memory_space<hbm>>
      tpu.wait_dma2 semaphore(%run_scoped3A : memref<!tpu.dma_semaphore, #tpu.memory_space<semaphore_mem>>) src(%dma_wait3A_67 : memref<56x384xf32, #tpu.memory_space<hbm>>) dst(%arg5 : memref<56x384xf32, #tpu.memory_space<vmem>>)
      tpu.yield
    }) : () -> ()
    "tpu.region"() ({
      %run_scoped3A = tpu.sem_alloc : memref<!tpu.dma_semaphore, #tpu.memory_space<semaphore_mem>>
      %dma_start3A = arith.constant 0 : i32
      %dma_start3A_54 = arith.constant 0 : i32
      %dma_start3A_55 = tpu.memref_slice %arg3[%add3A_7, %dma_start3A, %dma_start3A_54] : memref<32x56x384xf32, #tpu.memory_space<hbm>> -> memref<1x56x384xf32, #tpu.memory_space<hbm>>
      %dma_start3A_56 = tpu.memref_squeeze %dma_start3A_55 : memref<1x56x384xf32, #tpu.memory_space<hbm>> -> memref<56x384xf32, #tpu.memory_space<hbm>>
      %dma_start3A_57 = arith.constant 0 : i32
      %dma_start3A_58 = arith.constant 0 : i32
      %dma_start3A_59 = tpu.memref_slice %arg3[%add3A_7, %dma_start3A_57, %dma_start3A_58] : memref<32x56x384xf32, #tpu.memory_space<hbm>> -> memref<1x56x384xf32, #tpu.memory_space<hbm>>
      %dma_start3A_60 = tpu.memref_squeeze %dma_start3A_59 : memref<1x56x384xf32, #tpu.memory_space<hbm>> -> memref<56x384xf32, #tpu.memory_space<hbm>>
      tpu.enqueue_dma source(%dma_start3A_60 : memref<56x384xf32, #tpu.memory_space<hbm>>) target(%arg6 : memref<56x384xf32, #tpu.memory_space<vmem>>) target_semaphore(%run_scoped3A : memref<!tpu.dma_semaphore, #tpu.memory_space<semaphore_mem>>)
      %dma_wait3A = arith.constant 0 : i32
      %dma_wait3A_61 = arith.constant 0 : i32
      %dma_wait3A_62 = tpu.memref_slice %arg3[%add3A_7, %dma_wait3A, %dma_wait3A_61] : memref<32x56x384xf32, #tpu.memory_space<hbm>> -> memref<1x56x384xf32, #tpu.memory_space<hbm>>
      %dma_wait3A_63 = tpu.memref_squeeze %dma_wait3A_62 : memref<1x56x384xf32, #tpu.memory_space<hbm>> -> memref<56x384xf32, #tpu.memory_space<hbm>>
      %dma_wait3A_64 = arith.constant 0 : i32
      %dma_wait3A_65 = arith.constant 0 : i32
      %dma_wait3A_66 = tpu.memref_slice %arg3[%add3A_7, %dma_wait3A_64, %dma_wait3A_65] : memref<32x56x384xf32, #tpu.memory_space<hbm>> -> memref<1x56x384xf32, #tpu.memory_space<hbm>>
      %dma_wait3A_67 = tpu.memref_squeeze %dma_wait3A_66 : memref<1x56x384xf32, #tpu.memory_space<hbm>> -> memref<56x384xf32, #tpu.memory_space<hbm>>
      tpu.wait_dma2 semaphore(%run_scoped3A : memref<!tpu.dma_semaphore, #tpu.memory_space<semaphore_mem>>) src(%dma_wait3A_67 : memref<56x384xf32, #tpu.memory_space<hbm>>) dst(%arg6 : memref<56x384xf32, #tpu.memory_space<vmem>>)
      tpu.yield
    }) : () -> ()
    %swap3A = arith.constant 0 : index
    %swap3A_8 = tpu.vector_load %arg7[%swap3A] {strides = array<i32>} : memref<384xf32, #tpu.memory_space<vmem>>, vector<16xf32>,
    tpu.vector_store %arg7[%swap3A], %broadcast_in_dim3A_3 {strides = array<i32>} : memref<384xf32, #tpu.memory_space<vmem>>, vector<16xf32>,
    %swap3A_9 = arith.constant 16 : index
    %swap3A_10 = tpu.vector_load %arg7[%swap3A_9] {strides = array<i32>} : memref<384xf32, #tpu.memory_space<vmem>>, vector<16xf32>,
    tpu.vector_store %arg7[%swap3A_9], %broadcast_in_dim3A_3 {strides = array<i32>} : memref<384xf32, #tpu.memory_space<vmem>>, vector<16xf32>,
    %swap3A_11 = arith.constant 32 : index
    %swap3A_12 = tpu.vector_load %arg7[%swap3A_11] {strides = array<i32>} : memref<384xf32, #tpu.memory_space<vmem>>, vector<16xf32>,
    tpu.vector_store %arg7[%swap3A_11], %broadcast_in_dim3A_3 {strides = array<i32>} : memref<384xf32, #tpu.memory_space<vmem>>, vector<16xf32>,
    %swap3A_13 = arith.constant 48 : index
    %swap3A_14 = tpu.vector_load %arg7[%swap3A_13] {strides = array<i32>} : memref<384xf32, #tpu.memory_space<vmem>>, vector<16xf32>,
    tpu.vector_store %arg7[%swap3A_13], %broadcast_in_dim3A_3 {strides = array<i32>} : memref<384xf32, #tpu.memory_space<vmem>>, vector<16xf32>,
    %swap3A_15 = arith.constant 64 : index
    %swap3A_16 = tpu.vector_load %arg7[%swap3A_15] {strides = array<i32>} : memref<384xf32, #tpu.memory_space<vmem>>, vector<16xf32>,
    tpu.vector_store %arg7[%swap3A_15], %broadcast_in_dim3A_3 {strides = array<i32>} : memref<384xf32, #tpu.memory_space<vmem>>, vector<16xf32>,
    %swap3A_17 = arith.constant 80 : index
    %swap3A_18 = tpu.vector_load %arg7[%swap3A_17] {strides = array<i32>} : memref<384xf32, #tpu.memory_space<vmem>>, vector<16xf32>,
    tpu.vector_store %arg7[%swap3A_17], %broadcast_in_dim3A_3 {strides = array<i32>} : memref<384xf32, #tpu.memory_space<vmem>>, vector<16xf32>,
    %swap3A_19 = arith.constant 96 : index
    %swap3A_20 = tpu.vector_load %arg7[%swap3A_19] {strides = array<i32>} : memref<384xf32, #tpu.memory_space<vmem>>, vector<16xf32>,
    tpu.vector_store %arg7[%swap3A_19], %broadcast_in_dim3A_3 {strides = array<i32>} : memref<384xf32, #tpu.memory_space<vmem>>, vector<16xf32>,
    %swap3A_21 = arith.constant 112 : index
    %swap3A_22 = tpu.vector_load %arg7[%swap3A_21] {strides = array<i32>} : memref<384xf32, #tpu.memory_space<vmem>>, vector<16xf32>,
    tpu.vector_store %arg7[%swap3A_21], %broadcast_in_dim3A_3 {strides = array<i32>} : memref<384xf32, #tpu.memory_space<vmem>>, vector<16xf32>,
    %swap3A_23 = arith.constant 128 : index
    %swap3A_24 = tpu.vector_load %arg7[%swap3A_23] {strides = array<i32>} : memref<384xf32, #tpu.memory_space<vmem>>, vector<16xf32>,
    tpu.vector_store %arg7[%swap3A_23], %broadcast_in_dim3A_3 {strides = array<i32>} : memref<384xf32, #tpu.memory_space<vmem>>, vector<16xf32>,
    %swap3A_25 = arith.constant 144 : index
    %swap3A_26 = tpu.vector_load %arg7[%swap3A_25] {strides = array<i32>} : memref<384xf32, #tpu.memory_space<vmem>>, vector<16xf32>,
    tpu.vector_store %arg7[%swap3A_25], %broadcast_in_dim3A_3 {strides = array<i32>} : memref<384xf32, #tpu.memory_space<vmem>>, vector<16xf32>,
    %swap3A_27 = arith.constant 160 : index
    %swap3A_28 = tpu.vector_load %arg7[%swap3A_27] {strides = array<i32>} : memref<384xf32, #tpu.memory_space<vmem>>, vector<16xf32>,
    tpu.vector_store %arg7[%swap3A_27], %broadcast_in_dim3A_3 {strides = array<i32>} : memref<384xf32, #tpu.memory_space<vmem>>, vector<16xf32>,
    %swap3A_29 = arith.constant 176 : index
    %swap3A_30 = tpu.vector_load %arg7[%swap3A_29] {strides = array<i32>} : memref<384xf32, #tpu.memory_space<vmem>>, vector<16xf32>,
    tpu.vector_store %arg7[%swap3A_29], %broadcast_in_dim3A_3 {strides = array<i32>} : memref<384xf32, #tpu.memory_space<vmem>>, vector<16xf32>,
    %swap3A_31 = arith.constant 192 : index
    %swap3A_32 = tpu.vector_load %arg7[%swap3A_31] {strides = array<i32>} : memref<384xf32, #tpu.memory_space<vmem>>, vector<16xf32>,
    tpu.vector_store %arg7[%swap3A_31], %broadcast_in_dim3A_3 {strides = array<i32>} : memref<384xf32, #tpu.memory_space<vmem>>, vector<16xf32>,
    %swap3A_33 = arith.constant 208 : index
    %swap3A_34 = tpu.vector_load %arg7[%swap3A_33] {strides = array<i32>} : memref<384xf32, #tpu.memory_space<vmem>>, vector<16xf32>,
    tpu.vector_store %arg7[%swap3A_33], %broadcast_in_dim3A_3 {strides = array<i32>} : memref<384xf32, #tpu.memory_space<vmem>>, vector<16xf32>,
    %swap3A_35 = arith.constant 224 : index
    %swap3A_36 = tpu.vector_load %arg7[%swap3A_35] {strides = array<i32>} : memref<384xf32, #tpu.memory_space<vmem>>, vector<16xf32>,
    tpu.vector_store %arg7[%swap3A_35], %broadcast_in_dim3A_3 {strides = array<i32>} : memref<384xf32, #tpu.memory_space<vmem>>, vector<16xf32>,
    %swap3A_37 = arith.constant 240 : index
    %swap3A_38 = tpu.vector_load %arg7[%swap3A_37] {strides = array<i32>} : memref<384xf32, #tpu.memory_space<vmem>>, vector<16xf32>,
    tpu.vector_store %arg7[%swap3A_37], %broadcast_in_dim3A_3 {strides = array<i32>} : memref<384xf32, #tpu.memory_space<vmem>>, vector<16xf32>,
    %swap3A_39 = arith.constant 256 : index
    %swap3A_40 = tpu.vector_load %arg7[%swap3A_39] {strides = array<i32>} : memref<384xf32, #tpu.memory_space<vmem>>, vector<16xf32>,
    tpu.vector_store %arg7[%swap3A_39], %broadcast_in_dim3A_3 {strides = array<i32>} : memref<384xf32, #tpu.memory_space<vmem>>, vector<16xf32>,
    %swap3A_41 = arith.constant 272 : index
    %swap3A_42 = tpu.vector_load %arg7[%swap3A_41] {strides = array<i32>} : memref<384xf32, #tpu.memory_space<vmem>>, vector<16xf32>,
    tpu.vector_store %arg7[%swap3A_41], %broadcast_in_dim3A_3 {strides = array<i32>} : memref<384xf32, #tpu.memory_space<vmem>>, vector<16xf32>,
    %swap3A_43 = arith.constant 288 : index
    %swap3A_44 = tpu.vector_load %arg7[%swap3A_43] {strides = array<i32>} : memref<384xf32, #tpu.memory_space<vmem>>, vector<16xf32>,
    tpu.vector_store %arg7[%swap3A_43], %broadcast_in_dim3A_3 {strides = array<i32>} : memref<384xf32, #tpu.memory_space<vmem>>, vector<16xf32>,
    %broadcast_in_dim3A_45 = arith.constant 0.000000e+00 : f32
    %broadcast_in_dim3A_46 = vector.broadcast %broadcast_in_dim3A_45 : f32 to vector<16xf32>
    %scan3A = arith.constant 0 : i32
    %scan3A_47 = arith.constant 50 : i32
    %scan3A_48 = arith.addi %scan3A, %scan3A_47 : i32
    %scan3A_49 = arith.constant 1 : i32
    %scan3A_50 = scf.for %scan3A_54 = %scan3A to %scan3A_48 step %scan3A_49 iter_args(%scan3A_55 = %broadcast_in_dim3A_46) -> (vector<16xf32>)  : i32 {
      %broadcast_in_dim3A_56 = arith.constant 0x7F800000 : f32
      %broadcast_in_dim3A_57 = vector.broadcast %broadcast_in_dim3A_56 : f32 to vector<16xf32>
      %broadcast_in_dim3A_58 = arith.constant 0 : i32
      %broadcast_in_dim3A_59 = vector.broadcast %broadcast_in_dim3A_58 : i32 to vector<16xi32>
      %get3A = arith.index_cast %scan3A_54 : i32 to index
      %get3A_60 = arith.constant 0 : index
      %get3A_61 = tpu.vector_load %arg5[%get3A, %get3A_60] {strides = array<i32>} : memref<56x384xf32, #tpu.memory_space<vmem>>, vector<16xf32>,
      %get3A_62 = arith.constant 0 : index
      %get3A_63 = tpu.vector_load %arg7[%get3A_62] {strides = array<i32>} : memref<384xf32, #tpu.memory_space<vmem>>, vector<16xf32>,
      %gt3A = arith.constant 5.000000e-01 : f32
      %gt3A_64 = vector.broadcast %gt3A : f32 to vector<16xf32>
      %gt3A_65 = arith.cmpf ogt, %get3A_63, %gt3A_64 : vector<16xf32>
      %jit3A = arith.constant 0x7F800000 : f32
      %broadcast_in_dim3A_66 = vector.broadcast %jit3A : f32 to vector<16xf32>
      %select_n3A = arith.select %gt3A_65, %broadcast_in_dim3A_66, %get3A_61 : vector<16xi1>, vector<16xf32>
      %lt3A = arith.cmpf olt, %select_n3A, %broadcast_in_dim3A_57 : vector<16xf32>
      %select_n3A_67 = arith.select %lt3A, %select_n3A, %broadcast_in_dim3A_57 : vector<16xi1>, vector<16xf32>
      %jit3A_68 = arith.constant 0 : i32
      %broadcast_in_dim3A_69 = vector.broadcast %jit3A_68 : i32 to vector<16xi32>
      %select_n3A_70 = arith.select %lt3A, %broadcast_in_dim3A_69, %broadcast_in_dim3A_59 : vector<16xi1>, vector<16xi32>
      %get3A_71 = arith.index_cast %scan3A_54 : i32 to index
      %get3A_72 = arith.constant 16 : index
      %get3A_73 = tpu.vector_load %arg5[%get3A_71, %get3A_72] {strides = array<i32>} : memref<56x384xf32, #tpu.memory_space<vmem>>, vector<16xf32>,
      %get3A_74 = arith.constant 16 : index
      %get3A_75 = tpu.vector_load %arg7[%get3A_74] {strides = array<i32>} : memref<384xf32, #tpu.memory_space<vmem>>, vector<16xf32>,
      %gt3A_76 = arith.constant 5.000000e-01 : f32
      %gt3A_77 = vector.broadcast %gt3A_76 : f32 to vector<16xf32>
      %gt3A_78 = arith.cmpf ogt, %get3A_75, %gt3A_77 : vector<16xf32>
      %jit3A_79 = arith.constant 0x7F800000 : f32
      %broadcast_in_dim3A_80 = vector.broadcast %jit3A_79 : f32 to vector<16xf32>
      %select_n3A_81 = arith.select %gt3A_78, %broadcast_in_dim3A_80, %get3A_73 : vector<16xi1>, vector<16xf32>
      %lt3A_82 = arith.cmpf olt, %select_n3A_81, %select_n3A_67 : vector<16xf32>
      %select_n3A_83 = arith.select %lt3A_82, %select_n3A_81, %select_n3A_67 : vector<16xi1>, vector<16xf32>
      %jit3A_84 = arith.constant 1 : i32
      %broadcast_in_dim3A_85 = vector.broadcast %jit3A_84 : i32 to vector<16xi32>
      %select_n3A_86 = arith.select %lt3A_82, %broadcast_in_dim3A_85, %select_n3A_70 : vector<16xi1>, vector<16xi32>
      %get3A_87 = arith.index_cast %scan3A_54 : i32 to index
      %get3A_88 = arith.constant 32 : index
      %get3A_89 = tpu.vector_load %arg5[%get3A_87, %get3A_88] {strides = array<i32>} : memref<56x384xf32, #tpu.memory_space<vmem>>, vector<16xf32>,
      %get3A_90 = arith.constant 32 : index
      %get3A_91 = tpu.vector_load %arg7[%get3A_90] {strides = array<i32>} : memref<384xf32, #tpu.memory_space<vmem>>, vector<16xf32>,
      %gt3A_92 = arith.constant 5.000000e-01 : f32
      %gt3A_93 = vector.broadcast %gt3A_92 : f32 to vector<16xf32>
      %gt3A_94 = arith.cmpf ogt, %get3A_91, %gt3A_93 : vector<16xf32>
      %jit3A_95 = arith.constant 0x7F800000 : f32
      %broadcast_in_dim3A_96 = vector.broadcast %jit3A_95 : f32 to vector<16xf32>
      %select_n3A_97 = arith.select %gt3A_94, %broadcast_in_dim3A_96, %get3A_89 : vector<16xi1>, vector<16xf32>
      %lt3A_98 = arith.cmpf olt, %select_n3A_97, %select_n3A_83 : vector<16xf32>
      %select_n3A_99 = arith.select %lt3A_98, %select_n3A_97, %select_n3A_83 : vector<16xi1>, vector<16xf32>
      %jit3A_100 = arith.constant 2 : i32
      %broadcast_in_dim3A_101 = vector.broadcast %jit3A_100 : i32 to vector<16xi32>
      %select_n3A_102 = arith.select %lt3A_98, %broadcast_in_dim3A_101, %select_n3A_86 : vector<16xi1>, vector<16xi32>
      %get3A_103 = arith.index_cast %scan3A_54 : i32 to index
      %get3A_104 = arith.constant 48 : index
      %get3A_105 = tpu.vector_load %arg5[%get3A_103, %get3A_104] {strides = array<i32>} : memref<56x384xf32, #tpu.memory_space<vmem>>, vector<16xf32>,
      %get3A_106 = arith.constant 48 : index
      %get3A_107 = tpu.vector_load %arg7[%get3A_106] {strides = array<i32>} : memref<384xf32, #tpu.memory_space<vmem>>, vector<16xf32>,
      %gt3A_108 = arith.constant 5.000000e-01 : f32
      %gt3A_109 = vector.broadcast %gt3A_108 : f32 to vector<16xf32>
      %gt3A_110 = arith.cmpf ogt, %get3A_107, %gt3A_109 : vector<16xf32>
      %jit3A_111 = arith.constant 0x7F800000 : f32
      %broadcast_in_dim3A_112 = vector.broadcast %jit3A_111 : f32 to vector<16xf32>
      %select_n3A_113 = arith.select %gt3A_110, %broadcast_in_dim3A_112, %get3A_105 : vector<16xi1>, vector<16xf32>
      %lt3A_114 = arith.cmpf olt, %select_n3A_113, %select_n3A_99 : vector<16xf32>
      %select_n3A_115 = arith.select %lt3A_114, %select_n3A_113, %select_n3A_99 : vector<16xi1>, vector<16xf32>
      %jit3A_116 = arith.constant 3 : i32
      %broadcast_in_dim3A_117 = vector.broadcast %jit3A_116 : i32 to vector<16xi32>
      %select_n3A_118 = arith.select %lt3A_114, %broadcast_in_dim3A_117, %select_n3A_102 : vector<16xi1>, vector<16xi32>
      %get3A_119 = arith.index_cast %scan3A_54 : i32 to index
      %get3A_120 = arith.constant 64 : index
      %get3A_121 = tpu.vector_load %arg5[%get3A_119, %get3A_120] {strides = array<i32>} : memref<56x384xf32, #tpu.memory_space<vmem>>, vector<16xf32>,
      %get3A_122 = arith.constant 64 : index
      %get3A_123 = tpu.vector_load %arg7[%get3A_122] {strides = array<i32>} : memref<384xf32, #tpu.memory_space<vmem>>, vector<16xf32>,
      %gt3A_124 = arith.constant 5.000000e-01 : f32
      %gt3A_125 = vector.broadcast %gt3A_124 : f32 to vector<16xf32>
      %gt3A_126 = arith.cmpf ogt, %get3A_123, %gt3A_125 : vector<16xf32>
      %jit3A_127 = arith.constant 0x7F800000 : f32
      %broadcast_in_dim3A_128 = vector.broadcast %jit3A_127 : f32 to vector<16xf32>
      %select_n3A_129 = arith.select %gt3A_126, %broadcast_in_dim3A_128, %get3A_121 : vector<16xi1>, vector<16xf32>
      %lt3A_130 = arith.cmpf olt, %select_n3A_129, %select_n3A_115 : vector<16xf32>
      %select_n3A_131 = arith.select %lt3A_130, %select_n3A_129, %select_n3A_115 : vector<16xi1>, vector<16xf32>
      %jit3A_132 = arith.constant 4 : i32
      %broadcast_in_dim3A_133 = vector.broadcast %jit3A_132 : i32 to vector<16xi32>
      %select_n3A_134 = arith.select %lt3A_130, %broadcast_in_dim3A_133, %select_n3A_118 : vector<16xi1>, vector<16xi32>
      %get3A_135 = arith.index_cast %scan3A_54 : i32 to index
      %get3A_136 = arith.constant 80 : index
      %get3A_137 = tpu.vector_load %arg5[%get3A_135, %get3A_136] {strides = array<i32>} : memref<56x384xf32, #tpu.memory_space<vmem>>, vector<16xf32>,
      %get3A_138 = arith.constant 80 : index
      %get3A_139 = tpu.vector_load %arg7[%get3A_138] {strides = array<i32>} : memref<384xf32, #tpu.memory_space<vmem>>, vector<16xf32>,
      %gt3A_140 = arith.constant 5.000000e-01 : f32
      %gt3A_141 = vector.broadcast %gt3A_140 : f32 to vector<16xf32>
      %gt3A_142 = arith.cmpf ogt, %get3A_139, %gt3A_141 : vector<16xf32>
      %jit3A_143 = arith.constant 0x7F800000 : f32
      %broadcast_in_dim3A_144 = vector.broadcast %jit3A_143 : f32 to vector<16xf32>
      %select_n3A_145 = arith.select %gt3A_142, %broadcast_in_dim3A_144, %get3A_137 : vector<16xi1>, vector<16xf32>
      %lt3A_146 = arith.cmpf olt, %select_n3A_145, %select_n3A_131 : vector<16xf32>
      %select_n3A_147 = arith.select %lt3A_146, %select_n3A_145, %select_n3A_131 : vector<16xi1>, vector<16xf32>
      %jit3A_148 = arith.constant 5 : i32
      %broadcast_in_dim3A_149 = vector.broadcast %jit3A_148 : i32 to vector<16xi32>
      %select_n3A_150 = arith.select %lt3A_146, %broadcast_in_dim3A_149, %select_n3A_134 : vector<16xi1>, vector<16xi32>
      %get3A_151 = arith.index_cast %scan3A_54 : i32 to index
      %get3A_152 = arith.constant 96 : index
      %get3A_153 = tpu.vector_load %arg5[%get3A_151, %get3A_152] {strides = array<i32>} : memref<56x384xf32, #tpu.memory_space<vmem>>, vector<16xf32>,
      %get3A_154 = arith.constant 96 : index
      %get3A_155 = tpu.vector_load %arg7[%get3A_154] {strides = array<i32>} : memref<384xf32, #tpu.memory_space<vmem>>, vector<16xf32>,
      %gt3A_156 = arith.constant 5.000000e-01 : f32
      %gt3A_157 = vector.broadcast %gt3A_156 : f32 to vector<16xf32>
      %gt3A_158 = arith.cmpf ogt, %get3A_155, %gt3A_157 : vector<16xf32>
      %jit3A_159 = arith.constant 0x7F800000 : f32
      %broadcast_in_dim3A_160 = vector.broadcast %jit3A_159 : f32 to vector<16xf32>
      %select_n3A_161 = arith.select %gt3A_158, %broadcast_in_dim3A_160, %get3A_153 : vector<16xi1>, vector<16xf32>
      %lt3A_162 = arith.cmpf olt, %select_n3A_161, %select_n3A_147 : vector<16xf32>
      %select_n3A_163 = arith.select %lt3A_162, %select_n3A_161, %select_n3A_147 : vector<16xi1>, vector<16xf32>
      %jit3A_164 = arith.constant 6 : i32
      %broadcast_in_dim3A_165 = vector.broadcast %jit3A_164 : i32 to vector<16xi32>
      %select_n3A_166 = arith.select %lt3A_162, %broadcast_in_dim3A_165, %select_n3A_150 : vector<16xi1>, vector<16xi32>
      %get3A_167 = arith.index_cast %scan3A_54 : i32 to index
      %get3A_168 = arith.constant 112 : index
      %get3A_169 = tpu.vector_load %arg5[%get3A_167, %get3A_168] {strides = array<i32>} : memref<56x384xf32, #tpu.memory_space<vmem>>, vector<16xf32>,
      %get3A_170 = arith.constant 112 : index
      %get3A_171 = tpu.vector_load %arg7[%get3A_170] {strides = array<i32>} : memref<384xf32, #tpu.memory_space<vmem>>, vector<16xf32>,
      %gt3A_172 = arith.constant 5.000000e-01 : f32
      %gt3A_173 = vector.broadcast %gt3A_172 : f32 to vector<16xf32>
      %gt3A_174 = arith.cmpf ogt, %get3A_171, %gt3A_173 : vector<16xf32>
      %jit3A_175 = arith.constant 0x7F800000 : f32
      %broadcast_in_dim3A_176 = vector.broadcast %jit3A_175 : f32 to vector<16xf32>
      %select_n3A_177 = arith.select %gt3A_174, %broadcast_in_dim3A_176, %get3A_169 : vector<16xi1>, vector<16xf32>
      %lt3A_178 = arith.cmpf olt, %select_n3A_177, %select_n3A_163 : vector<16xf32>
      %select_n3A_179 = arith.select %lt3A_178, %select_n3A_177, %select_n3A_163 : vector<16xi1>, vector<16xf32>
      %jit3A_180 = arith.constant 7 : i32
      %broadcast_in_dim3A_181 = vector.broadcast %jit3A_180 : i32 to vector<16xi32>
      %select_n3A_182 = arith.select %lt3A_178, %broadcast_in_dim3A_181, %select_n3A_166 : vector<16xi1>, vector<16xi32>
      %get3A_183 = arith.index_cast %scan3A_54 : i32 to index
      %get3A_184 = arith.constant 128 : index
      %get3A_185 = tpu.vector_load %arg5[%get3A_183, %get3A_184] {strides = array<i32>} : memref<56x384xf32, #tpu.memory_space<vmem>>, vector<16xf32>,
      %get3A_186 = arith.constant 128 : index
      %get3A_187 = tpu.vector_load %arg7[%get3A_186] {strides = array<i32>} : memref<384xf32, #tpu.memory_space<vmem>>, vector<16xf32>,
      %gt3A_188 = arith.constant 5.000000e-01 : f32
      %gt3A_189 = vector.broadcast %gt3A_188 : f32 to vector<16xf32>
      %gt3A_190 = arith.cmpf ogt, %get3A_187, %gt3A_189 : vector<16xf32>
      %jit3A_191 = arith.constant 0x7F800000 : f32
      %broadcast_in_dim3A_192 = vector.broadcast %jit3A_191 : f32 to vector<16xf32>
      %select_n3A_193 = arith.select %gt3A_190, %broadcast_in_dim3A_192, %get3A_185 : vector<16xi1>, vector<16xf32>
      %lt3A_194 = arith.cmpf olt, %select_n3A_193, %select_n3A_179 : vector<16xf32>
      %select_n3A_195 = arith.select %lt3A_194, %select_n3A_193, %select_n3A_179 : vector<16xi1>, vector<16xf32>
      %jit3A_196 = arith.constant 8 : i32
      %broadcast_in_dim3A_197 = vector.broadcast %jit3A_196 : i32 to vector<16xi32>
      %select_n3A_198 = arith.select %lt3A_194, %broadcast_in_dim3A_197, %select_n3A_182 : vector<16xi1>, vector<16xi32>
      %get3A_199 = arith.index_cast %scan3A_54 : i32 to index
      %get3A_200 = arith.constant 144 : index
      %get3A_201 = tpu.vector_load %arg5[%get3A_199, %get3A_200] {strides = array<i32>} : memref<56x384xf32, #tpu.memory_space<vmem>>, vector<16xf32>,
      %get3A_202 = arith.constant 144 : index
      %get3A_203 = tpu.vector_load %arg7[%get3A_202] {strides = array<i32>} : memref<384xf32, #tpu.memory_space<vmem>>, vector<16xf32>,
      %gt3A_204 = arith.constant 5.000000e-01 : f32
      %gt3A_205 = vector.broadcast %gt3A_204 : f32 to vector<16xf32>
      %gt3A_206 = arith.cmpf ogt, %get3A_203, %gt3A_205 : vector<16xf32>
      %jit3A_207 = arith.constant 0x7F800000 : f32
      %broadcast_in_dim3A_208 = vector.broadcast %jit3A_207 : f32 to vector<16xf32>
      %select_n3A_209 = arith.select %gt3A_206, %broadcast_in_dim3A_208, %get3A_201 : vector<16xi1>, vector<16xf32>
      %lt3A_210 = arith.cmpf olt, %select_n3A_209, %select_n3A_195 : vector<16xf32>
      %select_n3A_211 = arith.select %lt3A_210, %select_n3A_209, %select_n3A_195 : vector<16xi1>, vector<16xf32>
      %jit3A_212 = arith.constant 9 : i32
      %broadcast_in_dim3A_213 = vector.broadcast %jit3A_212 : i32 to vector<16xi32>
      %select_n3A_214 = arith.select %lt3A_210, %broadcast_in_dim3A_213, %select_n3A_198 : vector<16xi1>, vector<16xi32>
      %get3A_215 = arith.index_cast %scan3A_54 : i32 to index
      %get3A_216 = arith.constant 160 : index
      %get3A_217 = tpu.vector_load %arg5[%get3A_215, %get3A_216] {strides = array<i32>} : memref<56x384xf32, #tpu.memory_space<vmem>>, vector<16xf32>,
      %get3A_218 = arith.constant 160 : index
      %get3A_219 = tpu.vector_load %arg7[%get3A_218] {strides = array<i32>} : memref<384xf32, #tpu.memory_space<vmem>>, vector<16xf32>,
      %gt3A_220 = arith.constant 5.000000e-01 : f32
      %gt3A_221 = vector.broadcast %gt3A_220 : f32 to vector<16xf32>
      %gt3A_222 = arith.cmpf ogt, %get3A_219, %gt3A_221 : vector<16xf32>
      %jit3A_223 = arith.constant 0x7F800000 : f32
      %broadcast_in_dim3A_224 = vector.broadcast %jit3A_223 : f32 to vector<16xf32>
      %select_n3A_225 = arith.select %gt3A_222, %broadcast_in_dim3A_224, %get3A_217 : vector<16xi1>, vector<16xf32>
      %lt3A_226 = arith.cmpf olt, %select_n3A_225, %select_n3A_211 : vector<16xf32>
      %select_n3A_227 = arith.select %lt3A_226, %select_n3A_225, %select_n3A_211 : vector<16xi1>, vector<16xf32>
      %jit3A_228 = arith.constant 10 : i32
      %broadcast_in_dim3A_229 = vector.broadcast %jit3A_228 : i32 to vector<16xi32>
      %select_n3A_230 = arith.select %lt3A_226, %broadcast_in_dim3A_229, %select_n3A_214 : vector<16xi1>, vector<16xi32>
      %get3A_231 = arith.index_cast %scan3A_54 : i32 to index
      %get3A_232 = arith.constant 176 : index
      %get3A_233 = tpu.vector_load %arg5[%get3A_231, %get3A_232] {strides = array<i32>} : memref<56x384xf32, #tpu.memory_space<vmem>>, vector<16xf32>,
      %get3A_234 = arith.constant 176 : index
      %get3A_235 = tpu.vector_load %arg7[%get3A_234] {strides = array<i32>} : memref<384xf32, #tpu.memory_space<vmem>>, vector<16xf32>,
      %gt3A_236 = arith.constant 5.000000e-01 : f32
      %gt3A_237 = vector.broadcast %gt3A_236 : f32 to vector<16xf32>
      %gt3A_238 = arith.cmpf ogt, %get3A_235, %gt3A_237 : vector<16xf32>
      %jit3A_239 = arith.constant 0x7F800000 : f32
      %broadcast_in_dim3A_240 = vector.broadcast %jit3A_239 : f32 to vector<16xf32>
      %select_n3A_241 = arith.select %gt3A_238, %broadcast_in_dim3A_240, %get3A_233 : vector<16xi1>, vector<16xf32>
      %lt3A_242 = arith.cmpf olt, %select_n3A_241, %select_n3A_227 : vector<16xf32>
      %select_n3A_243 = arith.select %lt3A_242, %select_n3A_241, %select_n3A_227 : vector<16xi1>, vector<16xf32>
      %jit3A_244 = arith.constant 11 : i32
      %broadcast_in_dim3A_245 = vector.broadcast %jit3A_244 : i32 to vector<16xi32>
      %select_n3A_246 = arith.select %lt3A_242, %broadcast_in_dim3A_245, %select_n3A_230 : vector<16xi1>, vector<16xi32>
      %get3A_247 = arith.index_cast %scan3A_54 : i32 to index
      %get3A_248 = arith.constant 192 : index
      %get3A_249 = tpu.vector_load %arg5[%get3A_247, %get3A_248] {strides = array<i32>} : memref<56x384xf32, #tpu.memory_space<vmem>>, vector<16xf32>,
      %get3A_250 = arith.constant 192 : index
      %get3A_251 = tpu.vector_load %arg7[%get3A_250] {strides = array<i32>} : memref<384xf32, #tpu.memory_space<vmem>>, vector<16xf32>,
      %gt3A_252 = arith.constant 5.000000e-01 : f32
      %gt3A_253 = vector.broadcast %gt3A_252 : f32 to vector<16xf32>
      %gt3A_254 = arith.cmpf ogt, %get3A_251, %gt3A_253 : vector<16xf32>
      %jit3A_255 = arith.constant 0x7F800000 : f32
      %broadcast_in_dim3A_256 = vector.broadcast %jit3A_255 : f32 to vector<16xf32>
      %select_n3A_257 = arith.select %gt3A_254, %broadcast_in_dim3A_256, %get3A_249 : vector<16xi1>, vector<16xf32>
      %lt3A_258 = arith.cmpf olt, %select_n3A_257, %select_n3A_243 : vector<16xf32>
      %select_n3A_259 = arith.select %lt3A_258, %select_n3A_257, %select_n3A_243 : vector<16xi1>, vector<16xf32>
      %jit3A_260 = arith.constant 12 : i32
      %broadcast_in_dim3A_261 = vector.broadcast %jit3A_260 : i32 to vector<16xi32>
      %select_n3A_262 = arith.select %lt3A_258, %broadcast_in_dim3A_261, %select_n3A_246 : vector<16xi1>, vector<16xi32>
      %get3A_263 = arith.index_cast %scan3A_54 : i32 to index
      %get3A_264 = arith.constant 208 : index
      %get3A_265 = tpu.vector_load %arg5[%get3A_263, %get3A_264] {strides = array<i32>} : memref<56x384xf32, #tpu.memory_space<vmem>>, vector<16xf32>,
      %get3A_266 = arith.constant 208 : index
      %get3A_267 = tpu.vector_load %arg7[%get3A_266] {strides = array<i32>} : memref<384xf32, #tpu.memory_space<vmem>>, vector<16xf32>,
      %gt3A_268 = arith.constant 5.000000e-01 : f32
      %gt3A_269 = vector.broadcast %gt3A_268 : f32 to vector<16xf32>
      %gt3A_270 = arith.cmpf ogt, %get3A_267, %gt3A_269 : vector<16xf32>
      %jit3A_271 = arith.constant 0x7F800000 : f32
      %broadcast_in_dim3A_272 = vector.broadcast %jit3A_271 : f32 to vector<16xf32>
      %select_n3A_273 = arith.select %gt3A_270, %broadcast_in_dim3A_272, %get3A_265 : vector<16xi1>, vector<16xf32>
      %lt3A_274 = arith.cmpf olt, %select_n3A_273, %select_n3A_259 : vector<16xf32>
      %select_n3A_275 = arith.select %lt3A_274, %select_n3A_273, %select_n3A_259 : vector<16xi1>, vector<16xf32>
      %jit3A_276 = arith.constant 13 : i32
      %broadcast_in_dim3A_277 = vector.broadcast %jit3A_276 : i32 to vector<16xi32>
      %select_n3A_278 = arith.select %lt3A_274, %broadcast_in_dim3A_277, %select_n3A_262 : vector<16xi1>, vector<16xi32>
      %get3A_279 = arith.index_cast %scan3A_54 : i32 to index
      %get3A_280 = arith.constant 224 : index
      %get3A_281 = tpu.vector_load %arg5[%get3A_279, %get3A_280] {strides = array<i32>} : memref<56x384xf32, #tpu.memory_space<vmem>>, vector<16xf32>,
      %get3A_282 = arith.constant 224 : index
      %get3A_283 = tpu.vector_load %arg7[%get3A_282] {strides = array<i32>} : memref<384xf32, #tpu.memory_space<vmem>>, vector<16xf32>,
      %gt3A_284 = arith.constant 5.000000e-01 : f32
      %gt3A_285 = vector.broadcast %gt3A_284 : f32 to vector<16xf32>
      %gt3A_286 = arith.cmpf ogt, %get3A_283, %gt3A_285 : vector<16xf32>
      %jit3A_287 = arith.constant 0x7F800000 : f32
      %broadcast_in_dim3A_288 = vector.broadcast %jit3A_287 : f32 to vector<16xf32>
      %select_n3A_289 = arith.select %gt3A_286, %broadcast_in_dim3A_288, %get3A_281 : vector<16xi1>, vector<16xf32>
      %lt3A_290 = arith.cmpf olt, %select_n3A_289, %select_n3A_275 : vector<16xf32>
      %select_n3A_291 = arith.select %lt3A_290, %select_n3A_289, %select_n3A_275 : vector<16xi1>, vector<16xf32>
      %jit3A_292 = arith.constant 14 : i32
      %broadcast_in_dim3A_293 = vector.broadcast %jit3A_292 : i32 to vector<16xi32>
      %select_n3A_294 = arith.select %lt3A_290, %broadcast_in_dim3A_293, %select_n3A_278 : vector<16xi1>, vector<16xi32>
      %get3A_295 = arith.index_cast %scan3A_54 : i32 to index
      %get3A_296 = arith.constant 240 : index
      %get3A_297 = tpu.vector_load %arg5[%get3A_295, %get3A_296] {strides = array<i32>} : memref<56x384xf32, #tpu.memory_space<vmem>>, vector<16xf32>,
      %get3A_298 = arith.constant 240 : index
      %get3A_299 = tpu.vector_load %arg7[%get3A_298] {strides = array<i32>} : memref<384xf32, #tpu.memory_space<vmem>>, vector<16xf32>,
      %gt3A_300 = arith.constant 5.000000e-01 : f32
      %gt3A_301 = vector.broadcast %gt3A_300 : f32 to vector<16xf32>
      %gt3A_302 = arith.cmpf ogt, %get3A_299, %gt3A_301 : vector<16xf32>
      %jit3A_303 = arith.constant 0x7F800000 : f32
      %broadcast_in_dim3A_304 = vector.broadcast %jit3A_303 : f32 to vector<16xf32>
      %select_n3A_305 = arith.select %gt3A_302, %broadcast_in_dim3A_304, %get3A_297 : vector<16xi1>, vector<16xf32>
      %lt3A_306 = arith.cmpf olt, %select_n3A_305, %select_n3A_291 : vector<16xf32>
      %select_n3A_307 = arith.select %lt3A_306, %select_n3A_305, %select_n3A_291 : vector<16xi1>, vector<16xf32>
      %jit3A_308 = arith.constant 15 : i32
      %broadcast_in_dim3A_309 = vector.broadcast %jit3A_308 : i32 to vector<16xi32>
      %select_n3A_310 = arith.select %lt3A_306, %broadcast_in_dim3A_309, %select_n3A_294 : vector<16xi1>, vector<16xi32>
      %get3A_311 = arith.index_cast %scan3A_54 : i32 to index
      %get3A_312 = arith.constant 256 : index
      %get3A_313 = tpu.vector_load %arg5[%get3A_311, %get3A_312] {strides = array<i32>} : memref<56x384xf32, #tpu.memory_space<vmem>>, vector<16xf32>,
      %get3A_314 = arith.constant 256 : index
      %get3A_315 = tpu.vector_load %arg7[%get3A_314] {strides = array<i32>} : memref<384xf32, #tpu.memory_space<vmem>>, vector<16xf32>,
      %gt3A_316 = arith.constant 5.000000e-01 : f32
      %gt3A_317 = vector.broadcast %gt3A_316 : f32 to vector<16xf32>
      %gt3A_318 = arith.cmpf ogt, %get3A_315, %gt3A_317 : vector<16xf32>
      %jit3A_319 = arith.constant 0x7F800000 : f32
      %broadcast_in_dim3A_320 = vector.broadcast %jit3A_319 : f32 to vector<16xf32>
      %select_n3A_321 = arith.select %gt3A_318, %broadcast_in_dim3A_320, %get3A_313 : vector<16xi1>, vector<16xf32>
      %lt3A_322 = arith.cmpf olt, %select_n3A_321, %select_n3A_307 : vector<16xf32>
      %select_n3A_323 = arith.select %lt3A_322, %select_n3A_321, %select_n3A_307 : vector<16xi1>, vector<16xf32>
      %jit3A_324 = arith.constant 16 : i32
      %broadcast_in_dim3A_325 = vector.broadcast %jit3A_324 : i32 to vector<16xi32>
      %select_n3A_326 = arith.select %lt3A_322, %broadcast_in_dim3A_325, %select_n3A_310 : vector<16xi1>, vector<16xi32>
      %get3A_327 = arith.index_cast %scan3A_54 : i32 to index
      %get3A_328 = arith.constant 272 : index
      %get3A_329 = tpu.vector_load %arg5[%get3A_327, %get3A_328] {strides = array<i32>} : memref<56x384xf32, #tpu.memory_space<vmem>>, vector<16xf32>,
      %get3A_330 = arith.constant 272 : index
      %get3A_331 = tpu.vector_load %arg7[%get3A_330] {strides = array<i32>} : memref<384xf32, #tpu.memory_space<vmem>>, vector<16xf32>,
      %gt3A_332 = arith.constant 5.000000e-01 : f32
      %gt3A_333 = vector.broadcast %gt3A_332 : f32 to vector<16xf32>
      %gt3A_334 = arith.cmpf ogt, %get3A_331, %gt3A_333 : vector<16xf32>
      %jit3A_335 = arith.constant 0x7F800000 : f32
      %broadcast_in_dim3A_336 = vector.broadcast %jit3A_335 : f32 to vector<16xf32>
      %select_n3A_337 = arith.select %gt3A_334, %broadcast_in_dim3A_336, %get3A_329 : vector<16xi1>, vector<16xf32>
      %lt3A_338 = arith.cmpf olt, %select_n3A_337, %select_n3A_323 : vector<16xf32>
      %select_n3A_339 = arith.select %lt3A_338, %select_n3A_337, %select_n3A_323 : vector<16xi1>, vector<16xf32>
      %jit3A_340 = arith.constant 17 : i32
      %broadcast_in_dim3A_341 = vector.broadcast %jit3A_340 : i32 to vector<16xi32>
      %select_n3A_342 = arith.select %lt3A_338, %broadcast_in_dim3A_341, %select_n3A_326 : vector<16xi1>, vector<16xi32>
      %get3A_343 = arith.index_cast %scan3A_54 : i32 to index
      %get3A_344 = arith.constant 288 : index
      %get3A_345 = tpu.vector_load %arg5[%get3A_343, %get3A_344] {strides = array<i32>} : memref<56x384xf32, #tpu.memory_space<vmem>>, vector<16xf32>,
      %get3A_346 = arith.constant 288 : index
      %get3A_347 = tpu.vector_load %arg7[%get3A_346] {strides = array<i32>} : memref<384xf32, #tpu.memory_space<vmem>>, vector<16xf32>,
      %gt3A_348 = arith.constant 5.000000e-01 : f32
      %gt3A_349 = vector.broadcast %gt3A_348 : f32 to vector<16xf32>
      %gt3A_350 = arith.cmpf ogt, %get3A_347, %gt3A_349 : vector<16xf32>
      %jit3A_351 = arith.constant 0x7F800000 : f32
      %broadcast_in_dim3A_352 = vector.broadcast %jit3A_351 : f32 to vector<16xf32>
      %select_n3A_353 = arith.select %gt3A_350, %broadcast_in_dim3A_352, %get3A_345 : vector<16xi1>, vector<16xf32>
      %lt3A_354 = arith.cmpf olt, %select_n3A_353, %select_n3A_339 : vector<16xf32>
      %select_n3A_355 = arith.select %lt3A_354, %select_n3A_353, %select_n3A_339 : vector<16xi1>, vector<16xf32>
      %jit3A_356 = arith.constant 18 : i32
      %broadcast_in_dim3A_357 = vector.broadcast %jit3A_356 : i32 to vector<16xi32>
      %select_n3A_358 = arith.select %lt3A_354, %broadcast_in_dim3A_357, %select_n3A_342 : vector<16xi1>, vector<16xi32>
      %reduce_min3A = arith.constant true
      %reduce_min3A_359 = vector.broadcast %reduce_min3A : i1 to vector<16xi1>
      %reduce_min3A_360 = tpu.scan <min>, %select_n3A_355 masked %reduce_min3A_359 : vector<16xf32>, vector<16xi1> -> vector<16xf32>
      %reduce_min3A_361 = vector.extract %reduce_min3A_360[15] : f32 from vector<16xf32>
      %eq3A_362 = vector.broadcast %reduce_min3A_361 : f32 to vector<16xf32>
      %eq3A_363 = arith.cmpf oeq, %select_n3A_355, %eq3A_362 : vector<16xf32>
      %mul3A_364 = arith.constant 16 : i32
      %mul3A_365 = vector.broadcast %mul3A_364 : i32 to vector<16xi32>
      %mul3A_366 = arith.muli %select_n3A_358, %mul3A_365 : vector<16xi32>
      %add3A_367 = arith.addi %mul3A_366, %iota3A : vector<16xi32>
      %jit3A_368 = arith.constant 1073741824 : i32
      %broadcast_in_dim3A_369 = vector.broadcast %jit3A_368 : i32 to vector<16xi32>
      %select_n3A_370 = arith.select %eq3A_363, %add3A_367, %broadcast_in_dim3A_369 : vector<16xi1>, vector<16xi32>
      %reduce_min3A_371 = arith.constant true
      %reduce_min3A_372 = vector.broadcast %reduce_min3A_371 : i1 to vector<16xi1>
      %reduce_min3A_373 = arith.constant -2147483648 : i32
      %reduce_min3A_374 = vector.broadcast %reduce_min3A_373 : i32 to vector<16xi32>
      %reduce_min3A_375 = arith.xori %select_n3A_370, %reduce_min3A_374 : vector<16xi32>
      %reduce_min3A_376 = tpu.scan <min>, %reduce_min3A_375 masked %reduce_min3A_372 : vector<16xi32>, vector<16xi1> -> vector<16xi32>
      %reduce_min3A_377 = arith.xori %reduce_min3A_376, %reduce_min3A_374 : vector<16xi32>
      %reduce_min3A_378 = vector.extract %reduce_min3A_377[15] : i32 from vector<16xi32>
      %broadcast_in_dim3A_379 = vector.broadcast %reduce_min3A_378 : i32 to vector<16xi32>
      tpu.vector_store_idx %arg7[%broadcast_in_dim3A_379], %broadcast_in_dim3A_5 masked %eq3A_2 : memref<384xf32, #tpu.memory_space<vmem>>[vector<16xi32>], vector<16xf32>, vector<16xi1>
      %broadcast_in_dim3A_380 = vector.broadcast %scan3A_54 : i32 to vector<16xi32>
      %broadcast_in_dim3A_381 = vector.broadcast %reduce_min3A_378 : i32 to vector<16xi32>
      %gather3A = tpu.vector_load_idx %arg6[%broadcast_in_dim3A_380, %broadcast_in_dim3A_381] : memref<56x384xf32, #tpu.memory_space<vmem>>[vector<16xi32>, vector<16xi32>], vector<16xf32>,
      %jit3A_382 = arith.constant 0.000000e+00 : f32
      %broadcast_in_dim3A_383 = vector.broadcast %jit3A_382 : f32 to vector<16xf32>
      %select_n3A_384 = arith.select %eq3A_2, %gather3A, %broadcast_in_dim3A_383 : vector<16xi1>, vector<16xf32>
      %add3A_385 = arith.addf %scan3A_55, %select_n3A_384 : vector<16xf32>
      scf.yield %add3A_385 : vector<16xf32>
    }
    %scan3A_51 = arith.constant 50 : i32
    %swap3A_52 = arith.constant 0 : index
    %swap3A_53 = tpu.vector_load %arg8[%swap3A_52] {strides = array<i32>} : memref<16xf32, #tpu.memory_space<vmem>>, vector<16xf32>,
    tpu.vector_store %arg8[%swap3A_52], %scan3A_50 {strides = array<i32>} : memref<16xf32, #tpu.memory_space<vmem>>, vector<16xf32>,
    "tpu.region"() ({
      %run_scoped3A = tpu.sem_alloc : memref<!tpu.dma_semaphore, #tpu.memory_space<semaphore_mem>>
      %dma_start3A = arith.constant 0 : i32
      %dma_start3A_54 = tpu.memref_slice %arg4[%add3A_7, %dma_start3A] : memref<32x16xf32, #tpu.memory_space<hbm>> -> memref<1x16xf32, #tpu.memory_space<hbm>>
      %dma_start3A_55 = tpu.memref_squeeze %dma_start3A_54 : memref<1x16xf32, #tpu.memory_space<hbm>> -> memref<16xf32, #tpu.memory_space<hbm>>
      %dma_start3A_56 = arith.constant 0 : i32
      %dma_start3A_57 = tpu.memref_slice %arg4[%add3A_7, %dma_start3A_56] : memref<32x16xf32, #tpu.memory_space<hbm>> -> memref<1x16xf32, #tpu.memory_space<hbm>>
      %dma_start3A_58 = tpu.memref_squeeze %dma_start3A_57 : memref<1x16xf32, #tpu.memory_space<hbm>> -> memref<16xf32, #tpu.memory_space<hbm>>
      tpu.enqueue_dma source(%arg8 : memref<16xf32, #tpu.memory_space<vmem>>) target(%dma_start3A_58 : memref<16xf32, #tpu.memory_space<hbm>>) target_semaphore(%run_scoped3A : memref<!tpu.dma_semaphore, #tpu.memory_space<semaphore_mem>>)
      %dma_wait3A = arith.constant 0 : i32
      %dma_wait3A_59 = tpu.memref_slice %arg4[%add3A_7, %dma_wait3A] : memref<32x16xf32, #tpu.memory_space<hbm>> -> memref<1x16xf32, #tpu.memory_space<hbm>>
      %dma_wait3A_60 = tpu.memref_squeeze %dma_wait3A_59 : memref<1x16xf32, #tpu.memory_space<hbm>> -> memref<16xf32, #tpu.memory_space<hbm>>
      %dma_wait3A_61 = arith.constant 0 : i32
      %dma_wait3A_62 = tpu.memref_slice %arg4[%add3A_7, %dma_wait3A_61] : memref<32x16xf32, #tpu.memory_space<hbm>> -> memref<1x16xf32, #tpu.memory_space<hbm>>
      %dma_wait3A_63 = tpu.memref_squeeze %dma_wait3A_62 : memref<1x16xf32, #tpu.memory_space<hbm>> -> memref<16xf32, #tpu.memory_space<hbm>>
      tpu.wait_dma2 semaphore(%run_scoped3A : memref<!tpu.dma_semaphore, #tpu.memory_space<semaphore_mem>>) src(%arg8 : memref<16xf32, #tpu.memory_space<vmem>>) dst(%dma_wait3A_63 : memref<16xf32, #tpu.memory_space<hbm>>)
      tpu.yield
    }) : () -> ()
    return
  }
}

#map = affine_map<(d0, d1) -> (0, 0, 0)>
#map1 = affine_map<(d0, d1) -> (0, 0)>
module attributes {stable_mosaic.version = 14 : i64} {
  func.func @_match_body(%arg0: i32, %arg1: i32, %arg2: memref<32x56x384xf32, #tpu.memory_space<hbm>>, %arg3: memref<32x56x384xf32, #tpu.memory_space<hbm>>, %arg4: memref<32x16xf32, #tpu.memory_space<hbm>>, %arg5: memref<56x384xf32, #tpu.memory_space<vmem>>, %arg6: memref<56x384xf32, #tpu.memory_space<vmem>>, %arg7: memref<384xf32, #tpu.memory_space<vmem>>, %arg8: memref<16xf32, #tpu.memory_space<vmem>>) attributes {dimension_semantics = [#tpu.dimension_semantics<core_parallel>, #tpu.dimension_semantics<subcore_parallel>], iteration_bounds = array<i64: 2, 16>, scalar_prefetch = 0 : i64, scratch_operands = 4 : i64, tpu.core_type = #tpu.core_type<sc_vector_subcore>, window_params = [{transform_indices = #map}, {transform_indices = #map}, {transform_indices = #map1}]} {
    %mul3A = arith.constant 2 : i32
    %mul3A_0 = arith.muli %arg1, %mul3A : i32
    %add3A = arith.addi %mul3A_0, %arg0 : i32
    %iota3A = tpu.iota {dimensions = array<i32: 0>} : vector<16xi32>
    %eq3A = arith.constant 0 : i32
    %eq3A_1 = vector.broadcast %eq3A : i32 to vector<16xi32>
    %eq3A_2 = arith.cmpi eq, %iota3A, %eq3A_1 : vector<16xi32>
    %broadcast_in_dim3A = arith.constant 0.000000e+00 : f32
    %broadcast_in_dim3A_3 = vector.broadcast %broadcast_in_dim3A : f32 to vector<16xf32>
    %broadcast_in_dim3A_4 = arith.constant 1.000000e+00 : f32
    %broadcast_in_dim3A_5 = vector.broadcast %broadcast_in_dim3A_4 : f32 to vector<16xf32>
    %add3A_6 = arith.constant 0 : i32
    %add3A_7 = arith.addi %add3A, %add3A_6 : i32
    "tpu.region"() ({
      %run_scoped3A = tpu.sem_alloc : memref<!tpu.dma_semaphore, #tpu.memory_space<semaphore_mem>>
      %dma_start3A = arith.constant 0 : i32
      %dma_start3A_54 = arith.constant 0 : i32
      %dma_start3A_55 = tpu.memref_slice %arg2[%add3A_7, %dma_start3A, %dma_start3A_54] : memref<32x56x384xf32, #tpu.memory_space<hbm>> -> memref<1x56x384xf32, #tpu.memory_space<hbm>>
      %dma_start3A_56 = tpu.memref_squeeze %dma_start3A_55 : memref<1x56x384xf32, #tpu.memory_space<hbm>> -> memref<56x384xf32, #tpu.memory_space<hbm>>
      %dma_start3A_57 = arith.constant 0 : i32
      %dma_start3A_58 = arith.constant 0 : i32
      %dma_start3A_59 = tpu.memref_slice %arg2[%add3A_7, %dma_start3A_57, %dma_start3A_58] : memref<32x56x384xf32, #tpu.memory_space<hbm>> -> memref<1x56x384xf32, #tpu.memory_space<hbm>>
      %dma_start3A_60 = tpu.memref_squeeze %dma_start3A_59 : memref<1x56x384xf32, #tpu.memory_space<hbm>> -> memref<56x384xf32, #tpu.memory_space<hbm>>
      tpu.enqueue_dma source(%dma_start3A_60 : memref<56x384xf32, #tpu.memory_space<hbm>>) target(%arg5 : memref<56x384xf32, #tpu.memory_space<vmem>>) target_semaphore(%run_scoped3A : memref<!tpu.dma_semaphore, #tpu.memory_space<semaphore_mem>>)
      %dma_wait3A = arith.constant 0 : i32
      %dma_wait3A_61 = arith.constant 0 : i32
      %dma_wait3A_62 = tpu.memref_slice %arg2[%add3A_7, %dma_wait3A, %dma_wait3A_61] : memref<32x56x384xf32, #tpu.memory_space<hbm>> -> memref<1x56x384xf32, #tpu.memory_space<hbm>>
      %dma_wait3A_63 = tpu.memref_squeeze %dma_wait3A_62 : memref<1x56x384xf32, #tpu.memory_space<hbm>> -> memref<56x384xf32, #tpu.memory_space<hbm>>
      %dma_wait3A_64 = arith.constant 0 : i32
      %dma_wait3A_65 = arith.constant 0 : i32
      %dma_wait3A_66 = tpu.memref_slice %arg2[%add3A_7, %dma_wait3A_64, %dma_wait3A_65] : memref<32x56x384xf32, #tpu.memory_space<hbm>> -> memref<1x56x384xf32, #tpu.memory_space<hbm>>
      %dma_wait3A_67 = tpu.memref_squeeze %dma_wait3A_66 : memref<1x56x384xf32, #tpu.memory_space<hbm>> -> memref<56x384xf32, #tpu.memory_space<hbm>>
      tpu.wait_dma2 semaphore(%run_scoped3A : memref<!tpu.dma_semaphore, #tpu.memory_space<semaphore_mem>>) src(%dma_wait3A_67 : memref<56x384xf32, #tpu.memory_space<hbm>>) dst(%arg5 : memref<56x384xf32, #tpu.memory_space<vmem>>)
      tpu.yield
    }) : () -> ()
    "tpu.region"() ({
      %run_scoped3A = tpu.sem_alloc : memref<!tpu.dma_semaphore, #tpu.memory_space<semaphore_mem>>
      %dma_start3A = arith.constant 0 : i32
      %dma_start3A_54 = arith.constant 0 : i32
      %dma_start3A_55 = tpu.memref_slice %arg3[%add3A_7, %dma_start3A, %dma_start3A_54] : memref<32x56x384xf32, #tpu.memory_space<hbm>> -> memref<1x56x384xf32, #tpu.memory_space<hbm>>
      %dma_start3A_56 = tpu.memref_squeeze %dma_start3A_55 : memref<1x56x384xf32, #tpu.memory_space<hbm>> -> memref<56x384xf32, #tpu.memory_space<hbm>>
      %dma_start3A_57 = arith.constant 0 : i32
      %dma_start3A_58 = arith.constant 0 : i32
      %dma_start3A_59 = tpu.memref_slice %arg3[%add3A_7, %dma_start3A_57, %dma_start3A_58] : memref<32x56x384xf32, #tpu.memory_space<hbm>> -> memref<1x56x384xf32, #tpu.memory_space<hbm>>
      %dma_start3A_60 = tpu.memref_squeeze %dma_start3A_59 : memref<1x56x384xf32, #tpu.memory_space<hbm>> -> memref<56x384xf32, #tpu.memory_space<hbm>>
      tpu.enqueue_dma source(%dma_start3A_60 : memref<56x384xf32, #tpu.memory_space<hbm>>) target(%arg6 : memref<56x384xf32, #tpu.memory_space<vmem>>) target_semaphore(%run_scoped3A : memref<!tpu.dma_semaphore, #tpu.memory_space<semaphore_mem>>)
      %dma_wait3A = arith.constant 0 : i32
      %dma_wait3A_61 = arith.constant 0 : i32
      %dma_wait3A_62 = tpu.memref_slice %arg3[%add3A_7, %dma_wait3A, %dma_wait3A_61] : memref<32x56x384xf32, #tpu.memory_space<hbm>> -> memref<1x56x384xf32, #tpu.memory_space<hbm>>
      %dma_wait3A_63 = tpu.memref_squeeze %dma_wait3A_62 : memref<1x56x384xf32, #tpu.memory_space<hbm>> -> memref<56x384xf32, #tpu.memory_space<hbm>>
      %dma_wait3A_64 = arith.constant 0 : i32
      %dma_wait3A_65 = arith.constant 0 : i32
      %dma_wait3A_66 = tpu.memref_slice %arg3[%add3A_7, %dma_wait3A_64, %dma_wait3A_65] : memref<32x56x384xf32, #tpu.memory_space<hbm>> -> memref<1x56x384xf32, #tpu.memory_space<hbm>>
      %dma_wait3A_67 = tpu.memref_squeeze %dma_wait3A_66 : memref<1x56x384xf32, #tpu.memory_space<hbm>> -> memref<56x384xf32, #tpu.memory_space<hbm>>
      tpu.wait_dma2 semaphore(%run_scoped3A : memref<!tpu.dma_semaphore, #tpu.memory_space<semaphore_mem>>) src(%dma_wait3A_67 : memref<56x384xf32, #tpu.memory_space<hbm>>) dst(%arg6 : memref<56x384xf32, #tpu.memory_space<vmem>>)
      tpu.yield
    }) : () -> ()
    %swap3A = arith.constant 0 : index
    %swap3A_8 = tpu.vector_load %arg7[%swap3A] {strides = array<i32>} : memref<384xf32, #tpu.memory_space<vmem>>, vector<16xf32>,
    tpu.vector_store %arg7[%swap3A], %broadcast_in_dim3A_3 {strides = array<i32>} : memref<384xf32, #tpu.memory_space<vmem>>, vector<16xf32>,
    %swap3A_9 = arith.constant 16 : index
    %swap3A_10 = tpu.vector_load %arg7[%swap3A_9] {strides = array<i32>} : memref<384xf32, #tpu.memory_space<vmem>>, vector<16xf32>,
    tpu.vector_store %arg7[%swap3A_9], %broadcast_in_dim3A_3 {strides = array<i32>} : memref<384xf32, #tpu.memory_space<vmem>>, vector<16xf32>,
    %swap3A_11 = arith.constant 32 : index
    %swap3A_12 = tpu.vector_load %arg7[%swap3A_11] {strides = array<i32>} : memref<384xf32, #tpu.memory_space<vmem>>, vector<16xf32>,
    tpu.vector_store %arg7[%swap3A_11], %broadcast_in_dim3A_3 {strides = array<i32>} : memref<384xf32, #tpu.memory_space<vmem>>, vector<16xf32>,
    %swap3A_13 = arith.constant 48 : index
    %swap3A_14 = tpu.vector_load %arg7[%swap3A_13] {strides = array<i32>} : memref<384xf32, #tpu.memory_space<vmem>>, vector<16xf32>,
    tpu.vector_store %arg7[%swap3A_13], %broadcast_in_dim3A_3 {strides = array<i32>} : memref<384xf32, #tpu.memory_space<vmem>>, vector<16xf32>,
    %swap3A_15 = arith.constant 64 : index
    %swap3A_16 = tpu.vector_load %arg7[%swap3A_15] {strides = array<i32>} : memref<384xf32, #tpu.memory_space<vmem>>, vector<16xf32>,
    tpu.vector_store %arg7[%swap3A_15], %broadcast_in_dim3A_3 {strides = array<i32>} : memref<384xf32, #tpu.memory_space<vmem>>, vector<16xf32>,
    %swap3A_17 = arith.constant 80 : index
    %swap3A_18 = tpu.vector_load %arg7[%swap3A_17] {strides = array<i32>} : memref<384xf32, #tpu.memory_space<vmem>>, vector<16xf32>,
    tpu.vector_store %arg7[%swap3A_17], %broadcast_in_dim3A_3 {strides = array<i32>} : memref<384xf32, #tpu.memory_space<vmem>>, vector<16xf32>,
    %swap3A_19 = arith.constant 96 : index
    %swap3A_20 = tpu.vector_load %arg7[%swap3A_19] {strides = array<i32>} : memref<384xf32, #tpu.memory_space<vmem>>, vector<16xf32>,
    tpu.vector_store %arg7[%swap3A_19], %broadcast_in_dim3A_3 {strides = array<i32>} : memref<384xf32, #tpu.memory_space<vmem>>, vector<16xf32>,
    %swap3A_21 = arith.constant 112 : index
    %swap3A_22 = tpu.vector_load %arg7[%swap3A_21] {strides = array<i32>} : memref<384xf32, #tpu.memory_space<vmem>>, vector<16xf32>,
    tpu.vector_store %arg7[%swap3A_21], %broadcast_in_dim3A_3 {strides = array<i32>} : memref<384xf32, #tpu.memory_space<vmem>>, vector<16xf32>,
    %swap3A_23 = arith.constant 128 : index
    %swap3A_24 = tpu.vector_load %arg7[%swap3A_23] {strides = array<i32>} : memref<384xf32, #tpu.memory_space<vmem>>, vector<16xf32>,
    tpu.vector_store %arg7[%swap3A_23], %broadcast_in_dim3A_3 {strides = array<i32>} : memref<384xf32, #tpu.memory_space<vmem>>, vector<16xf32>,
    %swap3A_25 = arith.constant 144 : index
    %swap3A_26 = tpu.vector_load %arg7[%swap3A_25] {strides = array<i32>} : memref<384xf32, #tpu.memory_space<vmem>>, vector<16xf32>,
    tpu.vector_store %arg7[%swap3A_25], %broadcast_in_dim3A_3 {strides = array<i32>} : memref<384xf32, #tpu.memory_space<vmem>>, vector<16xf32>,
    %swap3A_27 = arith.constant 160 : index
    %swap3A_28 = tpu.vector_load %arg7[%swap3A_27] {strides = array<i32>} : memref<384xf32, #tpu.memory_space<vmem>>, vector<16xf32>,
    tpu.vector_store %arg7[%swap3A_27], %broadcast_in_dim3A_3 {strides = array<i32>} : memref<384xf32, #tpu.memory_space<vmem>>, vector<16xf32>,
    %swap3A_29 = arith.constant 176 : index
    %swap3A_30 = tpu.vector_load %arg7[%swap3A_29] {strides = array<i32>} : memref<384xf32, #tpu.memory_space<vmem>>, vector<16xf32>,
    tpu.vector_store %arg7[%swap3A_29], %broadcast_in_dim3A_3 {strides = array<i32>} : memref<384xf32, #tpu.memory_space<vmem>>, vector<16xf32>,
    %swap3A_31 = arith.constant 192 : index
    %swap3A_32 = tpu.vector_load %arg7[%swap3A_31] {strides = array<i32>} : memref<384xf32, #tpu.memory_space<vmem>>, vector<16xf32>,
    tpu.vector_store %arg7[%swap3A_31], %broadcast_in_dim3A_3 {strides = array<i32>} : memref<384xf32, #tpu.memory_space<vmem>>, vector<16xf32>,
    %swap3A_33 = arith.constant 208 : index
    %swap3A_34 = tpu.vector_load %arg7[%swap3A_33] {strides = array<i32>} : memref<384xf32, #tpu.memory_space<vmem>>, vector<16xf32>,
    tpu.vector_store %arg7[%swap3A_33], %broadcast_in_dim3A_3 {strides = array<i32>} : memref<384xf32, #tpu.memory_space<vmem>>, vector<16xf32>,
    %swap3A_35 = arith.constant 224 : index
    %swap3A_36 = tpu.vector_load %arg7[%swap3A_35] {strides = array<i32>} : memref<384xf32, #tpu.memory_space<vmem>>, vector<16xf32>,
    tpu.vector_store %arg7[%swap3A_35], %broadcast_in_dim3A_3 {strides = array<i32>} : memref<384xf32, #tpu.memory_space<vmem>>, vector<16xf32>,
    %swap3A_37 = arith.constant 240 : index
    %swap3A_38 = tpu.vector_load %arg7[%swap3A_37] {strides = array<i32>} : memref<384xf32, #tpu.memory_space<vmem>>, vector<16xf32>,
    tpu.vector_store %arg7[%swap3A_37], %broadcast_in_dim3A_3 {strides = array<i32>} : memref<384xf32, #tpu.memory_space<vmem>>, vector<16xf32>,
    %swap3A_39 = arith.constant 256 : index
    %swap3A_40 = tpu.vector_load %arg7[%swap3A_39] {strides = array<i32>} : memref<384xf32, #tpu.memory_space<vmem>>, vector<16xf32>,
    tpu.vector_store %arg7[%swap3A_39], %broadcast_in_dim3A_3 {strides = array<i32>} : memref<384xf32, #tpu.memory_space<vmem>>, vector<16xf32>,
    %swap3A_41 = arith.constant 272 : index
    %swap3A_42 = tpu.vector_load %arg7[%swap3A_41] {strides = array<i32>} : memref<384xf32, #tpu.memory_space<vmem>>, vector<16xf32>,
    tpu.vector_store %arg7[%swap3A_41], %broadcast_in_dim3A_3 {strides = array<i32>} : memref<384xf32, #tpu.memory_space<vmem>>, vector<16xf32>,
    %swap3A_43 = arith.constant 288 : index
    %swap3A_44 = tpu.vector_load %arg7[%swap3A_43] {strides = array<i32>} : memref<384xf32, #tpu.memory_space<vmem>>, vector<16xf32>,
    tpu.vector_store %arg7[%swap3A_43], %broadcast_in_dim3A_3 {strides = array<i32>} : memref<384xf32, #tpu.memory_space<vmem>>, vector<16xf32>,
    %broadcast_in_dim3A_45 = arith.constant 0.000000e+00 : f32
    %broadcast_in_dim3A_46 = vector.broadcast %broadcast_in_dim3A_45 : f32 to vector<16xf32>
    %scan3A = arith.constant 0 : i32
    %scan3A_47 = arith.constant 50 : i32
    %scan3A_48 = arith.addi %scan3A, %scan3A_47 : i32
    %scan3A_49 = arith.constant 1 : i32
    %scan3A_50 = scf.for %scan3A_54 = %scan3A to %scan3A_48 step %scan3A_49 iter_args(%scan3A_55 = %broadcast_in_dim3A_46) -> (vector<16xf32>)  : i32 {
      %broadcast_in_dim3A_56 = arith.constant 0x7F800000 : f32
      %broadcast_in_dim3A_57 = vector.broadcast %broadcast_in_dim3A_56 : f32 to vector<16xf32>
      %broadcast_in_dim3A_58 = arith.constant 0 : i32
      %broadcast_in_dim3A_59 = vector.broadcast %broadcast_in_dim3A_58 : i32 to vector<16xi32>
      %get3A = arith.index_cast %scan3A_54 : i32 to index
      %get3A_60 = arith.constant 0 : index
      %get3A_61 = tpu.vector_load %arg5[%get3A, %get3A_60] {strides = array<i32>} : memref<56x384xf32, #tpu.memory_space<vmem>>, vector<16xf32>,
      %get3A_62 = arith.constant 0 : index
      %get3A_63 = tpu.vector_load %arg7[%get3A_62] {strides = array<i32>} : memref<384xf32, #tpu.memory_space<vmem>>, vector<16xf32>,
      %gt3A = arith.constant 5.000000e-01 : f32
      %gt3A_64 = vector.broadcast %gt3A : f32 to vector<16xf32>
      %gt3A_65 = arith.cmpf ogt, %get3A_63, %gt3A_64 : vector<16xf32>
      %jit3A = arith.constant 0x7F800000 : f32
      %broadcast_in_dim3A_66 = vector.broadcast %jit3A : f32 to vector<16xf32>
      %select_n3A = arith.select %gt3A_65, %broadcast_in_dim3A_66, %get3A_61 : vector<16xi1>, vector<16xf32>
      %lt3A = arith.cmpf olt, %select_n3A, %broadcast_in_dim3A_57 : vector<16xf32>
      %select_n3A_67 = arith.select %lt3A, %select_n3A, %broadcast_in_dim3A_57 : vector<16xi1>, vector<16xf32>
      %jit3A_68 = arith.constant 0 : i32
      %broadcast_in_dim3A_69 = vector.broadcast %jit3A_68 : i32 to vector<16xi32>
      %select_n3A_70 = arith.select %lt3A, %broadcast_in_dim3A_69, %broadcast_in_dim3A_59 : vector<16xi1>, vector<16xi32>
      %get3A_71 = arith.index_cast %scan3A_54 : i32 to index
      %get3A_72 = arith.constant 16 : index
      %get3A_73 = tpu.vector_load %arg5[%get3A_71, %get3A_72] {strides = array<i32>} : memref<56x384xf32, #tpu.memory_space<vmem>>, vector<16xf32>,
      %get3A_74 = arith.constant 16 : index
      %get3A_75 = tpu.vector_load %arg7[%get3A_74] {strides = array<i32>} : memref<384xf32, #tpu.memory_space<vmem>>, vector<16xf32>,
      %gt3A_76 = arith.constant 5.000000e-01 : f32
      %gt3A_77 = vector.broadcast %gt3A_76 : f32 to vector<16xf32>
      %gt3A_78 = arith.cmpf ogt, %get3A_75, %gt3A_77 : vector<16xf32>
      %jit3A_79 = arith.constant 0x7F800000 : f32
      %broadcast_in_dim3A_80 = vector.broadcast %jit3A_79 : f32 to vector<16xf32>
      %select_n3A_81 = arith.select %gt3A_78, %broadcast_in_dim3A_80, %get3A_73 : vector<16xi1>, vector<16xf32>
      %lt3A_82 = arith.cmpf olt, %select_n3A_81, %select_n3A_67 : vector<16xf32>
      %select_n3A_83 = arith.select %lt3A_82, %select_n3A_81, %select_n3A_67 : vector<16xi1>, vector<16xf32>
      %jit3A_84 = arith.constant 1 : i32
      %broadcast_in_dim3A_85 = vector.broadcast %jit3A_84 : i32 to vector<16xi32>
      %select_n3A_86 = arith.select %lt3A_82, %broadcast_in_dim3A_85, %select_n3A_70 : vector<16xi1>, vector<16xi32>
      %get3A_87 = arith.index_cast %scan3A_54 : i32 to index
      %get3A_88 = arith.constant 32 : index
      %get3A_89 = tpu.vector_load %arg5[%get3A_87, %get3A_88] {strides = array<i32>} : memref<56x384xf32, #tpu.memory_space<vmem>>, vector<16xf32>,
      %get3A_90 = arith.constant 32 : index
      %get3A_91 = tpu.vector_load %arg7[%get3A_90] {strides = array<i32>} : memref<384xf32, #tpu.memory_space<vmem>>, vector<16xf32>,
      %gt3A_92 = arith.constant 5.000000e-01 : f32
      %gt3A_93 = vector.broadcast %gt3A_92 : f32 to vector<16xf32>
      %gt3A_94 = arith.cmpf ogt, %get3A_91, %gt3A_93 : vector<16xf32>
      %jit3A_95 = arith.constant 0x7F800000 : f32
      %broadcast_in_dim3A_96 = vector.broadcast %jit3A_95 : f32 to vector<16xf32>
      %select_n3A_97 = arith.select %gt3A_94, %broadcast_in_dim3A_96, %get3A_89 : vector<16xi1>, vector<16xf32>
      %lt3A_98 = arith.cmpf olt, %select_n3A_97, %select_n3A_83 : vector<16xf32>
      %select_n3A_99 = arith.select %lt3A_98, %select_n3A_97, %select_n3A_83 : vector<16xi1>, vector<16xf32>
      %jit3A_100 = arith.constant 2 : i32
      %broadcast_in_dim3A_101 = vector.broadcast %jit3A_100 : i32 to vector<16xi32>
      %select_n3A_102 = arith.select %lt3A_98, %broadcast_in_dim3A_101, %select_n3A_86 : vector<16xi1>, vector<16xi32>
      %get3A_103 = arith.index_cast %scan3A_54 : i32 to index
      %get3A_104 = arith.constant 48 : index
      %get3A_105 = tpu.vector_load %arg5[%get3A_103, %get3A_104] {strides = array<i32>} : memref<56x384xf32, #tpu.memory_space<vmem>>, vector<16xf32>,
      %get3A_106 = arith.constant 48 : index
      %get3A_107 = tpu.vector_load %arg7[%get3A_106] {strides = array<i32>} : memref<384xf32, #tpu.memory_space<vmem>>, vector<16xf32>,
      %gt3A_108 = arith.constant 5.000000e-01 : f32
      %gt3A_109 = vector.broadcast %gt3A_108 : f32 to vector<16xf32>
      %gt3A_110 = arith.cmpf ogt, %get3A_107, %gt3A_109 : vector<16xf32>
      %jit3A_111 = arith.constant 0x7F800000 : f32
      %broadcast_in_dim3A_112 = vector.broadcast %jit3A_111 : f32 to vector<16xf32>
      %select_n3A_113 = arith.select %gt3A_110, %broadcast_in_dim3A_112, %get3A_105 : vector<16xi1>, vector<16xf32>
      %lt3A_114 = arith.cmpf olt, %select_n3A_113, %select_n3A_99 : vector<16xf32>
      %select_n3A_115 = arith.select %lt3A_114, %select_n3A_113, %select_n3A_99 : vector<16xi1>, vector<16xf32>
      %jit3A_116 = arith.constant 3 : i32
      %broadcast_in_dim3A_117 = vector.broadcast %jit3A_116 : i32 to vector<16xi32>
      %select_n3A_118 = arith.select %lt3A_114, %broadcast_in_dim3A_117, %select_n3A_102 : vector<16xi1>, vector<16xi32>
      %get3A_119 = arith.index_cast %scan3A_54 : i32 to index
      %get3A_120 = arith.constant 64 : index
      %get3A_121 = tpu.vector_load %arg5[%get3A_119, %get3A_120] {strides = array<i32>} : memref<56x384xf32, #tpu.memory_space<vmem>>, vector<16xf32>,
      %get3A_122 = arith.constant 64 : index
      %get3A_123 = tpu.vector_load %arg7[%get3A_122] {strides = array<i32>} : memref<384xf32, #tpu.memory_space<vmem>>, vector<16xf32>,
      %gt3A_124 = arith.constant 5.000000e-01 : f32
      %gt3A_125 = vector.broadcast %gt3A_124 : f32 to vector<16xf32>
      %gt3A_126 = arith.cmpf ogt, %get3A_123, %gt3A_125 : vector<16xf32>
      %jit3A_127 = arith.constant 0x7F800000 : f32
      %broadcast_in_dim3A_128 = vector.broadcast %jit3A_127 : f32 to vector<16xf32>
      %select_n3A_129 = arith.select %gt3A_126, %broadcast_in_dim3A_128, %get3A_121 : vector<16xi1>, vector<16xf32>
      %lt3A_130 = arith.cmpf olt, %select_n3A_129, %select_n3A_115 : vector<16xf32>
      %select_n3A_131 = arith.select %lt3A_130, %select_n3A_129, %select_n3A_115 : vector<16xi1>, vector<16xf32>
      %jit3A_132 = arith.constant 4 : i32
      %broadcast_in_dim3A_133 = vector.broadcast %jit3A_132 : i32 to vector<16xi32>
      %select_n3A_134 = arith.select %lt3A_130, %broadcast_in_dim3A_133, %select_n3A_118 : vector<16xi1>, vector<16xi32>
      %get3A_135 = arith.index_cast %scan3A_54 : i32 to index
      %get3A_136 = arith.constant 80 : index
      %get3A_137 = tpu.vector_load %arg5[%get3A_135, %get3A_136] {strides = array<i32>} : memref<56x384xf32, #tpu.memory_space<vmem>>, vector<16xf32>,
      %get3A_138 = arith.constant 80 : index
      %get3A_139 = tpu.vector_load %arg7[%get3A_138] {strides = array<i32>} : memref<384xf32, #tpu.memory_space<vmem>>, vector<16xf32>,
      %gt3A_140 = arith.constant 5.000000e-01 : f32
      %gt3A_141 = vector.broadcast %gt3A_140 : f32 to vector<16xf32>
      %gt3A_142 = arith.cmpf ogt, %get3A_139, %gt3A_141 : vector<16xf32>
      %jit3A_143 = arith.constant 0x7F800000 : f32
      %broadcast_in_dim3A_144 = vector.broadcast %jit3A_143 : f32 to vector<16xf32>
      %select_n3A_145 = arith.select %gt3A_142, %broadcast_in_dim3A_144, %get3A_137 : vector<16xi1>, vector<16xf32>
      %lt3A_146 = arith.cmpf olt, %select_n3A_145, %select_n3A_131 : vector<16xf32>
      %select_n3A_147 = arith.select %lt3A_146, %select_n3A_145, %select_n3A_131 : vector<16xi1>, vector<16xf32>
      %jit3A_148 = arith.constant 5 : i32
      %broadcast_in_dim3A_149 = vector.broadcast %jit3A_148 : i32 to vector<16xi32>
      %select_n3A_150 = arith.select %lt3A_146, %broadcast_in_dim3A_149, %select_n3A_134 : vector<16xi1>, vector<16xi32>
      %get3A_151 = arith.index_cast %scan3A_54 : i32 to index
      %get3A_152 = arith.constant 96 : index
      %get3A_153 = tpu.vector_load %arg5[%get3A_151, %get3A_152] {strides = array<i32>} : memref<56x384xf32, #tpu.memory_space<vmem>>, vector<16xf32>,
      %get3A_154 = arith.constant 96 : index
      %get3A_155 = tpu.vector_load %arg7[%get3A_154] {strides = array<i32>} : memref<384xf32, #tpu.memory_space<vmem>>, vector<16xf32>,
      %gt3A_156 = arith.constant 5.000000e-01 : f32
      %gt3A_157 = vector.broadcast %gt3A_156 : f32 to vector<16xf32>
      %gt3A_158 = arith.cmpf ogt, %get3A_155, %gt3A_157 : vector<16xf32>
      %jit3A_159 = arith.constant 0x7F800000 : f32
      %broadcast_in_dim3A_160 = vector.broadcast %jit3A_159 : f32 to vector<16xf32>
      %select_n3A_161 = arith.select %gt3A_158, %broadcast_in_dim3A_160, %get3A_153 : vector<16xi1>, vector<16xf32>
      %lt3A_162 = arith.cmpf olt, %select_n3A_161, %select_n3A_147 : vector<16xf32>
      %select_n3A_163 = arith.select %lt3A_162, %select_n3A_161, %select_n3A_147 : vector<16xi1>, vector<16xf32>
      %jit3A_164 = arith.constant 6 : i32
      %broadcast_in_dim3A_165 = vector.broadcast %jit3A_164 : i32 to vector<16xi32>
      %select_n3A_166 = arith.select %lt3A_162, %broadcast_in_dim3A_165, %select_n3A_150 : vector<16xi1>, vector<16xi32>
      %get3A_167 = arith.index_cast %scan3A_54 : i32 to index
      %get3A_168 = arith.constant 112 : index
      %get3A_169 = tpu.vector_load %arg5[%get3A_167, %get3A_168] {strides = array<i32>} : memref<56x384xf32, #tpu.memory_space<vmem>>, vector<16xf32>,
      %get3A_170 = arith.constant 112 : index
      %get3A_171 = tpu.vector_load %arg7[%get3A_170] {strides = array<i32>} : memref<384xf32, #tpu.memory_space<vmem>>, vector<16xf32>,
      %gt3A_172 = arith.constant 5.000000e-01 : f32
      %gt3A_173 = vector.broadcast %gt3A_172 : f32 to vector<16xf32>
      %gt3A_174 = arith.cmpf ogt, %get3A_171, %gt3A_173 : vector<16xf32>
      %jit3A_175 = arith.constant 0x7F800000 : f32
      %broadcast_in_dim3A_176 = vector.broadcast %jit3A_175 : f32 to vector<16xf32>
      %select_n3A_177 = arith.select %gt3A_174, %broadcast_in_dim3A_176, %get3A_169 : vector<16xi1>, vector<16xf32>
      %lt3A_178 = arith.cmpf olt, %select_n3A_177, %select_n3A_163 : vector<16xf32>
      %select_n3A_179 = arith.select %lt3A_178, %select_n3A_177, %select_n3A_163 : vector<16xi1>, vector<16xf32>
      %jit3A_180 = arith.constant 7 : i32
      %broadcast_in_dim3A_181 = vector.broadcast %jit3A_180 : i32 to vector<16xi32>
      %select_n3A_182 = arith.select %lt3A_178, %broadcast_in_dim3A_181, %select_n3A_166 : vector<16xi1>, vector<16xi32>
      %get3A_183 = arith.index_cast %scan3A_54 : i32 to index
      %get3A_184 = arith.constant 128 : index
      %get3A_185 = tpu.vector_load %arg5[%get3A_183, %get3A_184] {strides = array<i32>} : memref<56x384xf32, #tpu.memory_space<vmem>>, vector<16xf32>,
      %get3A_186 = arith.constant 128 : index
      %get3A_187 = tpu.vector_load %arg7[%get3A_186] {strides = array<i32>} : memref<384xf32, #tpu.memory_space<vmem>>, vector<16xf32>,
      %gt3A_188 = arith.constant 5.000000e-01 : f32
      %gt3A_189 = vector.broadcast %gt3A_188 : f32 to vector<16xf32>
      %gt3A_190 = arith.cmpf ogt, %get3A_187, %gt3A_189 : vector<16xf32>
      %jit3A_191 = arith.constant 0x7F800000 : f32
      %broadcast_in_dim3A_192 = vector.broadcast %jit3A_191 : f32 to vector<16xf32>
      %select_n3A_193 = arith.select %gt3A_190, %broadcast_in_dim3A_192, %get3A_185 : vector<16xi1>, vector<16xf32>
      %lt3A_194 = arith.cmpf olt, %select_n3A_193, %select_n3A_179 : vector<16xf32>
      %select_n3A_195 = arith.select %lt3A_194, %select_n3A_193, %select_n3A_179 : vector<16xi1>, vector<16xf32>
      %jit3A_196 = arith.constant 8 : i32
      %broadcast_in_dim3A_197 = vector.broadcast %jit3A_196 : i32 to vector<16xi32>
      %select_n3A_198 = arith.select %lt3A_194, %broadcast_in_dim3A_197, %select_n3A_182 : vector<16xi1>, vector<16xi32>
      %get3A_199 = arith.index_cast %scan3A_54 : i32 to index
      %get3A_200 = arith.constant 144 : index
      %get3A_201 = tpu.vector_load %arg5[%get3A_199, %get3A_200] {strides = array<i32>} : memref<56x384xf32, #tpu.memory_space<vmem>>, vector<16xf32>,
      %get3A_202 = arith.constant 144 : index
      %get3A_203 = tpu.vector_load %arg7[%get3A_202] {strides = array<i32>} : memref<384xf32, #tpu.memory_space<vmem>>, vector<16xf32>,
      %gt3A_204 = arith.constant 5.000000e-01 : f32
      %gt3A_205 = vector.broadcast %gt3A_204 : f32 to vector<16xf32>
      %gt3A_206 = arith.cmpf ogt, %get3A_203, %gt3A_205 : vector<16xf32>
      %jit3A_207 = arith.constant 0x7F800000 : f32
      %broadcast_in_dim3A_208 = vector.broadcast %jit3A_207 : f32 to vector<16xf32>
      %select_n3A_209 = arith.select %gt3A_206, %broadcast_in_dim3A_208, %get3A_201 : vector<16xi1>, vector<16xf32>
      %lt3A_210 = arith.cmpf olt, %select_n3A_209, %select_n3A_195 : vector<16xf32>
      %select_n3A_211 = arith.select %lt3A_210, %select_n3A_209, %select_n3A_195 : vector<16xi1>, vector<16xf32>
      %jit3A_212 = arith.constant 9 : i32
      %broadcast_in_dim3A_213 = vector.broadcast %jit3A_212 : i32 to vector<16xi32>
      %select_n3A_214 = arith.select %lt3A_210, %broadcast_in_dim3A_213, %select_n3A_198 : vector<16xi1>, vector<16xi32>
      %get3A_215 = arith.index_cast %scan3A_54 : i32 to index
      %get3A_216 = arith.constant 160 : index
      %get3A_217 = tpu.vector_load %arg5[%get3A_215, %get3A_216] {strides = array<i32>} : memref<56x384xf32, #tpu.memory_space<vmem>>, vector<16xf32>,
      %get3A_218 = arith.constant 160 : index
      %get3A_219 = tpu.vector_load %arg7[%get3A_218] {strides = array<i32>} : memref<384xf32, #tpu.memory_space<vmem>>, vector<16xf32>,
      %gt3A_220 = arith.constant 5.000000e-01 : f32
      %gt3A_221 = vector.broadcast %gt3A_220 : f32 to vector<16xf32>
      %gt3A_222 = arith.cmpf ogt, %get3A_219, %gt3A_221 : vector<16xf32>
      %jit3A_223 = arith.constant 0x7F800000 : f32
      %broadcast_in_dim3A_224 = vector.broadcast %jit3A_223 : f32 to vector<16xf32>
      %select_n3A_225 = arith.select %gt3A_222, %broadcast_in_dim3A_224, %get3A_217 : vector<16xi1>, vector<16xf32>
      %lt3A_226 = arith.cmpf olt, %select_n3A_225, %select_n3A_211 : vector<16xf32>
      %select_n3A_227 = arith.select %lt3A_226, %select_n3A_225, %select_n3A_211 : vector<16xi1>, vector<16xf32>
      %jit3A_228 = arith.constant 10 : i32
      %broadcast_in_dim3A_229 = vector.broadcast %jit3A_228 : i32 to vector<16xi32>
      %select_n3A_230 = arith.select %lt3A_226, %broadcast_in_dim3A_229, %select_n3A_214 : vector<16xi1>, vector<16xi32>
      %get3A_231 = arith.index_cast %scan3A_54 : i32 to index
      %get3A_232 = arith.constant 176 : index
      %get3A_233 = tpu.vector_load %arg5[%get3A_231, %get3A_232] {strides = array<i32>} : memref<56x384xf32, #tpu.memory_space<vmem>>, vector<16xf32>,
      %get3A_234 = arith.constant 176 : index
      %get3A_235 = tpu.vector_load %arg7[%get3A_234] {strides = array<i32>} : memref<384xf32, #tpu.memory_space<vmem>>, vector<16xf32>,
      %gt3A_236 = arith.constant 5.000000e-01 : f32
      %gt3A_237 = vector.broadcast %gt3A_236 : f32 to vector<16xf32>
      %gt3A_238 = arith.cmpf ogt, %get3A_235, %gt3A_237 : vector<16xf32>
      %jit3A_239 = arith.constant 0x7F800000 : f32
      %broadcast_in_dim3A_240 = vector.broadcast %jit3A_239 : f32 to vector<16xf32>
      %select_n3A_241 = arith.select %gt3A_238, %broadcast_in_dim3A_240, %get3A_233 : vector<16xi1>, vector<16xf32>
      %lt3A_242 = arith.cmpf olt, %select_n3A_241, %select_n3A_227 : vector<16xf32>
      %select_n3A_243 = arith.select %lt3A_242, %select_n3A_241, %select_n3A_227 : vector<16xi1>, vector<16xf32>
      %jit3A_244 = arith.constant 11 : i32
      %broadcast_in_dim3A_245 = vector.broadcast %jit3A_244 : i32 to vector<16xi32>
      %select_n3A_246 = arith.select %lt3A_242, %broadcast_in_dim3A_245, %select_n3A_230 : vector<16xi1>, vector<16xi32>
      %get3A_247 = arith.index_cast %scan3A_54 : i32 to index
      %get3A_248 = arith.constant 192 : index
      %get3A_249 = tpu.vector_load %arg5[%get3A_247, %get3A_248] {strides = array<i32>} : memref<56x384xf32, #tpu.memory_space<vmem>>, vector<16xf32>,
      %get3A_250 = arith.constant 192 : index
      %get3A_251 = tpu.vector_load %arg7[%get3A_250] {strides = array<i32>} : memref<384xf32, #tpu.memory_space<vmem>>, vector<16xf32>,
      %gt3A_252 = arith.constant 5.000000e-01 : f32
      %gt3A_253 = vector.broadcast %gt3A_252 : f32 to vector<16xf32>
      %gt3A_254 = arith.cmpf ogt, %get3A_251, %gt3A_253 : vector<16xf32>
      %jit3A_255 = arith.constant 0x7F800000 : f32
      %broadcast_in_dim3A_256 = vector.broadcast %jit3A_255 : f32 to vector<16xf32>
      %select_n3A_257 = arith.select %gt3A_254, %broadcast_in_dim3A_256, %get3A_249 : vector<16xi1>, vector<16xf32>
      %lt3A_258 = arith.cmpf olt, %select_n3A_257, %select_n3A_243 : vector<16xf32>
      %select_n3A_259 = arith.select %lt3A_258, %select_n3A_257, %select_n3A_243 : vector<16xi1>, vector<16xf32>
      %jit3A_260 = arith.constant 12 : i32
      %broadcast_in_dim3A_261 = vector.broadcast %jit3A_260 : i32 to vector<16xi32>
      %select_n3A_262 = arith.select %lt3A_258, %broadcast_in_dim3A_261, %select_n3A_246 : vector<16xi1>, vector<16xi32>
      %get3A_263 = arith.index_cast %scan3A_54 : i32 to index
      %get3A_264 = arith.constant 208 : index
      %get3A_265 = tpu.vector_load %arg5[%get3A_263, %get3A_264] {strides = array<i32>} : memref<56x384xf32, #tpu.memory_space<vmem>>, vector<16xf32>,
      %get3A_266 = arith.constant 208 : index
      %get3A_267 = tpu.vector_load %arg7[%get3A_266] {strides = array<i32>} : memref<384xf32, #tpu.memory_space<vmem>>, vector<16xf32>,
      %gt3A_268 = arith.constant 5.000000e-01 : f32
      %gt3A_269 = vector.broadcast %gt3A_268 : f32 to vector<16xf32>
      %gt3A_270 = arith.cmpf ogt, %get3A_267, %gt3A_269 : vector<16xf32>
      %jit3A_271 = arith.constant 0x7F800000 : f32
      %broadcast_in_dim3A_272 = vector.broadcast %jit3A_271 : f32 to vector<16xf32>
      %select_n3A_273 = arith.select %gt3A_270, %broadcast_in_dim3A_272, %get3A_265 : vector<16xi1>, vector<16xf32>
      %lt3A_274 = arith.cmpf olt, %select_n3A_273, %select_n3A_259 : vector<16xf32>
      %select_n3A_275 = arith.select %lt3A_274, %select_n3A_273, %select_n3A_259 : vector<16xi1>, vector<16xf32>
      %jit3A_276 = arith.constant 13 : i32
      %broadcast_in_dim3A_277 = vector.broadcast %jit3A_276 : i32 to vector<16xi32>
      %select_n3A_278 = arith.select %lt3A_274, %broadcast_in_dim3A_277, %select_n3A_262 : vector<16xi1>, vector<16xi32>
      %get3A_279 = arith.index_cast %scan3A_54 : i32 to index
      %get3A_280 = arith.constant 224 : index
      %get3A_281 = tpu.vector_load %arg5[%get3A_279, %get3A_280] {strides = array<i32>} : memref<56x384xf32, #tpu.memory_space<vmem>>, vector<16xf32>,
      %get3A_282 = arith.constant 224 : index
      %get3A_283 = tpu.vector_load %arg7[%get3A_282] {strides = array<i32>} : memref<384xf32, #tpu.memory_space<vmem>>, vector<16xf32>,
      %gt3A_284 = arith.constant 5.000000e-01 : f32
      %gt3A_285 = vector.broadcast %gt3A_284 : f32 to vector<16xf32>
      %gt3A_286 = arith.cmpf ogt, %get3A_283, %gt3A_285 : vector<16xf32>
      %jit3A_287 = arith.constant 0x7F800000 : f32
      %broadcast_in_dim3A_288 = vector.broadcast %jit3A_287 : f32 to vector<16xf32>
      %select_n3A_289 = arith.select %gt3A_286, %broadcast_in_dim3A_288, %get3A_281 : vector<16xi1>, vector<16xf32>
      %lt3A_290 = arith.cmpf olt, %select_n3A_289, %select_n3A_275 : vector<16xf32>
      %select_n3A_291 = arith.select %lt3A_290, %select_n3A_289, %select_n3A_275 : vector<16xi1>, vector<16xf32>
      %jit3A_292 = arith.constant 14 : i32
      %broadcast_in_dim3A_293 = vector.broadcast %jit3A_292 : i32 to vector<16xi32>
      %select_n3A_294 = arith.select %lt3A_290, %broadcast_in_dim3A_293, %select_n3A_278 : vector<16xi1>, vector<16xi32>
      %get3A_295 = arith.index_cast %scan3A_54 : i32 to index
      %get3A_296 = arith.constant 240 : index
      %get3A_297 = tpu.vector_load %arg5[%get3A_295, %get3A_296] {strides = array<i32>} : memref<56x384xf32, #tpu.memory_space<vmem>>, vector<16xf32>,
      %get3A_298 = arith.constant 240 : index
      %get3A_299 = tpu.vector_load %arg7[%get3A_298] {strides = array<i32>} : memref<384xf32, #tpu.memory_space<vmem>>, vector<16xf32>,
      %gt3A_300 = arith.constant 5.000000e-01 : f32
      %gt3A_301 = vector.broadcast %gt3A_300 : f32 to vector<16xf32>
      %gt3A_302 = arith.cmpf ogt, %get3A_299, %gt3A_301 : vector<16xf32>
      %jit3A_303 = arith.constant 0x7F800000 : f32
      %broadcast_in_dim3A_304 = vector.broadcast %jit3A_303 : f32 to vector<16xf32>
      %select_n3A_305 = arith.select %gt3A_302, %broadcast_in_dim3A_304, %get3A_297 : vector<16xi1>, vector<16xf32>
      %lt3A_306 = arith.cmpf olt, %select_n3A_305, %select_n3A_291 : vector<16xf32>
      %select_n3A_307 = arith.select %lt3A_306, %select_n3A_305, %select_n3A_291 : vector<16xi1>, vector<16xf32>
      %jit3A_308 = arith.constant 15 : i32
      %broadcast_in_dim3A_309 = vector.broadcast %jit3A_308 : i32 to vector<16xi32>
      %select_n3A_310 = arith.select %lt3A_306, %broadcast_in_dim3A_309, %select_n3A_294 : vector<16xi1>, vector<16xi32>
      %get3A_311 = arith.index_cast %scan3A_54 : i32 to index
      %get3A_312 = arith.constant 256 : index
      %get3A_313 = tpu.vector_load %arg5[%get3A_311, %get3A_312] {strides = array<i32>} : memref<56x384xf32, #tpu.memory_space<vmem>>, vector<16xf32>,
      %get3A_314 = arith.constant 256 : index
      %get3A_315 = tpu.vector_load %arg7[%get3A_314] {strides = array<i32>} : memref<384xf32, #tpu.memory_space<vmem>>, vector<16xf32>,
      %gt3A_316 = arith.constant 5.000000e-01 : f32
      %gt3A_317 = vector.broadcast %gt3A_316 : f32 to vector<16xf32>
      %gt3A_318 = arith.cmpf ogt, %get3A_315, %gt3A_317 : vector<16xf32>
      %jit3A_319 = arith.constant 0x7F800000 : f32
      %broadcast_in_dim3A_320 = vector.broadcast %jit3A_319 : f32 to vector<16xf32>
      %select_n3A_321 = arith.select %gt3A_318, %broadcast_in_dim3A_320, %get3A_313 : vector<16xi1>, vector<16xf32>
      %lt3A_322 = arith.cmpf olt, %select_n3A_321, %select_n3A_307 : vector<16xf32>
      %select_n3A_323 = arith.select %lt3A_322, %select_n3A_321, %select_n3A_307 : vector<16xi1>, vector<16xf32>
      %jit3A_324 = arith.constant 16 : i32
      %broadcast_in_dim3A_325 = vector.broadcast %jit3A_324 : i32 to vector<16xi32>
      %select_n3A_326 = arith.select %lt3A_322, %broadcast_in_dim3A_325, %select_n3A_310 : vector<16xi1>, vector<16xi32>
      %get3A_327 = arith.index_cast %scan3A_54 : i32 to index
      %get3A_328 = arith.constant 272 : index
      %get3A_329 = tpu.vector_load %arg5[%get3A_327, %get3A_328] {strides = array<i32>} : memref<56x384xf32, #tpu.memory_space<vmem>>, vector<16xf32>,
      %get3A_330 = arith.constant 272 : index
      %get3A_331 = tpu.vector_load %arg7[%get3A_330] {strides = array<i32>} : memref<384xf32, #tpu.memory_space<vmem>>, vector<16xf32>,
      %gt3A_332 = arith.constant 5.000000e-01 : f32
      %gt3A_333 = vector.broadcast %gt3A_332 : f32 to vector<16xf32>
      %gt3A_334 = arith.cmpf ogt, %get3A_331, %gt3A_333 : vector<16xf32>
      %jit3A_335 = arith.constant 0x7F800000 : f32
      %broadcast_in_dim3A_336 = vector.broadcast %jit3A_335 : f32 to vector<16xf32>
      %select_n3A_337 = arith.select %gt3A_334, %broadcast_in_dim3A_336, %get3A_329 : vector<16xi1>, vector<16xf32>
      %lt3A_338 = arith.cmpf olt, %select_n3A_337, %select_n3A_323 : vector<16xf32>
      %select_n3A_339 = arith.select %lt3A_338, %select_n3A_337, %select_n3A_323 : vector<16xi1>, vector<16xf32>
      %jit3A_340 = arith.constant 17 : i32
      %broadcast_in_dim3A_341 = vector.broadcast %jit3A_340 : i32 to vector<16xi32>
      %select_n3A_342 = arith.select %lt3A_338, %broadcast_in_dim3A_341, %select_n3A_326 : vector<16xi1>, vector<16xi32>
      %get3A_343 = arith.index_cast %scan3A_54 : i32 to index
      %get3A_344 = arith.constant 288 : index
      %get3A_345 = tpu.vector_load %arg5[%get3A_343, %get3A_344] {strides = array<i32>} : memref<56x384xf32, #tpu.memory_space<vmem>>, vector<16xf32>,
      %get3A_346 = arith.constant 288 : index
      %get3A_347 = tpu.vector_load %arg7[%get3A_346] {strides = array<i32>} : memref<384xf32, #tpu.memory_space<vmem>>, vector<16xf32>,
      %gt3A_348 = arith.constant 5.000000e-01 : f32
      %gt3A_349 = vector.broadcast %gt3A_348 : f32 to vector<16xf32>
      %gt3A_350 = arith.cmpf ogt, %get3A_347, %gt3A_349 : vector<16xf32>
      %jit3A_351 = arith.constant 0x7F800000 : f32
      %broadcast_in_dim3A_352 = vector.broadcast %jit3A_351 : f32 to vector<16xf32>
      %select_n3A_353 = arith.select %gt3A_350, %broadcast_in_dim3A_352, %get3A_345 : vector<16xi1>, vector<16xf32>
      %lt3A_354 = arith.cmpf olt, %select_n3A_353, %select_n3A_339 : vector<16xf32>
      %select_n3A_355 = arith.select %lt3A_354, %select_n3A_353, %select_n3A_339 : vector<16xi1>, vector<16xf32>
      %jit3A_356 = arith.constant 18 : i32
      %broadcast_in_dim3A_357 = vector.broadcast %jit3A_356 : i32 to vector<16xi32>
      %select_n3A_358 = arith.select %lt3A_354, %broadcast_in_dim3A_357, %select_n3A_342 : vector<16xi1>, vector<16xi32>
      %reduce_min3A = arith.constant true
      %reduce_min3A_359 = vector.broadcast %reduce_min3A : i1 to vector<16xi1>
      %reduce_min3A_360 = tpu.scan <min>, %select_n3A_355 masked %reduce_min3A_359 : vector<16xf32>, vector<16xi1> -> vector<16xf32>
      %reduce_min3A_361 = vector.extract %reduce_min3A_360[15] : f32 from vector<16xf32>
      %eq3A_362 = vector.broadcast %reduce_min3A_361 : f32 to vector<16xf32>
      %eq3A_363 = arith.cmpf oeq, %select_n3A_355, %eq3A_362 : vector<16xf32>
      %mul3A_364 = arith.constant 16 : i32
      %mul3A_365 = vector.broadcast %mul3A_364 : i32 to vector<16xi32>
      %mul3A_366 = arith.muli %select_n3A_358, %mul3A_365 : vector<16xi32>
      %add3A_367 = arith.addi %mul3A_366, %iota3A : vector<16xi32>
      %jit3A_368 = arith.constant 1073741824 : i32
      %broadcast_in_dim3A_369 = vector.broadcast %jit3A_368 : i32 to vector<16xi32>
      %select_n3A_370 = arith.select %eq3A_363, %add3A_367, %broadcast_in_dim3A_369 : vector<16xi1>, vector<16xi32>
      %reduce_min3A_371 = arith.constant true
      %reduce_min3A_372 = vector.broadcast %reduce_min3A_371 : i1 to vector<16xi1>
      %reduce_min3A_373 = arith.constant -2147483648 : i32
      %reduce_min3A_374 = vector.broadcast %reduce_min3A_373 : i32 to vector<16xi32>
      %reduce_min3A_375 = arith.xori %select_n3A_370, %reduce_min3A_374 : vector<16xi32>
      %reduce_min3A_376 = tpu.scan <min>, %reduce_min3A_375 masked %reduce_min3A_372 : vector<16xi32>, vector<16xi1> -> vector<16xi32>
      %reduce_min3A_377 = arith.xori %reduce_min3A_376, %reduce_min3A_374 : vector<16xi32>
      %reduce_min3A_378 = vector.extract %reduce_min3A_377[15] : i32 from vector<16xi32>
      %broadcast_in_dim3A_379 = vector.broadcast %reduce_min3A_378 : i32 to vector<16xi32>
      tpu.vector_store_idx %arg7[%broadcast_in_dim3A_379], %broadcast_in_dim3A_5 masked %eq3A_2 : memref<384xf32, #tpu.memory_space<vmem>>[vector<16xi32>], vector<16xf32>, vector<16xi1>
      %broadcast_in_dim3A_380 = vector.broadcast %scan3A_54 : i32 to vector<16xi32>
      %broadcast_in_dim3A_381 = vector.broadcast %reduce_min3A_378 : i32 to vector<16xi32>
      %gather3A = tpu.vector_load_idx %arg6[%broadcast_in_dim3A_380, %broadcast_in_dim3A_381] : memref<56x384xf32, #tpu.memory_space<vmem>>[vector<16xi32>, vector<16xi32>], vector<16xf32>,
      %jit3A_382 = arith.constant 0.000000e+00 : f32
      %broadcast_in_dim3A_383 = vector.broadcast %jit3A_382 : f32 to vector<16xf32>
      %select_n3A_384 = arith.select %eq3A_2, %gather3A, %broadcast_in_dim3A_383 : vector<16xi1>, vector<16xf32>
      %add3A_385 = arith.addf %scan3A_55, %select_n3A_384 : vector<16xf32>
      scf.yield %add3A_385 : vector<16xf32>
    }
    %scan3A_51 = arith.constant 50 : i32
    %swap3A_52 = arith.constant 0 : index
    %swap3A_53 = tpu.vector_load %arg8[%swap3A_52] {strides = array<i32>} : memref<16xf32, #tpu.memory_space<vmem>>, vector<16xf32>,
    tpu.vector_store %arg8[%swap3A_52], %scan3A_50 {strides = array<i32>} : memref<16xf32, #tpu.memory_space<vmem>>, vector<16xf32>,
    "tpu.region"() ({
      %run_scoped3A = tpu.sem_alloc : memref<!tpu.dma_semaphore, #tpu.memory_space<semaphore_mem>>
      %dma_start3A = arith.constant 0 : i32
      %dma_start3A_54 = tpu.memref_slice %arg4[%add3A_7, %dma_start3A] : memref<32x16xf32, #tpu.memory_space<hbm>> -> memref<1x16xf32, #tpu.memory_space<hbm>>
      %dma_start3A_55 = tpu.memref_squeeze %dma_start3A_54 : memref<1x16xf32, #tpu.memory_space<hbm>> -> memref<16xf32, #tpu.memory_space<hbm>>
      %dma_start3A_56 = arith.constant 0 : i32
      %dma_start3A_57 = tpu.memref_slice %arg4[%add3A_7, %dma_start3A_56] : memref<32x16xf32, #tpu.memory_space<hbm>> -> memref<1x16xf32, #tpu.memory_space<hbm>>
      %dma_start3A_58 = tpu.memref_squeeze %dma_start3A_57 : memref<1x16xf32, #tpu.memory_space<hbm>> -> memref<16xf32, #tpu.memory_space<hbm>>
      tpu.enqueue_dma source(%arg8 : memref<16xf32, #tpu.memory_space<vmem>>) target(%dma_start3A_58 : memref<16xf32, #tpu.memory_space<hbm>>) target_semaphore(%run_scoped3A : memref<!tpu.dma_semaphore, #tpu.memory_space<semaphore_mem>>)
      %dma_wait3A = arith.constant 0 : i32
      %dma_wait3A_59 = tpu.memref_slice %arg4[%add3A_7, %dma_wait3A] : memref<32x16xf32, #tpu.memory_space<hbm>> -> memref<1x16xf32, #tpu.memory_space<hbm>>
      %dma_wait3A_60 = tpu.memref_squeeze %dma_wait3A_59 : memref<1x16xf32, #tpu.memory_space<hbm>> -> memref<16xf32, #tpu.memory_space<hbm>>
      %dma_wait3A_61 = arith.constant 0 : i32
      %dma_wait3A_62 = tpu.memref_slice %arg4[%add3A_7, %dma_wait3A_61] : memref<32x16xf32, #tpu.memory_space<hbm>> -> memref<1x16xf32, #tpu.memory_space<hbm>>
      %dma_wait3A_63 = tpu.memref_squeeze %dma_wait3A_62 : memref<1x16xf32, #tpu.memory_space<hbm>> -> memref<16xf32, #tpu.memory_space<hbm>>
      tpu.wait_dma2 semaphore(%run_scoped3A : memref<!tpu.dma_semaphore, #tpu.memory_space<semaphore_mem>>) src(%arg8 : memref<16xf32, #tpu.memory_space<vmem>>) dst(%dma_wait3A_63 : memref<16xf32, #tpu.memory_space<hbm>>)
      tpu.yield
    }) : () -> ()
    return
  }
}

module attributes {stable_mosaic.version = 14 : i64} {
  func.func @_dense_body(%arg0: i32, %arg1: memref<8x300x92xf32, #tpu.memory_space<vmem>>, %arg2: memref<8x300x4xf32, #tpu.memory_space<vmem>>, %arg3: memref<8x50x4xf32, #tpu.memory_space<vmem>>, %arg4: memref<8x50x1xi32, #tpu.memory_space<vmem>>, %arg5: memref<64x50xi32, #tpu.memory_space<vmem>>, %arg6: memref<8x56x384xf32, #tpu.memory_space<vmem>>, %arg7: memref<8x56x384xf32, #tpu.memory_space<vmem>>) attributes {dimension_semantics = [#tpu.dimension_semantics<parallel>], iteration_bounds = array<i64: 4>, scalar_prefetch = 0 : i64, scratch_operands = 0 : i64, tpu.core_type = #tpu.core_type<tc>, window_params = [{transform_indices = @transform_0, window_bounds = array<i64: 8, 300, 92>}, {transform_indices = @transform_1, window_bounds = array<i64: 8, 300, 4>}, {transform_indices = @transform_2, window_bounds = array<i64: 8, 50, 4>}, {transform_indices = @transform_3, window_bounds = array<i64: 8, 50, 1>}, {pipeline_mode = #tpu.pipeline_mode<synchronous>, transform_indices = @transform_4, window_bounds = array<i64: 64, 50>}, {transform_indices = @transform_5, window_bounds = array<i64: 8, 56, 384>}, {transform_indices = @transform_6, window_bounds = array<i64: 8, 56, 384>}]} {
    %get3A = arith.constant 0 : index
    %get3A_0 = arith.constant 0 : index
    %get3A_1 = vector.load %arg5[%get3A, %get3A_0] : memref<64x50xi32, #tpu.memory_space<vmem>>, vector<64x50xi32>
    %ne3A = arith.constant 0 : i32
    %ne3A_2 = vector.broadcast %ne3A : i32 to vector<64x50xi32>
    %ne3A_3 = arith.cmpi ne, %get3A_1, %ne3A_2 : vector<64x50xi32>
    %convert_element_type3A = arith.extui %ne3A_3 : vector<64x50xi1> to vector<64x50xi32>
    %convert_element_type3A_4 = arith.sitofp %convert_element_type3A : vector<64x50xi32> to vector<64x50xf32>
    %reduce_sum3A = vector.shape_cast %convert_element_type3A_4 : vector<64x50xf32> to vector<1x64x50xf32>
    %reduce_sum3A_5 = arith.constant dense<0.000000e+00> : vector<1xf32>
    %reduce_sum3A_6 = vector.multi_reduction <add>, %reduce_sum3A, %reduce_sum3A_5 [1, 2] : vector<1x64x50xf32> to vector<1xf32>
    %reduce_sum3A_7 = vector.shape_cast %reduce_sum3A_6 : vector<1xf32> to vector<1x1x1xf32>
    %reduce_sum3A_8 = vector.extract %reduce_sum3A_7[0, 0, 0] : f32 from vector<1x1x1xf32>
    %mul3A = arith.constant 0.899999976 : f32
    %mul3A_9 = arith.mulf %mul3A, %reduce_sum3A_8 : f32
    %add3A = arith.constant 1.920000e+03 : f32
    %add3A_10 = arith.addf %add3A, %mul3A_9 : f32
    %max3A = arith.constant 1.000000e+00 : f32
    %max3A_11 = arith.maximumf %reduce_sum3A_8, %max3A : f32
    %broadcast_in_dim3A = arith.constant 0x7F800000 : f32
    %broadcast_in_dim3A_12 = vector.broadcast %broadcast_in_dim3A : f32 to vector<50x84xf32>
    %iota3A = tpu.iota {dimensions = array<i32: 0>} : vector<50x300xi32>
    %eq3A = arith.constant 0 : i32
    %eq3A_13 = vector.broadcast %eq3A : i32 to vector<50x300xi32>
    %eq3A_14 = arith.cmpi eq, %iota3A, %eq3A_13 : vector<50x300xi32>
    %iota3A_15 = tpu.iota {dimensions = array<i32: 1>} : vector<50x92xi32>
    %get3A_16 = arith.constant 0 : index
    %get3A_17 = arith.constant 0 : index
    %get3A_18 = arith.constant 0 : index
    %get3A_19 = vector.load %arg1[%get3A_16, %get3A_17, %get3A_18] : memref<8x300x92xf32, #tpu.memory_space<vmem>>, vector<1x300x92xf32>
    %get3A_20 = vector.shape_cast %get3A_19 : vector<1x300x92xf32> to vector<300x92xf32>
    %get3A_21 = arith.constant 0 : index
    %get3A_22 = arith.constant 0 : index
    %get3A_23 = arith.constant 0 : index
    %get3A_24 = vector.load %arg2[%get3A_21, %get3A_22, %get3A_23] : memref<8x300x4xf32, #tpu.memory_space<vmem>>, vector<1x300x4xf32>
    %get3A_25 = vector.shape_cast %get3A_24 : vector<1x300x4xf32> to vector<300x4xf32>
    %transpose3A = tpu.transpose %get3A_25, [1, 0] : vector<300x4xf32> -> vector<4x300xf32>
    %get3A_26 = arith.constant 0 : index
    %get3A_27 = arith.constant 0 : index
    %get3A_28 = arith.constant 0 : index
    %get3A_29 = vector.load %arg3[%get3A_26, %get3A_27, %get3A_28] : memref<8x50x4xf32, #tpu.memory_space<vmem>>, vector<1x50x4xf32>
    %get3A_30 = vector.shape_cast %get3A_29 : vector<1x50x4xf32> to vector<50x4xf32>
    %get3A_31 = arith.constant 0 : index
    %get3A_32 = arith.constant 0 : index
    %get3A_33 = arith.constant 0 : index
    %get3A_34 = vector.load %arg4[%get3A_31, %get3A_32, %get3A_33] : memref<8x50x1xi32, #tpu.memory_space<vmem>>, vector<1x50x1xi32>
    %get3A_35 = vector.shape_cast %get3A_34 : vector<1x50x1xi32> to vector<50x1xi32>
    %transpose3A_36 = tpu.transpose %get3A_20, [1, 0] : vector<300x92xf32> -> vector<92x300xf32>
    %reduce_max3A = arith.constant dense<0xFF800000> : vector<300xf32>
    %reduce_max3A_37 = vector.multi_reduction <maximumf>, %transpose3A_36, %reduce_max3A [0] : vector<92x300xf32> to vector<300xf32>
    %broadcast_in_dim3A_38 = vector.shape_cast %reduce_max3A_37 : vector<300xf32> to vector<1x300xf32>
    %sub3A = vector.broadcast %broadcast_in_dim3A_38 : vector<1x300xf32> to vector<92x300xf32>
    %sub3A_39 = arith.subf %transpose3A_36, %sub3A : vector<92x300xf32>
    %exp3A = math.exp %sub3A_39 : vector<92x300xf32>
    %reduce_sum3A_40 = arith.constant dense<0.000000e+00> : vector<300xf32>
    %reduce_sum3A_41 = vector.multi_reduction <add>, %exp3A, %reduce_sum3A_40 [0] : vector<92x300xf32> to vector<300xf32>
    %broadcast_in_dim3A_42 = vector.shape_cast %reduce_sum3A_41 : vector<300xf32> to vector<1x300xf32>
    %log3A = math.log %broadcast_in_dim3A_42 : vector<1x300xf32>
    %add3A_43 = arith.addf %log3A, %broadcast_in_dim3A_38 : vector<1x300xf32>
    %slice3A = vector.extract_strided_slice %transpose3A_36 {offsets = [0, 0], sizes = [1, 300], strides = [1, 1]} : vector<92x300xf32> to vector<1x300xf32>
    %sub3A_44 = arith.subf %slice3A, %add3A_43 : vector<1x300xf32>
    %eq3A_45 = vector.broadcast %get3A_35 : vector<50x1xi32> to vector<50x92xi32>
    %eq3A_46 = arith.cmpi eq, %iota3A_15, %eq3A_45 : vector<50x92xi32>
    %convert_element_type3A_47 = arith.extui %eq3A_46 : vector<50x92xi1> to vector<50x92xi32>
    %convert_element_type3A_48 = arith.sitofp %convert_element_type3A_47 : vector<50x92xi32> to vector<50x92xf32>
    %dot_general3A = arith.constant dense<0.000000e+00> : vector<50x300xf32>
    %dot_general3A_49 = tpu.matmul %convert_element_type3A_48, %transpose3A_36, %dot_general3A {dimension_numbers = #tpu.dot_dimension_numbers<[1], [0], [0], [1], [0, 0, 1, 1], [], []>, transpose_lhs_hint = false} : vector<50x92xf32>, vector<92x300xf32>, vector<50x300xf32> -> vector<50x300xf32>
    %sub3A_50 = vector.broadcast %add3A_43 : vector<1x300xf32> to vector<50x300xf32>
    %sub3A_51 = arith.subf %dot_general3A_49, %sub3A_50 : vector<50x300xf32>
    %exp3A_52 = math.exp %sub3A_51 : vector<50x300xf32>
    %slice3A_53 = vector.extract_strided_slice %transpose3A {offsets = [0, 0], sizes = [1, 300], strides = [1, 1]} : vector<4x300xf32> to vector<1x300xf32>
    %slice3A_54 = vector.extract_strided_slice %transpose3A {offsets = [1, 0], sizes = [1, 300], strides = [1, 1]} : vector<4x300xf32> to vector<1x300xf32>
    %slice3A_55 = vector.extract_strided_slice %transpose3A {offsets = [2, 0], sizes = [1, 300], strides = [1, 1]} : vector<4x300xf32> to vector<1x300xf32>
    %slice3A_56 = vector.extract_strided_slice %transpose3A {offsets = [3, 0], sizes = [1, 300], strides = [1, 1]} : vector<4x300xf32> to vector<1x300xf32>
    %slice3A_57 = vector.extract_strided_slice %get3A_30 {offsets = [0, 0], sizes = [50, 1], strides = [1, 1]} : vector<50x4xf32> to vector<50x1xf32>
    %slice3A_58 = vector.extract_strided_slice %get3A_30 {offsets = [0, 1], sizes = [50, 1], strides = [1, 1]} : vector<50x4xf32> to vector<50x1xf32>
    %slice3A_59 = vector.extract_strided_slice %get3A_30 {offsets = [0, 2], sizes = [50, 1], strides = [1, 1]} : vector<50x4xf32> to vector<50x1xf32>
    %slice3A_60 = vector.extract_strided_slice %get3A_30 {offsets = [0, 3], sizes = [50, 1], strides = [1, 1]} : vector<50x4xf32> to vector<50x1xf32>
    %sub3A_61 = vector.broadcast %slice3A_53 : vector<1x300xf32> to vector<50x300xf32>
    %sub3A_62 = vector.broadcast %slice3A_57 : vector<50x1xf32> to vector<50x300xf32>
    %sub3A_63 = arith.subf %sub3A_61, %sub3A_62 : vector<50x300xf32>
    %abs3A = math.absf %sub3A_63 : vector<50x300xf32>
    %sub3A_64 = vector.broadcast %slice3A_54 : vector<1x300xf32> to vector<50x300xf32>
    %sub3A_65 = vector.broadcast %slice3A_58 : vector<50x1xf32> to vector<50x300xf32>
    %sub3A_66 = arith.subf %sub3A_64, %sub3A_65 : vector<50x300xf32>
    %abs3A_67 = math.absf %sub3A_66 : vector<50x300xf32>
    %add3A_68 = arith.addf %abs3A, %abs3A_67 : vector<50x300xf32>
    %sub3A_69 = vector.broadcast %slice3A_55 : vector<1x300xf32> to vector<50x300xf32>
    %sub3A_70 = vector.broadcast %slice3A_59 : vector<50x1xf32> to vector<50x300xf32>
    %sub3A_71 = arith.subf %sub3A_69, %sub3A_70 : vector<50x300xf32>
    %abs3A_72 = math.absf %sub3A_71 : vector<50x300xf32>
    %add3A_73 = arith.addf %add3A_68, %abs3A_72 : vector<50x300xf32>
    %sub3A_74 = vector.broadcast %slice3A_56 : vector<1x300xf32> to vector<50x300xf32>
    %sub3A_75 = vector.broadcast %slice3A_60 : vector<50x1xf32> to vector<50x300xf32>
    %sub3A_76 = arith.subf %sub3A_74, %sub3A_75 : vector<50x300xf32>
    %abs3A_77 = math.absf %sub3A_76 : vector<50x300xf32>
    %add3A_78 = arith.addf %add3A_73, %abs3A_77 : vector<50x300xf32>
    %max3A_79 = vector.broadcast %slice3A_53 : vector<1x300xf32> to vector<50x300xf32>
    %max3A_80 = vector.broadcast %slice3A_57 : vector<50x1xf32> to vector<50x300xf32>
    %max3A_81 = arith.maximumf %max3A_79, %max3A_80 : vector<50x300xf32>
    %max3A_82 = vector.broadcast %slice3A_54 : vector<1x300xf32> to vector<50x300xf32>
    %max3A_83 = vector.broadcast %slice3A_58 : vector<50x1xf32> to vector<50x300xf32>
    %max3A_84 = arith.maximumf %max3A_82, %max3A_83 : vector<50x300xf32>
    %min3A = vector.broadcast %slice3A_55 : vector<1x300xf32> to vector<50x300xf32>
    %min3A_85 = vector.broadcast %slice3A_59 : vector<50x1xf32> to vector<50x300xf32>
    %min3A_86 = arith.minimumf %min3A, %min3A_85 : vector<50x300xf32>
    %min3A_87 = vector.broadcast %slice3A_56 : vector<1x300xf32> to vector<50x300xf32>
    %min3A_88 = vector.broadcast %slice3A_60 : vector<50x1xf32> to vector<50x300xf32>
    %min3A_89 = arith.minimumf %min3A_87, %min3A_88 : vector<50x300xf32>
    %sub3A_90 = arith.subf %min3A_86, %max3A_81 : vector<50x300xf32>
    %max3A_91 = arith.constant 0.000000e+00 : f32
    %max3A_92 = vector.broadcast %max3A_91 : f32 to vector<50x300xf32>
    %max3A_93 = arith.maximumf %sub3A_90, %max3A_92 : vector<50x300xf32>
    %sub3A_94 = arith.subf %min3A_89, %max3A_84 : vector<50x300xf32>
    %max3A_95 = arith.constant 0.000000e+00 : f32
    %max3A_96 = vector.broadcast %max3A_95 : f32 to vector<50x300xf32>
    %max3A_97 = arith.maximumf %sub3A_94, %max3A_96 : vector<50x300xf32>
    %mul3A_98 = arith.mulf %max3A_93, %max3A_97 : vector<50x300xf32>
    %sub3A_99 = arith.subf %slice3A_55, %slice3A_53 : vector<1x300xf32>
    %sub3A_100 = arith.subf %slice3A_56, %slice3A_54 : vector<1x300xf32>
    %mul3A_101 = arith.mulf %sub3A_99, %sub3A_100 : vector<1x300xf32>
    %sub3A_102 = arith.subf %slice3A_59, %slice3A_57 : vector<50x1xf32>
    %sub3A_103 = arith.subf %slice3A_60, %slice3A_58 : vector<50x1xf32>
    %mul3A_104 = arith.mulf %sub3A_102, %sub3A_103 : vector<50x1xf32>
    %add3A_105 = vector.broadcast %mul3A_101 : vector<1x300xf32> to vector<50x300xf32>
    %add3A_106 = vector.broadcast %mul3A_104 : vector<50x1xf32> to vector<50x300xf32>
    %add3A_107 = arith.addf %add3A_105, %add3A_106 : vector<50x300xf32>
    %sub3A_108 = arith.subf %add3A_107, %mul3A_98 : vector<50x300xf32>
    %add3A_109 = arith.constant 1.000000e-07 : f32
    %add3A_110 = vector.broadcast %add3A_109 : f32 to vector<50x300xf32>
    %add3A_111 = arith.addf %sub3A_108, %add3A_110 : vector<50x300xf32>
    %div3A = arith.divf %mul3A_98, %add3A_111 : vector<50x300xf32>
    %min3A_112 = vector.broadcast %slice3A_53 : vector<1x300xf32> to vector<50x300xf32>
    %min3A_113 = vector.broadcast %slice3A_57 : vector<50x1xf32> to vector<50x300xf32>
    %min3A_114 = arith.minimumf %min3A_112, %min3A_113 : vector<50x300xf32>
    %min3A_115 = vector.broadcast %slice3A_54 : vector<1x300xf32> to vector<50x300xf32>
    %min3A_116 = vector.broadcast %slice3A_58 : vector<50x1xf32> to vector<50x300xf32>
    %min3A_117 = arith.minimumf %min3A_115, %min3A_116 : vector<50x300xf32>
    %max3A_118 = vector.broadcast %slice3A_55 : vector<1x300xf32> to vector<50x300xf32>
    %max3A_119 = vector.broadcast %slice3A_59 : vector<50x1xf32> to vector<50x300xf32>
    %max3A_120 = arith.maximumf %max3A_118, %max3A_119 : vector<50x300xf32>
    %max3A_121 = vector.broadcast %slice3A_56 : vector<1x300xf32> to vector<50x300xf32>
    %max3A_122 = vector.broadcast %slice3A_60 : vector<50x1xf32> to vector<50x300xf32>
    %max3A_123 = arith.maximumf %max3A_121, %max3A_122 : vector<50x300xf32>
    %sub3A_124 = arith.subf %max3A_120, %min3A_114 : vector<50x300xf32>
    %sub3A_125 = arith.subf %max3A_123, %min3A_117 : vector<50x300xf32>
    %mul3A_126 = arith.mulf %sub3A_124, %sub3A_125 : vector<50x300xf32>
    %sub3A_127 = arith.subf %mul3A_126, %sub3A_108 : vector<50x300xf32>
    %add3A_128 = arith.constant 1.000000e-07 : f32
    %add3A_129 = vector.broadcast %add3A_128 : f32 to vector<50x300xf32>
    %add3A_130 = arith.addf %mul3A_126, %add3A_129 : vector<50x300xf32>
    %div3A_131 = arith.divf %sub3A_127, %add3A_130 : vector<50x300xf32>
    %sub3A_132 = arith.subf %div3A, %div3A_131 : vector<50x300xf32>
    %mul3A_133 = arith.constant -1.000000e+00 : f32
    %mul3A_134 = vector.broadcast %mul3A_133 : f32 to vector<50x300xf32>
    %mul3A_135 = arith.mulf %mul3A_134, %exp3A_52 : vector<50x300xf32>
    %mul3A_136 = arith.constant 5.000000e+00 : f32
    %mul3A_137 = vector.broadcast %mul3A_136 : f32 to vector<50x300xf32>
    %mul3A_138 = arith.mulf %mul3A_137, %add3A_78 : vector<50x300xf32>
    %add3A_139 = arith.addf %mul3A_135, %mul3A_138 : vector<50x300xf32>
    %mul3A_140 = arith.constant 2.000000e+00 : f32
    %mul3A_141 = vector.broadcast %mul3A_140 : f32 to vector<50x300xf32>
    %mul3A_142 = arith.mulf %mul3A_141, %sub3A_132 : vector<50x300xf32>
    %sub3A_143 = arith.subf %add3A_139, %mul3A_142 : vector<50x300xf32>
    %eq3A_144 = arith.constant 0 : i32
    %eq3A_145 = vector.broadcast %eq3A_144 : i32 to vector<50x1xi32>
    %eq3A_146 = arith.cmpi eq, %get3A_35, %eq3A_145 : vector<50x1xi32>
    %jit3A = arith.constant 1.000000e-01 : f32
    %jit3A_147 = arith.constant 1.000000e+00 : f32
    %broadcast_in_dim3A_148 = vector.broadcast %jit3A : f32 to vector<50x1xf32>
    %broadcast_in_dim3A_149 = vector.broadcast %jit3A_147 : f32 to vector<50x1xf32>
    %select_n3A = arith.select %eq3A_146, %broadcast_in_dim3A_148, %broadcast_in_dim3A_149 : vector<50x1xi1>, vector<50x1xf32>
    %ne3A_150 = arith.constant 0 : i32
    %ne3A_151 = vector.broadcast %ne3A_150 : i32 to vector<50x1xi32>
    %ne3A_152 = arith.cmpi ne, %get3A_35, %ne3A_151 : vector<50x1xi32>
    %convert_element_type3A_153 = arith.extui %ne3A_152 : vector<50x1xi1> to vector<50x1xi32>
    %convert_element_type3A_154 = arith.sitofp %convert_element_type3A_153 : vector<50x1xi32> to vector<50x1xf32>
    %neg3A = arith.constant 0.000000e+00 : f32
    %neg3A_155 = vector.broadcast %neg3A : f32 to vector<50x300xf32>
    %neg3A_156 = arith.subf %neg3A_155, %sub3A_51 : vector<50x300xf32>
    %mul3A_157 = vector.broadcast %select_n3A : vector<50x1xf32> to vector<50x300xf32>
    %mul3A_158 = arith.mulf %mul3A_157, %neg3A_156 : vector<50x300xf32>
    %mul3A_159 = arith.constant 1.000000e-01 : f32
    %mul3A_160 = vector.broadcast %mul3A_159 : f32 to vector<1x300xf32>
    %mul3A_161 = arith.mulf %mul3A_160, %sub3A_44 : vector<1x300xf32>
    %add3A_162 = vector.broadcast %mul3A_161 : vector<1x300xf32> to vector<50x300xf32>
    %add3A_163 = arith.addf %mul3A_158, %add3A_162 : vector<50x300xf32>
    %mul3A_164 = arith.constant 1.000000e+00 : f32
    %mul3A_165 = vector.broadcast %mul3A_164 : f32 to vector<50x300xf32>
    %mul3A_166 = arith.mulf %mul3A_165, %add3A_163 : vector<50x300xf32>
    %div3A_167 = vector.broadcast %add3A_10 : f32 to vector<50x300xf32>
    %div3A_168 = arith.divf %mul3A_166, %div3A_167 : vector<50x300xf32>
    %mul3A_169 = arith.constant 5.000000e+00 : f32
    %mul3A_170 = vector.broadcast %mul3A_169 : f32 to vector<50x300xf32>
    %mul3A_171 = arith.mulf %mul3A_170, %add3A_78 : vector<50x300xf32>
    %sub3A_172 = arith.constant 1.000000e+00 : f32
    %sub3A_173 = vector.broadcast %sub3A_172 : f32 to vector<50x300xf32>
    %sub3A_174 = arith.subf %sub3A_173, %sub3A_132 : vector<50x300xf32>
    %mul3A_175 = arith.constant 2.000000e+00 : f32
    %mul3A_176 = vector.broadcast %mul3A_175 : f32 to vector<50x300xf32>
    %mul3A_177 = arith.mulf %mul3A_176, %sub3A_174 : vector<50x300xf32>
    %add3A_178 = arith.addf %mul3A_171, %mul3A_177 : vector<50x300xf32>
    %mul3A_179 = vector.broadcast %convert_element_type3A_154 : vector<50x1xf32> to vector<50x300xf32>
    %mul3A_180 = arith.mulf %mul3A_179, %add3A_178 : vector<50x300xf32>
    %div3A_181 = vector.broadcast %max3A_11 : f32 to vector<50x300xf32>
    %div3A_182 = arith.divf %mul3A_180, %div3A_181 : vector<50x300xf32>
    %add3A_183 = arith.addf %div3A_168, %div3A_182 : vector<50x300xf32>
    %reduce_sum3A_184 = vector.shape_cast %sub3A_44 : vector<1x300xf32> to vector<1x1x300xf32>
    %reduce_sum3A_185 = arith.constant dense<0.000000e+00> : vector<1xf32>
    %reduce_sum3A_186 = vector.multi_reduction <add>, %reduce_sum3A_184, %reduce_sum3A_185 [1, 2] : vector<1x1x300xf32> to vector<1xf32>
    %reduce_sum3A_187 = vector.shape_cast %reduce_sum3A_186 : vector<1xf32> to vector<1x1x1xf32>
    %reduce_sum3A_188 = vector.extract %reduce_sum3A_187[0, 0, 0] : f32 from vector<1x1x1xf32>
    %neg3A_189 = arith.constant 0.000000e+00 : f32
    %neg3A_190 = arith.subf %neg3A_189, %reduce_sum3A_188 : f32
    %mul3A_191 = arith.constant 1.000000e-01 : f32
    %mul3A_192 = arith.mulf %mul3A_191, %neg3A_190 : f32
    %div3A_193 = arith.divf %mul3A_192, %add3A_10 : f32
    %jit3A_194 = arith.constant 0.000000e+00 : f32
    %broadcast_in_dim3A_195 = vector.broadcast %div3A_193 : f32 to vector<50x300xf32>
    %broadcast_in_dim3A_196 = vector.broadcast %jit3A_194 : f32 to vector<50x300xf32>
    %select_n3A_197 = arith.select %eq3A_14, %broadcast_in_dim3A_195, %broadcast_in_dim3A_196 : vector<50x300xi1>, vector<50x300xf32>
    %add3A_198 = arith.addf %add3A_183, %select_n3A_197 : vector<50x300xf32>
    %swap3A = arith.constant 0 : index
    %swap3A_199 = arith.constant 0 : index
    %swap3A_200 = arith.constant 0 : index
    %swap3A_201 = vector.load %arg6[%swap3A, %swap3A_199, %swap3A_200] : memref<8x56x384xf32, #tpu.memory_space<vmem>>, vector<1x50x300xf32>
    %swap3A_202 = vector.shape_cast %swap3A_201 : vector<1x50x300xf32> to vector<50x300xf32>
    %swap3A_203 = vector.shape_cast %sub3A_143 : vector<50x300xf32> to vector<1x50x300xf32>
    tpu.vector_store %arg6[%swap3A, %swap3A_199, %swap3A_200], %swap3A_203 {strides = array<i32>} : memref<8x56x384xf32, #tpu.memory_space<vmem>>, vector<1x50x300xf32>,
    %swap3A_204 = arith.constant 0 : index
    %swap3A_205 = arith.constant 0 : index
    %swap3A_206 = arith.constant 300 : index
    %swap3A_207 = vector.load %arg6[%swap3A_204, %swap3A_205, %swap3A_206] : memref<8x56x384xf32, #tpu.memory_space<vmem>>, vector<1x50x84xf32>
    %swap3A_208 = vector.shape_cast %swap3A_207 : vector<1x50x84xf32> to vector<50x84xf32>
    %swap3A_209 = vector.shape_cast %broadcast_in_dim3A_12 : vector<50x84xf32> to vector<1x50x84xf32>
    tpu.vector_store %arg6[%swap3A_204, %swap3A_205, %swap3A_206], %swap3A_209 {strides = array<i32>} : memref<8x56x384xf32, #tpu.memory_space<vmem>>, vector<1x50x84xf32>,
    %swap3A_210 = arith.constant 0 : index
    %swap3A_211 = arith.constant 0 : index
    %swap3A_212 = arith.constant 0 : index
    %swap3A_213 = vector.load %arg7[%swap3A_210, %swap3A_211, %swap3A_212] : memref<8x56x384xf32, #tpu.memory_space<vmem>>, vector<1x50x300xf32>
    %swap3A_214 = vector.shape_cast %swap3A_213 : vector<1x50x300xf32> to vector<50x300xf32>
    %swap3A_215 = vector.shape_cast %add3A_198 : vector<50x300xf32> to vector<1x50x300xf32>
    tpu.vector_store %arg7[%swap3A_210, %swap3A_211, %swap3A_212], %swap3A_215 {strides = array<i32>} : memref<8x56x384xf32, #tpu.memory_space<vmem>>, vector<1x50x300xf32>,
    %get3A_216 = arith.constant 1 : index
    %get3A_217 = arith.constant 0 : index
    %get3A_218 = arith.constant 0 : index
    %get3A_219 = vector.load %arg1[%get3A_216, %get3A_217, %get3A_218] : memref<8x300x92xf32, #tpu.memory_space<vmem>>, vector<1x300x92xf32>
    %get3A_220 = vector.shape_cast %get3A_219 : vector<1x300x92xf32> to vector<300x92xf32>
    %get3A_221 = arith.constant 1 : index
    %get3A_222 = arith.constant 0 : index
    %get3A_223 = arith.constant 0 : index
    %get3A_224 = vector.load %arg2[%get3A_221, %get3A_222, %get3A_223] : memref<8x300x4xf32, #tpu.memory_space<vmem>>, vector<1x300x4xf32>
    %get3A_225 = vector.shape_cast %get3A_224 : vector<1x300x4xf32> to vector<300x4xf32>
    %transpose3A_226 = tpu.transpose %get3A_225, [1, 0] : vector<300x4xf32> -> vector<4x300xf32>
    %get3A_227 = arith.constant 1 : index
    %get3A_228 = arith.constant 0 : index
    %get3A_229 = arith.constant 0 : index
    %get3A_230 = vector.load %arg3[%get3A_227, %get3A_228, %get3A_229] : memref<8x50x4xf32, #tpu.memory_space<vmem>>, vector<1x50x4xf32>
    %get3A_231 = vector.shape_cast %get3A_230 : vector<1x50x4xf32> to vector<50x4xf32>
    %get3A_232 = arith.constant 1 : index
    %get3A_233 = arith.constant 0 : index
    %get3A_234 = arith.constant 0 : index
    %get3A_235 = vector.load %arg4[%get3A_232, %get3A_233, %get3A_234] : memref<8x50x1xi32, #tpu.memory_space<vmem>>, vector<1x50x1xi32>
    %get3A_236 = vector.shape_cast %get3A_235 : vector<1x50x1xi32> to vector<50x1xi32>
    %transpose3A_237 = tpu.transpose %get3A_220, [1, 0] : vector<300x92xf32> -> vector<92x300xf32>
    %reduce_max3A_238 = arith.constant dense<0xFF800000> : vector<300xf32>
    %reduce_max3A_239 = vector.multi_reduction <maximumf>, %transpose3A_237, %reduce_max3A_238 [0] : vector<92x300xf32> to vector<300xf32>
    %broadcast_in_dim3A_240 = vector.shape_cast %reduce_max3A_239 : vector<300xf32> to vector<1x300xf32>
    %sub3A_241 = vector.broadcast %broadcast_in_dim3A_240 : vector<1x300xf32> to vector<92x300xf32>
    %sub3A_242 = arith.subf %transpose3A_237, %sub3A_241 : vector<92x300xf32>
    %exp3A_243 = math.exp %sub3A_242 : vector<92x300xf32>
    %reduce_sum3A_244 = arith.constant dense<0.000000e+00> : vector<300xf32>
    %reduce_sum3A_245 = vector.multi_reduction <add>, %exp3A_243, %reduce_sum3A_244 [0] : vector<92x300xf32> to vector<300xf32>
    %broadcast_in_dim3A_246 = vector.shape_cast %reduce_sum3A_245 : vector<300xf32> to vector<1x300xf32>
    %log3A_247 = math.log %broadcast_in_dim3A_246 : vector<1x300xf32>
    %add3A_248 = arith.addf %log3A_247, %broadcast_in_dim3A_240 : vector<1x300xf32>
    %slice3A_249 = vector.extract_strided_slice %transpose3A_237 {offsets = [0, 0], sizes = [1, 300], strides = [1, 1]} : vector<92x300xf32> to vector<1x300xf32>
    %sub3A_250 = arith.subf %slice3A_249, %add3A_248 : vector<1x300xf32>
    %eq3A_251 = vector.broadcast %get3A_236 : vector<50x1xi32> to vector<50x92xi32>
    %eq3A_252 = arith.cmpi eq, %iota3A_15, %eq3A_251 : vector<50x92xi32>
    %convert_element_type3A_253 = arith.extui %eq3A_252 : vector<50x92xi1> to vector<50x92xi32>
    %convert_element_type3A_254 = arith.sitofp %convert_element_type3A_253 : vector<50x92xi32> to vector<50x92xf32>
    %dot_general3A_255 = arith.constant dense<0.000000e+00> : vector<50x300xf32>
    %dot_general3A_256 = tpu.matmul %convert_element_type3A_254, %transpose3A_237, %dot_general3A_255 {dimension_numbers = #tpu.dot_dimension_numbers<[1], [0], [0], [1], [0, 0, 1, 1], [], []>, transpose_lhs_hint = false} : vector<50x92xf32>, vector<92x300xf32>, vector<50x300xf32> -> vector<50x300xf32>
    %sub3A_257 = vector.broadcast %add3A_248 : vector<1x300xf32> to vector<50x300xf32>
    %sub3A_258 = arith.subf %dot_general3A_256, %sub3A_257 : vector<50x300xf32>
    %exp3A_259 = math.exp %sub3A_258 : vector<50x300xf32>
    %slice3A_260 = vector.extract_strided_slice %transpose3A_226 {offsets = [0, 0], sizes = [1, 300], strides = [1, 1]} : vector<4x300xf32> to vector<1x300xf32>
    %slice3A_261 = vector.extract_strided_slice %transpose3A_226 {offsets = [1, 0], sizes = [1, 300], strides = [1, 1]} : vector<4x300xf32> to vector<1x300xf32>
    %slice3A_262 = vector.extract_strided_slice %transpose3A_226 {offsets = [2, 0], sizes = [1, 300], strides = [1, 1]} : vector<4x300xf32> to vector<1x300xf32>
    %slice3A_263 = vector.extract_strided_slice %transpose3A_226 {offsets = [3, 0], sizes = [1, 300], strides = [1, 1]} : vector<4x300xf32> to vector<1x300xf32>
    %slice3A_264 = vector.extract_strided_slice %get3A_231 {offsets = [0, 0], sizes = [50, 1], strides = [1, 1]} : vector<50x4xf32> to vector<50x1xf32>
    %slice3A_265 = vector.extract_strided_slice %get3A_231 {offsets = [0, 1], sizes = [50, 1], strides = [1, 1]} : vector<50x4xf32> to vector<50x1xf32>
    %slice3A_266 = vector.extract_strided_slice %get3A_231 {offsets = [0, 2], sizes = [50, 1], strides = [1, 1]} : vector<50x4xf32> to vector<50x1xf32>
    %slice3A_267 = vector.extract_strided_slice %get3A_231 {offsets = [0, 3], sizes = [50, 1], strides = [1, 1]} : vector<50x4xf32> to vector<50x1xf32>
    %sub3A_268 = vector.broadcast %slice3A_260 : vector<1x300xf32> to vector<50x300xf32>
    %sub3A_269 = vector.broadcast %slice3A_264 : vector<50x1xf32> to vector<50x300xf32>
    %sub3A_270 = arith.subf %sub3A_268, %sub3A_269 : vector<50x300xf32>
    %abs3A_271 = math.absf %sub3A_270 : vector<50x300xf32>
    %sub3A_272 = vector.broadcast %slice3A_261 : vector<1x300xf32> to vector<50x300xf32>
    %sub3A_273 = vector.broadcast %slice3A_265 : vector<50x1xf32> to vector<50x300xf32>
    %sub3A_274 = arith.subf %sub3A_272, %sub3A_273 : vector<50x300xf32>
    %abs3A_275 = math.absf %sub3A_274 : vector<50x300xf32>
    %add3A_276 = arith.addf %abs3A_271, %abs3A_275 : vector<50x300xf32>
    %sub3A_277 = vector.broadcast %slice3A_262 : vector<1x300xf32> to vector<50x300xf32>
    %sub3A_278 = vector.broadcast %slice3A_266 : vector<50x1xf32> to vector<50x300xf32>
    %sub3A_279 = arith.subf %sub3A_277, %sub3A_278 : vector<50x300xf32>
    %abs3A_280 = math.absf %sub3A_279 : vector<50x300xf32>
    %add3A_281 = arith.addf %add3A_276, %abs3A_280 : vector<50x300xf32>
    %sub3A_282 = vector.broadcast %slice3A_263 : vector<1x300xf32> to vector<50x300xf32>
    %sub3A_283 = vector.broadcast %slice3A_267 : vector<50x1xf32> to vector<50x300xf32>
    %sub3A_284 = arith.subf %sub3A_282, %sub3A_283 : vector<50x300xf32>
    %abs3A_285 = math.absf %sub3A_284 : vector<50x300xf32>
    %add3A_286 = arith.addf %add3A_281, %abs3A_285 : vector<50x300xf32>
    %max3A_287 = vector.broadcast %slice3A_260 : vector<1x300xf32> to vector<50x300xf32>
    %max3A_288 = vector.broadcast %slice3A_264 : vector<50x1xf32> to vector<50x300xf32>
    %max3A_289 = arith.maximumf %max3A_287, %max3A_288 : vector<50x300xf32>
    %max3A_290 = vector.broadcast %slice3A_261 : vector<1x300xf32> to vector<50x300xf32>
    %max3A_291 = vector.broadcast %slice3A_265 : vector<50x1xf32> to vector<50x300xf32>
    %max3A_292 = arith.maximumf %max3A_290, %max3A_291 : vector<50x300xf32>
    %min3A_293 = vector.broadcast %slice3A_262 : vector<1x300xf32> to vector<50x300xf32>
    %min3A_294 = vector.broadcast %slice3A_266 : vector<50x1xf32> to vector<50x300xf32>
    %min3A_295 = arith.minimumf %min3A_293, %min3A_294 : vector<50x300xf32>
    %min3A_296 = vector.broadcast %slice3A_263 : vector<1x300xf32> to vector<50x300xf32>
    %min3A_297 = vector.broadcast %slice3A_267 : vector<50x1xf32> to vector<50x300xf32>
    %min3A_298 = arith.minimumf %min3A_296, %min3A_297 : vector<50x300xf32>
    %sub3A_299 = arith.subf %min3A_295, %max3A_289 : vector<50x300xf32>
    %max3A_300 = arith.constant 0.000000e+00 : f32
    %max3A_301 = vector.broadcast %max3A_300 : f32 to vector<50x300xf32>
    %max3A_302 = arith.maximumf %sub3A_299, %max3A_301 : vector<50x300xf32>
    %sub3A_303 = arith.subf %min3A_298, %max3A_292 : vector<50x300xf32>
    %max3A_304 = arith.constant 0.000000e+00 : f32
    %max3A_305 = vector.broadcast %max3A_304 : f32 to vector<50x300xf32>
    %max3A_306 = arith.maximumf %sub3A_303, %max3A_305 : vector<50x300xf32>
    %mul3A_307 = arith.mulf %max3A_302, %max3A_306 : vector<50x300xf32>
    %sub3A_308 = arith.subf %slice3A_262, %slice3A_260 : vector<1x300xf32>
    %sub3A_309 = arith.subf %slice3A_263, %slice3A_261 : vector<1x300xf32>
    %mul3A_310 = arith.mulf %sub3A_308, %sub3A_309 : vector<1x300xf32>
    %sub3A_311 = arith.subf %slice3A_266, %slice3A_264 : vector<50x1xf32>
    %sub3A_312 = arith.subf %slice3A_267, %slice3A_265 : vector<50x1xf32>
    %mul3A_313 = arith.mulf %sub3A_311, %sub3A_312 : vector<50x1xf32>
    %add3A_314 = vector.broadcast %mul3A_310 : vector<1x300xf32> to vector<50x300xf32>
    %add3A_315 = vector.broadcast %mul3A_313 : vector<50x1xf32> to vector<50x300xf32>
    %add3A_316 = arith.addf %add3A_314, %add3A_315 : vector<50x300xf32>
    %sub3A_317 = arith.subf %add3A_316, %mul3A_307 : vector<50x300xf32>
    %add3A_318 = arith.constant 1.000000e-07 : f32
    %add3A_319 = vector.broadcast %add3A_318 : f32 to vector<50x300xf32>
    %add3A_320 = arith.addf %sub3A_317, %add3A_319 : vector<50x300xf32>
    %div3A_321 = arith.divf %mul3A_307, %add3A_320 : vector<50x300xf32>
    %min3A_322 = vector.broadcast %slice3A_260 : vector<1x300xf32> to vector<50x300xf32>
    %min3A_323 = vector.broadcast %slice3A_264 : vector<50x1xf32> to vector<50x300xf32>
    %min3A_324 = arith.minimumf %min3A_322, %min3A_323 : vector<50x300xf32>
    %min3A_325 = vector.broadcast %slice3A_261 : vector<1x300xf32> to vector<50x300xf32>
    %min3A_326 = vector.broadcast %slice3A_265 : vector<50x1xf32> to vector<50x300xf32>
    %min3A_327 = arith.minimumf %min3A_325, %min3A_326 : vector<50x300xf32>
    %max3A_328 = vector.broadcast %slice3A_262 : vector<1x300xf32> to vector<50x300xf32>
    %max3A_329 = vector.broadcast %slice3A_266 : vector<50x1xf32> to vector<50x300xf32>
    %max3A_330 = arith.maximumf %max3A_328, %max3A_329 : vector<50x300xf32>
    %max3A_331 = vector.broadcast %slice3A_263 : vector<1x300xf32> to vector<50x300xf32>
    %max3A_332 = vector.broadcast %slice3A_267 : vector<50x1xf32> to vector<50x300xf32>
    %max3A_333 = arith.maximumf %max3A_331, %max3A_332 : vector<50x300xf32>
    %sub3A_334 = arith.subf %max3A_330, %min3A_324 : vector<50x300xf32>
    %sub3A_335 = arith.subf %max3A_333, %min3A_327 : vector<50x300xf32>
    %mul3A_336 = arith.mulf %sub3A_334, %sub3A_335 : vector<50x300xf32>
    %sub3A_337 = arith.subf %mul3A_336, %sub3A_317 : vector<50x300xf32>
    %add3A_338 = arith.constant 1.000000e-07 : f32
    %add3A_339 = vector.broadcast %add3A_338 : f32 to vector<50x300xf32>
    %add3A_340 = arith.addf %mul3A_336, %add3A_339 : vector<50x300xf32>
    %div3A_341 = arith.divf %sub3A_337, %add3A_340 : vector<50x300xf32>
    %sub3A_342 = arith.subf %div3A_321, %div3A_341 : vector<50x300xf32>
    %mul3A_343 = arith.constant -1.000000e+00 : f32
    %mul3A_344 = vector.broadcast %mul3A_343 : f32 to vector<50x300xf32>
    %mul3A_345 = arith.mulf %mul3A_344, %exp3A_259 : vector<50x300xf32>
    %mul3A_346 = arith.constant 5.000000e+00 : f32
    %mul3A_347 = vector.broadcast %mul3A_346 : f32 to vector<50x300xf32>
    %mul3A_348 = arith.mulf %mul3A_347, %add3A_286 : vector<50x300xf32>
    %add3A_349 = arith.addf %mul3A_345, %mul3A_348 : vector<50x300xf32>
    %mul3A_350 = arith.constant 2.000000e+00 : f32
    %mul3A_351 = vector.broadcast %mul3A_350 : f32 to vector<50x300xf32>
    %mul3A_352 = arith.mulf %mul3A_351, %sub3A_342 : vector<50x300xf32>
    %sub3A_353 = arith.subf %add3A_349, %mul3A_352 : vector<50x300xf32>
    %eq3A_354 = arith.constant 0 : i32
    %eq3A_355 = vector.broadcast %eq3A_354 : i32 to vector<50x1xi32>
    %eq3A_356 = arith.cmpi eq, %get3A_236, %eq3A_355 : vector<50x1xi32>
    %jit3A_357 = arith.constant 1.000000e-01 : f32
    %jit3A_358 = arith.constant 1.000000e+00 : f32
    %broadcast_in_dim3A_359 = vector.broadcast %jit3A_357 : f32 to vector<50x1xf32>
    %broadcast_in_dim3A_360 = vector.broadcast %jit3A_358 : f32 to vector<50x1xf32>
    %select_n3A_361 = arith.select %eq3A_356, %broadcast_in_dim3A_359, %broadcast_in_dim3A_360 : vector<50x1xi1>, vector<50x1xf32>
    %ne3A_362 = arith.constant 0 : i32
    %ne3A_363 = vector.broadcast %ne3A_362 : i32 to vector<50x1xi32>
    %ne3A_364 = arith.cmpi ne, %get3A_236, %ne3A_363 : vector<50x1xi32>
    %convert_element_type3A_365 = arith.extui %ne3A_364 : vector<50x1xi1> to vector<50x1xi32>
    %convert_element_type3A_366 = arith.sitofp %convert_element_type3A_365 : vector<50x1xi32> to vector<50x1xf32>
    %neg3A_367 = arith.constant 0.000000e+00 : f32
    %neg3A_368 = vector.broadcast %neg3A_367 : f32 to vector<50x300xf32>
    %neg3A_369 = arith.subf %neg3A_368, %sub3A_258 : vector<50x300xf32>
    %mul3A_370 = vector.broadcast %select_n3A_361 : vector<50x1xf32> to vector<50x300xf32>
    %mul3A_371 = arith.mulf %mul3A_370, %neg3A_369 : vector<50x300xf32>
    %mul3A_372 = arith.constant 1.000000e-01 : f32
    %mul3A_373 = vector.broadcast %mul3A_372 : f32 to vector<1x300xf32>
    %mul3A_374 = arith.mulf %mul3A_373, %sub3A_250 : vector<1x300xf32>
    %add3A_375 = vector.broadcast %mul3A_374 : vector<1x300xf32> to vector<50x300xf32>
    %add3A_376 = arith.addf %mul3A_371, %add3A_375 : vector<50x300xf32>
    %mul3A_377 = arith.constant 1.000000e+00 : f32
    %mul3A_378 = vector.broadcast %mul3A_377 : f32 to vector<50x300xf32>
    %mul3A_379 = arith.mulf %mul3A_378, %add3A_376 : vector<50x300xf32>
    %div3A_380 = vector.broadcast %add3A_10 : f32 to vector<50x300xf32>
    %div3A_381 = arith.divf %mul3A_379, %div3A_380 : vector<50x300xf32>
    %mul3A_382 = arith.constant 5.000000e+00 : f32
    %mul3A_383 = vector.broadcast %mul3A_382 : f32 to vector<50x300xf32>
    %mul3A_384 = arith.mulf %mul3A_383, %add3A_286 : vector<50x300xf32>
    %sub3A_385 = arith.constant 1.000000e+00 : f32
    %sub3A_386 = vector.broadcast %sub3A_385 : f32 to vector<50x300xf32>
    %sub3A_387 = arith.subf %sub3A_386, %sub3A_342 : vector<50x300xf32>
    %mul3A_388 = arith.constant 2.000000e+00 : f32
    %mul3A_389 = vector.broadcast %mul3A_388 : f32 to vector<50x300xf32>
    %mul3A_390 = arith.mulf %mul3A_389, %sub3A_387 : vector<50x300xf32>
    %add3A_391 = arith.addf %mul3A_384, %mul3A_390 : vector<50x300xf32>
    %mul3A_392 = vector.broadcast %convert_element_type3A_366 : vector<50x1xf32> to vector<50x300xf32>
    %mul3A_393 = arith.mulf %mul3A_392, %add3A_391 : vector<50x300xf32>
    %div3A_394 = vector.broadcast %max3A_11 : f32 to vector<50x300xf32>
    %div3A_395 = arith.divf %mul3A_393, %div3A_394 : vector<50x300xf32>
    %add3A_396 = arith.addf %div3A_381, %div3A_395 : vector<50x300xf32>
    %reduce_sum3A_397 = vector.shape_cast %sub3A_250 : vector<1x300xf32> to vector<1x1x300xf32>
    %reduce_sum3A_398 = arith.constant dense<0.000000e+00> : vector<1xf32>
    %reduce_sum3A_399 = vector.multi_reduction <add>, %reduce_sum3A_397, %reduce_sum3A_398 [1, 2] : vector<1x1x300xf32> to vector<1xf32>
    %reduce_sum3A_400 = vector.shape_cast %reduce_sum3A_399 : vector<1xf32> to vector<1x1x1xf32>
    %reduce_sum3A_401 = vector.extract %reduce_sum3A_400[0, 0, 0] : f32 from vector<1x1x1xf32>
    %neg3A_402 = arith.constant 0.000000e+00 : f32
    %neg3A_403 = arith.subf %neg3A_402, %reduce_sum3A_401 : f32
    %mul3A_404 = arith.constant 1.000000e-01 : f32
    %mul3A_405 = arith.mulf %mul3A_404, %neg3A_403 : f32
    %div3A_406 = arith.divf %mul3A_405, %add3A_10 : f32
    %jit3A_407 = arith.constant 0.000000e+00 : f32
    %broadcast_in_dim3A_408 = vector.broadcast %div3A_406 : f32 to vector<50x300xf32>
    %broadcast_in_dim3A_409 = vector.broadcast %jit3A_407 : f32 to vector<50x300xf32>
    %select_n3A_410 = arith.select %eq3A_14, %broadcast_in_dim3A_408, %broadcast_in_dim3A_409 : vector<50x300xi1>, vector<50x300xf32>
    %add3A_411 = arith.addf %add3A_396, %select_n3A_410 : vector<50x300xf32>
    %swap3A_412 = arith.constant 1 : index
    %swap3A_413 = arith.constant 0 : index
    %swap3A_414 = arith.constant 0 : index
    %swap3A_415 = vector.load %arg6[%swap3A_412, %swap3A_413, %swap3A_414] : memref<8x56x384xf32, #tpu.memory_space<vmem>>, vector<1x50x300xf32>
    %swap3A_416 = vector.shape_cast %swap3A_415 : vector<1x50x300xf32> to vector<50x300xf32>
    %swap3A_417 = vector.shape_cast %sub3A_353 : vector<50x300xf32> to vector<1x50x300xf32>
    tpu.vector_store %arg6[%swap3A_412, %swap3A_413, %swap3A_414], %swap3A_417 {strides = array<i32>} : memref<8x56x384xf32, #tpu.memory_space<vmem>>, vector<1x50x300xf32>,
    %swap3A_418 = arith.constant 1 : index
    %swap3A_419 = arith.constant 0 : index
    %swap3A_420 = arith.constant 300 : index
    %swap3A_421 = vector.load %arg6[%swap3A_418, %swap3A_419, %swap3A_420] : memref<8x56x384xf32, #tpu.memory_space<vmem>>, vector<1x50x84xf32>
    %swap3A_422 = vector.shape_cast %swap3A_421 : vector<1x50x84xf32> to vector<50x84xf32>
    %swap3A_423 = vector.shape_cast %broadcast_in_dim3A_12 : vector<50x84xf32> to vector<1x50x84xf32>
    tpu.vector_store %arg6[%swap3A_418, %swap3A_419, %swap3A_420], %swap3A_423 {strides = array<i32>} : memref<8x56x384xf32, #tpu.memory_space<vmem>>, vector<1x50x84xf32>,
    %swap3A_424 = arith.constant 1 : index
    %swap3A_425 = arith.constant 0 : index
    %swap3A_426 = arith.constant 0 : index
    %swap3A_427 = vector.load %arg7[%swap3A_424, %swap3A_425, %swap3A_426] : memref<8x56x384xf32, #tpu.memory_space<vmem>>, vector<1x50x300xf32>
    %swap3A_428 = vector.shape_cast %swap3A_427 : vector<1x50x300xf32> to vector<50x300xf32>
    %swap3A_429 = vector.shape_cast %add3A_411 : vector<50x300xf32> to vector<1x50x300xf32>
    tpu.vector_store %arg7[%swap3A_424, %swap3A_425, %swap3A_426], %swap3A_429 {strides = array<i32>} : memref<8x56x384xf32, #tpu.memory_space<vmem>>, vector<1x50x300xf32>,
    %get3A_430 = arith.constant 2 : index
    %get3A_431 = arith.constant 0 : index
    %get3A_432 = arith.constant 0 : index
    %get3A_433 = vector.load %arg1[%get3A_430, %get3A_431, %get3A_432] : memref<8x300x92xf32, #tpu.memory_space<vmem>>, vector<1x300x92xf32>
    %get3A_434 = vector.shape_cast %get3A_433 : vector<1x300x92xf32> to vector<300x92xf32>
    %get3A_435 = arith.constant 2 : index
    %get3A_436 = arith.constant 0 : index
    %get3A_437 = arith.constant 0 : index
    %get3A_438 = vector.load %arg2[%get3A_435, %get3A_436, %get3A_437] : memref<8x300x4xf32, #tpu.memory_space<vmem>>, vector<1x300x4xf32>
    %get3A_439 = vector.shape_cast %get3A_438 : vector<1x300x4xf32> to vector<300x4xf32>
    %transpose3A_440 = tpu.transpose %get3A_439, [1, 0] : vector<300x4xf32> -> vector<4x300xf32>
    %get3A_441 = arith.constant 2 : index
    %get3A_442 = arith.constant 0 : index
    %get3A_443 = arith.constant 0 : index
    %get3A_444 = vector.load %arg3[%get3A_441, %get3A_442, %get3A_443] : memref<8x50x4xf32, #tpu.memory_space<vmem>>, vector<1x50x4xf32>
    %get3A_445 = vector.shape_cast %get3A_444 : vector<1x50x4xf32> to vector<50x4xf32>
    %get3A_446 = arith.constant 2 : index
    %get3A_447 = arith.constant 0 : index
    %get3A_448 = arith.constant 0 : index
    %get3A_449 = vector.load %arg4[%get3A_446, %get3A_447, %get3A_448] : memref<8x50x1xi32, #tpu.memory_space<vmem>>, vector<1x50x1xi32>
    %get3A_450 = vector.shape_cast %get3A_449 : vector<1x50x1xi32> to vector<50x1xi32>
    %transpose3A_451 = tpu.transpose %get3A_434, [1, 0] : vector<300x92xf32> -> vector<92x300xf32>
    %reduce_max3A_452 = arith.constant dense<0xFF800000> : vector<300xf32>
    %reduce_max3A_453 = vector.multi_reduction <maximumf>, %transpose3A_451, %reduce_max3A_452 [0] : vector<92x300xf32> to vector<300xf32>
    %broadcast_in_dim3A_454 = vector.shape_cast %reduce_max3A_453 : vector<300xf32> to vector<1x300xf32>
    %sub3A_455 = vector.broadcast %broadcast_in_dim3A_454 : vector<1x300xf32> to vector<92x300xf32>
    %sub3A_456 = arith.subf %transpose3A_451, %sub3A_455 : vector<92x300xf32>
    %exp3A_457 = math.exp %sub3A_456 : vector<92x300xf32>
    %reduce_sum3A_458 = arith.constant dense<0.000000e+00> : vector<300xf32>
    %reduce_sum3A_459 = vector.multi_reduction <add>, %exp3A_457, %reduce_sum3A_458 [0] : vector<92x300xf32> to vector<300xf32>
    %broadcast_in_dim3A_460 = vector.shape_cast %reduce_sum3A_459 : vector<300xf32> to vector<1x300xf32>
    %log3A_461 = math.log %broadcast_in_dim3A_460 : vector<1x300xf32>
    %add3A_462 = arith.addf %log3A_461, %broadcast_in_dim3A_454 : vector<1x300xf32>
    %slice3A_463 = vector.extract_strided_slice %transpose3A_451 {offsets = [0, 0], sizes = [1, 300], strides = [1, 1]} : vector<92x300xf32> to vector<1x300xf32>
    %sub3A_464 = arith.subf %slice3A_463, %add3A_462 : vector<1x300xf32>
    %eq3A_465 = vector.broadcast %get3A_450 : vector<50x1xi32> to vector<50x92xi32>
    %eq3A_466 = arith.cmpi eq, %iota3A_15, %eq3A_465 : vector<50x92xi32>
    %convert_element_type3A_467 = arith.extui %eq3A_466 : vector<50x92xi1> to vector<50x92xi32>
    %convert_element_type3A_468 = arith.sitofp %convert_element_type3A_467 : vector<50x92xi32> to vector<50x92xf32>
    %dot_general3A_469 = arith.constant dense<0.000000e+00> : vector<50x300xf32>
    %dot_general3A_470 = tpu.matmul %convert_element_type3A_468, %transpose3A_451, %dot_general3A_469 {dimension_numbers = #tpu.dot_dimension_numbers<[1], [0], [0], [1], [0, 0, 1, 1], [], []>, transpose_lhs_hint = false} : vector<50x92xf32>, vector<92x300xf32>, vector<50x300xf32> -> vector<50x300xf32>
    %sub3A_471 = vector.broadcast %add3A_462 : vector<1x300xf32> to vector<50x300xf32>
    %sub3A_472 = arith.subf %dot_general3A_470, %sub3A_471 : vector<50x300xf32>
    %exp3A_473 = math.exp %sub3A_472 : vector<50x300xf32>
    %slice3A_474 = vector.extract_strided_slice %transpose3A_440 {offsets = [0, 0], sizes = [1, 300], strides = [1, 1]} : vector<4x300xf32> to vector<1x300xf32>
    %slice3A_475 = vector.extract_strided_slice %transpose3A_440 {offsets = [1, 0], sizes = [1, 300], strides = [1, 1]} : vector<4x300xf32> to vector<1x300xf32>
    %slice3A_476 = vector.extract_strided_slice %transpose3A_440 {offsets = [2, 0], sizes = [1, 300], strides = [1, 1]} : vector<4x300xf32> to vector<1x300xf32>
    %slice3A_477 = vector.extract_strided_slice %transpose3A_440 {offsets = [3, 0], sizes = [1, 300], strides = [1, 1]} : vector<4x300xf32> to vector<1x300xf32>
    %slice3A_478 = vector.extract_strided_slice %get3A_445 {offsets = [0, 0], sizes = [50, 1], strides = [1, 1]} : vector<50x4xf32> to vector<50x1xf32>
    %slice3A_479 = vector.extract_strided_slice %get3A_445 {offsets = [0, 1], sizes = [50, 1], strides = [1, 1]} : vector<50x4xf32> to vector<50x1xf32>
    %slice3A_480 = vector.extract_strided_slice %get3A_445 {offsets = [0, 2], sizes = [50, 1], strides = [1, 1]} : vector<50x4xf32> to vector<50x1xf32>
    %slice3A_481 = vector.extract_strided_slice %get3A_445 {offsets = [0, 3], sizes = [50, 1], strides = [1, 1]} : vector<50x4xf32> to vector<50x1xf32>
    %sub3A_482 = vector.broadcast %slice3A_474 : vector<1x300xf32> to vector<50x300xf32>
    %sub3A_483 = vector.broadcast %slice3A_478 : vector<50x1xf32> to vector<50x300xf32>
    %sub3A_484 = arith.subf %sub3A_482, %sub3A_483 : vector<50x300xf32>
    %abs3A_485 = math.absf %sub3A_484 : vector<50x300xf32>
    %sub3A_486 = vector.broadcast %slice3A_475 : vector<1x300xf32> to vector<50x300xf32>
    %sub3A_487 = vector.broadcast %slice3A_479 : vector<50x1xf32> to vector<50x300xf32>
    %sub3A_488 = arith.subf %sub3A_486, %sub3A_487 : vector<50x300xf32>
    %abs3A_489 = math.absf %sub3A_488 : vector<50x300xf32>
    %add3A_490 = arith.addf %abs3A_485, %abs3A_489 : vector<50x300xf32>
    %sub3A_491 = vector.broadcast %slice3A_476 : vector<1x300xf32> to vector<50x300xf32>
    %sub3A_492 = vector.broadcast %slice3A_480 : vector<50x1xf32> to vector<50x300xf32>
    %sub3A_493 = arith.subf %sub3A_491, %sub3A_492 : vector<50x300xf32>
    %abs3A_494 = math.absf %sub3A_493 : vector<50x300xf32>
    %add3A_495 = arith.addf %add3A_490, %abs3A_494 : vector<50x300xf32>
    %sub3A_496 = vector.broadcast %slice3A_477 : vector<1x300xf32> to vector<50x300xf32>
    %sub3A_497 = vector.broadcast %slice3A_481 : vector<50x1xf32> to vector<50x300xf32>
    %sub3A_498 = arith.subf %sub3A_496, %sub3A_497 : vector<50x300xf32>
    %abs3A_499 = math.absf %sub3A_498 : vector<50x300xf32>
    %add3A_500 = arith.addf %add3A_495, %abs3A_499 : vector<50x300xf32>
    %max3A_501 = vector.broadcast %slice3A_474 : vector<1x300xf32> to vector<50x300xf32>
    %max3A_502 = vector.broadcast %slice3A_478 : vector<50x1xf32> to vector<50x300xf32>
    %max3A_503 = arith.maximumf %max3A_501, %max3A_502 : vector<50x300xf32>
    %max3A_504 = vector.broadcast %slice3A_475 : vector<1x300xf32> to vector<50x300xf32>
    %max3A_505 = vector.broadcast %slice3A_479 : vector<50x1xf32> to vector<50x300xf32>
    %max3A_506 = arith.maximumf %max3A_504, %max3A_505 : vector<50x300xf32>
    %min3A_507 = vector.broadcast %slice3A_476 : vector<1x300xf32> to vector<50x300xf32>
    %min3A_508 = vector.broadcast %slice3A_480 : vector<50x1xf32> to vector<50x300xf32>
    %min3A_509 = arith.minimumf %min3A_507, %min3A_508 : vector<50x300xf32>
    %min3A_510 = vector.broadcast %slice3A_477 : vector<1x300xf32> to vector<50x300xf32>
    %min3A_511 = vector.broadcast %slice3A_481 : vector<50x1xf32> to vector<50x300xf32>
    %min3A_512 = arith.minimumf %min3A_510, %min3A_511 : vector<50x300xf32>
    %sub3A_513 = arith.subf %min3A_509, %max3A_503 : vector<50x300xf32>
    %max3A_514 = arith.constant 0.000000e+00 : f32
    %max3A_515 = vector.broadcast %max3A_514 : f32 to vector<50x300xf32>
    %max3A_516 = arith.maximumf %sub3A_513, %max3A_515 : vector<50x300xf32>
    %sub3A_517 = arith.subf %min3A_512, %max3A_506 : vector<50x300xf32>
    %max3A_518 = arith.constant 0.000000e+00 : f32
    %max3A_519 = vector.broadcast %max3A_518 : f32 to vector<50x300xf32>
    %max3A_520 = arith.maximumf %sub3A_517, %max3A_519 : vector<50x300xf32>
    %mul3A_521 = arith.mulf %max3A_516, %max3A_520 : vector<50x300xf32>
    %sub3A_522 = arith.subf %slice3A_476, %slice3A_474 : vector<1x300xf32>
    %sub3A_523 = arith.subf %slice3A_477, %slice3A_475 : vector<1x300xf32>
    %mul3A_524 = arith.mulf %sub3A_522, %sub3A_523 : vector<1x300xf32>
    %sub3A_525 = arith.subf %slice3A_480, %slice3A_478 : vector<50x1xf32>
    %sub3A_526 = arith.subf %slice3A_481, %slice3A_479 : vector<50x1xf32>
    %mul3A_527 = arith.mulf %sub3A_525, %sub3A_526 : vector<50x1xf32>
    %add3A_528 = vector.broadcast %mul3A_524 : vector<1x300xf32> to vector<50x300xf32>
    %add3A_529 = vector.broadcast %mul3A_527 : vector<50x1xf32> to vector<50x300xf32>
    %add3A_530 = arith.addf %add3A_528, %add3A_529 : vector<50x300xf32>
    %sub3A_531 = arith.subf %add3A_530, %mul3A_521 : vector<50x300xf32>
    %add3A_532 = arith.constant 1.000000e-07 : f32
    %add3A_533 = vector.broadcast %add3A_532 : f32 to vector<50x300xf32>
    %add3A_534 = arith.addf %sub3A_531, %add3A_533 : vector<50x300xf32>
    %div3A_535 = arith.divf %mul3A_521, %add3A_534 : vector<50x300xf32>
    %min3A_536 = vector.broadcast %slice3A_474 : vector<1x300xf32> to vector<50x300xf32>
    %min3A_537 = vector.broadcast %slice3A_478 : vector<50x1xf32> to vector<50x300xf32>
    %min3A_538 = arith.minimumf %min3A_536, %min3A_537 : vector<50x300xf32>
    %min3A_539 = vector.broadcast %slice3A_475 : vector<1x300xf32> to vector<50x300xf32>
    %min3A_540 = vector.broadcast %slice3A_479 : vector<50x1xf32> to vector<50x300xf32>
    %min3A_541 = arith.minimumf %min3A_539, %min3A_540 : vector<50x300xf32>
    %max3A_542 = vector.broadcast %slice3A_476 : vector<1x300xf32> to vector<50x300xf32>
    %max3A_543 = vector.broadcast %slice3A_480 : vector<50x1xf32> to vector<50x300xf32>
    %max3A_544 = arith.maximumf %max3A_542, %max3A_543 : vector<50x300xf32>
    %max3A_545 = vector.broadcast %slice3A_477 : vector<1x300xf32> to vector<50x300xf32>
    %max3A_546 = vector.broadcast %slice3A_481 : vector<50x1xf32> to vector<50x300xf32>
    %max3A_547 = arith.maximumf %max3A_545, %max3A_546 : vector<50x300xf32>
    %sub3A_548 = arith.subf %max3A_544, %min3A_538 : vector<50x300xf32>
    %sub3A_549 = arith.subf %max3A_547, %min3A_541 : vector<50x300xf32>
    %mul3A_550 = arith.mulf %sub3A_548, %sub3A_549 : vector<50x300xf32>
    %sub3A_551 = arith.subf %mul3A_550, %sub3A_531 : vector<50x300xf32>
    %add3A_552 = arith.constant 1.000000e-07 : f32
    %add3A_553 = vector.broadcast %add3A_552 : f32 to vector<50x300xf32>
    %add3A_554 = arith.addf %mul3A_550, %add3A_553 : vector<50x300xf32>
    %div3A_555 = arith.divf %sub3A_551, %add3A_554 : vector<50x300xf32>
    %sub3A_556 = arith.subf %div3A_535, %div3A_555 : vector<50x300xf32>
    %mul3A_557 = arith.constant -1.000000e+00 : f32
    %mul3A_558 = vector.broadcast %mul3A_557 : f32 to vector<50x300xf32>
    %mul3A_559 = arith.mulf %mul3A_558, %exp3A_473 : vector<50x300xf32>
    %mul3A_560 = arith.constant 5.000000e+00 : f32
    %mul3A_561 = vector.broadcast %mul3A_560 : f32 to vector<50x300xf32>
    %mul3A_562 = arith.mulf %mul3A_561, %add3A_500 : vector<50x300xf32>
    %add3A_563 = arith.addf %mul3A_559, %mul3A_562 : vector<50x300xf32>
    %mul3A_564 = arith.constant 2.000000e+00 : f32
    %mul3A_565 = vector.broadcast %mul3A_564 : f32 to vector<50x300xf32>
    %mul3A_566 = arith.mulf %mul3A_565, %sub3A_556 : vector<50x300xf32>
    %sub3A_567 = arith.subf %add3A_563, %mul3A_566 : vector<50x300xf32>
    %eq3A_568 = arith.constant 0 : i32
    %eq3A_569 = vector.broadcast %eq3A_568 : i32 to vector<50x1xi32>
    %eq3A_570 = arith.cmpi eq, %get3A_450, %eq3A_569 : vector<50x1xi32>
    %jit3A_571 = arith.constant 1.000000e-01 : f32
    %jit3A_572 = arith.constant 1.000000e+00 : f32
    %broadcast_in_dim3A_573 = vector.broadcast %jit3A_571 : f32 to vector<50x1xf32>
    %broadcast_in_dim3A_574 = vector.broadcast %jit3A_572 : f32 to vector<50x1xf32>
    %select_n3A_575 = arith.select %eq3A_570, %broadcast_in_dim3A_573, %broadcast_in_dim3A_574 : vector<50x1xi1>, vector<50x1xf32>
    %ne3A_576 = arith.constant 0 : i32
    %ne3A_577 = vector.broadcast %ne3A_576 : i32 to vector<50x1xi32>
    %ne3A_578 = arith.cmpi ne, %get3A_450, %ne3A_577 : vector<50x1xi32>
    %convert_element_type3A_579 = arith.extui %ne3A_578 : vector<50x1xi1> to vector<50x1xi32>
    %convert_element_type3A_580 = arith.sitofp %convert_element_type3A_579 : vector<50x1xi32> to vector<50x1xf32>
    %neg3A_581 = arith.constant 0.000000e+00 : f32
    %neg3A_582 = vector.broadcast %neg3A_581 : f32 to vector<50x300xf32>
    %neg3A_583 = arith.subf %neg3A_582, %sub3A_472 : vector<50x300xf32>
    %mul3A_584 = vector.broadcast %select_n3A_575 : vector<50x1xf32> to vector<50x300xf32>
    %mul3A_585 = arith.mulf %mul3A_584, %neg3A_583 : vector<50x300xf32>
    %mul3A_586 = arith.constant 1.000000e-01 : f32
    %mul3A_587 = vector.broadcast %mul3A_586 : f32 to vector<1x300xf32>
    %mul3A_588 = arith.mulf %mul3A_587, %sub3A_464 : vector<1x300xf32>
    %add3A_589 = vector.broadcast %mul3A_588 : vector<1x300xf32> to vector<50x300xf32>
    %add3A_590 = arith.addf %mul3A_585, %add3A_589 : vector<50x300xf32>
    %mul3A_591 = arith.constant 1.000000e+00 : f32
    %mul3A_592 = vector.broadcast %mul3A_591 : f32 to vector<50x300xf32>
    %mul3A_593 = arith.mulf %mul3A_592, %add3A_590 : vector<50x300xf32>
    %div3A_594 = vector.broadcast %add3A_10 : f32 to vector<50x300xf32>
    %div3A_595 = arith.divf %mul3A_593, %div3A_594 : vector<50x300xf32>
    %mul3A_596 = arith.constant 5.000000e+00 : f32
    %mul3A_597 = vector.broadcast %mul3A_596 : f32 to vector<50x300xf32>
    %mul3A_598 = arith.mulf %mul3A_597, %add3A_500 : vector<50x300xf32>
    %sub3A_599 = arith.constant 1.000000e+00 : f32
    %sub3A_600 = vector.broadcast %sub3A_599 : f32 to vector<50x300xf32>
    %sub3A_601 = arith.subf %sub3A_600, %sub3A_556 : vector<50x300xf32>
    %mul3A_602 = arith.constant 2.000000e+00 : f32
    %mul3A_603 = vector.broadcast %mul3A_602 : f32 to vector<50x300xf32>
    %mul3A_604 = arith.mulf %mul3A_603, %sub3A_601 : vector<50x300xf32>
    %add3A_605 = arith.addf %mul3A_598, %mul3A_604 : vector<50x300xf32>
    %mul3A_606 = vector.broadcast %convert_element_type3A_580 : vector<50x1xf32> to vector<50x300xf32>
    %mul3A_607 = arith.mulf %mul3A_606, %add3A_605 : vector<50x300xf32>
    %div3A_608 = vector.broadcast %max3A_11 : f32 to vector<50x300xf32>
    %div3A_609 = arith.divf %mul3A_607, %div3A_608 : vector<50x300xf32>
    %add3A_610 = arith.addf %div3A_595, %div3A_609 : vector<50x300xf32>
    %reduce_sum3A_611 = vector.shape_cast %sub3A_464 : vector<1x300xf32> to vector<1x1x300xf32>
    %reduce_sum3A_612 = arith.constant dense<0.000000e+00> : vector<1xf32>
    %reduce_sum3A_613 = vector.multi_reduction <add>, %reduce_sum3A_611, %reduce_sum3A_612 [1, 2] : vector<1x1x300xf32> to vector<1xf32>
    %reduce_sum3A_614 = vector.shape_cast %reduce_sum3A_613 : vector<1xf32> to vector<1x1x1xf32>
    %reduce_sum3A_615 = vector.extract %reduce_sum3A_614[0, 0, 0] : f32 from vector<1x1x1xf32>
    %neg3A_616 = arith.constant 0.000000e+00 : f32
    %neg3A_617 = arith.subf %neg3A_616, %reduce_sum3A_615 : f32
    %mul3A_618 = arith.constant 1.000000e-01 : f32
    %mul3A_619 = arith.mulf %mul3A_618, %neg3A_617 : f32
    %div3A_620 = arith.divf %mul3A_619, %add3A_10 : f32
    %jit3A_621 = arith.constant 0.000000e+00 : f32
    %broadcast_in_dim3A_622 = vector.broadcast %div3A_620 : f32 to vector<50x300xf32>
    %broadcast_in_dim3A_623 = vector.broadcast %jit3A_621 : f32 to vector<50x300xf32>
    %select_n3A_624 = arith.select %eq3A_14, %broadcast_in_dim3A_622, %broadcast_in_dim3A_623 : vector<50x300xi1>, vector<50x300xf32>
    %add3A_625 = arith.addf %add3A_610, %select_n3A_624 : vector<50x300xf32>
    %swap3A_626 = arith.constant 2 : index
    %swap3A_627 = arith.constant 0 : index
    %swap3A_628 = arith.constant 0 : index
    %swap3A_629 = vector.load %arg6[%swap3A_626, %swap3A_627, %swap3A_628] : memref<8x56x384xf32, #tpu.memory_space<vmem>>, vector<1x50x300xf32>
    %swap3A_630 = vector.shape_cast %swap3A_629 : vector<1x50x300xf32> to vector<50x300xf32>
    %swap3A_631 = vector.shape_cast %sub3A_567 : vector<50x300xf32> to vector<1x50x300xf32>
    tpu.vector_store %arg6[%swap3A_626, %swap3A_627, %swap3A_628], %swap3A_631 {strides = array<i32>} : memref<8x56x384xf32, #tpu.memory_space<vmem>>, vector<1x50x300xf32>,
    %swap3A_632 = arith.constant 2 : index
    %swap3A_633 = arith.constant 0 : index
    %swap3A_634 = arith.constant 300 : index
    %swap3A_635 = vector.load %arg6[%swap3A_632, %swap3A_633, %swap3A_634] : memref<8x56x384xf32, #tpu.memory_space<vmem>>, vector<1x50x84xf32>
    %swap3A_636 = vector.shape_cast %swap3A_635 : vector<1x50x84xf32> to vector<50x84xf32>
    %swap3A_637 = vector.shape_cast %broadcast_in_dim3A_12 : vector<50x84xf32> to vector<1x50x84xf32>
    tpu.vector_store %arg6[%swap3A_632, %swap3A_633, %swap3A_634], %swap3A_637 {strides = array<i32>} : memref<8x56x384xf32, #tpu.memory_space<vmem>>, vector<1x50x84xf32>,
    %swap3A_638 = arith.constant 2 : index
    %swap3A_639 = arith.constant 0 : index
    %swap3A_640 = arith.constant 0 : index
    %swap3A_641 = vector.load %arg7[%swap3A_638, %swap3A_639, %swap3A_640] : memref<8x56x384xf32, #tpu.memory_space<vmem>>, vector<1x50x300xf32>
    %swap3A_642 = vector.shape_cast %swap3A_641 : vector<1x50x300xf32> to vector<50x300xf32>
    %swap3A_643 = vector.shape_cast %add3A_625 : vector<50x300xf32> to vector<1x50x300xf32>
    tpu.vector_store %arg7[%swap3A_638, %swap3A_639, %swap3A_640], %swap3A_643 {strides = array<i32>} : memref<8x56x384xf32, #tpu.memory_space<vmem>>, vector<1x50x300xf32>,
    %get3A_644 = arith.constant 3 : index
    %get3A_645 = arith.constant 0 : index
    %get3A_646 = arith.constant 0 : index
    %get3A_647 = vector.load %arg1[%get3A_644, %get3A_645, %get3A_646] : memref<8x300x92xf32, #tpu.memory_space<vmem>>, vector<1x300x92xf32>
    %get3A_648 = vector.shape_cast %get3A_647 : vector<1x300x92xf32> to vector<300x92xf32>
    %get3A_649 = arith.constant 3 : index
    %get3A_650 = arith.constant 0 : index
    %get3A_651 = arith.constant 0 : index
    %get3A_652 = vector.load %arg2[%get3A_649, %get3A_650, %get3A_651] : memref<8x300x4xf32, #tpu.memory_space<vmem>>, vector<1x300x4xf32>
    %get3A_653 = vector.shape_cast %get3A_652 : vector<1x300x4xf32> to vector<300x4xf32>
    %transpose3A_654 = tpu.transpose %get3A_653, [1, 0] : vector<300x4xf32> -> vector<4x300xf32>
    %get3A_655 = arith.constant 3 : index
    %get3A_656 = arith.constant 0 : index
    %get3A_657 = arith.constant 0 : index
    %get3A_658 = vector.load %arg3[%get3A_655, %get3A_656, %get3A_657] : memref<8x50x4xf32, #tpu.memory_space<vmem>>, vector<1x50x4xf32>
    %get3A_659 = vector.shape_cast %get3A_658 : vector<1x50x4xf32> to vector<50x4xf32>
    %get3A_660 = arith.constant 3 : index
    %get3A_661 = arith.constant 0 : index
    %get3A_662 = arith.constant 0 : index
    %get3A_663 = vector.load %arg4[%get3A_660, %get3A_661, %get3A_662] : memref<8x50x1xi32, #tpu.memory_space<vmem>>, vector<1x50x1xi32>
    %get3A_664 = vector.shape_cast %get3A_663 : vector<1x50x1xi32> to vector<50x1xi32>
    %transpose3A_665 = tpu.transpose %get3A_648, [1, 0] : vector<300x92xf32> -> vector<92x300xf32>
    %reduce_max3A_666 = arith.constant dense<0xFF800000> : vector<300xf32>
    %reduce_max3A_667 = vector.multi_reduction <maximumf>, %transpose3A_665, %reduce_max3A_666 [0] : vector<92x300xf32> to vector<300xf32>
    %broadcast_in_dim3A_668 = vector.shape_cast %reduce_max3A_667 : vector<300xf32> to vector<1x300xf32>
    %sub3A_669 = vector.broadcast %broadcast_in_dim3A_668 : vector<1x300xf32> to vector<92x300xf32>
    %sub3A_670 = arith.subf %transpose3A_665, %sub3A_669 : vector<92x300xf32>
    %exp3A_671 = math.exp %sub3A_670 : vector<92x300xf32>
    %reduce_sum3A_672 = arith.constant dense<0.000000e+00> : vector<300xf32>
    %reduce_sum3A_673 = vector.multi_reduction <add>, %exp3A_671, %reduce_sum3A_672 [0] : vector<92x300xf32> to vector<300xf32>
    %broadcast_in_dim3A_674 = vector.shape_cast %reduce_sum3A_673 : vector<300xf32> to vector<1x300xf32>
    %log3A_675 = math.log %broadcast_in_dim3A_674 : vector<1x300xf32>
    %add3A_676 = arith.addf %log3A_675, %broadcast_in_dim3A_668 : vector<1x300xf32>
    %slice3A_677 = vector.extract_strided_slice %transpose3A_665 {offsets = [0, 0], sizes = [1, 300], strides = [1, 1]} : vector<92x300xf32> to vector<1x300xf32>
    %sub3A_678 = arith.subf %slice3A_677, %add3A_676 : vector<1x300xf32>
    %eq3A_679 = vector.broadcast %get3A_664 : vector<50x1xi32> to vector<50x92xi32>
    %eq3A_680 = arith.cmpi eq, %iota3A_15, %eq3A_679 : vector<50x92xi32>
    %convert_element_type3A_681 = arith.extui %eq3A_680 : vector<50x92xi1> to vector<50x92xi32>
    %convert_element_type3A_682 = arith.sitofp %convert_element_type3A_681 : vector<50x92xi32> to vector<50x92xf32>
    %dot_general3A_683 = arith.constant dense<0.000000e+00> : vector<50x300xf32>
    %dot_general3A_684 = tpu.matmul %convert_element_type3A_682, %transpose3A_665, %dot_general3A_683 {dimension_numbers = #tpu.dot_dimension_numbers<[1], [0], [0], [1], [0, 0, 1, 1], [], []>, transpose_lhs_hint = false} : vector<50x92xf32>, vector<92x300xf32>, vector<50x300xf32> -> vector<50x300xf32>
    %sub3A_685 = vector.broadcast %add3A_676 : vector<1x300xf32> to vector<50x300xf32>
    %sub3A_686 = arith.subf %dot_general3A_684, %sub3A_685 : vector<50x300xf32>
    %exp3A_687 = math.exp %sub3A_686 : vector<50x300xf32>
    %slice3A_688 = vector.extract_strided_slice %transpose3A_654 {offsets = [0, 0], sizes = [1, 300], strides = [1, 1]} : vector<4x300xf32> to vector<1x300xf32>
    %slice3A_689 = vector.extract_strided_slice %transpose3A_654 {offsets = [1, 0], sizes = [1, 300], strides = [1, 1]} : vector<4x300xf32> to vector<1x300xf32>
    %slice3A_690 = vector.extract_strided_slice %transpose3A_654 {offsets = [2, 0], sizes = [1, 300], strides = [1, 1]} : vector<4x300xf32> to vector<1x300xf32>
    %slice3A_691 = vector.extract_strided_slice %transpose3A_654 {offsets = [3, 0], sizes = [1, 300], strides = [1, 1]} : vector<4x300xf32> to vector<1x300xf32>
    %slice3A_692 = vector.extract_strided_slice %get3A_659 {offsets = [0, 0], sizes = [50, 1], strides = [1, 1]} : vector<50x4xf32> to vector<50x1xf32>
    %slice3A_693 = vector.extract_strided_slice %get3A_659 {offsets = [0, 1], sizes = [50, 1], strides = [1, 1]} : vector<50x4xf32> to vector<50x1xf32>
    %slice3A_694 = vector.extract_strided_slice %get3A_659 {offsets = [0, 2], sizes = [50, 1], strides = [1, 1]} : vector<50x4xf32> to vector<50x1xf32>
    %slice3A_695 = vector.extract_strided_slice %get3A_659 {offsets = [0, 3], sizes = [50, 1], strides = [1, 1]} : vector<50x4xf32> to vector<50x1xf32>
    %sub3A_696 = vector.broadcast %slice3A_688 : vector<1x300xf32> to vector<50x300xf32>
    %sub3A_697 = vector.broadcast %slice3A_692 : vector<50x1xf32> to vector<50x300xf32>
    %sub3A_698 = arith.subf %sub3A_696, %sub3A_697 : vector<50x300xf32>
    %abs3A_699 = math.absf %sub3A_698 : vector<50x300xf32>
    %sub3A_700 = vector.broadcast %slice3A_689 : vector<1x300xf32> to vector<50x300xf32>
    %sub3A_701 = vector.broadcast %slice3A_693 : vector<50x1xf32> to vector<50x300xf32>
    %sub3A_702 = arith.subf %sub3A_700, %sub3A_701 : vector<50x300xf32>
    %abs3A_703 = math.absf %sub3A_702 : vector<50x300xf32>
    %add3A_704 = arith.addf %abs3A_699, %abs3A_703 : vector<50x300xf32>
    %sub3A_705 = vector.broadcast %slice3A_690 : vector<1x300xf32> to vector<50x300xf32>
    %sub3A_706 = vector.broadcast %slice3A_694 : vector<50x1xf32> to vector<50x300xf32>
    %sub3A_707 = arith.subf %sub3A_705, %sub3A_706 : vector<50x300xf32>
    %abs3A_708 = math.absf %sub3A_707 : vector<50x300xf32>
    %add3A_709 = arith.addf %add3A_704, %abs3A_708 : vector<50x300xf32>
    %sub3A_710 = vector.broadcast %slice3A_691 : vector<1x300xf32> to vector<50x300xf32>
    %sub3A_711 = vector.broadcast %slice3A_695 : vector<50x1xf32> to vector<50x300xf32>
    %sub3A_712 = arith.subf %sub3A_710, %sub3A_711 : vector<50x300xf32>
    %abs3A_713 = math.absf %sub3A_712 : vector<50x300xf32>
    %add3A_714 = arith.addf %add3A_709, %abs3A_713 : vector<50x300xf32>
    %max3A_715 = vector.broadcast %slice3A_688 : vector<1x300xf32> to vector<50x300xf32>
    %max3A_716 = vector.broadcast %slice3A_692 : vector<50x1xf32> to vector<50x300xf32>
    %max3A_717 = arith.maximumf %max3A_715, %max3A_716 : vector<50x300xf32>
    %max3A_718 = vector.broadcast %slice3A_689 : vector<1x300xf32> to vector<50x300xf32>
    %max3A_719 = vector.broadcast %slice3A_693 : vector<50x1xf32> to vector<50x300xf32>
    %max3A_720 = arith.maximumf %max3A_718, %max3A_719 : vector<50x300xf32>
    %min3A_721 = vector.broadcast %slice3A_690 : vector<1x300xf32> to vector<50x300xf32>
    %min3A_722 = vector.broadcast %slice3A_694 : vector<50x1xf32> to vector<50x300xf32>
    %min3A_723 = arith.minimumf %min3A_721, %min3A_722 : vector<50x300xf32>
    %min3A_724 = vector.broadcast %slice3A_691 : vector<1x300xf32> to vector<50x300xf32>
    %min3A_725 = vector.broadcast %slice3A_695 : vector<50x1xf32> to vector<50x300xf32>
    %min3A_726 = arith.minimumf %min3A_724, %min3A_725 : vector<50x300xf32>
    %sub3A_727 = arith.subf %min3A_723, %max3A_717 : vector<50x300xf32>
    %max3A_728 = arith.constant 0.000000e+00 : f32
    %max3A_729 = vector.broadcast %max3A_728 : f32 to vector<50x300xf32>
    %max3A_730 = arith.maximumf %sub3A_727, %max3A_729 : vector<50x300xf32>
    %sub3A_731 = arith.subf %min3A_726, %max3A_720 : vector<50x300xf32>
    %max3A_732 = arith.constant 0.000000e+00 : f32
    %max3A_733 = vector.broadcast %max3A_732 : f32 to vector<50x300xf32>
    %max3A_734 = arith.maximumf %sub3A_731, %max3A_733 : vector<50x300xf32>
    %mul3A_735 = arith.mulf %max3A_730, %max3A_734 : vector<50x300xf32>
    %sub3A_736 = arith.subf %slice3A_690, %slice3A_688 : vector<1x300xf32>
    %sub3A_737 = arith.subf %slice3A_691, %slice3A_689 : vector<1x300xf32>
    %mul3A_738 = arith.mulf %sub3A_736, %sub3A_737 : vector<1x300xf32>
    %sub3A_739 = arith.subf %slice3A_694, %slice3A_692 : vector<50x1xf32>
    %sub3A_740 = arith.subf %slice3A_695, %slice3A_693 : vector<50x1xf32>
    %mul3A_741 = arith.mulf %sub3A_739, %sub3A_740 : vector<50x1xf32>
    %add3A_742 = vector.broadcast %mul3A_738 : vector<1x300xf32> to vector<50x300xf32>
    %add3A_743 = vector.broadcast %mul3A_741 : vector<50x1xf32> to vector<50x300xf32>
    %add3A_744 = arith.addf %add3A_742, %add3A_743 : vector<50x300xf32>
    %sub3A_745 = arith.subf %add3A_744, %mul3A_735 : vector<50x300xf32>
    %add3A_746 = arith.constant 1.000000e-07 : f32
    %add3A_747 = vector.broadcast %add3A_746 : f32 to vector<50x300xf32>
    %add3A_748 = arith.addf %sub3A_745, %add3A_747 : vector<50x300xf32>
    %div3A_749 = arith.divf %mul3A_735, %add3A_748 : vector<50x300xf32>
    %min3A_750 = vector.broadcast %slice3A_688 : vector<1x300xf32> to vector<50x300xf32>
    %min3A_751 = vector.broadcast %slice3A_692 : vector<50x1xf32> to vector<50x300xf32>
    %min3A_752 = arith.minimumf %min3A_750, %min3A_751 : vector<50x300xf32>
    %min3A_753 = vector.broadcast %slice3A_689 : vector<1x300xf32> to vector<50x300xf32>
    %min3A_754 = vector.broadcast %slice3A_693 : vector<50x1xf32> to vector<50x300xf32>
    %min3A_755 = arith.minimumf %min3A_753, %min3A_754 : vector<50x300xf32>
    %max3A_756 = vector.broadcast %slice3A_690 : vector<1x300xf32> to vector<50x300xf32>
    %max3A_757 = vector.broadcast %slice3A_694 : vector<50x1xf32> to vector<50x300xf32>
    %max3A_758 = arith.maximumf %max3A_756, %max3A_757 : vector<50x300xf32>
    %max3A_759 = vector.broadcast %slice3A_691 : vector<1x300xf32> to vector<50x300xf32>
    %max3A_760 = vector.broadcast %slice3A_695 : vector<50x1xf32> to vector<50x300xf32>
    %max3A_761 = arith.maximumf %max3A_759, %max3A_760 : vector<50x300xf32>
    %sub3A_762 = arith.subf %max3A_758, %min3A_752 : vector<50x300xf32>
    %sub3A_763 = arith.subf %max3A_761, %min3A_755 : vector<50x300xf32>
    %mul3A_764 = arith.mulf %sub3A_762, %sub3A_763 : vector<50x300xf32>
    %sub3A_765 = arith.subf %mul3A_764, %sub3A_745 : vector<50x300xf32>
    %add3A_766 = arith.constant 1.000000e-07 : f32
    %add3A_767 = vector.broadcast %add3A_766 : f32 to vector<50x300xf32>
    %add3A_768 = arith.addf %mul3A_764, %add3A_767 : vector<50x300xf32>
    %div3A_769 = arith.divf %sub3A_765, %add3A_768 : vector<50x300xf32>
    %sub3A_770 = arith.subf %div3A_749, %div3A_769 : vector<50x300xf32>
    %mul3A_771 = arith.constant -1.000000e+00 : f32
    %mul3A_772 = vector.broadcast %mul3A_771 : f32 to vector<50x300xf32>
    %mul3A_773 = arith.mulf %mul3A_772, %exp3A_687 : vector<50x300xf32>
    %mul3A_774 = arith.constant 5.000000e+00 : f32
    %mul3A_775 = vector.broadcast %mul3A_774 : f32 to vector<50x300xf32>
    %mul3A_776 = arith.mulf %mul3A_775, %add3A_714 : vector<50x300xf32>
    %add3A_777 = arith.addf %mul3A_773, %mul3A_776 : vector<50x300xf32>
    %mul3A_778 = arith.constant 2.000000e+00 : f32
    %mul3A_779 = vector.broadcast %mul3A_778 : f32 to vector<50x300xf32>
    %mul3A_780 = arith.mulf %mul3A_779, %sub3A_770 : vector<50x300xf32>
    %sub3A_781 = arith.subf %add3A_777, %mul3A_780 : vector<50x300xf32>
    %eq3A_782 = arith.constant 0 : i32
    %eq3A_783 = vector.broadcast %eq3A_782 : i32 to vector<50x1xi32>
    %eq3A_784 = arith.cmpi eq, %get3A_664, %eq3A_783 : vector<50x1xi32>
    %jit3A_785 = arith.constant 1.000000e-01 : f32
    %jit3A_786 = arith.constant 1.000000e+00 : f32
    %broadcast_in_dim3A_787 = vector.broadcast %jit3A_785 : f32 to vector<50x1xf32>
    %broadcast_in_dim3A_788 = vector.broadcast %jit3A_786 : f32 to vector<50x1xf32>
    %select_n3A_789 = arith.select %eq3A_784, %broadcast_in_dim3A_787, %broadcast_in_dim3A_788 : vector<50x1xi1>, vector<50x1xf32>
    %ne3A_790 = arith.constant 0 : i32
    %ne3A_791 = vector.broadcast %ne3A_790 : i32 to vector<50x1xi32>
    %ne3A_792 = arith.cmpi ne, %get3A_664, %ne3A_791 : vector<50x1xi32>
    %convert_element_type3A_793 = arith.extui %ne3A_792 : vector<50x1xi1> to vector<50x1xi32>
    %convert_element_type3A_794 = arith.sitofp %convert_element_type3A_793 : vector<50x1xi32> to vector<50x1xf32>
    %neg3A_795 = arith.constant 0.000000e+00 : f32
    %neg3A_796 = vector.broadcast %neg3A_795 : f32 to vector<50x300xf32>
    %neg3A_797 = arith.subf %neg3A_796, %sub3A_686 : vector<50x300xf32>
    %mul3A_798 = vector.broadcast %select_n3A_789 : vector<50x1xf32> to vector<50x300xf32>
    %mul3A_799 = arith.mulf %mul3A_798, %neg3A_797 : vector<50x300xf32>
    %mul3A_800 = arith.constant 1.000000e-01 : f32
    %mul3A_801 = vector.broadcast %mul3A_800 : f32 to vector<1x300xf32>
    %mul3A_802 = arith.mulf %mul3A_801, %sub3A_678 : vector<1x300xf32>
    %add3A_803 = vector.broadcast %mul3A_802 : vector<1x300xf32> to vector<50x300xf32>
    %add3A_804 = arith.addf %mul3A_799, %add3A_803 : vector<50x300xf32>
    %mul3A_805 = arith.constant 1.000000e+00 : f32
    %mul3A_806 = vector.broadcast %mul3A_805 : f32 to vector<50x300xf32>
    %mul3A_807 = arith.mulf %mul3A_806, %add3A_804 : vector<50x300xf32>
    %div3A_808 = vector.broadcast %add3A_10 : f32 to vector<50x300xf32>
    %div3A_809 = arith.divf %mul3A_807, %div3A_808 : vector<50x300xf32>
    %mul3A_810 = arith.constant 5.000000e+00 : f32
    %mul3A_811 = vector.broadcast %mul3A_810 : f32 to vector<50x300xf32>
    %mul3A_812 = arith.mulf %mul3A_811, %add3A_714 : vector<50x300xf32>
    %sub3A_813 = arith.constant 1.000000e+00 : f32
    %sub3A_814 = vector.broadcast %sub3A_813 : f32 to vector<50x300xf32>
    %sub3A_815 = arith.subf %sub3A_814, %sub3A_770 : vector<50x300xf32>
    %mul3A_816 = arith.constant 2.000000e+00 : f32
    %mul3A_817 = vector.broadcast %mul3A_816 : f32 to vector<50x300xf32>
    %mul3A_818 = arith.mulf %mul3A_817, %sub3A_815 : vector<50x300xf32>
    %add3A_819 = arith.addf %mul3A_812, %mul3A_818 : vector<50x300xf32>
    %mul3A_820 = vector.broadcast %convert_element_type3A_794 : vector<50x1xf32> to vector<50x300xf32>
    %mul3A_821 = arith.mulf %mul3A_820, %add3A_819 : vector<50x300xf32>
    %div3A_822 = vector.broadcast %max3A_11 : f32 to vector<50x300xf32>
    %div3A_823 = arith.divf %mul3A_821, %div3A_822 : vector<50x300xf32>
    %add3A_824 = arith.addf %div3A_809, %div3A_823 : vector<50x300xf32>
    %reduce_sum3A_825 = vector.shape_cast %sub3A_678 : vector<1x300xf32> to vector<1x1x300xf32>
    %reduce_sum3A_826 = arith.constant dense<0.000000e+00> : vector<1xf32>
    %reduce_sum3A_827 = vector.multi_reduction <add>, %reduce_sum3A_825, %reduce_sum3A_826 [1, 2] : vector<1x1x300xf32> to vector<1xf32>
    %reduce_sum3A_828 = vector.shape_cast %reduce_sum3A_827 : vector<1xf32> to vector<1x1x1xf32>
    %reduce_sum3A_829 = vector.extract %reduce_sum3A_828[0, 0, 0] : f32 from vector<1x1x1xf32>
    %neg3A_830 = arith.constant 0.000000e+00 : f32
    %neg3A_831 = arith.subf %neg3A_830, %reduce_sum3A_829 : f32
    %mul3A_832 = arith.constant 1.000000e-01 : f32
    %mul3A_833 = arith.mulf %mul3A_832, %neg3A_831 : f32
    %div3A_834 = arith.divf %mul3A_833, %add3A_10 : f32
    %jit3A_835 = arith.constant 0.000000e+00 : f32
    %broadcast_in_dim3A_836 = vector.broadcast %div3A_834 : f32 to vector<50x300xf32>
    %broadcast_in_dim3A_837 = vector.broadcast %jit3A_835 : f32 to vector<50x300xf32>
    %select_n3A_838 = arith.select %eq3A_14, %broadcast_in_dim3A_836, %broadcast_in_dim3A_837 : vector<50x300xi1>, vector<50x300xf32>
    %add3A_839 = arith.addf %add3A_824, %select_n3A_838 : vector<50x300xf32>
    %swap3A_840 = arith.constant 3 : index
    %swap3A_841 = arith.constant 0 : index
    %swap3A_842 = arith.constant 0 : index
    %swap3A_843 = vector.load %arg6[%swap3A_840, %swap3A_841, %swap3A_842] : memref<8x56x384xf32, #tpu.memory_space<vmem>>, vector<1x50x300xf32>
    %swap3A_844 = vector.shape_cast %swap3A_843 : vector<1x50x300xf32> to vector<50x300xf32>
    %swap3A_845 = vector.shape_cast %sub3A_781 : vector<50x300xf32> to vector<1x50x300xf32>
    tpu.vector_store %arg6[%swap3A_840, %swap3A_841, %swap3A_842], %swap3A_845 {strides = array<i32>} : memref<8x56x384xf32, #tpu.memory_space<vmem>>, vector<1x50x300xf32>,
    %swap3A_846 = arith.constant 3 : index
    %swap3A_847 = arith.constant 0 : index
    %swap3A_848 = arith.constant 300 : index
    %swap3A_849 = vector.load %arg6[%swap3A_846, %swap3A_847, %swap3A_848] : memref<8x56x384xf32, #tpu.memory_space<vmem>>, vector<1x50x84xf32>
    %swap3A_850 = vector.shape_cast %swap3A_849 : vector<1x50x84xf32> to vector<50x84xf32>
    %swap3A_851 = vector.shape_cast %broadcast_in_dim3A_12 : vector<50x84xf32> to vector<1x50x84xf32>
    tpu.vector_store %arg6[%swap3A_846, %swap3A_847, %swap3A_848], %swap3A_851 {strides = array<i32>} : memref<8x56x384xf32, #tpu.memory_space<vmem>>, vector<1x50x84xf32>,
    %swap3A_852 = arith.constant 3 : index
    %swap3A_853 = arith.constant 0 : index
    %swap3A_854 = arith.constant 0 : index
    %swap3A_855 = vector.load %arg7[%swap3A_852, %swap3A_853, %swap3A_854] : memref<8x56x384xf32, #tpu.memory_space<vmem>>, vector<1x50x300xf32>
    %swap3A_856 = vector.shape_cast %swap3A_855 : vector<1x50x300xf32> to vector<50x300xf32>
    %swap3A_857 = vector.shape_cast %add3A_839 : vector<50x300xf32> to vector<1x50x300xf32>
    tpu.vector_store %arg7[%swap3A_852, %swap3A_853, %swap3A_854], %swap3A_857 {strides = array<i32>} : memref<8x56x384xf32, #tpu.memory_space<vmem>>, vector<1x50x300xf32>,
    %get3A_858 = arith.constant 4 : index
    %get3A_859 = arith.constant 0 : index
    %get3A_860 = arith.constant 0 : index
    %get3A_861 = vector.load %arg1[%get3A_858, %get3A_859, %get3A_860] : memref<8x300x92xf32, #tpu.memory_space<vmem>>, vector<1x300x92xf32>
    %get3A_862 = vector.shape_cast %get3A_861 : vector<1x300x92xf32> to vector<300x92xf32>
    %get3A_863 = arith.constant 4 : index
    %get3A_864 = arith.constant 0 : index
    %get3A_865 = arith.constant 0 : index
    %get3A_866 = vector.load %arg2[%get3A_863, %get3A_864, %get3A_865] : memref<8x300x4xf32, #tpu.memory_space<vmem>>, vector<1x300x4xf32>
    %get3A_867 = vector.shape_cast %get3A_866 : vector<1x300x4xf32> to vector<300x4xf32>
    %transpose3A_868 = tpu.transpose %get3A_867, [1, 0] : vector<300x4xf32> -> vector<4x300xf32>
    %get3A_869 = arith.constant 4 : index
    %get3A_870 = arith.constant 0 : index
    %get3A_871 = arith.constant 0 : index
    %get3A_872 = vector.load %arg3[%get3A_869, %get3A_870, %get3A_871] : memref<8x50x4xf32, #tpu.memory_space<vmem>>, vector<1x50x4xf32>
    %get3A_873 = vector.shape_cast %get3A_872 : vector<1x50x4xf32> to vector<50x4xf32>
    %get3A_874 = arith.constant 4 : index
    %get3A_875 = arith.constant 0 : index
    %get3A_876 = arith.constant 0 : index
    %get3A_877 = vector.load %arg4[%get3A_874, %get3A_875, %get3A_876] : memref<8x50x1xi32, #tpu.memory_space<vmem>>, vector<1x50x1xi32>
    %get3A_878 = vector.shape_cast %get3A_877 : vector<1x50x1xi32> to vector<50x1xi32>
    %transpose3A_879 = tpu.transpose %get3A_862, [1, 0] : vector<300x92xf32> -> vector<92x300xf32>
    %reduce_max3A_880 = arith.constant dense<0xFF800000> : vector<300xf32>
    %reduce_max3A_881 = vector.multi_reduction <maximumf>, %transpose3A_879, %reduce_max3A_880 [0] : vector<92x300xf32> to vector<300xf32>
    %broadcast_in_dim3A_882 = vector.shape_cast %reduce_max3A_881 : vector<300xf32> to vector<1x300xf32>
    %sub3A_883 = vector.broadcast %broadcast_in_dim3A_882 : vector<1x300xf32> to vector<92x300xf32>
    %sub3A_884 = arith.subf %transpose3A_879, %sub3A_883 : vector<92x300xf32>
    %exp3A_885 = math.exp %sub3A_884 : vector<92x300xf32>
    %reduce_sum3A_886 = arith.constant dense<0.000000e+00> : vector<300xf32>
    %reduce_sum3A_887 = vector.multi_reduction <add>, %exp3A_885, %reduce_sum3A_886 [0] : vector<92x300xf32> to vector<300xf32>
    %broadcast_in_dim3A_888 = vector.shape_cast %reduce_sum3A_887 : vector<300xf32> to vector<1x300xf32>
    %log3A_889 = math.log %broadcast_in_dim3A_888 : vector<1x300xf32>
    %add3A_890 = arith.addf %log3A_889, %broadcast_in_dim3A_882 : vector<1x300xf32>
    %slice3A_891 = vector.extract_strided_slice %transpose3A_879 {offsets = [0, 0], sizes = [1, 300], strides = [1, 1]} : vector<92x300xf32> to vector<1x300xf32>
    %sub3A_892 = arith.subf %slice3A_891, %add3A_890 : vector<1x300xf32>
    %eq3A_893 = vector.broadcast %get3A_878 : vector<50x1xi32> to vector<50x92xi32>
    %eq3A_894 = arith.cmpi eq, %iota3A_15, %eq3A_893 : vector<50x92xi32>
    %convert_element_type3A_895 = arith.extui %eq3A_894 : vector<50x92xi1> to vector<50x92xi32>
    %convert_element_type3A_896 = arith.sitofp %convert_element_type3A_895 : vector<50x92xi32> to vector<50x92xf32>
    %dot_general3A_897 = arith.constant dense<0.000000e+00> : vector<50x300xf32>
    %dot_general3A_898 = tpu.matmul %convert_element_type3A_896, %transpose3A_879, %dot_general3A_897 {dimension_numbers = #tpu.dot_dimension_numbers<[1], [0], [0], [1], [0, 0, 1, 1], [], []>, transpose_lhs_hint = false} : vector<50x92xf32>, vector<92x300xf32>, vector<50x300xf32> -> vector<50x300xf32>
    %sub3A_899 = vector.broadcast %add3A_890 : vector<1x300xf32> to vector<50x300xf32>
    %sub3A_900 = arith.subf %dot_general3A_898, %sub3A_899 : vector<50x300xf32>
    %exp3A_901 = math.exp %sub3A_900 : vector<50x300xf32>
    %slice3A_902 = vector.extract_strided_slice %transpose3A_868 {offsets = [0, 0], sizes = [1, 300], strides = [1, 1]} : vector<4x300xf32> to vector<1x300xf32>
    %slice3A_903 = vector.extract_strided_slice %transpose3A_868 {offsets = [1, 0], sizes = [1, 300], strides = [1, 1]} : vector<4x300xf32> to vector<1x300xf32>
    %slice3A_904 = vector.extract_strided_slice %transpose3A_868 {offsets = [2, 0], sizes = [1, 300], strides = [1, 1]} : vector<4x300xf32> to vector<1x300xf32>
    %slice3A_905 = vector.extract_strided_slice %transpose3A_868 {offsets = [3, 0], sizes = [1, 300], strides = [1, 1]} : vector<4x300xf32> to vector<1x300xf32>
    %slice3A_906 = vector.extract_strided_slice %get3A_873 {offsets = [0, 0], sizes = [50, 1], strides = [1, 1]} : vector<50x4xf32> to vector<50x1xf32>
    %slice3A_907 = vector.extract_strided_slice %get3A_873 {offsets = [0, 1], sizes = [50, 1], strides = [1, 1]} : vector<50x4xf32> to vector<50x1xf32>
    %slice3A_908 = vector.extract_strided_slice %get3A_873 {offsets = [0, 2], sizes = [50, 1], strides = [1, 1]} : vector<50x4xf32> to vector<50x1xf32>
    %slice3A_909 = vector.extract_strided_slice %get3A_873 {offsets = [0, 3], sizes = [50, 1], strides = [1, 1]} : vector<50x4xf32> to vector<50x1xf32>
    %sub3A_910 = vector.broadcast %slice3A_902 : vector<1x300xf32> to vector<50x300xf32>
    %sub3A_911 = vector.broadcast %slice3A_906 : vector<50x1xf32> to vector<50x300xf32>
    %sub3A_912 = arith.subf %sub3A_910, %sub3A_911 : vector<50x300xf32>
    %abs3A_913 = math.absf %sub3A_912 : vector<50x300xf32>
    %sub3A_914 = vector.broadcast %slice3A_903 : vector<1x300xf32> to vector<50x300xf32>
    %sub3A_915 = vector.broadcast %slice3A_907 : vector<50x1xf32> to vector<50x300xf32>
    %sub3A_916 = arith.subf %sub3A_914, %sub3A_915 : vector<50x300xf32>
    %abs3A_917 = math.absf %sub3A_916 : vector<50x300xf32>
    %add3A_918 = arith.addf %abs3A_913, %abs3A_917 : vector<50x300xf32>
    %sub3A_919 = vector.broadcast %slice3A_904 : vector<1x300xf32> to vector<50x300xf32>
    %sub3A_920 = vector.broadcast %slice3A_908 : vector<50x1xf32> to vector<50x300xf32>
    %sub3A_921 = arith.subf %sub3A_919, %sub3A_920 : vector<50x300xf32>
    %abs3A_922 = math.absf %sub3A_921 : vector<50x300xf32>
    %add3A_923 = arith.addf %add3A_918, %abs3A_922 : vector<50x300xf32>
    %sub3A_924 = vector.broadcast %slice3A_905 : vector<1x300xf32> to vector<50x300xf32>
    %sub3A_925 = vector.broadcast %slice3A_909 : vector<50x1xf32> to vector<50x300xf32>
    %sub3A_926 = arith.subf %sub3A_924, %sub3A_925 : vector<50x300xf32>
    %abs3A_927 = math.absf %sub3A_926 : vector<50x300xf32>
    %add3A_928 = arith.addf %add3A_923, %abs3A_927 : vector<50x300xf32>
    %max3A_929 = vector.broadcast %slice3A_902 : vector<1x300xf32> to vector<50x300xf32>
    %max3A_930 = vector.broadcast %slice3A_906 : vector<50x1xf32> to vector<50x300xf32>
    %max3A_931 = arith.maximumf %max3A_929, %max3A_930 : vector<50x300xf32>
    %max3A_932 = vector.broadcast %slice3A_903 : vector<1x300xf32> to vector<50x300xf32>
    %max3A_933 = vector.broadcast %slice3A_907 : vector<50x1xf32> to vector<50x300xf32>
    %max3A_934 = arith.maximumf %max3A_932, %max3A_933 : vector<50x300xf32>
    %min3A_935 = vector.broadcast %slice3A_904 : vector<1x300xf32> to vector<50x300xf32>
    %min3A_936 = vector.broadcast %slice3A_908 : vector<50x1xf32> to vector<50x300xf32>
    %min3A_937 = arith.minimumf %min3A_935, %min3A_936 : vector<50x300xf32>
    %min3A_938 = vector.broadcast %slice3A_905 : vector<1x300xf32> to vector<50x300xf32>
    %min3A_939 = vector.broadcast %slice3A_909 : vector<50x1xf32> to vector<50x300xf32>
    %min3A_940 = arith.minimumf %min3A_938, %min3A_939 : vector<50x300xf32>
    %sub3A_941 = arith.subf %min3A_937, %max3A_931 : vector<50x300xf32>
    %max3A_942 = arith.constant 0.000000e+00 : f32
    %max3A_943 = vector.broadcast %max3A_942 : f32 to vector<50x300xf32>
    %max3A_944 = arith.maximumf %sub3A_941, %max3A_943 : vector<50x300xf32>
    %sub3A_945 = arith.subf %min3A_940, %max3A_934 : vector<50x300xf32>
    %max3A_946 = arith.constant 0.000000e+00 : f32
    %max3A_947 = vector.broadcast %max3A_946 : f32 to vector<50x300xf32>
    %max3A_948 = arith.maximumf %sub3A_945, %max3A_947 : vector<50x300xf32>
    %mul3A_949 = arith.mulf %max3A_944, %max3A_948 : vector<50x300xf32>
    %sub3A_950 = arith.subf %slice3A_904, %slice3A_902 : vector<1x300xf32>
    %sub3A_951 = arith.subf %slice3A_905, %slice3A_903 : vector<1x300xf32>
    %mul3A_952 = arith.mulf %sub3A_950, %sub3A_951 : vector<1x300xf32>
    %sub3A_953 = arith.subf %slice3A_908, %slice3A_906 : vector<50x1xf32>
    %sub3A_954 = arith.subf %slice3A_909, %slice3A_907 : vector<50x1xf32>
    %mul3A_955 = arith.mulf %sub3A_953, %sub3A_954 : vector<50x1xf32>
    %add3A_956 = vector.broadcast %mul3A_952 : vector<1x300xf32> to vector<50x300xf32>
    %add3A_957 = vector.broadcast %mul3A_955 : vector<50x1xf32> to vector<50x300xf32>
    %add3A_958 = arith.addf %add3A_956, %add3A_957 : vector<50x300xf32>
    %sub3A_959 = arith.subf %add3A_958, %mul3A_949 : vector<50x300xf32>
    %add3A_960 = arith.constant 1.000000e-07 : f32
    %add3A_961 = vector.broadcast %add3A_960 : f32 to vector<50x300xf32>
    %add3A_962 = arith.addf %sub3A_959, %add3A_961 : vector<50x300xf32>
    %div3A_963 = arith.divf %mul3A_949, %add3A_962 : vector<50x300xf32>
    %min3A_964 = vector.broadcast %slice3A_902 : vector<1x300xf32> to vector<50x300xf32>
    %min3A_965 = vector.broadcast %slice3A_906 : vector<50x1xf32> to vector<50x300xf32>
    %min3A_966 = arith.minimumf %min3A_964, %min3A_965 : vector<50x300xf32>
    %min3A_967 = vector.broadcast %slice3A_903 : vector<1x300xf32> to vector<50x300xf32>
    %min3A_968 = vector.broadcast %slice3A_907 : vector<50x1xf32> to vector<50x300xf32>
    %min3A_969 = arith.minimumf %min3A_967, %min3A_968 : vector<50x300xf32>
    %max3A_970 = vector.broadcast %slice3A_904 : vector<1x300xf32> to vector<50x300xf32>
    %max3A_971 = vector.broadcast %slice3A_908 : vector<50x1xf32> to vector<50x300xf32>
    %max3A_972 = arith.maximumf %max3A_970, %max3A_971 : vector<50x300xf32>
    %max3A_973 = vector.broadcast %slice3A_905 : vector<1x300xf32> to vector<50x300xf32>
    %max3A_974 = vector.broadcast %slice3A_909 : vector<50x1xf32> to vector<50x300xf32>
    %max3A_975 = arith.maximumf %max3A_973, %max3A_974 : vector<50x300xf32>
    %sub3A_976 = arith.subf %max3A_972, %min3A_966 : vector<50x300xf32>
    %sub3A_977 = arith.subf %max3A_975, %min3A_969 : vector<50x300xf32>
    %mul3A_978 = arith.mulf %sub3A_976, %sub3A_977 : vector<50x300xf32>
    %sub3A_979 = arith.subf %mul3A_978, %sub3A_959 : vector<50x300xf32>
    %add3A_980 = arith.constant 1.000000e-07 : f32
    %add3A_981 = vector.broadcast %add3A_980 : f32 to vector<50x300xf32>
    %add3A_982 = arith.addf %mul3A_978, %add3A_981 : vector<50x300xf32>
    %div3A_983 = arith.divf %sub3A_979, %add3A_982 : vector<50x300xf32>
    %sub3A_984 = arith.subf %div3A_963, %div3A_983 : vector<50x300xf32>
    %mul3A_985 = arith.constant -1.000000e+00 : f32
    %mul3A_986 = vector.broadcast %mul3A_985 : f32 to vector<50x300xf32>
    %mul3A_987 = arith.mulf %mul3A_986, %exp3A_901 : vector<50x300xf32>
    %mul3A_988 = arith.constant 5.000000e+00 : f32
    %mul3A_989 = vector.broadcast %mul3A_988 : f32 to vector<50x300xf32>
    %mul3A_990 = arith.mulf %mul3A_989, %add3A_928 : vector<50x300xf32>
    %add3A_991 = arith.addf %mul3A_987, %mul3A_990 : vector<50x300xf32>
    %mul3A_992 = arith.constant 2.000000e+00 : f32
    %mul3A_993 = vector.broadcast %mul3A_992 : f32 to vector<50x300xf32>
    %mul3A_994 = arith.mulf %mul3A_993, %sub3A_984 : vector<50x300xf32>
    %sub3A_995 = arith.subf %add3A_991, %mul3A_994 : vector<50x300xf32>
    %eq3A_996 = arith.constant 0 : i32
    %eq3A_997 = vector.broadcast %eq3A_996 : i32 to vector<50x1xi32>
    %eq3A_998 = arith.cmpi eq, %get3A_878, %eq3A_997 : vector<50x1xi32>
    %jit3A_999 = arith.constant 1.000000e-01 : f32
    %jit3A_1000 = arith.constant 1.000000e+00 : f32
    %broadcast_in_dim3A_1001 = vector.broadcast %jit3A_999 : f32 to vector<50x1xf32>
    %broadcast_in_dim3A_1002 = vector.broadcast %jit3A_1000 : f32 to vector<50x1xf32>
    %select_n3A_1003 = arith.select %eq3A_998, %broadcast_in_dim3A_1001, %broadcast_in_dim3A_1002 : vector<50x1xi1>, vector<50x1xf32>
    %ne3A_1004 = arith.constant 0 : i32
    %ne3A_1005 = vector.broadcast %ne3A_1004 : i32 to vector<50x1xi32>
    %ne3A_1006 = arith.cmpi ne, %get3A_878, %ne3A_1005 : vector<50x1xi32>
    %convert_element_type3A_1007 = arith.extui %ne3A_1006 : vector<50x1xi1> to vector<50x1xi32>
    %convert_element_type3A_1008 = arith.sitofp %convert_element_type3A_1007 : vector<50x1xi32> to vector<50x1xf32>
    %neg3A_1009 = arith.constant 0.000000e+00 : f32
    %neg3A_1010 = vector.broadcast %neg3A_1009 : f32 to vector<50x300xf32>
    %neg3A_1011 = arith.subf %neg3A_1010, %sub3A_900 : vector<50x300xf32>
    %mul3A_1012 = vector.broadcast %select_n3A_1003 : vector<50x1xf32> to vector<50x300xf32>
    %mul3A_1013 = arith.mulf %mul3A_1012, %neg3A_1011 : vector<50x300xf32>
    %mul3A_1014 = arith.constant 1.000000e-01 : f32
    %mul3A_1015 = vector.broadcast %mul3A_1014 : f32 to vector<1x300xf32>
    %mul3A_1016 = arith.mulf %mul3A_1015, %sub3A_892 : vector<1x300xf32>
    %add3A_1017 = vector.broadcast %mul3A_1016 : vector<1x300xf32> to vector<50x300xf32>
    %add3A_1018 = arith.addf %mul3A_1013, %add3A_1017 : vector<50x300xf32>
    %mul3A_1019 = arith.constant 1.000000e+00 : f32
    %mul3A_1020 = vector.broadcast %mul3A_1019 : f32 to vector<50x300xf32>
    %mul3A_1021 = arith.mulf %mul3A_1020, %add3A_1018 : vector<50x300xf32>
    %div3A_1022 = vector.broadcast %add3A_10 : f32 to vector<50x300xf32>
    %div3A_1023 = arith.divf %mul3A_1021, %div3A_1022 : vector<50x300xf32>
    %mul3A_1024 = arith.constant 5.000000e+00 : f32
    %mul3A_1025 = vector.broadcast %mul3A_1024 : f32 to vector<50x300xf32>
    %mul3A_1026 = arith.mulf %mul3A_1025, %add3A_928 : vector<50x300xf32>
    %sub3A_1027 = arith.constant 1.000000e+00 : f32
    %sub3A_1028 = vector.broadcast %sub3A_1027 : f32 to vector<50x300xf32>
    %sub3A_1029 = arith.subf %sub3A_1028, %sub3A_984 : vector<50x300xf32>
    %mul3A_1030 = arith.constant 2.000000e+00 : f32
    %mul3A_1031 = vector.broadcast %mul3A_1030 : f32 to vector<50x300xf32>
    %mul3A_1032 = arith.mulf %mul3A_1031, %sub3A_1029 : vector<50x300xf32>
    %add3A_1033 = arith.addf %mul3A_1026, %mul3A_1032 : vector<50x300xf32>
    %mul3A_1034 = vector.broadcast %convert_element_type3A_1008 : vector<50x1xf32> to vector<50x300xf32>
    %mul3A_1035 = arith.mulf %mul3A_1034, %add3A_1033 : vector<50x300xf32>
    %div3A_1036 = vector.broadcast %max3A_11 : f32 to vector<50x300xf32>
    %div3A_1037 = arith.divf %mul3A_1035, %div3A_1036 : vector<50x300xf32>
    %add3A_1038 = arith.addf %div3A_1023, %div3A_1037 : vector<50x300xf32>
    %reduce_sum3A_1039 = vector.shape_cast %sub3A_892 : vector<1x300xf32> to vector<1x1x300xf32>
    %reduce_sum3A_1040 = arith.constant dense<0.000000e+00> : vector<1xf32>
    %reduce_sum3A_1041 = vector.multi_reduction <add>, %reduce_sum3A_1039, %reduce_sum3A_1040 [1, 2] : vector<1x1x300xf32> to vector<1xf32>
    %reduce_sum3A_1042 = vector.shape_cast %reduce_sum3A_1041 : vector<1xf32> to vector<1x1x1xf32>
    %reduce_sum3A_1043 = vector.extract %reduce_sum3A_1042[0, 0, 0] : f32 from vector<1x1x1xf32>
    %neg3A_1044 = arith.constant 0.000000e+00 : f32
    %neg3A_1045 = arith.subf %neg3A_1044, %reduce_sum3A_1043 : f32
    %mul3A_1046 = arith.constant 1.000000e-01 : f32
    %mul3A_1047 = arith.mulf %mul3A_1046, %neg3A_1045 : f32
    %div3A_1048 = arith.divf %mul3A_1047, %add3A_10 : f32
    %jit3A_1049 = arith.constant 0.000000e+00 : f32
    %broadcast_in_dim3A_1050 = vector.broadcast %div3A_1048 : f32 to vector<50x300xf32>
    %broadcast_in_dim3A_1051 = vector.broadcast %jit3A_1049 : f32 to vector<50x300xf32>
    %select_n3A_1052 = arith.select %eq3A_14, %broadcast_in_dim3A_1050, %broadcast_in_dim3A_1051 : vector<50x300xi1>, vector<50x300xf32>
    %add3A_1053 = arith.addf %add3A_1038, %select_n3A_1052 : vector<50x300xf32>
    %swap3A_1054 = arith.constant 4 : index
    %swap3A_1055 = arith.constant 0 : index
    %swap3A_1056 = arith.constant 0 : index
    %swap3A_1057 = vector.load %arg6[%swap3A_1054, %swap3A_1055, %swap3A_1056] : memref<8x56x384xf32, #tpu.memory_space<vmem>>, vector<1x50x300xf32>
    %swap3A_1058 = vector.shape_cast %swap3A_1057 : vector<1x50x300xf32> to vector<50x300xf32>
    %swap3A_1059 = vector.shape_cast %sub3A_995 : vector<50x300xf32> to vector<1x50x300xf32>
    tpu.vector_store %arg6[%swap3A_1054, %swap3A_1055, %swap3A_1056], %swap3A_1059 {strides = array<i32>} : memref<8x56x384xf32, #tpu.memory_space<vmem>>, vector<1x50x300xf32>,
    %swap3A_1060 = arith.constant 4 : index
    %swap3A_1061 = arith.constant 0 : index
    %swap3A_1062 = arith.constant 300 : index
    %swap3A_1063 = vector.load %arg6[%swap3A_1060, %swap3A_1061, %swap3A_1062] : memref<8x56x384xf32, #tpu.memory_space<vmem>>, vector<1x50x84xf32>
    %swap3A_1064 = vector.shape_cast %swap3A_1063 : vector<1x50x84xf32> to vector<50x84xf32>
    %swap3A_1065 = vector.shape_cast %broadcast_in_dim3A_12 : vector<50x84xf32> to vector<1x50x84xf32>
    tpu.vector_store %arg6[%swap3A_1060, %swap3A_1061, %swap3A_1062], %swap3A_1065 {strides = array<i32>} : memref<8x56x384xf32, #tpu.memory_space<vmem>>, vector<1x50x84xf32>,
    %swap3A_1066 = arith.constant 4 : index
    %swap3A_1067 = arith.constant 0 : index
    %swap3A_1068 = arith.constant 0 : index
    %swap3A_1069 = vector.load %arg7[%swap3A_1066, %swap3A_1067, %swap3A_1068] : memref<8x56x384xf32, #tpu.memory_space<vmem>>, vector<1x50x300xf32>
    %swap3A_1070 = vector.shape_cast %swap3A_1069 : vector<1x50x300xf32> to vector<50x300xf32>
    %swap3A_1071 = vector.shape_cast %add3A_1053 : vector<50x300xf32> to vector<1x50x300xf32>
    tpu.vector_store %arg7[%swap3A_1066, %swap3A_1067, %swap3A_1068], %swap3A_1071 {strides = array<i32>} : memref<8x56x384xf32, #tpu.memory_space<vmem>>, vector<1x50x300xf32>,
    %get3A_1072 = arith.constant 5 : index
    %get3A_1073 = arith.constant 0 : index
    %get3A_1074 = arith.constant 0 : index
    %get3A_1075 = vector.load %arg1[%get3A_1072, %get3A_1073, %get3A_1074] : memref<8x300x92xf32, #tpu.memory_space<vmem>>, vector<1x300x92xf32>
    %get3A_1076 = vector.shape_cast %get3A_1075 : vector<1x300x92xf32> to vector<300x92xf32>
    %get3A_1077 = arith.constant 5 : index
    %get3A_1078 = arith.constant 0 : index
    %get3A_1079 = arith.constant 0 : index
    %get3A_1080 = vector.load %arg2[%get3A_1077, %get3A_1078, %get3A_1079] : memref<8x300x4xf32, #tpu.memory_space<vmem>>, vector<1x300x4xf32>
    %get3A_1081 = vector.shape_cast %get3A_1080 : vector<1x300x4xf32> to vector<300x4xf32>
    %transpose3A_1082 = tpu.transpose %get3A_1081, [1, 0] : vector<300x4xf32> -> vector<4x300xf32>
    %get3A_1083 = arith.constant 5 : index
    %get3A_1084 = arith.constant 0 : index
    %get3A_1085 = arith.constant 0 : index
    %get3A_1086 = vector.load %arg3[%get3A_1083, %get3A_1084, %get3A_1085] : memref<8x50x4xf32, #tpu.memory_space<vmem>>, vector<1x50x4xf32>
    %get3A_1087 = vector.shape_cast %get3A_1086 : vector<1x50x4xf32> to vector<50x4xf32>
    %get3A_1088 = arith.constant 5 : index
    %get3A_1089 = arith.constant 0 : index
    %get3A_1090 = arith.constant 0 : index
    %get3A_1091 = vector.load %arg4[%get3A_1088, %get3A_1089, %get3A_1090] : memref<8x50x1xi32, #tpu.memory_space<vmem>>, vector<1x50x1xi32>
    %get3A_1092 = vector.shape_cast %get3A_1091 : vector<1x50x1xi32> to vector<50x1xi32>
    %transpose3A_1093 = tpu.transpose %get3A_1076, [1, 0] : vector<300x92xf32> -> vector<92x300xf32>
    %reduce_max3A_1094 = arith.constant dense<0xFF800000> : vector<300xf32>
    %reduce_max3A_1095 = vector.multi_reduction <maximumf>, %transpose3A_1093, %reduce_max3A_1094 [0] : vector<92x300xf32> to vector<300xf32>
    %broadcast_in_dim3A_1096 = vector.shape_cast %reduce_max3A_1095 : vector<300xf32> to vector<1x300xf32>
    %sub3A_1097 = vector.broadcast %broadcast_in_dim3A_1096 : vector<1x300xf32> to vector<92x300xf32>
    %sub3A_1098 = arith.subf %transpose3A_1093, %sub3A_1097 : vector<92x300xf32>
    %exp3A_1099 = math.exp %sub3A_1098 : vector<92x300xf32>
    %reduce_sum3A_1100 = arith.constant dense<0.000000e+00> : vector<300xf32>
    %reduce_sum3A_1101 = vector.multi_reduction <add>, %exp3A_1099, %reduce_sum3A_1100 [0] : vector<92x300xf32> to vector<300xf32>
    %broadcast_in_dim3A_1102 = vector.shape_cast %reduce_sum3A_1101 : vector<300xf32> to vector<1x300xf32>
    %log3A_1103 = math.log %broadcast_in_dim3A_1102 : vector<1x300xf32>
    %add3A_1104 = arith.addf %log3A_1103, %broadcast_in_dim3A_1096 : vector<1x300xf32>
    %slice3A_1105 = vector.extract_strided_slice %transpose3A_1093 {offsets = [0, 0], sizes = [1, 300], strides = [1, 1]} : vector<92x300xf32> to vector<1x300xf32>
    %sub3A_1106 = arith.subf %slice3A_1105, %add3A_1104 : vector<1x300xf32>
    %eq3A_1107 = vector.broadcast %get3A_1092 : vector<50x1xi32> to vector<50x92xi32>
    %eq3A_1108 = arith.cmpi eq, %iota3A_15, %eq3A_1107 : vector<50x92xi32>
    %convert_element_type3A_1109 = arith.extui %eq3A_1108 : vector<50x92xi1> to vector<50x92xi32>
    %convert_element_type3A_1110 = arith.sitofp %convert_element_type3A_1109 : vector<50x92xi32> to vector<50x92xf32>
    %dot_general3A_1111 = arith.constant dense<0.000000e+00> : vector<50x300xf32>
    %dot_general3A_1112 = tpu.matmul %convert_element_type3A_1110, %transpose3A_1093, %dot_general3A_1111 {dimension_numbers = #tpu.dot_dimension_numbers<[1], [0], [0], [1], [0, 0, 1, 1], [], []>, transpose_lhs_hint = false} : vector<50x92xf32>, vector<92x300xf32>, vector<50x300xf32> -> vector<50x300xf32>
    %sub3A_1113 = vector.broadcast %add3A_1104 : vector<1x300xf32> to vector<50x300xf32>
    %sub3A_1114 = arith.subf %dot_general3A_1112, %sub3A_1113 : vector<50x300xf32>
    %exp3A_1115 = math.exp %sub3A_1114 : vector<50x300xf32>
    %slice3A_1116 = vector.extract_strided_slice %transpose3A_1082 {offsets = [0, 0], sizes = [1, 300], strides = [1, 1]} : vector<4x300xf32> to vector<1x300xf32>
    %slice3A_1117 = vector.extract_strided_slice %transpose3A_1082 {offsets = [1, 0], sizes = [1, 300], strides = [1, 1]} : vector<4x300xf32> to vector<1x300xf32>
    %slice3A_1118 = vector.extract_strided_slice %transpose3A_1082 {offsets = [2, 0], sizes = [1, 300], strides = [1, 1]} : vector<4x300xf32> to vector<1x300xf32>
    %slice3A_1119 = vector.extract_strided_slice %transpose3A_1082 {offsets = [3, 0], sizes = [1, 300], strides = [1, 1]} : vector<4x300xf32> to vector<1x300xf32>
    %slice3A_1120 = vector.extract_strided_slice %get3A_1087 {offsets = [0, 0], sizes = [50, 1], strides = [1, 1]} : vector<50x4xf32> to vector<50x1xf32>
    %slice3A_1121 = vector.extract_strided_slice %get3A_1087 {offsets = [0, 1], sizes = [50, 1], strides = [1, 1]} : vector<50x4xf32> to vector<50x1xf32>
    %slice3A_1122 = vector.extract_strided_slice %get3A_1087 {offsets = [0, 2], sizes = [50, 1], strides = [1, 1]} : vector<50x4xf32> to vector<50x1xf32>
    %slice3A_1123 = vector.extract_strided_slice %get3A_1087 {offsets = [0, 3], sizes = [50, 1], strides = [1, 1]} : vector<50x4xf32> to vector<50x1xf32>
    %sub3A_1124 = vector.broadcast %slice3A_1116 : vector<1x300xf32> to vector<50x300xf32>
    %sub3A_1125 = vector.broadcast %slice3A_1120 : vector<50x1xf32> to vector<50x300xf32>
    %sub3A_1126 = arith.subf %sub3A_1124, %sub3A_1125 : vector<50x300xf32>
    %abs3A_1127 = math.absf %sub3A_1126 : vector<50x300xf32>
    %sub3A_1128 = vector.broadcast %slice3A_1117 : vector<1x300xf32> to vector<50x300xf32>
    %sub3A_1129 = vector.broadcast %slice3A_1121 : vector<50x1xf32> to vector<50x300xf32>
    %sub3A_1130 = arith.subf %sub3A_1128, %sub3A_1129 : vector<50x300xf32>
    %abs3A_1131 = math.absf %sub3A_1130 : vector<50x300xf32>
    %add3A_1132 = arith.addf %abs3A_1127, %abs3A_1131 : vector<50x300xf32>
    %sub3A_1133 = vector.broadcast %slice3A_1118 : vector<1x300xf32> to vector<50x300xf32>
    %sub3A_1134 = vector.broadcast %slice3A_1122 : vector<50x1xf32> to vector<50x300xf32>
    %sub3A_1135 = arith.subf %sub3A_1133, %sub3A_1134 : vector<50x300xf32>
    %abs3A_1136 = math.absf %sub3A_1135 : vector<50x300xf32>
    %add3A_1137 = arith.addf %add3A_1132, %abs3A_1136 : vector<50x300xf32>
    %sub3A_1138 = vector.broadcast %slice3A_1119 : vector<1x300xf32> to vector<50x300xf32>
    %sub3A_1139 = vector.broadcast %slice3A_1123 : vector<50x1xf32> to vector<50x300xf32>
    %sub3A_1140 = arith.subf %sub3A_1138, %sub3A_1139 : vector<50x300xf32>
    %abs3A_1141 = math.absf %sub3A_1140 : vector<50x300xf32>
    %add3A_1142 = arith.addf %add3A_1137, %abs3A_1141 : vector<50x300xf32>
    %max3A_1143 = vector.broadcast %slice3A_1116 : vector<1x300xf32> to vector<50x300xf32>
    %max3A_1144 = vector.broadcast %slice3A_1120 : vector<50x1xf32> to vector<50x300xf32>
    %max3A_1145 = arith.maximumf %max3A_1143, %max3A_1144 : vector<50x300xf32>
    %max3A_1146 = vector.broadcast %slice3A_1117 : vector<1x300xf32> to vector<50x300xf32>
    %max3A_1147 = vector.broadcast %slice3A_1121 : vector<50x1xf32> to vector<50x300xf32>
    %max3A_1148 = arith.maximumf %max3A_1146, %max3A_1147 : vector<50x300xf32>
    %min3A_1149 = vector.broadcast %slice3A_1118 : vector<1x300xf32> to vector<50x300xf32>
    %min3A_1150 = vector.broadcast %slice3A_1122 : vector<50x1xf32> to vector<50x300xf32>
    %min3A_1151 = arith.minimumf %min3A_1149, %min3A_1150 : vector<50x300xf32>
    %min3A_1152 = vector.broadcast %slice3A_1119 : vector<1x300xf32> to vector<50x300xf32>
    %min3A_1153 = vector.broadcast %slice3A_1123 : vector<50x1xf32> to vector<50x300xf32>
    %min3A_1154 = arith.minimumf %min3A_1152, %min3A_1153 : vector<50x300xf32>
    %sub3A_1155 = arith.subf %min3A_1151, %max3A_1145 : vector<50x300xf32>
    %max3A_1156 = arith.constant 0.000000e+00 : f32
    %max3A_1157 = vector.broadcast %max3A_1156 : f32 to vector<50x300xf32>
    %max3A_1158 = arith.maximumf %sub3A_1155, %max3A_1157 : vector<50x300xf32>
    %sub3A_1159 = arith.subf %min3A_1154, %max3A_1148 : vector<50x300xf32>
    %max3A_1160 = arith.constant 0.000000e+00 : f32
    %max3A_1161 = vector.broadcast %max3A_1160 : f32 to vector<50x300xf32>
    %max3A_1162 = arith.maximumf %sub3A_1159, %max3A_1161 : vector<50x300xf32>
    %mul3A_1163 = arith.mulf %max3A_1158, %max3A_1162 : vector<50x300xf32>
    %sub3A_1164 = arith.subf %slice3A_1118, %slice3A_1116 : vector<1x300xf32>
    %sub3A_1165 = arith.subf %slice3A_1119, %slice3A_1117 : vector<1x300xf32>
    %mul3A_1166 = arith.mulf %sub3A_1164, %sub3A_1165 : vector<1x300xf32>
    %sub3A_1167 = arith.subf %slice3A_1122, %slice3A_1120 : vector<50x1xf32>
    %sub3A_1168 = arith.subf %slice3A_1123, %slice3A_1121 : vector<50x1xf32>
    %mul3A_1169 = arith.mulf %sub3A_1167, %sub3A_1168 : vector<50x1xf32>
    %add3A_1170 = vector.broadcast %mul3A_1166 : vector<1x300xf32> to vector<50x300xf32>
    %add3A_1171 = vector.broadcast %mul3A_1169 : vector<50x1xf32> to vector<50x300xf32>
    %add3A_1172 = arith.addf %add3A_1170, %add3A_1171 : vector<50x300xf32>
    %sub3A_1173 = arith.subf %add3A_1172, %mul3A_1163 : vector<50x300xf32>
    %add3A_1174 = arith.constant 1.000000e-07 : f32
    %add3A_1175 = vector.broadcast %add3A_1174 : f32 to vector<50x300xf32>
    %add3A_1176 = arith.addf %sub3A_1173, %add3A_1175 : vector<50x300xf32>
    %div3A_1177 = arith.divf %mul3A_1163, %add3A_1176 : vector<50x300xf32>
    %min3A_1178 = vector.broadcast %slice3A_1116 : vector<1x300xf32> to vector<50x300xf32>
    %min3A_1179 = vector.broadcast %slice3A_1120 : vector<50x1xf32> to vector<50x300xf32>
    %min3A_1180 = arith.minimumf %min3A_1178, %min3A_1179 : vector<50x300xf32>
    %min3A_1181 = vector.broadcast %slice3A_1117 : vector<1x300xf32> to vector<50x300xf32>
    %min3A_1182 = vector.broadcast %slice3A_1121 : vector<50x1xf32> to vector<50x300xf32>
    %min3A_1183 = arith.minimumf %min3A_1181, %min3A_1182 : vector<50x300xf32>
    %max3A_1184 = vector.broadcast %slice3A_1118 : vector<1x300xf32> to vector<50x300xf32>
    %max3A_1185 = vector.broadcast %slice3A_1122 : vector<50x1xf32> to vector<50x300xf32>
    %max3A_1186 = arith.maximumf %max3A_1184, %max3A_1185 : vector<50x300xf32>
    %max3A_1187 = vector.broadcast %slice3A_1119 : vector<1x300xf32> to vector<50x300xf32>
    %max3A_1188 = vector.broadcast %slice3A_1123 : vector<50x1xf32> to vector<50x300xf32>
    %max3A_1189 = arith.maximumf %max3A_1187, %max3A_1188 : vector<50x300xf32>
    %sub3A_1190 = arith.subf %max3A_1186, %min3A_1180 : vector<50x300xf32>
    %sub3A_1191 = arith.subf %max3A_1189, %min3A_1183 : vector<50x300xf32>
    %mul3A_1192 = arith.mulf %sub3A_1190, %sub3A_1191 : vector<50x300xf32>
    %sub3A_1193 = arith.subf %mul3A_1192, %sub3A_1173 : vector<50x300xf32>
    %add3A_1194 = arith.constant 1.000000e-07 : f32
    %add3A_1195 = vector.broadcast %add3A_1194 : f32 to vector<50x300xf32>
    %add3A_1196 = arith.addf %mul3A_1192, %add3A_1195 : vector<50x300xf32>
    %div3A_1197 = arith.divf %sub3A_1193, %add3A_1196 : vector<50x300xf32>
    %sub3A_1198 = arith.subf %div3A_1177, %div3A_1197 : vector<50x300xf32>
    %mul3A_1199 = arith.constant -1.000000e+00 : f32
    %mul3A_1200 = vector.broadcast %mul3A_1199 : f32 to vector<50x300xf32>
    %mul3A_1201 = arith.mulf %mul3A_1200, %exp3A_1115 : vector<50x300xf32>
    %mul3A_1202 = arith.constant 5.000000e+00 : f32
    %mul3A_1203 = vector.broadcast %mul3A_1202 : f32 to vector<50x300xf32>
    %mul3A_1204 = arith.mulf %mul3A_1203, %add3A_1142 : vector<50x300xf32>
    %add3A_1205 = arith.addf %mul3A_1201, %mul3A_1204 : vector<50x300xf32>
    %mul3A_1206 = arith.constant 2.000000e+00 : f32
    %mul3A_1207 = vector.broadcast %mul3A_1206 : f32 to vector<50x300xf32>
    %mul3A_1208 = arith.mulf %mul3A_1207, %sub3A_1198 : vector<50x300xf32>
    %sub3A_1209 = arith.subf %add3A_1205, %mul3A_1208 : vector<50x300xf32>
    %eq3A_1210 = arith.constant 0 : i32
    %eq3A_1211 = vector.broadcast %eq3A_1210 : i32 to vector<50x1xi32>
    %eq3A_1212 = arith.cmpi eq, %get3A_1092, %eq3A_1211 : vector<50x1xi32>
    %jit3A_1213 = arith.constant 1.000000e-01 : f32
    %jit3A_1214 = arith.constant 1.000000e+00 : f32
    %broadcast_in_dim3A_1215 = vector.broadcast %jit3A_1213 : f32 to vector<50x1xf32>
    %broadcast_in_dim3A_1216 = vector.broadcast %jit3A_1214 : f32 to vector<50x1xf32>
    %select_n3A_1217 = arith.select %eq3A_1212, %broadcast_in_dim3A_1215, %broadcast_in_dim3A_1216 : vector<50x1xi1>, vector<50x1xf32>
    %ne3A_1218 = arith.constant 0 : i32
    %ne3A_1219 = vector.broadcast %ne3A_1218 : i32 to vector<50x1xi32>
    %ne3A_1220 = arith.cmpi ne, %get3A_1092, %ne3A_1219 : vector<50x1xi32>
    %convert_element_type3A_1221 = arith.extui %ne3A_1220 : vector<50x1xi1> to vector<50x1xi32>
    %convert_element_type3A_1222 = arith.sitofp %convert_element_type3A_1221 : vector<50x1xi32> to vector<50x1xf32>
    %neg3A_1223 = arith.constant 0.000000e+00 : f32
    %neg3A_1224 = vector.broadcast %neg3A_1223 : f32 to vector<50x300xf32>
    %neg3A_1225 = arith.subf %neg3A_1224, %sub3A_1114 : vector<50x300xf32>
    %mul3A_1226 = vector.broadcast %select_n3A_1217 : vector<50x1xf32> to vector<50x300xf32>
    %mul3A_1227 = arith.mulf %mul3A_1226, %neg3A_1225 : vector<50x300xf32>
    %mul3A_1228 = arith.constant 1.000000e-01 : f32
    %mul3A_1229 = vector.broadcast %mul3A_1228 : f32 to vector<1x300xf32>
    %mul3A_1230 = arith.mulf %mul3A_1229, %sub3A_1106 : vector<1x300xf32>
    %add3A_1231 = vector.broadcast %mul3A_1230 : vector<1x300xf32> to vector<50x300xf32>
    %add3A_1232 = arith.addf %mul3A_1227, %add3A_1231 : vector<50x300xf32>
    %mul3A_1233 = arith.constant 1.000000e+00 : f32
    %mul3A_1234 = vector.broadcast %mul3A_1233 : f32 to vector<50x300xf32>
    %mul3A_1235 = arith.mulf %mul3A_1234, %add3A_1232 : vector<50x300xf32>
    %div3A_1236 = vector.broadcast %add3A_10 : f32 to vector<50x300xf32>
    %div3A_1237 = arith.divf %mul3A_1235, %div3A_1236 : vector<50x300xf32>
    %mul3A_1238 = arith.constant 5.000000e+00 : f32
    %mul3A_1239 = vector.broadcast %mul3A_1238 : f32 to vector<50x300xf32>
    %mul3A_1240 = arith.mulf %mul3A_1239, %add3A_1142 : vector<50x300xf32>
    %sub3A_1241 = arith.constant 1.000000e+00 : f32
    %sub3A_1242 = vector.broadcast %sub3A_1241 : f32 to vector<50x300xf32>
    %sub3A_1243 = arith.subf %sub3A_1242, %sub3A_1198 : vector<50x300xf32>
    %mul3A_1244 = arith.constant 2.000000e+00 : f32
    %mul3A_1245 = vector.broadcast %mul3A_1244 : f32 to vector<50x300xf32>
    %mul3A_1246 = arith.mulf %mul3A_1245, %sub3A_1243 : vector<50x300xf32>
    %add3A_1247 = arith.addf %mul3A_1240, %mul3A_1246 : vector<50x300xf32>
    %mul3A_1248 = vector.broadcast %convert_element_type3A_1222 : vector<50x1xf32> to vector<50x300xf32>
    %mul3A_1249 = arith.mulf %mul3A_1248, %add3A_1247 : vector<50x300xf32>
    %div3A_1250 = vector.broadcast %max3A_11 : f32 to vector<50x300xf32>
    %div3A_1251 = arith.divf %mul3A_1249, %div3A_1250 : vector<50x300xf32>
    %add3A_1252 = arith.addf %div3A_1237, %div3A_1251 : vector<50x300xf32>
    %reduce_sum3A_1253 = vector.shape_cast %sub3A_1106 : vector<1x300xf32> to vector<1x1x300xf32>
    %reduce_sum3A_1254 = arith.constant dense<0.000000e+00> : vector<1xf32>
    %reduce_sum3A_1255 = vector.multi_reduction <add>, %reduce_sum3A_1253, %reduce_sum3A_1254 [1, 2] : vector<1x1x300xf32> to vector<1xf32>
    %reduce_sum3A_1256 = vector.shape_cast %reduce_sum3A_1255 : vector<1xf32> to vector<1x1x1xf32>
    %reduce_sum3A_1257 = vector.extract %reduce_sum3A_1256[0, 0, 0] : f32 from vector<1x1x1xf32>
    %neg3A_1258 = arith.constant 0.000000e+00 : f32
    %neg3A_1259 = arith.subf %neg3A_1258, %reduce_sum3A_1257 : f32
    %mul3A_1260 = arith.constant 1.000000e-01 : f32
    %mul3A_1261 = arith.mulf %mul3A_1260, %neg3A_1259 : f32
    %div3A_1262 = arith.divf %mul3A_1261, %add3A_10 : f32
    %jit3A_1263 = arith.constant 0.000000e+00 : f32
    %broadcast_in_dim3A_1264 = vector.broadcast %div3A_1262 : f32 to vector<50x300xf32>
    %broadcast_in_dim3A_1265 = vector.broadcast %jit3A_1263 : f32 to vector<50x300xf32>
    %select_n3A_1266 = arith.select %eq3A_14, %broadcast_in_dim3A_1264, %broadcast_in_dim3A_1265 : vector<50x300xi1>, vector<50x300xf32>
    %add3A_1267 = arith.addf %add3A_1252, %select_n3A_1266 : vector<50x300xf32>
    %swap3A_1268 = arith.constant 5 : index
    %swap3A_1269 = arith.constant 0 : index
    %swap3A_1270 = arith.constant 0 : index
    %swap3A_1271 = vector.load %arg6[%swap3A_1268, %swap3A_1269, %swap3A_1270] : memref<8x56x384xf32, #tpu.memory_space<vmem>>, vector<1x50x300xf32>
    %swap3A_1272 = vector.shape_cast %swap3A_1271 : vector<1x50x300xf32> to vector<50x300xf32>
    %swap3A_1273 = vector.shape_cast %sub3A_1209 : vector<50x300xf32> to vector<1x50x300xf32>
    tpu.vector_store %arg6[%swap3A_1268, %swap3A_1269, %swap3A_1270], %swap3A_1273 {strides = array<i32>} : memref<8x56x384xf32, #tpu.memory_space<vmem>>, vector<1x50x300xf32>,
    %swap3A_1274 = arith.constant 5 : index
    %swap3A_1275 = arith.constant 0 : index
    %swap3A_1276 = arith.constant 300 : index
    %swap3A_1277 = vector.load %arg6[%swap3A_1274, %swap3A_1275, %swap3A_1276] : memref<8x56x384xf32, #tpu.memory_space<vmem>>, vector<1x50x84xf32>
    %swap3A_1278 = vector.shape_cast %swap3A_1277 : vector<1x50x84xf32> to vector<50x84xf32>
    %swap3A_1279 = vector.shape_cast %broadcast_in_dim3A_12 : vector<50x84xf32> to vector<1x50x84xf32>
    tpu.vector_store %arg6[%swap3A_1274, %swap3A_1275, %swap3A_1276], %swap3A_1279 {strides = array<i32>} : memref<8x56x384xf32, #tpu.memory_space<vmem>>, vector<1x50x84xf32>,
    %swap3A_1280 = arith.constant 5 : index
    %swap3A_1281 = arith.constant 0 : index
    %swap3A_1282 = arith.constant 0 : index
    %swap3A_1283 = vector.load %arg7[%swap3A_1280, %swap3A_1281, %swap3A_1282] : memref<8x56x384xf32, #tpu.memory_space<vmem>>, vector<1x50x300xf32>
    %swap3A_1284 = vector.shape_cast %swap3A_1283 : vector<1x50x300xf32> to vector<50x300xf32>
    %swap3A_1285 = vector.shape_cast %add3A_1267 : vector<50x300xf32> to vector<1x50x300xf32>
    tpu.vector_store %arg7[%swap3A_1280, %swap3A_1281, %swap3A_1282], %swap3A_1285 {strides = array<i32>} : memref<8x56x384xf32, #tpu.memory_space<vmem>>, vector<1x50x300xf32>,
    %get3A_1286 = arith.constant 6 : index
    %get3A_1287 = arith.constant 0 : index
    %get3A_1288 = arith.constant 0 : index
    %get3A_1289 = vector.load %arg1[%get3A_1286, %get3A_1287, %get3A_1288] : memref<8x300x92xf32, #tpu.memory_space<vmem>>, vector<1x300x92xf32>
    %get3A_1290 = vector.shape_cast %get3A_1289 : vector<1x300x92xf32> to vector<300x92xf32>
    %get3A_1291 = arith.constant 6 : index
    %get3A_1292 = arith.constant 0 : index
    %get3A_1293 = arith.constant 0 : index
    %get3A_1294 = vector.load %arg2[%get3A_1291, %get3A_1292, %get3A_1293] : memref<8x300x4xf32, #tpu.memory_space<vmem>>, vector<1x300x4xf32>
    %get3A_1295 = vector.shape_cast %get3A_1294 : vector<1x300x4xf32> to vector<300x4xf32>
    %transpose3A_1296 = tpu.transpose %get3A_1295, [1, 0] : vector<300x4xf32> -> vector<4x300xf32>
    %get3A_1297 = arith.constant 6 : index
    %get3A_1298 = arith.constant 0 : index
    %get3A_1299 = arith.constant 0 : index
    %get3A_1300 = vector.load %arg3[%get3A_1297, %get3A_1298, %get3A_1299] : memref<8x50x4xf32, #tpu.memory_space<vmem>>, vector<1x50x4xf32>
    %get3A_1301 = vector.shape_cast %get3A_1300 : vector<1x50x4xf32> to vector<50x4xf32>
    %get3A_1302 = arith.constant 6 : index
    %get3A_1303 = arith.constant 0 : index
    %get3A_1304 = arith.constant 0 : index
    %get3A_1305 = vector.load %arg4[%get3A_1302, %get3A_1303, %get3A_1304] : memref<8x50x1xi32, #tpu.memory_space<vmem>>, vector<1x50x1xi32>
    %get3A_1306 = vector.shape_cast %get3A_1305 : vector<1x50x1xi32> to vector<50x1xi32>
    %transpose3A_1307 = tpu.transpose %get3A_1290, [1, 0] : vector<300x92xf32> -> vector<92x300xf32>
    %reduce_max3A_1308 = arith.constant dense<0xFF800000> : vector<300xf32>
    %reduce_max3A_1309 = vector.multi_reduction <maximumf>, %transpose3A_1307, %reduce_max3A_1308 [0] : vector<92x300xf32> to vector<300xf32>
    %broadcast_in_dim3A_1310 = vector.shape_cast %reduce_max3A_1309 : vector<300xf32> to vector<1x300xf32>
    %sub3A_1311 = vector.broadcast %broadcast_in_dim3A_1310 : vector<1x300xf32> to vector<92x300xf32>
    %sub3A_1312 = arith.subf %transpose3A_1307, %sub3A_1311 : vector<92x300xf32>
    %exp3A_1313 = math.exp %sub3A_1312 : vector<92x300xf32>
    %reduce_sum3A_1314 = arith.constant dense<0.000000e+00> : vector<300xf32>
    %reduce_sum3A_1315 = vector.multi_reduction <add>, %exp3A_1313, %reduce_sum3A_1314 [0] : vector<92x300xf32> to vector<300xf32>
    %broadcast_in_dim3A_1316 = vector.shape_cast %reduce_sum3A_1315 : vector<300xf32> to vector<1x300xf32>
    %log3A_1317 = math.log %broadcast_in_dim3A_1316 : vector<1x300xf32>
    %add3A_1318 = arith.addf %log3A_1317, %broadcast_in_dim3A_1310 : vector<1x300xf32>
    %slice3A_1319 = vector.extract_strided_slice %transpose3A_1307 {offsets = [0, 0], sizes = [1, 300], strides = [1, 1]} : vector<92x300xf32> to vector<1x300xf32>
    %sub3A_1320 = arith.subf %slice3A_1319, %add3A_1318 : vector<1x300xf32>
    %eq3A_1321 = vector.broadcast %get3A_1306 : vector<50x1xi32> to vector<50x92xi32>
    %eq3A_1322 = arith.cmpi eq, %iota3A_15, %eq3A_1321 : vector<50x92xi32>
    %convert_element_type3A_1323 = arith.extui %eq3A_1322 : vector<50x92xi1> to vector<50x92xi32>
    %convert_element_type3A_1324 = arith.sitofp %convert_element_type3A_1323 : vector<50x92xi32> to vector<50x92xf32>
    %dot_general3A_1325 = arith.constant dense<0.000000e+00> : vector<50x300xf32>
    %dot_general3A_1326 = tpu.matmul %convert_element_type3A_1324, %transpose3A_1307, %dot_general3A_1325 {dimension_numbers = #tpu.dot_dimension_numbers<[1], [0], [0], [1], [0, 0, 1, 1], [], []>, transpose_lhs_hint = false} : vector<50x92xf32>, vector<92x300xf32>, vector<50x300xf32> -> vector<50x300xf32>
    %sub3A_1327 = vector.broadcast %add3A_1318 : vector<1x300xf32> to vector<50x300xf32>
    %sub3A_1328 = arith.subf %dot_general3A_1326, %sub3A_1327 : vector<50x300xf32>
    %exp3A_1329 = math.exp %sub3A_1328 : vector<50x300xf32>
    %slice3A_1330 = vector.extract_strided_slice %transpose3A_1296 {offsets = [0, 0], sizes = [1, 300], strides = [1, 1]} : vector<4x300xf32> to vector<1x300xf32>
    %slice3A_1331 = vector.extract_strided_slice %transpose3A_1296 {offsets = [1, 0], sizes = [1, 300], strides = [1, 1]} : vector<4x300xf32> to vector<1x300xf32>
    %slice3A_1332 = vector.extract_strided_slice %transpose3A_1296 {offsets = [2, 0], sizes = [1, 300], strides = [1, 1]} : vector<4x300xf32> to vector<1x300xf32>
    %slice3A_1333 = vector.extract_strided_slice %transpose3A_1296 {offsets = [3, 0], sizes = [1, 300], strides = [1, 1]} : vector<4x300xf32> to vector<1x300xf32>
    %slice3A_1334 = vector.extract_strided_slice %get3A_1301 {offsets = [0, 0], sizes = [50, 1], strides = [1, 1]} : vector<50x4xf32> to vector<50x1xf32>
    %slice3A_1335 = vector.extract_strided_slice %get3A_1301 {offsets = [0, 1], sizes = [50, 1], strides = [1, 1]} : vector<50x4xf32> to vector<50x1xf32>
    %slice3A_1336 = vector.extract_strided_slice %get3A_1301 {offsets = [0, 2], sizes = [50, 1], strides = [1, 1]} : vector<50x4xf32> to vector<50x1xf32>
    %slice3A_1337 = vector.extract_strided_slice %get3A_1301 {offsets = [0, 3], sizes = [50, 1], strides = [1, 1]} : vector<50x4xf32> to vector<50x1xf32>
    %sub3A_1338 = vector.broadcast %slice3A_1330 : vector<1x300xf32> to vector<50x300xf32>
    %sub3A_1339 = vector.broadcast %slice3A_1334 : vector<50x1xf32> to vector<50x300xf32>
    %sub3A_1340 = arith.subf %sub3A_1338, %sub3A_1339 : vector<50x300xf32>
    %abs3A_1341 = math.absf %sub3A_1340 : vector<50x300xf32>
    %sub3A_1342 = vector.broadcast %slice3A_1331 : vector<1x300xf32> to vector<50x300xf32>
    %sub3A_1343 = vector.broadcast %slice3A_1335 : vector<50x1xf32> to vector<50x300xf32>
    %sub3A_1344 = arith.subf %sub3A_1342, %sub3A_1343 : vector<50x300xf32>
    %abs3A_1345 = math.absf %sub3A_1344 : vector<50x300xf32>
    %add3A_1346 = arith.addf %abs3A_1341, %abs3A_1345 : vector<50x300xf32>
    %sub3A_1347 = vector.broadcast %slice3A_1332 : vector<1x300xf32> to vector<50x300xf32>
    %sub3A_1348 = vector.broadcast %slice3A_1336 : vector<50x1xf32> to vector<50x300xf32>
    %sub3A_1349 = arith.subf %sub3A_1347, %sub3A_1348 : vector<50x300xf32>
    %abs3A_1350 = math.absf %sub3A_1349 : vector<50x300xf32>
    %add3A_1351 = arith.addf %add3A_1346, %abs3A_1350 : vector<50x300xf32>
    %sub3A_1352 = vector.broadcast %slice3A_1333 : vector<1x300xf32> to vector<50x300xf32>
    %sub3A_1353 = vector.broadcast %slice3A_1337 : vector<50x1xf32> to vector<50x300xf32>
    %sub3A_1354 = arith.subf %sub3A_1352, %sub3A_1353 : vector<50x300xf32>
    %abs3A_1355 = math.absf %sub3A_1354 : vector<50x300xf32>
    %add3A_1356 = arith.addf %add3A_1351, %abs3A_1355 : vector<50x300xf32>
    %max3A_1357 = vector.broadcast %slice3A_1330 : vector<1x300xf32> to vector<50x300xf32>
    %max3A_1358 = vector.broadcast %slice3A_1334 : vector<50x1xf32> to vector<50x300xf32>
    %max3A_1359 = arith.maximumf %max3A_1357, %max3A_1358 : vector<50x300xf32>
    %max3A_1360 = vector.broadcast %slice3A_1331 : vector<1x300xf32> to vector<50x300xf32>
    %max3A_1361 = vector.broadcast %slice3A_1335 : vector<50x1xf32> to vector<50x300xf32>
    %max3A_1362 = arith.maximumf %max3A_1360, %max3A_1361 : vector<50x300xf32>
    %min3A_1363 = vector.broadcast %slice3A_1332 : vector<1x300xf32> to vector<50x300xf32>
    %min3A_1364 = vector.broadcast %slice3A_1336 : vector<50x1xf32> to vector<50x300xf32>
    %min3A_1365 = arith.minimumf %min3A_1363, %min3A_1364 : vector<50x300xf32>
    %min3A_1366 = vector.broadcast %slice3A_1333 : vector<1x300xf32> to vector<50x300xf32>
    %min3A_1367 = vector.broadcast %slice3A_1337 : vector<50x1xf32> to vector<50x300xf32>
    %min3A_1368 = arith.minimumf %min3A_1366, %min3A_1367 : vector<50x300xf32>
    %sub3A_1369 = arith.subf %min3A_1365, %max3A_1359 : vector<50x300xf32>
    %max3A_1370 = arith.constant 0.000000e+00 : f32
    %max3A_1371 = vector.broadcast %max3A_1370 : f32 to vector<50x300xf32>
    %max3A_1372 = arith.maximumf %sub3A_1369, %max3A_1371 : vector<50x300xf32>
    %sub3A_1373 = arith.subf %min3A_1368, %max3A_1362 : vector<50x300xf32>
    %max3A_1374 = arith.constant 0.000000e+00 : f32
    %max3A_1375 = vector.broadcast %max3A_1374 : f32 to vector<50x300xf32>
    %max3A_1376 = arith.maximumf %sub3A_1373, %max3A_1375 : vector<50x300xf32>
    %mul3A_1377 = arith.mulf %max3A_1372, %max3A_1376 : vector<50x300xf32>
    %sub3A_1378 = arith.subf %slice3A_1332, %slice3A_1330 : vector<1x300xf32>
    %sub3A_1379 = arith.subf %slice3A_1333, %slice3A_1331 : vector<1x300xf32>
    %mul3A_1380 = arith.mulf %sub3A_1378, %sub3A_1379 : vector<1x300xf32>
    %sub3A_1381 = arith.subf %slice3A_1336, %slice3A_1334 : vector<50x1xf32>
    %sub3A_1382 = arith.subf %slice3A_1337, %slice3A_1335 : vector<50x1xf32>
    %mul3A_1383 = arith.mulf %sub3A_1381, %sub3A_1382 : vector<50x1xf32>
    %add3A_1384 = vector.broadcast %mul3A_1380 : vector<1x300xf32> to vector<50x300xf32>
    %add3A_1385 = vector.broadcast %mul3A_1383 : vector<50x1xf32> to vector<50x300xf32>
    %add3A_1386 = arith.addf %add3A_1384, %add3A_1385 : vector<50x300xf32>
    %sub3A_1387 = arith.subf %add3A_1386, %mul3A_1377 : vector<50x300xf32>
    %add3A_1388 = arith.constant 1.000000e-07 : f32
    %add3A_1389 = vector.broadcast %add3A_1388 : f32 to vector<50x300xf32>
    %add3A_1390 = arith.addf %sub3A_1387, %add3A_1389 : vector<50x300xf32>
    %div3A_1391 = arith.divf %mul3A_1377, %add3A_1390 : vector<50x300xf32>
    %min3A_1392 = vector.broadcast %slice3A_1330 : vector<1x300xf32> to vector<50x300xf32>
    %min3A_1393 = vector.broadcast %slice3A_1334 : vector<50x1xf32> to vector<50x300xf32>
    %min3A_1394 = arith.minimumf %min3A_1392, %min3A_1393 : vector<50x300xf32>
    %min3A_1395 = vector.broadcast %slice3A_1331 : vector<1x300xf32> to vector<50x300xf32>
    %min3A_1396 = vector.broadcast %slice3A_1335 : vector<50x1xf32> to vector<50x300xf32>
    %min3A_1397 = arith.minimumf %min3A_1395, %min3A_1396 : vector<50x300xf32>
    %max3A_1398 = vector.broadcast %slice3A_1332 : vector<1x300xf32> to vector<50x300xf32>
    %max3A_1399 = vector.broadcast %slice3A_1336 : vector<50x1xf32> to vector<50x300xf32>
    %max3A_1400 = arith.maximumf %max3A_1398, %max3A_1399 : vector<50x300xf32>
    %max3A_1401 = vector.broadcast %slice3A_1333 : vector<1x300xf32> to vector<50x300xf32>
    %max3A_1402 = vector.broadcast %slice3A_1337 : vector<50x1xf32> to vector<50x300xf32>
    %max3A_1403 = arith.maximumf %max3A_1401, %max3A_1402 : vector<50x300xf32>
    %sub3A_1404 = arith.subf %max3A_1400, %min3A_1394 : vector<50x300xf32>
    %sub3A_1405 = arith.subf %max3A_1403, %min3A_1397 : vector<50x300xf32>
    %mul3A_1406 = arith.mulf %sub3A_1404, %sub3A_1405 : vector<50x300xf32>
    %sub3A_1407 = arith.subf %mul3A_1406, %sub3A_1387 : vector<50x300xf32>
    %add3A_1408 = arith.constant 1.000000e-07 : f32
    %add3A_1409 = vector.broadcast %add3A_1408 : f32 to vector<50x300xf32>
    %add3A_1410 = arith.addf %mul3A_1406, %add3A_1409 : vector<50x300xf32>
    %div3A_1411 = arith.divf %sub3A_1407, %add3A_1410 : vector<50x300xf32>
    %sub3A_1412 = arith.subf %div3A_1391, %div3A_1411 : vector<50x300xf32>
    %mul3A_1413 = arith.constant -1.000000e+00 : f32
    %mul3A_1414 = vector.broadcast %mul3A_1413 : f32 to vector<50x300xf32>
    %mul3A_1415 = arith.mulf %mul3A_1414, %exp3A_1329 : vector<50x300xf32>
    %mul3A_1416 = arith.constant 5.000000e+00 : f32
    %mul3A_1417 = vector.broadcast %mul3A_1416 : f32 to vector<50x300xf32>
    %mul3A_1418 = arith.mulf %mul3A_1417, %add3A_1356 : vector<50x300xf32>
    %add3A_1419 = arith.addf %mul3A_1415, %mul3A_1418 : vector<50x300xf32>
    %mul3A_1420 = arith.constant 2.000000e+00 : f32
    %mul3A_1421 = vector.broadcast %mul3A_1420 : f32 to vector<50x300xf32>
    %mul3A_1422 = arith.mulf %mul3A_1421, %sub3A_1412 : vector<50x300xf32>
    %sub3A_1423 = arith.subf %add3A_1419, %mul3A_1422 : vector<50x300xf32>
    %eq3A_1424 = arith.constant 0 : i32
    %eq3A_1425 = vector.broadcast %eq3A_1424 : i32 to vector<50x1xi32>
    %eq3A_1426 = arith.cmpi eq, %get3A_1306, %eq3A_1425 : vector<50x1xi32>
    %jit3A_1427 = arith.constant 1.000000e-01 : f32
    %jit3A_1428 = arith.constant 1.000000e+00 : f32
    %broadcast_in_dim3A_1429 = vector.broadcast %jit3A_1427 : f32 to vector<50x1xf32>
    %broadcast_in_dim3A_1430 = vector.broadcast %jit3A_1428 : f32 to vector<50x1xf32>
    %select_n3A_1431 = arith.select %eq3A_1426, %broadcast_in_dim3A_1429, %broadcast_in_dim3A_1430 : vector<50x1xi1>, vector<50x1xf32>
    %ne3A_1432 = arith.constant 0 : i32
    %ne3A_1433 = vector.broadcast %ne3A_1432 : i32 to vector<50x1xi32>
    %ne3A_1434 = arith.cmpi ne, %get3A_1306, %ne3A_1433 : vector<50x1xi32>
    %convert_element_type3A_1435 = arith.extui %ne3A_1434 : vector<50x1xi1> to vector<50x1xi32>
    %convert_element_type3A_1436 = arith.sitofp %convert_element_type3A_1435 : vector<50x1xi32> to vector<50x1xf32>
    %neg3A_1437 = arith.constant 0.000000e+00 : f32
    %neg3A_1438 = vector.broadcast %neg3A_1437 : f32 to vector<50x300xf32>
    %neg3A_1439 = arith.subf %neg3A_1438, %sub3A_1328 : vector<50x300xf32>
    %mul3A_1440 = vector.broadcast %select_n3A_1431 : vector<50x1xf32> to vector<50x300xf32>
    %mul3A_1441 = arith.mulf %mul3A_1440, %neg3A_1439 : vector<50x300xf32>
    %mul3A_1442 = arith.constant 1.000000e-01 : f32
    %mul3A_1443 = vector.broadcast %mul3A_1442 : f32 to vector<1x300xf32>
    %mul3A_1444 = arith.mulf %mul3A_1443, %sub3A_1320 : vector<1x300xf32>
    %add3A_1445 = vector.broadcast %mul3A_1444 : vector<1x300xf32> to vector<50x300xf32>
    %add3A_1446 = arith.addf %mul3A_1441, %add3A_1445 : vector<50x300xf32>
    %mul3A_1447 = arith.constant 1.000000e+00 : f32
    %mul3A_1448 = vector.broadcast %mul3A_1447 : f32 to vector<50x300xf32>
    %mul3A_1449 = arith.mulf %mul3A_1448, %add3A_1446 : vector<50x300xf32>
    %div3A_1450 = vector.broadcast %add3A_10 : f32 to vector<50x300xf32>
    %div3A_1451 = arith.divf %mul3A_1449, %div3A_1450 : vector<50x300xf32>
    %mul3A_1452 = arith.constant 5.000000e+00 : f32
    %mul3A_1453 = vector.broadcast %mul3A_1452 : f32 to vector<50x300xf32>
    %mul3A_1454 = arith.mulf %mul3A_1453, %add3A_1356 : vector<50x300xf32>
    %sub3A_1455 = arith.constant 1.000000e+00 : f32
    %sub3A_1456 = vector.broadcast %sub3A_1455 : f32 to vector<50x300xf32>
    %sub3A_1457 = arith.subf %sub3A_1456, %sub3A_1412 : vector<50x300xf32>
    %mul3A_1458 = arith.constant 2.000000e+00 : f32
    %mul3A_1459 = vector.broadcast %mul3A_1458 : f32 to vector<50x300xf32>
    %mul3A_1460 = arith.mulf %mul3A_1459, %sub3A_1457 : vector<50x300xf32>
    %add3A_1461 = arith.addf %mul3A_1454, %mul3A_1460 : vector<50x300xf32>
    %mul3A_1462 = vector.broadcast %convert_element_type3A_1436 : vector<50x1xf32> to vector<50x300xf32>
    %mul3A_1463 = arith.mulf %mul3A_1462, %add3A_1461 : vector<50x300xf32>
    %div3A_1464 = vector.broadcast %max3A_11 : f32 to vector<50x300xf32>
    %div3A_1465 = arith.divf %mul3A_1463, %div3A_1464 : vector<50x300xf32>
    %add3A_1466 = arith.addf %div3A_1451, %div3A_1465 : vector<50x300xf32>
    %reduce_sum3A_1467 = vector.shape_cast %sub3A_1320 : vector<1x300xf32> to vector<1x1x300xf32>
    %reduce_sum3A_1468 = arith.constant dense<0.000000e+00> : vector<1xf32>
    %reduce_sum3A_1469 = vector.multi_reduction <add>, %reduce_sum3A_1467, %reduce_sum3A_1468 [1, 2] : vector<1x1x300xf32> to vector<1xf32>
    %reduce_sum3A_1470 = vector.shape_cast %reduce_sum3A_1469 : vector<1xf32> to vector<1x1x1xf32>
    %reduce_sum3A_1471 = vector.extract %reduce_sum3A_1470[0, 0, 0] : f32 from vector<1x1x1xf32>
    %neg3A_1472 = arith.constant 0.000000e+00 : f32
    %neg3A_1473 = arith.subf %neg3A_1472, %reduce_sum3A_1471 : f32
    %mul3A_1474 = arith.constant 1.000000e-01 : f32
    %mul3A_1475 = arith.mulf %mul3A_1474, %neg3A_1473 : f32
    %div3A_1476 = arith.divf %mul3A_1475, %add3A_10 : f32
    %jit3A_1477 = arith.constant 0.000000e+00 : f32
    %broadcast_in_dim3A_1478 = vector.broadcast %div3A_1476 : f32 to vector<50x300xf32>
    %broadcast_in_dim3A_1479 = vector.broadcast %jit3A_1477 : f32 to vector<50x300xf32>
    %select_n3A_1480 = arith.select %eq3A_14, %broadcast_in_dim3A_1478, %broadcast_in_dim3A_1479 : vector<50x300xi1>, vector<50x300xf32>
    %add3A_1481 = arith.addf %add3A_1466, %select_n3A_1480 : vector<50x300xf32>
    %swap3A_1482 = arith.constant 6 : index
    %swap3A_1483 = arith.constant 0 : index
    %swap3A_1484 = arith.constant 0 : index
    %swap3A_1485 = vector.load %arg6[%swap3A_1482, %swap3A_1483, %swap3A_1484] : memref<8x56x384xf32, #tpu.memory_space<vmem>>, vector<1x50x300xf32>
    %swap3A_1486 = vector.shape_cast %swap3A_1485 : vector<1x50x300xf32> to vector<50x300xf32>
    %swap3A_1487 = vector.shape_cast %sub3A_1423 : vector<50x300xf32> to vector<1x50x300xf32>
    tpu.vector_store %arg6[%swap3A_1482, %swap3A_1483, %swap3A_1484], %swap3A_1487 {strides = array<i32>} : memref<8x56x384xf32, #tpu.memory_space<vmem>>, vector<1x50x300xf32>,
    %swap3A_1488 = arith.constant 6 : index
    %swap3A_1489 = arith.constant 0 : index
    %swap3A_1490 = arith.constant 300 : index
    %swap3A_1491 = vector.load %arg6[%swap3A_1488, %swap3A_1489, %swap3A_1490] : memref<8x56x384xf32, #tpu.memory_space<vmem>>, vector<1x50x84xf32>
    %swap3A_1492 = vector.shape_cast %swap3A_1491 : vector<1x50x84xf32> to vector<50x84xf32>
    %swap3A_1493 = vector.shape_cast %broadcast_in_dim3A_12 : vector<50x84xf32> to vector<1x50x84xf32>
    tpu.vector_store %arg6[%swap3A_1488, %swap3A_1489, %swap3A_1490], %swap3A_1493 {strides = array<i32>} : memref<8x56x384xf32, #tpu.memory_space<vmem>>, vector<1x50x84xf32>,
    %swap3A_1494 = arith.constant 6 : index
    %swap3A_1495 = arith.constant 0 : index
    %swap3A_1496 = arith.constant 0 : index
    %swap3A_1497 = vector.load %arg7[%swap3A_1494, %swap3A_1495, %swap3A_1496] : memref<8x56x384xf32, #tpu.memory_space<vmem>>, vector<1x50x300xf32>
    %swap3A_1498 = vector.shape_cast %swap3A_1497 : vector<1x50x300xf32> to vector<50x300xf32>
    %swap3A_1499 = vector.shape_cast %add3A_1481 : vector<50x300xf32> to vector<1x50x300xf32>
    tpu.vector_store %arg7[%swap3A_1494, %swap3A_1495, %swap3A_1496], %swap3A_1499 {strides = array<i32>} : memref<8x56x384xf32, #tpu.memory_space<vmem>>, vector<1x50x300xf32>,
    %get3A_1500 = arith.constant 7 : index
    %get3A_1501 = arith.constant 0 : index
    %get3A_1502 = arith.constant 0 : index
    %get3A_1503 = vector.load %arg1[%get3A_1500, %get3A_1501, %get3A_1502] : memref<8x300x92xf32, #tpu.memory_space<vmem>>, vector<1x300x92xf32>
    %get3A_1504 = vector.shape_cast %get3A_1503 : vector<1x300x92xf32> to vector<300x92xf32>
    %get3A_1505 = arith.constant 7 : index
    %get3A_1506 = arith.constant 0 : index
    %get3A_1507 = arith.constant 0 : index
    %get3A_1508 = vector.load %arg2[%get3A_1505, %get3A_1506, %get3A_1507] : memref<8x300x4xf32, #tpu.memory_space<vmem>>, vector<1x300x4xf32>
    %get3A_1509 = vector.shape_cast %get3A_1508 : vector<1x300x4xf32> to vector<300x4xf32>
    %transpose3A_1510 = tpu.transpose %get3A_1509, [1, 0] : vector<300x4xf32> -> vector<4x300xf32>
    %get3A_1511 = arith.constant 7 : index
    %get3A_1512 = arith.constant 0 : index
    %get3A_1513 = arith.constant 0 : index
    %get3A_1514 = vector.load %arg3[%get3A_1511, %get3A_1512, %get3A_1513] : memref<8x50x4xf32, #tpu.memory_space<vmem>>, vector<1x50x4xf32>
    %get3A_1515 = vector.shape_cast %get3A_1514 : vector<1x50x4xf32> to vector<50x4xf32>
    %get3A_1516 = arith.constant 7 : index
    %get3A_1517 = arith.constant 0 : index
    %get3A_1518 = arith.constant 0 : index
    %get3A_1519 = vector.load %arg4[%get3A_1516, %get3A_1517, %get3A_1518] : memref<8x50x1xi32, #tpu.memory_space<vmem>>, vector<1x50x1xi32>
    %get3A_1520 = vector.shape_cast %get3A_1519 : vector<1x50x1xi32> to vector<50x1xi32>
    %transpose3A_1521 = tpu.transpose %get3A_1504, [1, 0] : vector<300x92xf32> -> vector<92x300xf32>
    %reduce_max3A_1522 = arith.constant dense<0xFF800000> : vector<300xf32>
    %reduce_max3A_1523 = vector.multi_reduction <maximumf>, %transpose3A_1521, %reduce_max3A_1522 [0] : vector<92x300xf32> to vector<300xf32>
    %broadcast_in_dim3A_1524 = vector.shape_cast %reduce_max3A_1523 : vector<300xf32> to vector<1x300xf32>
    %sub3A_1525 = vector.broadcast %broadcast_in_dim3A_1524 : vector<1x300xf32> to vector<92x300xf32>
    %sub3A_1526 = arith.subf %transpose3A_1521, %sub3A_1525 : vector<92x300xf32>
    %exp3A_1527 = math.exp %sub3A_1526 : vector<92x300xf32>
    %reduce_sum3A_1528 = arith.constant dense<0.000000e+00> : vector<300xf32>
    %reduce_sum3A_1529 = vector.multi_reduction <add>, %exp3A_1527, %reduce_sum3A_1528 [0] : vector<92x300xf32> to vector<300xf32>
    %broadcast_in_dim3A_1530 = vector.shape_cast %reduce_sum3A_1529 : vector<300xf32> to vector<1x300xf32>
    %log3A_1531 = math.log %broadcast_in_dim3A_1530 : vector<1x300xf32>
    %add3A_1532 = arith.addf %log3A_1531, %broadcast_in_dim3A_1524 : vector<1x300xf32>
    %slice3A_1533 = vector.extract_strided_slice %transpose3A_1521 {offsets = [0, 0], sizes = [1, 300], strides = [1, 1]} : vector<92x300xf32> to vector<1x300xf32>
    %sub3A_1534 = arith.subf %slice3A_1533, %add3A_1532 : vector<1x300xf32>
    %eq3A_1535 = vector.broadcast %get3A_1520 : vector<50x1xi32> to vector<50x92xi32>
    %eq3A_1536 = arith.cmpi eq, %iota3A_15, %eq3A_1535 : vector<50x92xi32>
    %convert_element_type3A_1537 = arith.extui %eq3A_1536 : vector<50x92xi1> to vector<50x92xi32>
    %convert_element_type3A_1538 = arith.sitofp %convert_element_type3A_1537 : vector<50x92xi32> to vector<50x92xf32>
    %dot_general3A_1539 = arith.constant dense<0.000000e+00> : vector<50x300xf32>
    %dot_general3A_1540 = tpu.matmul %convert_element_type3A_1538, %transpose3A_1521, %dot_general3A_1539 {dimension_numbers = #tpu.dot_dimension_numbers<[1], [0], [0], [1], [0, 0, 1, 1], [], []>, transpose_lhs_hint = false} : vector<50x92xf32>, vector<92x300xf32>, vector<50x300xf32> -> vector<50x300xf32>
    %sub3A_1541 = vector.broadcast %add3A_1532 : vector<1x300xf32> to vector<50x300xf32>
    %sub3A_1542 = arith.subf %dot_general3A_1540, %sub3A_1541 : vector<50x300xf32>
    %exp3A_1543 = math.exp %sub3A_1542 : vector<50x300xf32>
    %slice3A_1544 = vector.extract_strided_slice %transpose3A_1510 {offsets = [0, 0], sizes = [1, 300], strides = [1, 1]} : vector<4x300xf32> to vector<1x300xf32>
    %slice3A_1545 = vector.extract_strided_slice %transpose3A_1510 {offsets = [1, 0], sizes = [1, 300], strides = [1, 1]} : vector<4x300xf32> to vector<1x300xf32>
    %slice3A_1546 = vector.extract_strided_slice %transpose3A_1510 {offsets = [2, 0], sizes = [1, 300], strides = [1, 1]} : vector<4x300xf32> to vector<1x300xf32>
    %slice3A_1547 = vector.extract_strided_slice %transpose3A_1510 {offsets = [3, 0], sizes = [1, 300], strides = [1, 1]} : vector<4x300xf32> to vector<1x300xf32>
    %slice3A_1548 = vector.extract_strided_slice %get3A_1515 {offsets = [0, 0], sizes = [50, 1], strides = [1, 1]} : vector<50x4xf32> to vector<50x1xf32>
    %slice3A_1549 = vector.extract_strided_slice %get3A_1515 {offsets = [0, 1], sizes = [50, 1], strides = [1, 1]} : vector<50x4xf32> to vector<50x1xf32>
    %slice3A_1550 = vector.extract_strided_slice %get3A_1515 {offsets = [0, 2], sizes = [50, 1], strides = [1, 1]} : vector<50x4xf32> to vector<50x1xf32>
    %slice3A_1551 = vector.extract_strided_slice %get3A_1515 {offsets = [0, 3], sizes = [50, 1], strides = [1, 1]} : vector<50x4xf32> to vector<50x1xf32>
    %sub3A_1552 = vector.broadcast %slice3A_1544 : vector<1x300xf32> to vector<50x300xf32>
    %sub3A_1553 = vector.broadcast %slice3A_1548 : vector<50x1xf32> to vector<50x300xf32>
    %sub3A_1554 = arith.subf %sub3A_1552, %sub3A_1553 : vector<50x300xf32>
    %abs3A_1555 = math.absf %sub3A_1554 : vector<50x300xf32>
    %sub3A_1556 = vector.broadcast %slice3A_1545 : vector<1x300xf32> to vector<50x300xf32>
    %sub3A_1557 = vector.broadcast %slice3A_1549 : vector<50x1xf32> to vector<50x300xf32>
    %sub3A_1558 = arith.subf %sub3A_1556, %sub3A_1557 : vector<50x300xf32>
    %abs3A_1559 = math.absf %sub3A_1558 : vector<50x300xf32>
    %add3A_1560 = arith.addf %abs3A_1555, %abs3A_1559 : vector<50x300xf32>
    %sub3A_1561 = vector.broadcast %slice3A_1546 : vector<1x300xf32> to vector<50x300xf32>
    %sub3A_1562 = vector.broadcast %slice3A_1550 : vector<50x1xf32> to vector<50x300xf32>
    %sub3A_1563 = arith.subf %sub3A_1561, %sub3A_1562 : vector<50x300xf32>
    %abs3A_1564 = math.absf %sub3A_1563 : vector<50x300xf32>
    %add3A_1565 = arith.addf %add3A_1560, %abs3A_1564 : vector<50x300xf32>
    %sub3A_1566 = vector.broadcast %slice3A_1547 : vector<1x300xf32> to vector<50x300xf32>
    %sub3A_1567 = vector.broadcast %slice3A_1551 : vector<50x1xf32> to vector<50x300xf32>
    %sub3A_1568 = arith.subf %sub3A_1566, %sub3A_1567 : vector<50x300xf32>
    %abs3A_1569 = math.absf %sub3A_1568 : vector<50x300xf32>
    %add3A_1570 = arith.addf %add3A_1565, %abs3A_1569 : vector<50x300xf32>
    %max3A_1571 = vector.broadcast %slice3A_1544 : vector<1x300xf32> to vector<50x300xf32>
    %max3A_1572 = vector.broadcast %slice3A_1548 : vector<50x1xf32> to vector<50x300xf32>
    %max3A_1573 = arith.maximumf %max3A_1571, %max3A_1572 : vector<50x300xf32>
    %max3A_1574 = vector.broadcast %slice3A_1545 : vector<1x300xf32> to vector<50x300xf32>
    %max3A_1575 = vector.broadcast %slice3A_1549 : vector<50x1xf32> to vector<50x300xf32>
    %max3A_1576 = arith.maximumf %max3A_1574, %max3A_1575 : vector<50x300xf32>
    %min3A_1577 = vector.broadcast %slice3A_1546 : vector<1x300xf32> to vector<50x300xf32>
    %min3A_1578 = vector.broadcast %slice3A_1550 : vector<50x1xf32> to vector<50x300xf32>
    %min3A_1579 = arith.minimumf %min3A_1577, %min3A_1578 : vector<50x300xf32>
    %min3A_1580 = vector.broadcast %slice3A_1547 : vector<1x300xf32> to vector<50x300xf32>
    %min3A_1581 = vector.broadcast %slice3A_1551 : vector<50x1xf32> to vector<50x300xf32>
    %min3A_1582 = arith.minimumf %min3A_1580, %min3A_1581 : vector<50x300xf32>
    %sub3A_1583 = arith.subf %min3A_1579, %max3A_1573 : vector<50x300xf32>
    %max3A_1584 = arith.constant 0.000000e+00 : f32
    %max3A_1585 = vector.broadcast %max3A_1584 : f32 to vector<50x300xf32>
    %max3A_1586 = arith.maximumf %sub3A_1583, %max3A_1585 : vector<50x300xf32>
    %sub3A_1587 = arith.subf %min3A_1582, %max3A_1576 : vector<50x300xf32>
    %max3A_1588 = arith.constant 0.000000e+00 : f32
    %max3A_1589 = vector.broadcast %max3A_1588 : f32 to vector<50x300xf32>
    %max3A_1590 = arith.maximumf %sub3A_1587, %max3A_1589 : vector<50x300xf32>
    %mul3A_1591 = arith.mulf %max3A_1586, %max3A_1590 : vector<50x300xf32>
    %sub3A_1592 = arith.subf %slice3A_1546, %slice3A_1544 : vector<1x300xf32>
    %sub3A_1593 = arith.subf %slice3A_1547, %slice3A_1545 : vector<1x300xf32>
    %mul3A_1594 = arith.mulf %sub3A_1592, %sub3A_1593 : vector<1x300xf32>
    %sub3A_1595 = arith.subf %slice3A_1550, %slice3A_1548 : vector<50x1xf32>
    %sub3A_1596 = arith.subf %slice3A_1551, %slice3A_1549 : vector<50x1xf32>
    %mul3A_1597 = arith.mulf %sub3A_1595, %sub3A_1596 : vector<50x1xf32>
    %add3A_1598 = vector.broadcast %mul3A_1594 : vector<1x300xf32> to vector<50x300xf32>
    %add3A_1599 = vector.broadcast %mul3A_1597 : vector<50x1xf32> to vector<50x300xf32>
    %add3A_1600 = arith.addf %add3A_1598, %add3A_1599 : vector<50x300xf32>
    %sub3A_1601 = arith.subf %add3A_1600, %mul3A_1591 : vector<50x300xf32>
    %add3A_1602 = arith.constant 1.000000e-07 : f32
    %add3A_1603 = vector.broadcast %add3A_1602 : f32 to vector<50x300xf32>
    %add3A_1604 = arith.addf %sub3A_1601, %add3A_1603 : vector<50x300xf32>
    %div3A_1605 = arith.divf %mul3A_1591, %add3A_1604 : vector<50x300xf32>
    %min3A_1606 = vector.broadcast %slice3A_1544 : vector<1x300xf32> to vector<50x300xf32>
    %min3A_1607 = vector.broadcast %slice3A_1548 : vector<50x1xf32> to vector<50x300xf32>
    %min3A_1608 = arith.minimumf %min3A_1606, %min3A_1607 : vector<50x300xf32>
    %min3A_1609 = vector.broadcast %slice3A_1545 : vector<1x300xf32> to vector<50x300xf32>
    %min3A_1610 = vector.broadcast %slice3A_1549 : vector<50x1xf32> to vector<50x300xf32>
    %min3A_1611 = arith.minimumf %min3A_1609, %min3A_1610 : vector<50x300xf32>
    %max3A_1612 = vector.broadcast %slice3A_1546 : vector<1x300xf32> to vector<50x300xf32>
    %max3A_1613 = vector.broadcast %slice3A_1550 : vector<50x1xf32> to vector<50x300xf32>
    %max3A_1614 = arith.maximumf %max3A_1612, %max3A_1613 : vector<50x300xf32>
    %max3A_1615 = vector.broadcast %slice3A_1547 : vector<1x300xf32> to vector<50x300xf32>
    %max3A_1616 = vector.broadcast %slice3A_1551 : vector<50x1xf32> to vector<50x300xf32>
    %max3A_1617 = arith.maximumf %max3A_1615, %max3A_1616 : vector<50x300xf32>
    %sub3A_1618 = arith.subf %max3A_1614, %min3A_1608 : vector<50x300xf32>
    %sub3A_1619 = arith.subf %max3A_1617, %min3A_1611 : vector<50x300xf32>
    %mul3A_1620 = arith.mulf %sub3A_1618, %sub3A_1619 : vector<50x300xf32>
    %sub3A_1621 = arith.subf %mul3A_1620, %sub3A_1601 : vector<50x300xf32>
    %add3A_1622 = arith.constant 1.000000e-07 : f32
    %add3A_1623 = vector.broadcast %add3A_1622 : f32 to vector<50x300xf32>
    %add3A_1624 = arith.addf %mul3A_1620, %add3A_1623 : vector<50x300xf32>
    %div3A_1625 = arith.divf %sub3A_1621, %add3A_1624 : vector<50x300xf32>
    %sub3A_1626 = arith.subf %div3A_1605, %div3A_1625 : vector<50x300xf32>
    %mul3A_1627 = arith.constant -1.000000e+00 : f32
    %mul3A_1628 = vector.broadcast %mul3A_1627 : f32 to vector<50x300xf32>
    %mul3A_1629 = arith.mulf %mul3A_1628, %exp3A_1543 : vector<50x300xf32>
    %mul3A_1630 = arith.constant 5.000000e+00 : f32
    %mul3A_1631 = vector.broadcast %mul3A_1630 : f32 to vector<50x300xf32>
    %mul3A_1632 = arith.mulf %mul3A_1631, %add3A_1570 : vector<50x300xf32>
    %add3A_1633 = arith.addf %mul3A_1629, %mul3A_1632 : vector<50x300xf32>
    %mul3A_1634 = arith.constant 2.000000e+00 : f32
    %mul3A_1635 = vector.broadcast %mul3A_1634 : f32 to vector<50x300xf32>
    %mul3A_1636 = arith.mulf %mul3A_1635, %sub3A_1626 : vector<50x300xf32>
    %sub3A_1637 = arith.subf %add3A_1633, %mul3A_1636 : vector<50x300xf32>
    %eq3A_1638 = arith.constant 0 : i32
    %eq3A_1639 = vector.broadcast %eq3A_1638 : i32 to vector<50x1xi32>
    %eq3A_1640 = arith.cmpi eq, %get3A_1520, %eq3A_1639 : vector<50x1xi32>
    %jit3A_1641 = arith.constant 1.000000e-01 : f32
    %jit3A_1642 = arith.constant 1.000000e+00 : f32
    %broadcast_in_dim3A_1643 = vector.broadcast %jit3A_1641 : f32 to vector<50x1xf32>
    %broadcast_in_dim3A_1644 = vector.broadcast %jit3A_1642 : f32 to vector<50x1xf32>
    %select_n3A_1645 = arith.select %eq3A_1640, %broadcast_in_dim3A_1643, %broadcast_in_dim3A_1644 : vector<50x1xi1>, vector<50x1xf32>
    %ne3A_1646 = arith.constant 0 : i32
    %ne3A_1647 = vector.broadcast %ne3A_1646 : i32 to vector<50x1xi32>
    %ne3A_1648 = arith.cmpi ne, %get3A_1520, %ne3A_1647 : vector<50x1xi32>
    %convert_element_type3A_1649 = arith.extui %ne3A_1648 : vector<50x1xi1> to vector<50x1xi32>
    %convert_element_type3A_1650 = arith.sitofp %convert_element_type3A_1649 : vector<50x1xi32> to vector<50x1xf32>
    %neg3A_1651 = arith.constant 0.000000e+00 : f32
    %neg3A_1652 = vector.broadcast %neg3A_1651 : f32 to vector<50x300xf32>
    %neg3A_1653 = arith.subf %neg3A_1652, %sub3A_1542 : vector<50x300xf32>
    %mul3A_1654 = vector.broadcast %select_n3A_1645 : vector<50x1xf32> to vector<50x300xf32>
    %mul3A_1655 = arith.mulf %mul3A_1654, %neg3A_1653 : vector<50x300xf32>
    %mul3A_1656 = arith.constant 1.000000e-01 : f32
    %mul3A_1657 = vector.broadcast %mul3A_1656 : f32 to vector<1x300xf32>
    %mul3A_1658 = arith.mulf %mul3A_1657, %sub3A_1534 : vector<1x300xf32>
    %add3A_1659 = vector.broadcast %mul3A_1658 : vector<1x300xf32> to vector<50x300xf32>
    %add3A_1660 = arith.addf %mul3A_1655, %add3A_1659 : vector<50x300xf32>
    %mul3A_1661 = arith.constant 1.000000e+00 : f32
    %mul3A_1662 = vector.broadcast %mul3A_1661 : f32 to vector<50x300xf32>
    %mul3A_1663 = arith.mulf %mul3A_1662, %add3A_1660 : vector<50x300xf32>
    %div3A_1664 = vector.broadcast %add3A_10 : f32 to vector<50x300xf32>
    %div3A_1665 = arith.divf %mul3A_1663, %div3A_1664 : vector<50x300xf32>
    %mul3A_1666 = arith.constant 5.000000e+00 : f32
    %mul3A_1667 = vector.broadcast %mul3A_1666 : f32 to vector<50x300xf32>
    %mul3A_1668 = arith.mulf %mul3A_1667, %add3A_1570 : vector<50x300xf32>
    %sub3A_1669 = arith.constant 1.000000e+00 : f32
    %sub3A_1670 = vector.broadcast %sub3A_1669 : f32 to vector<50x300xf32>
    %sub3A_1671 = arith.subf %sub3A_1670, %sub3A_1626 : vector<50x300xf32>
    %mul3A_1672 = arith.constant 2.000000e+00 : f32
    %mul3A_1673 = vector.broadcast %mul3A_1672 : f32 to vector<50x300xf32>
    %mul3A_1674 = arith.mulf %mul3A_1673, %sub3A_1671 : vector<50x300xf32>
    %add3A_1675 = arith.addf %mul3A_1668, %mul3A_1674 : vector<50x300xf32>
    %mul3A_1676 = vector.broadcast %convert_element_type3A_1650 : vector<50x1xf32> to vector<50x300xf32>
    %mul3A_1677 = arith.mulf %mul3A_1676, %add3A_1675 : vector<50x300xf32>
    %div3A_1678 = vector.broadcast %max3A_11 : f32 to vector<50x300xf32>
    %div3A_1679 = arith.divf %mul3A_1677, %div3A_1678 : vector<50x300xf32>
    %add3A_1680 = arith.addf %div3A_1665, %div3A_1679 : vector<50x300xf32>
    %reduce_sum3A_1681 = vector.shape_cast %sub3A_1534 : vector<1x300xf32> to vector<1x1x300xf32>
    %reduce_sum3A_1682 = arith.constant dense<0.000000e+00> : vector<1xf32>
    %reduce_sum3A_1683 = vector.multi_reduction <add>, %reduce_sum3A_1681, %reduce_sum3A_1682 [1, 2] : vector<1x1x300xf32> to vector<1xf32>
    %reduce_sum3A_1684 = vector.shape_cast %reduce_sum3A_1683 : vector<1xf32> to vector<1x1x1xf32>
    %reduce_sum3A_1685 = vector.extract %reduce_sum3A_1684[0, 0, 0] : f32 from vector<1x1x1xf32>
    %neg3A_1686 = arith.constant 0.000000e+00 : f32
    %neg3A_1687 = arith.subf %neg3A_1686, %reduce_sum3A_1685 : f32
    %mul3A_1688 = arith.constant 1.000000e-01 : f32
    %mul3A_1689 = arith.mulf %mul3A_1688, %neg3A_1687 : f32
    %div3A_1690 = arith.divf %mul3A_1689, %add3A_10 : f32
    %jit3A_1691 = arith.constant 0.000000e+00 : f32
    %broadcast_in_dim3A_1692 = vector.broadcast %div3A_1690 : f32 to vector<50x300xf32>
    %broadcast_in_dim3A_1693 = vector.broadcast %jit3A_1691 : f32 to vector<50x300xf32>
    %select_n3A_1694 = arith.select %eq3A_14, %broadcast_in_dim3A_1692, %broadcast_in_dim3A_1693 : vector<50x300xi1>, vector<50x300xf32>
    %add3A_1695 = arith.addf %add3A_1680, %select_n3A_1694 : vector<50x300xf32>
    %swap3A_1696 = arith.constant 7 : index
    %swap3A_1697 = arith.constant 0 : index
    %swap3A_1698 = arith.constant 0 : index
    %swap3A_1699 = vector.load %arg6[%swap3A_1696, %swap3A_1697, %swap3A_1698] : memref<8x56x384xf32, #tpu.memory_space<vmem>>, vector<1x50x300xf32>
    %swap3A_1700 = vector.shape_cast %swap3A_1699 : vector<1x50x300xf32> to vector<50x300xf32>
    %swap3A_1701 = vector.shape_cast %sub3A_1637 : vector<50x300xf32> to vector<1x50x300xf32>
    tpu.vector_store %arg6[%swap3A_1696, %swap3A_1697, %swap3A_1698], %swap3A_1701 {strides = array<i32>} : memref<8x56x384xf32, #tpu.memory_space<vmem>>, vector<1x50x300xf32>,
    %swap3A_1702 = arith.constant 7 : index
    %swap3A_1703 = arith.constant 0 : index
    %swap3A_1704 = arith.constant 300 : index
    %swap3A_1705 = vector.load %arg6[%swap3A_1702, %swap3A_1703, %swap3A_1704] : memref<8x56x384xf32, #tpu.memory_space<vmem>>, vector<1x50x84xf32>
    %swap3A_1706 = vector.shape_cast %swap3A_1705 : vector<1x50x84xf32> to vector<50x84xf32>
    %swap3A_1707 = vector.shape_cast %broadcast_in_dim3A_12 : vector<50x84xf32> to vector<1x50x84xf32>
    tpu.vector_store %arg6[%swap3A_1702, %swap3A_1703, %swap3A_1704], %swap3A_1707 {strides = array<i32>} : memref<8x56x384xf32, #tpu.memory_space<vmem>>, vector<1x50x84xf32>,
    %swap3A_1708 = arith.constant 7 : index
    %swap3A_1709 = arith.constant 0 : index
    %swap3A_1710 = arith.constant 0 : index
    %swap3A_1711 = vector.load %arg7[%swap3A_1708, %swap3A_1709, %swap3A_1710] : memref<8x56x384xf32, #tpu.memory_space<vmem>>, vector<1x50x300xf32>
    %swap3A_1712 = vector.shape_cast %swap3A_1711 : vector<1x50x300xf32> to vector<50x300xf32>
    %swap3A_1713 = vector.shape_cast %add3A_1695 : vector<50x300xf32> to vector<1x50x300xf32>
    tpu.vector_store %arg7[%swap3A_1708, %swap3A_1709, %swap3A_1710], %swap3A_1713 {strides = array<i32>} : memref<8x56x384xf32, #tpu.memory_space<vmem>>, vector<1x50x300xf32>,
    return
  }
  func.func @transform_0(%arg0: i32) -> (i32, i32, i32) {
    %add3A = arith.constant 4 : i32
    %add3A_0 = arith.addi %arg0, %add3A : i32
    %c0_i32 = arith.constant 0 : i32
    %c0_i32_1 = arith.constant 0 : i32
    %c0_i32_2 = arith.constant 0 : i32
    return %add3A_0, %c0_i32, %c0_i32_1 : i32, i32, i32
  }
  func.func @transform_1(%arg0: i32) -> (i32, i32, i32) {
    %add3A = arith.constant 4 : i32
    %add3A_0 = arith.addi %arg0, %add3A : i32
    %c0_i32 = arith.constant 0 : i32
    %c0_i32_1 = arith.constant 0 : i32
    %c0_i32_2 = arith.constant 0 : i32
    return %add3A_0, %c0_i32, %c0_i32_1 : i32, i32, i32
  }
  func.func @transform_2(%arg0: i32) -> (i32, i32, i32) {
    %add3A = arith.constant 4 : i32
    %add3A_0 = arith.addi %arg0, %add3A : i32
    %c0_i32 = arith.constant 0 : i32
    %c0_i32_1 = arith.constant 0 : i32
    %c0_i32_2 = arith.constant 0 : i32
    return %add3A_0, %c0_i32, %c0_i32_1 : i32, i32, i32
  }
  func.func @transform_3(%arg0: i32) -> (i32, i32, i32) {
    %add3A = arith.constant 4 : i32
    %add3A_0 = arith.addi %arg0, %add3A : i32
    %c0_i32 = arith.constant 0 : i32
    %c0_i32_1 = arith.constant 0 : i32
    %c0_i32_2 = arith.constant 0 : i32
    return %add3A_0, %c0_i32, %c0_i32_1 : i32, i32, i32
  }
  func.func @transform_4(%arg0: i32) -> (i32, i32) {
    %c0_i32 = arith.constant 0 : i32
    %c0_i32_0 = arith.constant 0 : i32
    %c0_i32_1 = arith.constant 0 : i32
    return %c0_i32, %c0_i32_0 : i32, i32
  }
  func.func @transform_5(%arg0: i32) -> (i32, i32, i32) {
    %c0_i32 = arith.constant 0 : i32
    %c0_i32_0 = arith.constant 0 : i32
    %c0_i32_1 = arith.constant 0 : i32
    return %arg0, %c0_i32, %c0_i32_0 : i32, i32, i32
  }
  func.func @transform_6(%arg0: i32) -> (i32, i32, i32) {
    %c0_i32 = arith.constant 0 : i32
    %c0_i32_0 = arith.constant 0 : i32
    %c0_i32_1 = arith.constant 0 : i32
    return %arg0, %c0_i32, %c0_i32_0 : i32, i32, i32
  }
}

module attributes {stable_mosaic.version = 14 : i64} {
  func.func @_dense_body(%arg0: i32, %arg1: memref<8x300x92xf32, #tpu.memory_space<vmem>>, %arg2: memref<8x300x4xf32, #tpu.memory_space<vmem>>, %arg3: memref<8x50x4xf32, #tpu.memory_space<vmem>>, %arg4: memref<8x50x1xi32, #tpu.memory_space<vmem>>, %arg5: memref<64x50xi32, #tpu.memory_space<vmem>>, %arg6: memref<8x56x384xf32, #tpu.memory_space<vmem>>, %arg7: memref<8x56x384xf32, #tpu.memory_space<vmem>>) attributes {dimension_semantics = [#tpu.dimension_semantics<parallel>], iteration_bounds = array<i64: 4>, scalar_prefetch = 0 : i64, scratch_operands = 0 : i64, tpu.core_type = #tpu.core_type<tc>, window_params = [{transform_indices = @transform_0, window_bounds = array<i64: 8, 300, 92>}, {transform_indices = @transform_1, window_bounds = array<i64: 8, 300, 4>}, {transform_indices = @transform_2, window_bounds = array<i64: 8, 50, 4>}, {transform_indices = @transform_3, window_bounds = array<i64: 8, 50, 1>}, {pipeline_mode = #tpu.pipeline_mode<synchronous>, transform_indices = @transform_4, window_bounds = array<i64: 64, 50>}, {transform_indices = @transform_5, window_bounds = array<i64: 8, 56, 384>}, {transform_indices = @transform_6, window_bounds = array<i64: 8, 56, 384>}]} {
    %get3A = arith.constant 0 : index
    %get3A_0 = arith.constant 0 : index
    %get3A_1 = vector.load %arg5[%get3A, %get3A_0] : memref<64x50xi32, #tpu.memory_space<vmem>>, vector<64x50xi32>
    %ne3A = arith.constant 0 : i32
    %ne3A_2 = vector.broadcast %ne3A : i32 to vector<64x50xi32>
    %ne3A_3 = arith.cmpi ne, %get3A_1, %ne3A_2 : vector<64x50xi32>
    %convert_element_type3A = arith.extui %ne3A_3 : vector<64x50xi1> to vector<64x50xi32>
    %convert_element_type3A_4 = arith.sitofp %convert_element_type3A : vector<64x50xi32> to vector<64x50xf32>
    %reduce_sum3A = vector.shape_cast %convert_element_type3A_4 : vector<64x50xf32> to vector<1x64x50xf32>
    %reduce_sum3A_5 = arith.constant dense<0.000000e+00> : vector<1xf32>
    %reduce_sum3A_6 = vector.multi_reduction <add>, %reduce_sum3A, %reduce_sum3A_5 [1, 2] : vector<1x64x50xf32> to vector<1xf32>
    %reduce_sum3A_7 = vector.shape_cast %reduce_sum3A_6 : vector<1xf32> to vector<1x1x1xf32>
    %reduce_sum3A_8 = vector.extract %reduce_sum3A_7[0, 0, 0] : f32 from vector<1x1x1xf32>
    %mul3A = arith.constant 0.899999976 : f32
    %mul3A_9 = arith.mulf %mul3A, %reduce_sum3A_8 : f32
    %add3A = arith.constant 1.920000e+03 : f32
    %add3A_10 = arith.addf %add3A, %mul3A_9 : f32
    %max3A = arith.constant 1.000000e+00 : f32
    %max3A_11 = arith.maximumf %reduce_sum3A_8, %max3A : f32
    %broadcast_in_dim3A = arith.constant 0x7F800000 : f32
    %broadcast_in_dim3A_12 = vector.broadcast %broadcast_in_dim3A : f32 to vector<50x84xf32>
    %iota3A = tpu.iota {dimensions = array<i32: 0>} : vector<50x300xi32>
    %eq3A = arith.constant 0 : i32
    %eq3A_13 = vector.broadcast %eq3A : i32 to vector<50x300xi32>
    %eq3A_14 = arith.cmpi eq, %iota3A, %eq3A_13 : vector<50x300xi32>
    %iota3A_15 = tpu.iota {dimensions = array<i32: 1>} : vector<50x92xi32>
    %get3A_16 = arith.constant 0 : index
    %get3A_17 = arith.constant 0 : index
    %get3A_18 = arith.constant 0 : index
    %get3A_19 = vector.load %arg1[%get3A_16, %get3A_17, %get3A_18] : memref<8x300x92xf32, #tpu.memory_space<vmem>>, vector<1x300x92xf32>
    %get3A_20 = vector.shape_cast %get3A_19 : vector<1x300x92xf32> to vector<300x92xf32>
    %get3A_21 = arith.constant 0 : index
    %get3A_22 = arith.constant 0 : index
    %get3A_23 = arith.constant 0 : index
    %get3A_24 = vector.load %arg2[%get3A_21, %get3A_22, %get3A_23] : memref<8x300x4xf32, #tpu.memory_space<vmem>>, vector<1x300x4xf32>
    %get3A_25 = vector.shape_cast %get3A_24 : vector<1x300x4xf32> to vector<300x4xf32>
    %transpose3A = tpu.transpose %get3A_25, [1, 0] : vector<300x4xf32> -> vector<4x300xf32>
    %get3A_26 = arith.constant 0 : index
    %get3A_27 = arith.constant 0 : index
    %get3A_28 = arith.constant 0 : index
    %get3A_29 = vector.load %arg3[%get3A_26, %get3A_27, %get3A_28] : memref<8x50x4xf32, #tpu.memory_space<vmem>>, vector<1x50x4xf32>
    %get3A_30 = vector.shape_cast %get3A_29 : vector<1x50x4xf32> to vector<50x4xf32>
    %get3A_31 = arith.constant 0 : index
    %get3A_32 = arith.constant 0 : index
    %get3A_33 = arith.constant 0 : index
    %get3A_34 = vector.load %arg4[%get3A_31, %get3A_32, %get3A_33] : memref<8x50x1xi32, #tpu.memory_space<vmem>>, vector<1x50x1xi32>
    %get3A_35 = vector.shape_cast %get3A_34 : vector<1x50x1xi32> to vector<50x1xi32>
    %transpose3A_36 = tpu.transpose %get3A_20, [1, 0] : vector<300x92xf32> -> vector<92x300xf32>
    %reduce_max3A = arith.constant dense<0xFF800000> : vector<300xf32>
    %reduce_max3A_37 = vector.multi_reduction <maximumf>, %transpose3A_36, %reduce_max3A [0] : vector<92x300xf32> to vector<300xf32>
    %broadcast_in_dim3A_38 = vector.shape_cast %reduce_max3A_37 : vector<300xf32> to vector<1x300xf32>
    %sub3A = vector.broadcast %broadcast_in_dim3A_38 : vector<1x300xf32> to vector<92x300xf32>
    %sub3A_39 = arith.subf %transpose3A_36, %sub3A : vector<92x300xf32>
    %exp3A = math.exp %sub3A_39 : vector<92x300xf32>
    %reduce_sum3A_40 = arith.constant dense<0.000000e+00> : vector<300xf32>
    %reduce_sum3A_41 = vector.multi_reduction <add>, %exp3A, %reduce_sum3A_40 [0] : vector<92x300xf32> to vector<300xf32>
    %broadcast_in_dim3A_42 = vector.shape_cast %reduce_sum3A_41 : vector<300xf32> to vector<1x300xf32>
    %log3A = math.log %broadcast_in_dim3A_42 : vector<1x300xf32>
    %add3A_43 = arith.addf %log3A, %broadcast_in_dim3A_38 : vector<1x300xf32>
    %slice3A = vector.extract_strided_slice %transpose3A_36 {offsets = [0, 0], sizes = [1, 300], strides = [1, 1]} : vector<92x300xf32> to vector<1x300xf32>
    %sub3A_44 = arith.subf %slice3A, %add3A_43 : vector<1x300xf32>
    %eq3A_45 = vector.broadcast %get3A_35 : vector<50x1xi32> to vector<50x92xi32>
    %eq3A_46 = arith.cmpi eq, %iota3A_15, %eq3A_45 : vector<50x92xi32>
    %convert_element_type3A_47 = arith.extui %eq3A_46 : vector<50x92xi1> to vector<50x92xi32>
    %convert_element_type3A_48 = arith.sitofp %convert_element_type3A_47 : vector<50x92xi32> to vector<50x92xf32>
    %dot_general3A = arith.constant dense<0.000000e+00> : vector<50x300xf32>
    %dot_general3A_49 = tpu.matmul %convert_element_type3A_48, %transpose3A_36, %dot_general3A {dimension_numbers = #tpu.dot_dimension_numbers<[1], [0], [0], [1], [0, 0, 1, 1], [], []>, transpose_lhs_hint = false} : vector<50x92xf32>, vector<92x300xf32>, vector<50x300xf32> -> vector<50x300xf32>
    %sub3A_50 = vector.broadcast %add3A_43 : vector<1x300xf32> to vector<50x300xf32>
    %sub3A_51 = arith.subf %dot_general3A_49, %sub3A_50 : vector<50x300xf32>
    %exp3A_52 = math.exp %sub3A_51 : vector<50x300xf32>
    %slice3A_53 = vector.extract_strided_slice %transpose3A {offsets = [0, 0], sizes = [1, 300], strides = [1, 1]} : vector<4x300xf32> to vector<1x300xf32>
    %slice3A_54 = vector.extract_strided_slice %transpose3A {offsets = [1, 0], sizes = [1, 300], strides = [1, 1]} : vector<4x300xf32> to vector<1x300xf32>
    %slice3A_55 = vector.extract_strided_slice %transpose3A {offsets = [2, 0], sizes = [1, 300], strides = [1, 1]} : vector<4x300xf32> to vector<1x300xf32>
    %slice3A_56 = vector.extract_strided_slice %transpose3A {offsets = [3, 0], sizes = [1, 300], strides = [1, 1]} : vector<4x300xf32> to vector<1x300xf32>
    %slice3A_57 = vector.extract_strided_slice %get3A_30 {offsets = [0, 0], sizes = [50, 1], strides = [1, 1]} : vector<50x4xf32> to vector<50x1xf32>
    %slice3A_58 = vector.extract_strided_slice %get3A_30 {offsets = [0, 1], sizes = [50, 1], strides = [1, 1]} : vector<50x4xf32> to vector<50x1xf32>
    %slice3A_59 = vector.extract_strided_slice %get3A_30 {offsets = [0, 2], sizes = [50, 1], strides = [1, 1]} : vector<50x4xf32> to vector<50x1xf32>
    %slice3A_60 = vector.extract_strided_slice %get3A_30 {offsets = [0, 3], sizes = [50, 1], strides = [1, 1]} : vector<50x4xf32> to vector<50x1xf32>
    %sub3A_61 = vector.broadcast %slice3A_53 : vector<1x300xf32> to vector<50x300xf32>
    %sub3A_62 = vector.broadcast %slice3A_57 : vector<50x1xf32> to vector<50x300xf32>
    %sub3A_63 = arith.subf %sub3A_61, %sub3A_62 : vector<50x300xf32>
    %abs3A = math.absf %sub3A_63 : vector<50x300xf32>
    %sub3A_64 = vector.broadcast %slice3A_54 : vector<1x300xf32> to vector<50x300xf32>
    %sub3A_65 = vector.broadcast %slice3A_58 : vector<50x1xf32> to vector<50x300xf32>
    %sub3A_66 = arith.subf %sub3A_64, %sub3A_65 : vector<50x300xf32>
    %abs3A_67 = math.absf %sub3A_66 : vector<50x300xf32>
    %add3A_68 = arith.addf %abs3A, %abs3A_67 : vector<50x300xf32>
    %sub3A_69 = vector.broadcast %slice3A_55 : vector<1x300xf32> to vector<50x300xf32>
    %sub3A_70 = vector.broadcast %slice3A_59 : vector<50x1xf32> to vector<50x300xf32>
    %sub3A_71 = arith.subf %sub3A_69, %sub3A_70 : vector<50x300xf32>
    %abs3A_72 = math.absf %sub3A_71 : vector<50x300xf32>
    %add3A_73 = arith.addf %add3A_68, %abs3A_72 : vector<50x300xf32>
    %sub3A_74 = vector.broadcast %slice3A_56 : vector<1x300xf32> to vector<50x300xf32>
    %sub3A_75 = vector.broadcast %slice3A_60 : vector<50x1xf32> to vector<50x300xf32>
    %sub3A_76 = arith.subf %sub3A_74, %sub3A_75 : vector<50x300xf32>
    %abs3A_77 = math.absf %sub3A_76 : vector<50x300xf32>
    %add3A_78 = arith.addf %add3A_73, %abs3A_77 : vector<50x300xf32>
    %max3A_79 = vector.broadcast %slice3A_53 : vector<1x300xf32> to vector<50x300xf32>
    %max3A_80 = vector.broadcast %slice3A_57 : vector<50x1xf32> to vector<50x300xf32>
    %max3A_81 = arith.maximumf %max3A_79, %max3A_80 : vector<50x300xf32>
    %max3A_82 = vector.broadcast %slice3A_54 : vector<1x300xf32> to vector<50x300xf32>
    %max3A_83 = vector.broadcast %slice3A_58 : vector<50x1xf32> to vector<50x300xf32>
    %max3A_84 = arith.maximumf %max3A_82, %max3A_83 : vector<50x300xf32>
    %min3A = vector.broadcast %slice3A_55 : vector<1x300xf32> to vector<50x300xf32>
    %min3A_85 = vector.broadcast %slice3A_59 : vector<50x1xf32> to vector<50x300xf32>
    %min3A_86 = arith.minimumf %min3A, %min3A_85 : vector<50x300xf32>
    %min3A_87 = vector.broadcast %slice3A_56 : vector<1x300xf32> to vector<50x300xf32>
    %min3A_88 = vector.broadcast %slice3A_60 : vector<50x1xf32> to vector<50x300xf32>
    %min3A_89 = arith.minimumf %min3A_87, %min3A_88 : vector<50x300xf32>
    %sub3A_90 = arith.subf %min3A_86, %max3A_81 : vector<50x300xf32>
    %max3A_91 = arith.constant 0.000000e+00 : f32
    %max3A_92 = vector.broadcast %max3A_91 : f32 to vector<50x300xf32>
    %max3A_93 = arith.maximumf %sub3A_90, %max3A_92 : vector<50x300xf32>
    %sub3A_94 = arith.subf %min3A_89, %max3A_84 : vector<50x300xf32>
    %max3A_95 = arith.constant 0.000000e+00 : f32
    %max3A_96 = vector.broadcast %max3A_95 : f32 to vector<50x300xf32>
    %max3A_97 = arith.maximumf %sub3A_94, %max3A_96 : vector<50x300xf32>
    %mul3A_98 = arith.mulf %max3A_93, %max3A_97 : vector<50x300xf32>
    %sub3A_99 = arith.subf %slice3A_55, %slice3A_53 : vector<1x300xf32>
    %sub3A_100 = arith.subf %slice3A_56, %slice3A_54 : vector<1x300xf32>
    %mul3A_101 = arith.mulf %sub3A_99, %sub3A_100 : vector<1x300xf32>
    %sub3A_102 = arith.subf %slice3A_59, %slice3A_57 : vector<50x1xf32>
    %sub3A_103 = arith.subf %slice3A_60, %slice3A_58 : vector<50x1xf32>
    %mul3A_104 = arith.mulf %sub3A_102, %sub3A_103 : vector<50x1xf32>
    %add3A_105 = vector.broadcast %mul3A_101 : vector<1x300xf32> to vector<50x300xf32>
    %add3A_106 = vector.broadcast %mul3A_104 : vector<50x1xf32> to vector<50x300xf32>
    %add3A_107 = arith.addf %add3A_105, %add3A_106 : vector<50x300xf32>
    %sub3A_108 = arith.subf %add3A_107, %mul3A_98 : vector<50x300xf32>
    %add3A_109 = arith.constant 1.000000e-07 : f32
    %add3A_110 = vector.broadcast %add3A_109 : f32 to vector<50x300xf32>
    %add3A_111 = arith.addf %sub3A_108, %add3A_110 : vector<50x300xf32>
    %div3A = arith.divf %mul3A_98, %add3A_111 : vector<50x300xf32>
    %min3A_112 = vector.broadcast %slice3A_53 : vector<1x300xf32> to vector<50x300xf32>
    %min3A_113 = vector.broadcast %slice3A_57 : vector<50x1xf32> to vector<50x300xf32>
    %min3A_114 = arith.minimumf %min3A_112, %min3A_113 : vector<50x300xf32>
    %min3A_115 = vector.broadcast %slice3A_54 : vector<1x300xf32> to vector<50x300xf32>
    %min3A_116 = vector.broadcast %slice3A_58 : vector<50x1xf32> to vector<50x300xf32>
    %min3A_117 = arith.minimumf %min3A_115, %min3A_116 : vector<50x300xf32>
    %max3A_118 = vector.broadcast %slice3A_55 : vector<1x300xf32> to vector<50x300xf32>
    %max3A_119 = vector.broadcast %slice3A_59 : vector<50x1xf32> to vector<50x300xf32>
    %max3A_120 = arith.maximumf %max3A_118, %max3A_119 : vector<50x300xf32>
    %max3A_121 = vector.broadcast %slice3A_56 : vector<1x300xf32> to vector<50x300xf32>
    %max3A_122 = vector.broadcast %slice3A_60 : vector<50x1xf32> to vector<50x300xf32>
    %max3A_123 = arith.maximumf %max3A_121, %max3A_122 : vector<50x300xf32>
    %sub3A_124 = arith.subf %max3A_120, %min3A_114 : vector<50x300xf32>
    %sub3A_125 = arith.subf %max3A_123, %min3A_117 : vector<50x300xf32>
    %mul3A_126 = arith.mulf %sub3A_124, %sub3A_125 : vector<50x300xf32>
    %sub3A_127 = arith.subf %mul3A_126, %sub3A_108 : vector<50x300xf32>
    %add3A_128 = arith.constant 1.000000e-07 : f32
    %add3A_129 = vector.broadcast %add3A_128 : f32 to vector<50x300xf32>
    %add3A_130 = arith.addf %mul3A_126, %add3A_129 : vector<50x300xf32>
    %div3A_131 = arith.divf %sub3A_127, %add3A_130 : vector<50x300xf32>
    %sub3A_132 = arith.subf %div3A, %div3A_131 : vector<50x300xf32>
    %mul3A_133 = arith.constant -1.000000e+00 : f32
    %mul3A_134 = vector.broadcast %mul3A_133 : f32 to vector<50x300xf32>
    %mul3A_135 = arith.mulf %mul3A_134, %exp3A_52 : vector<50x300xf32>
    %mul3A_136 = arith.constant 5.000000e+00 : f32
    %mul3A_137 = vector.broadcast %mul3A_136 : f32 to vector<50x300xf32>
    %mul3A_138 = arith.mulf %mul3A_137, %add3A_78 : vector<50x300xf32>
    %add3A_139 = arith.addf %mul3A_135, %mul3A_138 : vector<50x300xf32>
    %mul3A_140 = arith.constant 2.000000e+00 : f32
    %mul3A_141 = vector.broadcast %mul3A_140 : f32 to vector<50x300xf32>
    %mul3A_142 = arith.mulf %mul3A_141, %sub3A_132 : vector<50x300xf32>
    %sub3A_143 = arith.subf %add3A_139, %mul3A_142 : vector<50x300xf32>
    %eq3A_144 = arith.constant 0 : i32
    %eq3A_145 = vector.broadcast %eq3A_144 : i32 to vector<50x1xi32>
    %eq3A_146 = arith.cmpi eq, %get3A_35, %eq3A_145 : vector<50x1xi32>
    %jit3A = arith.constant 1.000000e-01 : f32
    %jit3A_147 = arith.constant 1.000000e+00 : f32
    %broadcast_in_dim3A_148 = vector.broadcast %jit3A : f32 to vector<50x1xf32>
    %broadcast_in_dim3A_149 = vector.broadcast %jit3A_147 : f32 to vector<50x1xf32>
    %select_n3A = arith.select %eq3A_146, %broadcast_in_dim3A_148, %broadcast_in_dim3A_149 : vector<50x1xi1>, vector<50x1xf32>
    %ne3A_150 = arith.constant 0 : i32
    %ne3A_151 = vector.broadcast %ne3A_150 : i32 to vector<50x1xi32>
    %ne3A_152 = arith.cmpi ne, %get3A_35, %ne3A_151 : vector<50x1xi32>
    %convert_element_type3A_153 = arith.extui %ne3A_152 : vector<50x1xi1> to vector<50x1xi32>
    %convert_element_type3A_154 = arith.sitofp %convert_element_type3A_153 : vector<50x1xi32> to vector<50x1xf32>
    %neg3A = arith.constant 0.000000e+00 : f32
    %neg3A_155 = vector.broadcast %neg3A : f32 to vector<50x300xf32>
    %neg3A_156 = arith.subf %neg3A_155, %sub3A_51 : vector<50x300xf32>
    %mul3A_157 = vector.broadcast %select_n3A : vector<50x1xf32> to vector<50x300xf32>
    %mul3A_158 = arith.mulf %mul3A_157, %neg3A_156 : vector<50x300xf32>
    %mul3A_159 = arith.constant 1.000000e-01 : f32
    %mul3A_160 = vector.broadcast %mul3A_159 : f32 to vector<1x300xf32>
    %mul3A_161 = arith.mulf %mul3A_160, %sub3A_44 : vector<1x300xf32>
    %add3A_162 = vector.broadcast %mul3A_161 : vector<1x300xf32> to vector<50x300xf32>
    %add3A_163 = arith.addf %mul3A_158, %add3A_162 : vector<50x300xf32>
    %mul3A_164 = arith.constant 1.000000e+00 : f32
    %mul3A_165 = vector.broadcast %mul3A_164 : f32 to vector<50x300xf32>
    %mul3A_166 = arith.mulf %mul3A_165, %add3A_163 : vector<50x300xf32>
    %div3A_167 = vector.broadcast %add3A_10 : f32 to vector<50x300xf32>
    %div3A_168 = arith.divf %mul3A_166, %div3A_167 : vector<50x300xf32>
    %mul3A_169 = arith.constant 5.000000e+00 : f32
    %mul3A_170 = vector.broadcast %mul3A_169 : f32 to vector<50x300xf32>
    %mul3A_171 = arith.mulf %mul3A_170, %add3A_78 : vector<50x300xf32>
    %sub3A_172 = arith.constant 1.000000e+00 : f32
    %sub3A_173 = vector.broadcast %sub3A_172 : f32 to vector<50x300xf32>
    %sub3A_174 = arith.subf %sub3A_173, %sub3A_132 : vector<50x300xf32>
    %mul3A_175 = arith.constant 2.000000e+00 : f32
    %mul3A_176 = vector.broadcast %mul3A_175 : f32 to vector<50x300xf32>
    %mul3A_177 = arith.mulf %mul3A_176, %sub3A_174 : vector<50x300xf32>
    %add3A_178 = arith.addf %mul3A_171, %mul3A_177 : vector<50x300xf32>
    %mul3A_179 = vector.broadcast %convert_element_type3A_154 : vector<50x1xf32> to vector<50x300xf32>
    %mul3A_180 = arith.mulf %mul3A_179, %add3A_178 : vector<50x300xf32>
    %div3A_181 = vector.broadcast %max3A_11 : f32 to vector<50x300xf32>
    %div3A_182 = arith.divf %mul3A_180, %div3A_181 : vector<50x300xf32>
    %add3A_183 = arith.addf %div3A_168, %div3A_182 : vector<50x300xf32>
    %reduce_sum3A_184 = vector.shape_cast %sub3A_44 : vector<1x300xf32> to vector<1x1x300xf32>
    %reduce_sum3A_185 = arith.constant dense<0.000000e+00> : vector<1xf32>
    %reduce_sum3A_186 = vector.multi_reduction <add>, %reduce_sum3A_184, %reduce_sum3A_185 [1, 2] : vector<1x1x300xf32> to vector<1xf32>
    %reduce_sum3A_187 = vector.shape_cast %reduce_sum3A_186 : vector<1xf32> to vector<1x1x1xf32>
    %reduce_sum3A_188 = vector.extract %reduce_sum3A_187[0, 0, 0] : f32 from vector<1x1x1xf32>
    %neg3A_189 = arith.constant 0.000000e+00 : f32
    %neg3A_190 = arith.subf %neg3A_189, %reduce_sum3A_188 : f32
    %mul3A_191 = arith.constant 1.000000e-01 : f32
    %mul3A_192 = arith.mulf %mul3A_191, %neg3A_190 : f32
    %div3A_193 = arith.divf %mul3A_192, %add3A_10 : f32
    %jit3A_194 = arith.constant 0.000000e+00 : f32
    %broadcast_in_dim3A_195 = vector.broadcast %div3A_193 : f32 to vector<50x300xf32>
    %broadcast_in_dim3A_196 = vector.broadcast %jit3A_194 : f32 to vector<50x300xf32>
    %select_n3A_197 = arith.select %eq3A_14, %broadcast_in_dim3A_195, %broadcast_in_dim3A_196 : vector<50x300xi1>, vector<50x300xf32>
    %add3A_198 = arith.addf %add3A_183, %select_n3A_197 : vector<50x300xf32>
    %swap3A = arith.constant 0 : index
    %swap3A_199 = arith.constant 0 : index
    %swap3A_200 = arith.constant 0 : index
    %swap3A_201 = vector.load %arg6[%swap3A, %swap3A_199, %swap3A_200] : memref<8x56x384xf32, #tpu.memory_space<vmem>>, vector<1x50x300xf32>
    %swap3A_202 = vector.shape_cast %swap3A_201 : vector<1x50x300xf32> to vector<50x300xf32>
    %swap3A_203 = vector.shape_cast %sub3A_143 : vector<50x300xf32> to vector<1x50x300xf32>
    tpu.vector_store %arg6[%swap3A, %swap3A_199, %swap3A_200], %swap3A_203 {strides = array<i32>} : memref<8x56x384xf32, #tpu.memory_space<vmem>>, vector<1x50x300xf32>,
    %swap3A_204 = arith.constant 0 : index
    %swap3A_205 = arith.constant 0 : index
    %swap3A_206 = arith.constant 300 : index
    %swap3A_207 = vector.load %arg6[%swap3A_204, %swap3A_205, %swap3A_206] : memref<8x56x384xf32, #tpu.memory_space<vmem>>, vector<1x50x84xf32>
    %swap3A_208 = vector.shape_cast %swap3A_207 : vector<1x50x84xf32> to vector<50x84xf32>
    %swap3A_209 = vector.shape_cast %broadcast_in_dim3A_12 : vector<50x84xf32> to vector<1x50x84xf32>
    tpu.vector_store %arg6[%swap3A_204, %swap3A_205, %swap3A_206], %swap3A_209 {strides = array<i32>} : memref<8x56x384xf32, #tpu.memory_space<vmem>>, vector<1x50x84xf32>,
    %swap3A_210 = arith.constant 0 : index
    %swap3A_211 = arith.constant 0 : index
    %swap3A_212 = arith.constant 0 : index
    %swap3A_213 = vector.load %arg7[%swap3A_210, %swap3A_211, %swap3A_212] : memref<8x56x384xf32, #tpu.memory_space<vmem>>, vector<1x50x300xf32>
    %swap3A_214 = vector.shape_cast %swap3A_213 : vector<1x50x300xf32> to vector<50x300xf32>
    %swap3A_215 = vector.shape_cast %add3A_198 : vector<50x300xf32> to vector<1x50x300xf32>
    tpu.vector_store %arg7[%swap3A_210, %swap3A_211, %swap3A_212], %swap3A_215 {strides = array<i32>} : memref<8x56x384xf32, #tpu.memory_space<vmem>>, vector<1x50x300xf32>,
    %get3A_216 = arith.constant 1 : index
    %get3A_217 = arith.constant 0 : index
    %get3A_218 = arith.constant 0 : index
    %get3A_219 = vector.load %arg1[%get3A_216, %get3A_217, %get3A_218] : memref<8x300x92xf32, #tpu.memory_space<vmem>>, vector<1x300x92xf32>
    %get3A_220 = vector.shape_cast %get3A_219 : vector<1x300x92xf32> to vector<300x92xf32>
    %get3A_221 = arith.constant 1 : index
    %get3A_222 = arith.constant 0 : index
    %get3A_223 = arith.constant 0 : index
    %get3A_224 = vector.load %arg2[%get3A_221, %get3A_222, %get3A_223] : memref<8x300x4xf32, #tpu.memory_space<vmem>>, vector<1x300x4xf32>
    %get3A_225 = vector.shape_cast %get3A_224 : vector<1x300x4xf32> to vector<300x4xf32>
    %transpose3A_226 = tpu.transpose %get3A_225, [1, 0] : vector<300x4xf32> -> vector<4x300xf32>
    %get3A_227 = arith.constant 1 : index
    %get3A_228 = arith.constant 0 : index
    %get3A_229 = arith.constant 0 : index
    %get3A_230 = vector.load %arg3[%get3A_227, %get3A_228, %get3A_229] : memref<8x50x4xf32, #tpu.memory_space<vmem>>, vector<1x50x4xf32>
    %get3A_231 = vector.shape_cast %get3A_230 : vector<1x50x4xf32> to vector<50x4xf32>
    %get3A_232 = arith.constant 1 : index
    %get3A_233 = arith.constant 0 : index
    %get3A_234 = arith.constant 0 : index
    %get3A_235 = vector.load %arg4[%get3A_232, %get3A_233, %get3A_234] : memref<8x50x1xi32, #tpu.memory_space<vmem>>, vector<1x50x1xi32>
    %get3A_236 = vector.shape_cast %get3A_235 : vector<1x50x1xi32> to vector<50x1xi32>
    %transpose3A_237 = tpu.transpose %get3A_220, [1, 0] : vector<300x92xf32> -> vector<92x300xf32>
    %reduce_max3A_238 = arith.constant dense<0xFF800000> : vector<300xf32>
    %reduce_max3A_239 = vector.multi_reduction <maximumf>, %transpose3A_237, %reduce_max3A_238 [0] : vector<92x300xf32> to vector<300xf32>
    %broadcast_in_dim3A_240 = vector.shape_cast %reduce_max3A_239 : vector<300xf32> to vector<1x300xf32>
    %sub3A_241 = vector.broadcast %broadcast_in_dim3A_240 : vector<1x300xf32> to vector<92x300xf32>
    %sub3A_242 = arith.subf %transpose3A_237, %sub3A_241 : vector<92x300xf32>
    %exp3A_243 = math.exp %sub3A_242 : vector<92x300xf32>
    %reduce_sum3A_244 = arith.constant dense<0.000000e+00> : vector<300xf32>
    %reduce_sum3A_245 = vector.multi_reduction <add>, %exp3A_243, %reduce_sum3A_244 [0] : vector<92x300xf32> to vector<300xf32>
    %broadcast_in_dim3A_246 = vector.shape_cast %reduce_sum3A_245 : vector<300xf32> to vector<1x300xf32>
    %log3A_247 = math.log %broadcast_in_dim3A_246 : vector<1x300xf32>
    %add3A_248 = arith.addf %log3A_247, %broadcast_in_dim3A_240 : vector<1x300xf32>
    %slice3A_249 = vector.extract_strided_slice %transpose3A_237 {offsets = [0, 0], sizes = [1, 300], strides = [1, 1]} : vector<92x300xf32> to vector<1x300xf32>
    %sub3A_250 = arith.subf %slice3A_249, %add3A_248 : vector<1x300xf32>
    %eq3A_251 = vector.broadcast %get3A_236 : vector<50x1xi32> to vector<50x92xi32>
    %eq3A_252 = arith.cmpi eq, %iota3A_15, %eq3A_251 : vector<50x92xi32>
    %convert_element_type3A_253 = arith.extui %eq3A_252 : vector<50x92xi1> to vector<50x92xi32>
    %convert_element_type3A_254 = arith.sitofp %convert_element_type3A_253 : vector<50x92xi32> to vector<50x92xf32>
    %dot_general3A_255 = arith.constant dense<0.000000e+00> : vector<50x300xf32>
    %dot_general3A_256 = tpu.matmul %convert_element_type3A_254, %transpose3A_237, %dot_general3A_255 {dimension_numbers = #tpu.dot_dimension_numbers<[1], [0], [0], [1], [0, 0, 1, 1], [], []>, transpose_lhs_hint = false} : vector<50x92xf32>, vector<92x300xf32>, vector<50x300xf32> -> vector<50x300xf32>
    %sub3A_257 = vector.broadcast %add3A_248 : vector<1x300xf32> to vector<50x300xf32>
    %sub3A_258 = arith.subf %dot_general3A_256, %sub3A_257 : vector<50x300xf32>
    %exp3A_259 = math.exp %sub3A_258 : vector<50x300xf32>
    %slice3A_260 = vector.extract_strided_slice %transpose3A_226 {offsets = [0, 0], sizes = [1, 300], strides = [1, 1]} : vector<4x300xf32> to vector<1x300xf32>
    %slice3A_261 = vector.extract_strided_slice %transpose3A_226 {offsets = [1, 0], sizes = [1, 300], strides = [1, 1]} : vector<4x300xf32> to vector<1x300xf32>
    %slice3A_262 = vector.extract_strided_slice %transpose3A_226 {offsets = [2, 0], sizes = [1, 300], strides = [1, 1]} : vector<4x300xf32> to vector<1x300xf32>
    %slice3A_263 = vector.extract_strided_slice %transpose3A_226 {offsets = [3, 0], sizes = [1, 300], strides = [1, 1]} : vector<4x300xf32> to vector<1x300xf32>
    %slice3A_264 = vector.extract_strided_slice %get3A_231 {offsets = [0, 0], sizes = [50, 1], strides = [1, 1]} : vector<50x4xf32> to vector<50x1xf32>
    %slice3A_265 = vector.extract_strided_slice %get3A_231 {offsets = [0, 1], sizes = [50, 1], strides = [1, 1]} : vector<50x4xf32> to vector<50x1xf32>
    %slice3A_266 = vector.extract_strided_slice %get3A_231 {offsets = [0, 2], sizes = [50, 1], strides = [1, 1]} : vector<50x4xf32> to vector<50x1xf32>
    %slice3A_267 = vector.extract_strided_slice %get3A_231 {offsets = [0, 3], sizes = [50, 1], strides = [1, 1]} : vector<50x4xf32> to vector<50x1xf32>
    %sub3A_268 = vector.broadcast %slice3A_260 : vector<1x300xf32> to vector<50x300xf32>
    %sub3A_269 = vector.broadcast %slice3A_264 : vector<50x1xf32> to vector<50x300xf32>
    %sub3A_270 = arith.subf %sub3A_268, %sub3A_269 : vector<50x300xf32>
    %abs3A_271 = math.absf %sub3A_270 : vector<50x300xf32>
    %sub3A_272 = vector.broadcast %slice3A_261 : vector<1x300xf32> to vector<50x300xf32>
    %sub3A_273 = vector.broadcast %slice3A_265 : vector<50x1xf32> to vector<50x300xf32>
    %sub3A_274 = arith.subf %sub3A_272, %sub3A_273 : vector<50x300xf32>
    %abs3A_275 = math.absf %sub3A_274 : vector<50x300xf32>
    %add3A_276 = arith.addf %abs3A_271, %abs3A_275 : vector<50x300xf32>
    %sub3A_277 = vector.broadcast %slice3A_262 : vector<1x300xf32> to vector<50x300xf32>
    %sub3A_278 = vector.broadcast %slice3A_266 : vector<50x1xf32> to vector<50x300xf32>
    %sub3A_279 = arith.subf %sub3A_277, %sub3A_278 : vector<50x300xf32>
    %abs3A_280 = math.absf %sub3A_279 : vector<50x300xf32>
    %add3A_281 = arith.addf %add3A_276, %abs3A_280 : vector<50x300xf32>
    %sub3A_282 = vector.broadcast %slice3A_263 : vector<1x300xf32> to vector<50x300xf32>
    %sub3A_283 = vector.broadcast %slice3A_267 : vector<50x1xf32> to vector<50x300xf32>
    %sub3A_284 = arith.subf %sub3A_282, %sub3A_283 : vector<50x300xf32>
    %abs3A_285 = math.absf %sub3A_284 : vector<50x300xf32>
    %add3A_286 = arith.addf %add3A_281, %abs3A_285 : vector<50x300xf32>
    %max3A_287 = vector.broadcast %slice3A_260 : vector<1x300xf32> to vector<50x300xf32>
    %max3A_288 = vector.broadcast %slice3A_264 : vector<50x1xf32> to vector<50x300xf32>
    %max3A_289 = arith.maximumf %max3A_287, %max3A_288 : vector<50x300xf32>
    %max3A_290 = vector.broadcast %slice3A_261 : vector<1x300xf32> to vector<50x300xf32>
    %max3A_291 = vector.broadcast %slice3A_265 : vector<50x1xf32> to vector<50x300xf32>
    %max3A_292 = arith.maximumf %max3A_290, %max3A_291 : vector<50x300xf32>
    %min3A_293 = vector.broadcast %slice3A_262 : vector<1x300xf32> to vector<50x300xf32>
    %min3A_294 = vector.broadcast %slice3A_266 : vector<50x1xf32> to vector<50x300xf32>
    %min3A_295 = arith.minimumf %min3A_293, %min3A_294 : vector<50x300xf32>
    %min3A_296 = vector.broadcast %slice3A_263 : vector<1x300xf32> to vector<50x300xf32>
    %min3A_297 = vector.broadcast %slice3A_267 : vector<50x1xf32> to vector<50x300xf32>
    %min3A_298 = arith.minimumf %min3A_296, %min3A_297 : vector<50x300xf32>
    %sub3A_299 = arith.subf %min3A_295, %max3A_289 : vector<50x300xf32>
    %max3A_300 = arith.constant 0.000000e+00 : f32
    %max3A_301 = vector.broadcast %max3A_300 : f32 to vector<50x300xf32>
    %max3A_302 = arith.maximumf %sub3A_299, %max3A_301 : vector<50x300xf32>
    %sub3A_303 = arith.subf %min3A_298, %max3A_292 : vector<50x300xf32>
    %max3A_304 = arith.constant 0.000000e+00 : f32
    %max3A_305 = vector.broadcast %max3A_304 : f32 to vector<50x300xf32>
    %max3A_306 = arith.maximumf %sub3A_303, %max3A_305 : vector<50x300xf32>
    %mul3A_307 = arith.mulf %max3A_302, %max3A_306 : vector<50x300xf32>
    %sub3A_308 = arith.subf %slice3A_262, %slice3A_260 : vector<1x300xf32>
    %sub3A_309 = arith.subf %slice3A_263, %slice3A_261 : vector<1x300xf32>
    %mul3A_310 = arith.mulf %sub3A_308, %sub3A_309 : vector<1x300xf32>
    %sub3A_311 = arith.subf %slice3A_266, %slice3A_264 : vector<50x1xf32>
    %sub3A_312 = arith.subf %slice3A_267, %slice3A_265 : vector<50x1xf32>
    %mul3A_313 = arith.mulf %sub3A_311, %sub3A_312 : vector<50x1xf32>
    %add3A_314 = vector.broadcast %mul3A_310 : vector<1x300xf32> to vector<50x300xf32>
    %add3A_315 = vector.broadcast %mul3A_313 : vector<50x1xf32> to vector<50x300xf32>
    %add3A_316 = arith.addf %add3A_314, %add3A_315 : vector<50x300xf32>
    %sub3A_317 = arith.subf %add3A_316, %mul3A_307 : vector<50x300xf32>
    %add3A_318 = arith.constant 1.000000e-07 : f32
    %add3A_319 = vector.broadcast %add3A_318 : f32 to vector<50x300xf32>
    %add3A_320 = arith.addf %sub3A_317, %add3A_319 : vector<50x300xf32>
    %div3A_321 = arith.divf %mul3A_307, %add3A_320 : vector<50x300xf32>
    %min3A_322 = vector.broadcast %slice3A_260 : vector<1x300xf32> to vector<50x300xf32>
    %min3A_323 = vector.broadcast %slice3A_264 : vector<50x1xf32> to vector<50x300xf32>
    %min3A_324 = arith.minimumf %min3A_322, %min3A_323 : vector<50x300xf32>
    %min3A_325 = vector.broadcast %slice3A_261 : vector<1x300xf32> to vector<50x300xf32>
    %min3A_326 = vector.broadcast %slice3A_265 : vector<50x1xf32> to vector<50x300xf32>
    %min3A_327 = arith.minimumf %min3A_325, %min3A_326 : vector<50x300xf32>
    %max3A_328 = vector.broadcast %slice3A_262 : vector<1x300xf32> to vector<50x300xf32>
    %max3A_329 = vector.broadcast %slice3A_266 : vector<50x1xf32> to vector<50x300xf32>
    %max3A_330 = arith.maximumf %max3A_328, %max3A_329 : vector<50x300xf32>
    %max3A_331 = vector.broadcast %slice3A_263 : vector<1x300xf32> to vector<50x300xf32>
    %max3A_332 = vector.broadcast %slice3A_267 : vector<50x1xf32> to vector<50x300xf32>
    %max3A_333 = arith.maximumf %max3A_331, %max3A_332 : vector<50x300xf32>
    %sub3A_334 = arith.subf %max3A_330, %min3A_324 : vector<50x300xf32>
    %sub3A_335 = arith.subf %max3A_333, %min3A_327 : vector<50x300xf32>
    %mul3A_336 = arith.mulf %sub3A_334, %sub3A_335 : vector<50x300xf32>
    %sub3A_337 = arith.subf %mul3A_336, %sub3A_317 : vector<50x300xf32>
    %add3A_338 = arith.constant 1.000000e-07 : f32
    %add3A_339 = vector.broadcast %add3A_338 : f32 to vector<50x300xf32>
    %add3A_340 = arith.addf %mul3A_336, %add3A_339 : vector<50x300xf32>
    %div3A_341 = arith.divf %sub3A_337, %add3A_340 : vector<50x300xf32>
    %sub3A_342 = arith.subf %div3A_321, %div3A_341 : vector<50x300xf32>
    %mul3A_343 = arith.constant -1.000000e+00 : f32
    %mul3A_344 = vector.broadcast %mul3A_343 : f32 to vector<50x300xf32>
    %mul3A_345 = arith.mulf %mul3A_344, %exp3A_259 : vector<50x300xf32>
    %mul3A_346 = arith.constant 5.000000e+00 : f32
    %mul3A_347 = vector.broadcast %mul3A_346 : f32 to vector<50x300xf32>
    %mul3A_348 = arith.mulf %mul3A_347, %add3A_286 : vector<50x300xf32>
    %add3A_349 = arith.addf %mul3A_345, %mul3A_348 : vector<50x300xf32>
    %mul3A_350 = arith.constant 2.000000e+00 : f32
    %mul3A_351 = vector.broadcast %mul3A_350 : f32 to vector<50x300xf32>
    %mul3A_352 = arith.mulf %mul3A_351, %sub3A_342 : vector<50x300xf32>
    %sub3A_353 = arith.subf %add3A_349, %mul3A_352 : vector<50x300xf32>
    %eq3A_354 = arith.constant 0 : i32
    %eq3A_355 = vector.broadcast %eq3A_354 : i32 to vector<50x1xi32>
    %eq3A_356 = arith.cmpi eq, %get3A_236, %eq3A_355 : vector<50x1xi32>
    %jit3A_357 = arith.constant 1.000000e-01 : f32
    %jit3A_358 = arith.constant 1.000000e+00 : f32
    %broadcast_in_dim3A_359 = vector.broadcast %jit3A_357 : f32 to vector<50x1xf32>
    %broadcast_in_dim3A_360 = vector.broadcast %jit3A_358 : f32 to vector<50x1xf32>
    %select_n3A_361 = arith.select %eq3A_356, %broadcast_in_dim3A_359, %broadcast_in_dim3A_360 : vector<50x1xi1>, vector<50x1xf32>
    %ne3A_362 = arith.constant 0 : i32
    %ne3A_363 = vector.broadcast %ne3A_362 : i32 to vector<50x1xi32>
    %ne3A_364 = arith.cmpi ne, %get3A_236, %ne3A_363 : vector<50x1xi32>
    %convert_element_type3A_365 = arith.extui %ne3A_364 : vector<50x1xi1> to vector<50x1xi32>
    %convert_element_type3A_366 = arith.sitofp %convert_element_type3A_365 : vector<50x1xi32> to vector<50x1xf32>
    %neg3A_367 = arith.constant 0.000000e+00 : f32
    %neg3A_368 = vector.broadcast %neg3A_367 : f32 to vector<50x300xf32>
    %neg3A_369 = arith.subf %neg3A_368, %sub3A_258 : vector<50x300xf32>
    %mul3A_370 = vector.broadcast %select_n3A_361 : vector<50x1xf32> to vector<50x300xf32>
    %mul3A_371 = arith.mulf %mul3A_370, %neg3A_369 : vector<50x300xf32>
    %mul3A_372 = arith.constant 1.000000e-01 : f32
    %mul3A_373 = vector.broadcast %mul3A_372 : f32 to vector<1x300xf32>
    %mul3A_374 = arith.mulf %mul3A_373, %sub3A_250 : vector<1x300xf32>
    %add3A_375 = vector.broadcast %mul3A_374 : vector<1x300xf32> to vector<50x300xf32>
    %add3A_376 = arith.addf %mul3A_371, %add3A_375 : vector<50x300xf32>
    %mul3A_377 = arith.constant 1.000000e+00 : f32
    %mul3A_378 = vector.broadcast %mul3A_377 : f32 to vector<50x300xf32>
    %mul3A_379 = arith.mulf %mul3A_378, %add3A_376 : vector<50x300xf32>
    %div3A_380 = vector.broadcast %add3A_10 : f32 to vector<50x300xf32>
    %div3A_381 = arith.divf %mul3A_379, %div3A_380 : vector<50x300xf32>
    %mul3A_382 = arith.constant 5.000000e+00 : f32
    %mul3A_383 = vector.broadcast %mul3A_382 : f32 to vector<50x300xf32>
    %mul3A_384 = arith.mulf %mul3A_383, %add3A_286 : vector<50x300xf32>
    %sub3A_385 = arith.constant 1.000000e+00 : f32
    %sub3A_386 = vector.broadcast %sub3A_385 : f32 to vector<50x300xf32>
    %sub3A_387 = arith.subf %sub3A_386, %sub3A_342 : vector<50x300xf32>
    %mul3A_388 = arith.constant 2.000000e+00 : f32
    %mul3A_389 = vector.broadcast %mul3A_388 : f32 to vector<50x300xf32>
    %mul3A_390 = arith.mulf %mul3A_389, %sub3A_387 : vector<50x300xf32>
    %add3A_391 = arith.addf %mul3A_384, %mul3A_390 : vector<50x300xf32>
    %mul3A_392 = vector.broadcast %convert_element_type3A_366 : vector<50x1xf32> to vector<50x300xf32>
    %mul3A_393 = arith.mulf %mul3A_392, %add3A_391 : vector<50x300xf32>
    %div3A_394 = vector.broadcast %max3A_11 : f32 to vector<50x300xf32>
    %div3A_395 = arith.divf %mul3A_393, %div3A_394 : vector<50x300xf32>
    %add3A_396 = arith.addf %div3A_381, %div3A_395 : vector<50x300xf32>
    %reduce_sum3A_397 = vector.shape_cast %sub3A_250 : vector<1x300xf32> to vector<1x1x300xf32>
    %reduce_sum3A_398 = arith.constant dense<0.000000e+00> : vector<1xf32>
    %reduce_sum3A_399 = vector.multi_reduction <add>, %reduce_sum3A_397, %reduce_sum3A_398 [1, 2] : vector<1x1x300xf32> to vector<1xf32>
    %reduce_sum3A_400 = vector.shape_cast %reduce_sum3A_399 : vector<1xf32> to vector<1x1x1xf32>
    %reduce_sum3A_401 = vector.extract %reduce_sum3A_400[0, 0, 0] : f32 from vector<1x1x1xf32>
    %neg3A_402 = arith.constant 0.000000e+00 : f32
    %neg3A_403 = arith.subf %neg3A_402, %reduce_sum3A_401 : f32
    %mul3A_404 = arith.constant 1.000000e-01 : f32
    %mul3A_405 = arith.mulf %mul3A_404, %neg3A_403 : f32
    %div3A_406 = arith.divf %mul3A_405, %add3A_10 : f32
    %jit3A_407 = arith.constant 0.000000e+00 : f32
    %broadcast_in_dim3A_408 = vector.broadcast %div3A_406 : f32 to vector<50x300xf32>
    %broadcast_in_dim3A_409 = vector.broadcast %jit3A_407 : f32 to vector<50x300xf32>
    %select_n3A_410 = arith.select %eq3A_14, %broadcast_in_dim3A_408, %broadcast_in_dim3A_409 : vector<50x300xi1>, vector<50x300xf32>
    %add3A_411 = arith.addf %add3A_396, %select_n3A_410 : vector<50x300xf32>
    %swap3A_412 = arith.constant 1 : index
    %swap3A_413 = arith.constant 0 : index
    %swap3A_414 = arith.constant 0 : index
    %swap3A_415 = vector.load %arg6[%swap3A_412, %swap3A_413, %swap3A_414] : memref<8x56x384xf32, #tpu.memory_space<vmem>>, vector<1x50x300xf32>
    %swap3A_416 = vector.shape_cast %swap3A_415 : vector<1x50x300xf32> to vector<50x300xf32>
    %swap3A_417 = vector.shape_cast %sub3A_353 : vector<50x300xf32> to vector<1x50x300xf32>
    tpu.vector_store %arg6[%swap3A_412, %swap3A_413, %swap3A_414], %swap3A_417 {strides = array<i32>} : memref<8x56x384xf32, #tpu.memory_space<vmem>>, vector<1x50x300xf32>,
    %swap3A_418 = arith.constant 1 : index
    %swap3A_419 = arith.constant 0 : index
    %swap3A_420 = arith.constant 300 : index
    %swap3A_421 = vector.load %arg6[%swap3A_418, %swap3A_419, %swap3A_420] : memref<8x56x384xf32, #tpu.memory_space<vmem>>, vector<1x50x84xf32>
    %swap3A_422 = vector.shape_cast %swap3A_421 : vector<1x50x84xf32> to vector<50x84xf32>
    %swap3A_423 = vector.shape_cast %broadcast_in_dim3A_12 : vector<50x84xf32> to vector<1x50x84xf32>
    tpu.vector_store %arg6[%swap3A_418, %swap3A_419, %swap3A_420], %swap3A_423 {strides = array<i32>} : memref<8x56x384xf32, #tpu.memory_space<vmem>>, vector<1x50x84xf32>,
    %swap3A_424 = arith.constant 1 : index
    %swap3A_425 = arith.constant 0 : index
    %swap3A_426 = arith.constant 0 : index
    %swap3A_427 = vector.load %arg7[%swap3A_424, %swap3A_425, %swap3A_426] : memref<8x56x384xf32, #tpu.memory_space<vmem>>, vector<1x50x300xf32>
    %swap3A_428 = vector.shape_cast %swap3A_427 : vector<1x50x300xf32> to vector<50x300xf32>
    %swap3A_429 = vector.shape_cast %add3A_411 : vector<50x300xf32> to vector<1x50x300xf32>
    tpu.vector_store %arg7[%swap3A_424, %swap3A_425, %swap3A_426], %swap3A_429 {strides = array<i32>} : memref<8x56x384xf32, #tpu.memory_space<vmem>>, vector<1x50x300xf32>,
    %get3A_430 = arith.constant 2 : index
    %get3A_431 = arith.constant 0 : index
    %get3A_432 = arith.constant 0 : index
    %get3A_433 = vector.load %arg1[%get3A_430, %get3A_431, %get3A_432] : memref<8x300x92xf32, #tpu.memory_space<vmem>>, vector<1x300x92xf32>
    %get3A_434 = vector.shape_cast %get3A_433 : vector<1x300x92xf32> to vector<300x92xf32>
    %get3A_435 = arith.constant 2 : index
    %get3A_436 = arith.constant 0 : index
    %get3A_437 = arith.constant 0 : index
    %get3A_438 = vector.load %arg2[%get3A_435, %get3A_436, %get3A_437] : memref<8x300x4xf32, #tpu.memory_space<vmem>>, vector<1x300x4xf32>
    %get3A_439 = vector.shape_cast %get3A_438 : vector<1x300x4xf32> to vector<300x4xf32>
    %transpose3A_440 = tpu.transpose %get3A_439, [1, 0] : vector<300x4xf32> -> vector<4x300xf32>
    %get3A_441 = arith.constant 2 : index
    %get3A_442 = arith.constant 0 : index
    %get3A_443 = arith.constant 0 : index
    %get3A_444 = vector.load %arg3[%get3A_441, %get3A_442, %get3A_443] : memref<8x50x4xf32, #tpu.memory_space<vmem>>, vector<1x50x4xf32>
    %get3A_445 = vector.shape_cast %get3A_444 : vector<1x50x4xf32> to vector<50x4xf32>
    %get3A_446 = arith.constant 2 : index
    %get3A_447 = arith.constant 0 : index
    %get3A_448 = arith.constant 0 : index
    %get3A_449 = vector.load %arg4[%get3A_446, %get3A_447, %get3A_448] : memref<8x50x1xi32, #tpu.memory_space<vmem>>, vector<1x50x1xi32>
    %get3A_450 = vector.shape_cast %get3A_449 : vector<1x50x1xi32> to vector<50x1xi32>
    %transpose3A_451 = tpu.transpose %get3A_434, [1, 0] : vector<300x92xf32> -> vector<92x300xf32>
    %reduce_max3A_452 = arith.constant dense<0xFF800000> : vector<300xf32>
    %reduce_max3A_453 = vector.multi_reduction <maximumf>, %transpose3A_451, %reduce_max3A_452 [0] : vector<92x300xf32> to vector<300xf32>
    %broadcast_in_dim3A_454 = vector.shape_cast %reduce_max3A_453 : vector<300xf32> to vector<1x300xf32>
    %sub3A_455 = vector.broadcast %broadcast_in_dim3A_454 : vector<1x300xf32> to vector<92x300xf32>
    %sub3A_456 = arith.subf %transpose3A_451, %sub3A_455 : vector<92x300xf32>
    %exp3A_457 = math.exp %sub3A_456 : vector<92x300xf32>
    %reduce_sum3A_458 = arith.constant dense<0.000000e+00> : vector<300xf32>
    %reduce_sum3A_459 = vector.multi_reduction <add>, %exp3A_457, %reduce_sum3A_458 [0] : vector<92x300xf32> to vector<300xf32>
    %broadcast_in_dim3A_460 = vector.shape_cast %reduce_sum3A_459 : vector<300xf32> to vector<1x300xf32>
    %log3A_461 = math.log %broadcast_in_dim3A_460 : vector<1x300xf32>
    %add3A_462 = arith.addf %log3A_461, %broadcast_in_dim3A_454 : vector<1x300xf32>
    %slice3A_463 = vector.extract_strided_slice %transpose3A_451 {offsets = [0, 0], sizes = [1, 300], strides = [1, 1]} : vector<92x300xf32> to vector<1x300xf32>
    %sub3A_464 = arith.subf %slice3A_463, %add3A_462 : vector<1x300xf32>
    %eq3A_465 = vector.broadcast %get3A_450 : vector<50x1xi32> to vector<50x92xi32>
    %eq3A_466 = arith.cmpi eq, %iota3A_15, %eq3A_465 : vector<50x92xi32>
    %convert_element_type3A_467 = arith.extui %eq3A_466 : vector<50x92xi1> to vector<50x92xi32>
    %convert_element_type3A_468 = arith.sitofp %convert_element_type3A_467 : vector<50x92xi32> to vector<50x92xf32>
    %dot_general3A_469 = arith.constant dense<0.000000e+00> : vector<50x300xf32>
    %dot_general3A_470 = tpu.matmul %convert_element_type3A_468, %transpose3A_451, %dot_general3A_469 {dimension_numbers = #tpu.dot_dimension_numbers<[1], [0], [0], [1], [0, 0, 1, 1], [], []>, transpose_lhs_hint = false} : vector<50x92xf32>, vector<92x300xf32>, vector<50x300xf32> -> vector<50x300xf32>
    %sub3A_471 = vector.broadcast %add3A_462 : vector<1x300xf32> to vector<50x300xf32>
    %sub3A_472 = arith.subf %dot_general3A_470, %sub3A_471 : vector<50x300xf32>
    %exp3A_473 = math.exp %sub3A_472 : vector<50x300xf32>
    %slice3A_474 = vector.extract_strided_slice %transpose3A_440 {offsets = [0, 0], sizes = [1, 300], strides = [1, 1]} : vector<4x300xf32> to vector<1x300xf32>
    %slice3A_475 = vector.extract_strided_slice %transpose3A_440 {offsets = [1, 0], sizes = [1, 300], strides = [1, 1]} : vector<4x300xf32> to vector<1x300xf32>
    %slice3A_476 = vector.extract_strided_slice %transpose3A_440 {offsets = [2, 0], sizes = [1, 300], strides = [1, 1]} : vector<4x300xf32> to vector<1x300xf32>
    %slice3A_477 = vector.extract_strided_slice %transpose3A_440 {offsets = [3, 0], sizes = [1, 300], strides = [1, 1]} : vector<4x300xf32> to vector<1x300xf32>
    %slice3A_478 = vector.extract_strided_slice %get3A_445 {offsets = [0, 0], sizes = [50, 1], strides = [1, 1]} : vector<50x4xf32> to vector<50x1xf32>
    %slice3A_479 = vector.extract_strided_slice %get3A_445 {offsets = [0, 1], sizes = [50, 1], strides = [1, 1]} : vector<50x4xf32> to vector<50x1xf32>
    %slice3A_480 = vector.extract_strided_slice %get3A_445 {offsets = [0, 2], sizes = [50, 1], strides = [1, 1]} : vector<50x4xf32> to vector<50x1xf32>
    %slice3A_481 = vector.extract_strided_slice %get3A_445 {offsets = [0, 3], sizes = [50, 1], strides = [1, 1]} : vector<50x4xf32> to vector<50x1xf32>
    %sub3A_482 = vector.broadcast %slice3A_474 : vector<1x300xf32> to vector<50x300xf32>
    %sub3A_483 = vector.broadcast %slice3A_478 : vector<50x1xf32> to vector<50x300xf32>
    %sub3A_484 = arith.subf %sub3A_482, %sub3A_483 : vector<50x300xf32>
    %abs3A_485 = math.absf %sub3A_484 : vector<50x300xf32>
    %sub3A_486 = vector.broadcast %slice3A_475 : vector<1x300xf32> to vector<50x300xf32>
    %sub3A_487 = vector.broadcast %slice3A_479 : vector<50x1xf32> to vector<50x300xf32>
    %sub3A_488 = arith.subf %sub3A_486, %sub3A_487 : vector<50x300xf32>
    %abs3A_489 = math.absf %sub3A_488 : vector<50x300xf32>
    %add3A_490 = arith.addf %abs3A_485, %abs3A_489 : vector<50x300xf32>
    %sub3A_491 = vector.broadcast %slice3A_476 : vector<1x300xf32> to vector<50x300xf32>
    %sub3A_492 = vector.broadcast %slice3A_480 : vector<50x1xf32> to vector<50x300xf32>
    %sub3A_493 = arith.subf %sub3A_491, %sub3A_492 : vector<50x300xf32>
    %abs3A_494 = math.absf %sub3A_493 : vector<50x300xf32>
    %add3A_495 = arith.addf %add3A_490, %abs3A_494 : vector<50x300xf32>
    %sub3A_496 = vector.broadcast %slice3A_477 : vector<1x300xf32> to vector<50x300xf32>
    %sub3A_497 = vector.broadcast %slice3A_481 : vector<50x1xf32> to vector<50x300xf32>
    %sub3A_498 = arith.subf %sub3A_496, %sub3A_497 : vector<50x300xf32>
    %abs3A_499 = math.absf %sub3A_498 : vector<50x300xf32>
    %add3A_500 = arith.addf %add3A_495, %abs3A_499 : vector<50x300xf32>
    %max3A_501 = vector.broadcast %slice3A_474 : vector<1x300xf32> to vector<50x300xf32>
    %max3A_502 = vector.broadcast %slice3A_478 : vector<50x1xf32> to vector<50x300xf32>
    %max3A_503 = arith.maximumf %max3A_501, %max3A_502 : vector<50x300xf32>
    %max3A_504 = vector.broadcast %slice3A_475 : vector<1x300xf32> to vector<50x300xf32>
    %max3A_505 = vector.broadcast %slice3A_479 : vector<50x1xf32> to vector<50x300xf32>
    %max3A_506 = arith.maximumf %max3A_504, %max3A_505 : vector<50x300xf32>
    %min3A_507 = vector.broadcast %slice3A_476 : vector<1x300xf32> to vector<50x300xf32>
    %min3A_508 = vector.broadcast %slice3A_480 : vector<50x1xf32> to vector<50x300xf32>
    %min3A_509 = arith.minimumf %min3A_507, %min3A_508 : vector<50x300xf32>
    %min3A_510 = vector.broadcast %slice3A_477 : vector<1x300xf32> to vector<50x300xf32>
    %min3A_511 = vector.broadcast %slice3A_481 : vector<50x1xf32> to vector<50x300xf32>
    %min3A_512 = arith.minimumf %min3A_510, %min3A_511 : vector<50x300xf32>
    %sub3A_513 = arith.subf %min3A_509, %max3A_503 : vector<50x300xf32>
    %max3A_514 = arith.constant 0.000000e+00 : f32
    %max3A_515 = vector.broadcast %max3A_514 : f32 to vector<50x300xf32>
    %max3A_516 = arith.maximumf %sub3A_513, %max3A_515 : vector<50x300xf32>
    %sub3A_517 = arith.subf %min3A_512, %max3A_506 : vector<50x300xf32>
    %max3A_518 = arith.constant 0.000000e+00 : f32
    %max3A_519 = vector.broadcast %max3A_518 : f32 to vector<50x300xf32>
    %max3A_520 = arith.maximumf %sub3A_517, %max3A_519 : vector<50x300xf32>
    %mul3A_521 = arith.mulf %max3A_516, %max3A_520 : vector<50x300xf32>
    %sub3A_522 = arith.subf %slice3A_476, %slice3A_474 : vector<1x300xf32>
    %sub3A_523 = arith.subf %slice3A_477, %slice3A_475 : vector<1x300xf32>
    %mul3A_524 = arith.mulf %sub3A_522, %sub3A_523 : vector<1x300xf32>
    %sub3A_525 = arith.subf %slice3A_480, %slice3A_478 : vector<50x1xf32>
    %sub3A_526 = arith.subf %slice3A_481, %slice3A_479 : vector<50x1xf32>
    %mul3A_527 = arith.mulf %sub3A_525, %sub3A_526 : vector<50x1xf32>
    %add3A_528 = vector.broadcast %mul3A_524 : vector<1x300xf32> to vector<50x300xf32>
    %add3A_529 = vector.broadcast %mul3A_527 : vector<50x1xf32> to vector<50x300xf32>
    %add3A_530 = arith.addf %add3A_528, %add3A_529 : vector<50x300xf32>
    %sub3A_531 = arith.subf %add3A_530, %mul3A_521 : vector<50x300xf32>
    %add3A_532 = arith.constant 1.000000e-07 : f32
    %add3A_533 = vector.broadcast %add3A_532 : f32 to vector<50x300xf32>
    %add3A_534 = arith.addf %sub3A_531, %add3A_533 : vector<50x300xf32>
    %div3A_535 = arith.divf %mul3A_521, %add3A_534 : vector<50x300xf32>
    %min3A_536 = vector.broadcast %slice3A_474 : vector<1x300xf32> to vector<50x300xf32>
    %min3A_537 = vector.broadcast %slice3A_478 : vector<50x1xf32> to vector<50x300xf32>
    %min3A_538 = arith.minimumf %min3A_536, %min3A_537 : vector<50x300xf32>
    %min3A_539 = vector.broadcast %slice3A_475 : vector<1x300xf32> to vector<50x300xf32>
    %min3A_540 = vector.broadcast %slice3A_479 : vector<50x1xf32> to vector<50x300xf32>
    %min3A_541 = arith.minimumf %min3A_539, %min3A_540 : vector<50x300xf32>
    %max3A_542 = vector.broadcast %slice3A_476 : vector<1x300xf32> to vector<50x300xf32>
    %max3A_543 = vector.broadcast %slice3A_480 : vector<50x1xf32> to vector<50x300xf32>
    %max3A_544 = arith.maximumf %max3A_542, %max3A_543 : vector<50x300xf32>
    %max3A_545 = vector.broadcast %slice3A_477 : vector<1x300xf32> to vector<50x300xf32>
    %max3A_546 = vector.broadcast %slice3A_481 : vector<50x1xf32> to vector<50x300xf32>
    %max3A_547 = arith.maximumf %max3A_545, %max3A_546 : vector<50x300xf32>
    %sub3A_548 = arith.subf %max3A_544, %min3A_538 : vector<50x300xf32>
    %sub3A_549 = arith.subf %max3A_547, %min3A_541 : vector<50x300xf32>
    %mul3A_550 = arith.mulf %sub3A_548, %sub3A_549 : vector<50x300xf32>
    %sub3A_551 = arith.subf %mul3A_550, %sub3A_531 : vector<50x300xf32>
    %add3A_552 = arith.constant 1.000000e-07 : f32
    %add3A_553 = vector.broadcast %add3A_552 : f32 to vector<50x300xf32>
    %add3A_554 = arith.addf %mul3A_550, %add3A_553 : vector<50x300xf32>
    %div3A_555 = arith.divf %sub3A_551, %add3A_554 : vector<50x300xf32>
    %sub3A_556 = arith.subf %div3A_535, %div3A_555 : vector<50x300xf32>
    %mul3A_557 = arith.constant -1.000000e+00 : f32
    %mul3A_558 = vector.broadcast %mul3A_557 : f32 to vector<50x300xf32>
    %mul3A_559 = arith.mulf %mul3A_558, %exp3A_473 : vector<50x300xf32>
    %mul3A_560 = arith.constant 5.000000e+00 : f32
    %mul3A_561 = vector.broadcast %mul3A_560 : f32 to vector<50x300xf32>
    %mul3A_562 = arith.mulf %mul3A_561, %add3A_500 : vector<50x300xf32>
    %add3A_563 = arith.addf %mul3A_559, %mul3A_562 : vector<50x300xf32>
    %mul3A_564 = arith.constant 2.000000e+00 : f32
    %mul3A_565 = vector.broadcast %mul3A_564 : f32 to vector<50x300xf32>
    %mul3A_566 = arith.mulf %mul3A_565, %sub3A_556 : vector<50x300xf32>
    %sub3A_567 = arith.subf %add3A_563, %mul3A_566 : vector<50x300xf32>
    %eq3A_568 = arith.constant 0 : i32
    %eq3A_569 = vector.broadcast %eq3A_568 : i32 to vector<50x1xi32>
    %eq3A_570 = arith.cmpi eq, %get3A_450, %eq3A_569 : vector<50x1xi32>
    %jit3A_571 = arith.constant 1.000000e-01 : f32
    %jit3A_572 = arith.constant 1.000000e+00 : f32
    %broadcast_in_dim3A_573 = vector.broadcast %jit3A_571 : f32 to vector<50x1xf32>
    %broadcast_in_dim3A_574 = vector.broadcast %jit3A_572 : f32 to vector<50x1xf32>
    %select_n3A_575 = arith.select %eq3A_570, %broadcast_in_dim3A_573, %broadcast_in_dim3A_574 : vector<50x1xi1>, vector<50x1xf32>
    %ne3A_576 = arith.constant 0 : i32
    %ne3A_577 = vector.broadcast %ne3A_576 : i32 to vector<50x1xi32>
    %ne3A_578 = arith.cmpi ne, %get3A_450, %ne3A_577 : vector<50x1xi32>
    %convert_element_type3A_579 = arith.extui %ne3A_578 : vector<50x1xi1> to vector<50x1xi32>
    %convert_element_type3A_580 = arith.sitofp %convert_element_type3A_579 : vector<50x1xi32> to vector<50x1xf32>
    %neg3A_581 = arith.constant 0.000000e+00 : f32
    %neg3A_582 = vector.broadcast %neg3A_581 : f32 to vector<50x300xf32>
    %neg3A_583 = arith.subf %neg3A_582, %sub3A_472 : vector<50x300xf32>
    %mul3A_584 = vector.broadcast %select_n3A_575 : vector<50x1xf32> to vector<50x300xf32>
    %mul3A_585 = arith.mulf %mul3A_584, %neg3A_583 : vector<50x300xf32>
    %mul3A_586 = arith.constant 1.000000e-01 : f32
    %mul3A_587 = vector.broadcast %mul3A_586 : f32 to vector<1x300xf32>
    %mul3A_588 = arith.mulf %mul3A_587, %sub3A_464 : vector<1x300xf32>
    %add3A_589 = vector.broadcast %mul3A_588 : vector<1x300xf32> to vector<50x300xf32>
    %add3A_590 = arith.addf %mul3A_585, %add3A_589 : vector<50x300xf32>
    %mul3A_591 = arith.constant 1.000000e+00 : f32
    %mul3A_592 = vector.broadcast %mul3A_591 : f32 to vector<50x300xf32>
    %mul3A_593 = arith.mulf %mul3A_592, %add3A_590 : vector<50x300xf32>
    %div3A_594 = vector.broadcast %add3A_10 : f32 to vector<50x300xf32>
    %div3A_595 = arith.divf %mul3A_593, %div3A_594 : vector<50x300xf32>
    %mul3A_596 = arith.constant 5.000000e+00 : f32
    %mul3A_597 = vector.broadcast %mul3A_596 : f32 to vector<50x300xf32>
    %mul3A_598 = arith.mulf %mul3A_597, %add3A_500 : vector<50x300xf32>
    %sub3A_599 = arith.constant 1.000000e+00 : f32
    %sub3A_600 = vector.broadcast %sub3A_599 : f32 to vector<50x300xf32>
    %sub3A_601 = arith.subf %sub3A_600, %sub3A_556 : vector<50x300xf32>
    %mul3A_602 = arith.constant 2.000000e+00 : f32
    %mul3A_603 = vector.broadcast %mul3A_602 : f32 to vector<50x300xf32>
    %mul3A_604 = arith.mulf %mul3A_603, %sub3A_601 : vector<50x300xf32>
    %add3A_605 = arith.addf %mul3A_598, %mul3A_604 : vector<50x300xf32>
    %mul3A_606 = vector.broadcast %convert_element_type3A_580 : vector<50x1xf32> to vector<50x300xf32>
    %mul3A_607 = arith.mulf %mul3A_606, %add3A_605 : vector<50x300xf32>
    %div3A_608 = vector.broadcast %max3A_11 : f32 to vector<50x300xf32>
    %div3A_609 = arith.divf %mul3A_607, %div3A_608 : vector<50x300xf32>
    %add3A_610 = arith.addf %div3A_595, %div3A_609 : vector<50x300xf32>
    %reduce_sum3A_611 = vector.shape_cast %sub3A_464 : vector<1x300xf32> to vector<1x1x300xf32>
    %reduce_sum3A_612 = arith.constant dense<0.000000e+00> : vector<1xf32>
    %reduce_sum3A_613 = vector.multi_reduction <add>, %reduce_sum3A_611, %reduce_sum3A_612 [1, 2] : vector<1x1x300xf32> to vector<1xf32>
    %reduce_sum3A_614 = vector.shape_cast %reduce_sum3A_613 : vector<1xf32> to vector<1x1x1xf32>
    %reduce_sum3A_615 = vector.extract %reduce_sum3A_614[0, 0, 0] : f32 from vector<1x1x1xf32>
    %neg3A_616 = arith.constant 0.000000e+00 : f32
    %neg3A_617 = arith.subf %neg3A_616, %reduce_sum3A_615 : f32
    %mul3A_618 = arith.constant 1.000000e-01 : f32
    %mul3A_619 = arith.mulf %mul3A_618, %neg3A_617 : f32
    %div3A_620 = arith.divf %mul3A_619, %add3A_10 : f32
    %jit3A_621 = arith.constant 0.000000e+00 : f32
    %broadcast_in_dim3A_622 = vector.broadcast %div3A_620 : f32 to vector<50x300xf32>
    %broadcast_in_dim3A_623 = vector.broadcast %jit3A_621 : f32 to vector<50x300xf32>
    %select_n3A_624 = arith.select %eq3A_14, %broadcast_in_dim3A_622, %broadcast_in_dim3A_623 : vector<50x300xi1>, vector<50x300xf32>
    %add3A_625 = arith.addf %add3A_610, %select_n3A_624 : vector<50x300xf32>
    %swap3A_626 = arith.constant 2 : index
    %swap3A_627 = arith.constant 0 : index
    %swap3A_628 = arith.constant 0 : index
    %swap3A_629 = vector.load %arg6[%swap3A_626, %swap3A_627, %swap3A_628] : memref<8x56x384xf32, #tpu.memory_space<vmem>>, vector<1x50x300xf32>
    %swap3A_630 = vector.shape_cast %swap3A_629 : vector<1x50x300xf32> to vector<50x300xf32>
    %swap3A_631 = vector.shape_cast %sub3A_567 : vector<50x300xf32> to vector<1x50x300xf32>
    tpu.vector_store %arg6[%swap3A_626, %swap3A_627, %swap3A_628], %swap3A_631 {strides = array<i32>} : memref<8x56x384xf32, #tpu.memory_space<vmem>>, vector<1x50x300xf32>,
    %swap3A_632 = arith.constant 2 : index
    %swap3A_633 = arith.constant 0 : index
    %swap3A_634 = arith.constant 300 : index
    %swap3A_635 = vector.load %arg6[%swap3A_632, %swap3A_633, %swap3A_634] : memref<8x56x384xf32, #tpu.memory_space<vmem>>, vector<1x50x84xf32>
    %swap3A_636 = vector.shape_cast %swap3A_635 : vector<1x50x84xf32> to vector<50x84xf32>
    %swap3A_637 = vector.shape_cast %broadcast_in_dim3A_12 : vector<50x84xf32> to vector<1x50x84xf32>
    tpu.vector_store %arg6[%swap3A_632, %swap3A_633, %swap3A_634], %swap3A_637 {strides = array<i32>} : memref<8x56x384xf32, #tpu.memory_space<vmem>>, vector<1x50x84xf32>,
    %swap3A_638 = arith.constant 2 : index
    %swap3A_639 = arith.constant 0 : index
    %swap3A_640 = arith.constant 0 : index
    %swap3A_641 = vector.load %arg7[%swap3A_638, %swap3A_639, %swap3A_640] : memref<8x56x384xf32, #tpu.memory_space<vmem>>, vector<1x50x300xf32>
    %swap3A_642 = vector.shape_cast %swap3A_641 : vector<1x50x300xf32> to vector<50x300xf32>
    %swap3A_643 = vector.shape_cast %add3A_625 : vector<50x300xf32> to vector<1x50x300xf32>
    tpu.vector_store %arg7[%swap3A_638, %swap3A_639, %swap3A_640], %swap3A_643 {strides = array<i32>} : memref<8x56x384xf32, #tpu.memory_space<vmem>>, vector<1x50x300xf32>,
    %get3A_644 = arith.constant 3 : index
    %get3A_645 = arith.constant 0 : index
    %get3A_646 = arith.constant 0 : index
    %get3A_647 = vector.load %arg1[%get3A_644, %get3A_645, %get3A_646] : memref<8x300x92xf32, #tpu.memory_space<vmem>>, vector<1x300x92xf32>
    %get3A_648 = vector.shape_cast %get3A_647 : vector<1x300x92xf32> to vector<300x92xf32>
    %get3A_649 = arith.constant 3 : index
    %get3A_650 = arith.constant 0 : index
    %get3A_651 = arith.constant 0 : index
    %get3A_652 = vector.load %arg2[%get3A_649, %get3A_650, %get3A_651] : memref<8x300x4xf32, #tpu.memory_space<vmem>>, vector<1x300x4xf32>
    %get3A_653 = vector.shape_cast %get3A_652 : vector<1x300x4xf32> to vector<300x4xf32>
    %transpose3A_654 = tpu.transpose %get3A_653, [1, 0] : vector<300x4xf32> -> vector<4x300xf32>
    %get3A_655 = arith.constant 3 : index
    %get3A_656 = arith.constant 0 : index
    %get3A_657 = arith.constant 0 : index
    %get3A_658 = vector.load %arg3[%get3A_655, %get3A_656, %get3A_657] : memref<8x50x4xf32, #tpu.memory_space<vmem>>, vector<1x50x4xf32>
    %get3A_659 = vector.shape_cast %get3A_658 : vector<1x50x4xf32> to vector<50x4xf32>
    %get3A_660 = arith.constant 3 : index
    %get3A_661 = arith.constant 0 : index
    %get3A_662 = arith.constant 0 : index
    %get3A_663 = vector.load %arg4[%get3A_660, %get3A_661, %get3A_662] : memref<8x50x1xi32, #tpu.memory_space<vmem>>, vector<1x50x1xi32>
    %get3A_664 = vector.shape_cast %get3A_663 : vector<1x50x1xi32> to vector<50x1xi32>
    %transpose3A_665 = tpu.transpose %get3A_648, [1, 0] : vector<300x92xf32> -> vector<92x300xf32>
    %reduce_max3A_666 = arith.constant dense<0xFF800000> : vector<300xf32>
    %reduce_max3A_667 = vector.multi_reduction <maximumf>, %transpose3A_665, %reduce_max3A_666 [0] : vector<92x300xf32> to vector<300xf32>
    %broadcast_in_dim3A_668 = vector.shape_cast %reduce_max3A_667 : vector<300xf32> to vector<1x300xf32>
    %sub3A_669 = vector.broadcast %broadcast_in_dim3A_668 : vector<1x300xf32> to vector<92x300xf32>
    %sub3A_670 = arith.subf %transpose3A_665, %sub3A_669 : vector<92x300xf32>
    %exp3A_671 = math.exp %sub3A_670 : vector<92x300xf32>
    %reduce_sum3A_672 = arith.constant dense<0.000000e+00> : vector<300xf32>
    %reduce_sum3A_673 = vector.multi_reduction <add>, %exp3A_671, %reduce_sum3A_672 [0] : vector<92x300xf32> to vector<300xf32>
    %broadcast_in_dim3A_674 = vector.shape_cast %reduce_sum3A_673 : vector<300xf32> to vector<1x300xf32>
    %log3A_675 = math.log %broadcast_in_dim3A_674 : vector<1x300xf32>
    %add3A_676 = arith.addf %log3A_675, %broadcast_in_dim3A_668 : vector<1x300xf32>
    %slice3A_677 = vector.extract_strided_slice %transpose3A_665 {offsets = [0, 0], sizes = [1, 300], strides = [1, 1]} : vector<92x300xf32> to vector<1x300xf32>
    %sub3A_678 = arith.subf %slice3A_677, %add3A_676 : vector<1x300xf32>
    %eq3A_679 = vector.broadcast %get3A_664 : vector<50x1xi32> to vector<50x92xi32>
    %eq3A_680 = arith.cmpi eq, %iota3A_15, %eq3A_679 : vector<50x92xi32>
    %convert_element_type3A_681 = arith.extui %eq3A_680 : vector<50x92xi1> to vector<50x92xi32>
    %convert_element_type3A_682 = arith.sitofp %convert_element_type3A_681 : vector<50x92xi32> to vector<50x92xf32>
    %dot_general3A_683 = arith.constant dense<0.000000e+00> : vector<50x300xf32>
    %dot_general3A_684 = tpu.matmul %convert_element_type3A_682, %transpose3A_665, %dot_general3A_683 {dimension_numbers = #tpu.dot_dimension_numbers<[1], [0], [0], [1], [0, 0, 1, 1], [], []>, transpose_lhs_hint = false} : vector<50x92xf32>, vector<92x300xf32>, vector<50x300xf32> -> vector<50x300xf32>
    %sub3A_685 = vector.broadcast %add3A_676 : vector<1x300xf32> to vector<50x300xf32>
    %sub3A_686 = arith.subf %dot_general3A_684, %sub3A_685 : vector<50x300xf32>
    %exp3A_687 = math.exp %sub3A_686 : vector<50x300xf32>
    %slice3A_688 = vector.extract_strided_slice %transpose3A_654 {offsets = [0, 0], sizes = [1, 300], strides = [1, 1]} : vector<4x300xf32> to vector<1x300xf32>
    %slice3A_689 = vector.extract_strided_slice %transpose3A_654 {offsets = [1, 0], sizes = [1, 300], strides = [1, 1]} : vector<4x300xf32> to vector<1x300xf32>
    %slice3A_690 = vector.extract_strided_slice %transpose3A_654 {offsets = [2, 0], sizes = [1, 300], strides = [1, 1]} : vector<4x300xf32> to vector<1x300xf32>
    %slice3A_691 = vector.extract_strided_slice %transpose3A_654 {offsets = [3, 0], sizes = [1, 300], strides = [1, 1]} : vector<4x300xf32> to vector<1x300xf32>
    %slice3A_692 = vector.extract_strided_slice %get3A_659 {offsets = [0, 0], sizes = [50, 1], strides = [1, 1]} : vector<50x4xf32> to vector<50x1xf32>
    %slice3A_693 = vector.extract_strided_slice %get3A_659 {offsets = [0, 1], sizes = [50, 1], strides = [1, 1]} : vector<50x4xf32> to vector<50x1xf32>
    %slice3A_694 = vector.extract_strided_slice %get3A_659 {offsets = [0, 2], sizes = [50, 1], strides = [1, 1]} : vector<50x4xf32> to vector<50x1xf32>
    %slice3A_695 = vector.extract_strided_slice %get3A_659 {offsets = [0, 3], sizes = [50, 1], strides = [1, 1]} : vector<50x4xf32> to vector<50x1xf32>
    %sub3A_696 = vector.broadcast %slice3A_688 : vector<1x300xf32> to vector<50x300xf32>
    %sub3A_697 = vector.broadcast %slice3A_692 : vector<50x1xf32> to vector<50x300xf32>
    %sub3A_698 = arith.subf %sub3A_696, %sub3A_697 : vector<50x300xf32>
    %abs3A_699 = math.absf %sub3A_698 : vector<50x300xf32>
    %sub3A_700 = vector.broadcast %slice3A_689 : vector<1x300xf32> to vector<50x300xf32>
    %sub3A_701 = vector.broadcast %slice3A_693 : vector<50x1xf32> to vector<50x300xf32>
    %sub3A_702 = arith.subf %sub3A_700, %sub3A_701 : vector<50x300xf32>
    %abs3A_703 = math.absf %sub3A_702 : vector<50x300xf32>
    %add3A_704 = arith.addf %abs3A_699, %abs3A_703 : vector<50x300xf32>
    %sub3A_705 = vector.broadcast %slice3A_690 : vector<1x300xf32> to vector<50x300xf32>
    %sub3A_706 = vector.broadcast %slice3A_694 : vector<50x1xf32> to vector<50x300xf32>
    %sub3A_707 = arith.subf %sub3A_705, %sub3A_706 : vector<50x300xf32>
    %abs3A_708 = math.absf %sub3A_707 : vector<50x300xf32>
    %add3A_709 = arith.addf %add3A_704, %abs3A_708 : vector<50x300xf32>
    %sub3A_710 = vector.broadcast %slice3A_691 : vector<1x300xf32> to vector<50x300xf32>
    %sub3A_711 = vector.broadcast %slice3A_695 : vector<50x1xf32> to vector<50x300xf32>
    %sub3A_712 = arith.subf %sub3A_710, %sub3A_711 : vector<50x300xf32>
    %abs3A_713 = math.absf %sub3A_712 : vector<50x300xf32>
    %add3A_714 = arith.addf %add3A_709, %abs3A_713 : vector<50x300xf32>
    %max3A_715 = vector.broadcast %slice3A_688 : vector<1x300xf32> to vector<50x300xf32>
    %max3A_716 = vector.broadcast %slice3A_692 : vector<50x1xf32> to vector<50x300xf32>
    %max3A_717 = arith.maximumf %max3A_715, %max3A_716 : vector<50x300xf32>
    %max3A_718 = vector.broadcast %slice3A_689 : vector<1x300xf32> to vector<50x300xf32>
    %max3A_719 = vector.broadcast %slice3A_693 : vector<50x1xf32> to vector<50x300xf32>
    %max3A_720 = arith.maximumf %max3A_718, %max3A_719 : vector<50x300xf32>
    %min3A_721 = vector.broadcast %slice3A_690 : vector<1x300xf32> to vector<50x300xf32>
    %min3A_722 = vector.broadcast %slice3A_694 : vector<50x1xf32> to vector<50x300xf32>
    %min3A_723 = arith.minimumf %min3A_721, %min3A_722 : vector<50x300xf32>
    %min3A_724 = vector.broadcast %slice3A_691 : vector<1x300xf32> to vector<50x300xf32>
    %min3A_725 = vector.broadcast %slice3A_695 : vector<50x1xf32> to vector<50x300xf32>
    %min3A_726 = arith.minimumf %min3A_724, %min3A_725 : vector<50x300xf32>
    %sub3A_727 = arith.subf %min3A_723, %max3A_717 : vector<50x300xf32>
    %max3A_728 = arith.constant 0.000000e+00 : f32
    %max3A_729 = vector.broadcast %max3A_728 : f32 to vector<50x300xf32>
    %max3A_730 = arith.maximumf %sub3A_727, %max3A_729 : vector<50x300xf32>
    %sub3A_731 = arith.subf %min3A_726, %max3A_720 : vector<50x300xf32>
    %max3A_732 = arith.constant 0.000000e+00 : f32
    %max3A_733 = vector.broadcast %max3A_732 : f32 to vector<50x300xf32>
    %max3A_734 = arith.maximumf %sub3A_731, %max3A_733 : vector<50x300xf32>
    %mul3A_735 = arith.mulf %max3A_730, %max3A_734 : vector<50x300xf32>
    %sub3A_736 = arith.subf %slice3A_690, %slice3A_688 : vector<1x300xf32>
    %sub3A_737 = arith.subf %slice3A_691, %slice3A_689 : vector<1x300xf32>
    %mul3A_738 = arith.mulf %sub3A_736, %sub3A_737 : vector<1x300xf32>
    %sub3A_739 = arith.subf %slice3A_694, %slice3A_692 : vector<50x1xf32>
    %sub3A_740 = arith.subf %slice3A_695, %slice3A_693 : vector<50x1xf32>
    %mul3A_741 = arith.mulf %sub3A_739, %sub3A_740 : vector<50x1xf32>
    %add3A_742 = vector.broadcast %mul3A_738 : vector<1x300xf32> to vector<50x300xf32>
    %add3A_743 = vector.broadcast %mul3A_741 : vector<50x1xf32> to vector<50x300xf32>
    %add3A_744 = arith.addf %add3A_742, %add3A_743 : vector<50x300xf32>
    %sub3A_745 = arith.subf %add3A_744, %mul3A_735 : vector<50x300xf32>
    %add3A_746 = arith.constant 1.000000e-07 : f32
    %add3A_747 = vector.broadcast %add3A_746 : f32 to vector<50x300xf32>
    %add3A_748 = arith.addf %sub3A_745, %add3A_747 : vector<50x300xf32>
    %div3A_749 = arith.divf %mul3A_735, %add3A_748 : vector<50x300xf32>
    %min3A_750 = vector.broadcast %slice3A_688 : vector<1x300xf32> to vector<50x300xf32>
    %min3A_751 = vector.broadcast %slice3A_692 : vector<50x1xf32> to vector<50x300xf32>
    %min3A_752 = arith.minimumf %min3A_750, %min3A_751 : vector<50x300xf32>
    %min3A_753 = vector.broadcast %slice3A_689 : vector<1x300xf32> to vector<50x300xf32>
    %min3A_754 = vector.broadcast %slice3A_693 : vector<50x1xf32> to vector<50x300xf32>
    %min3A_755 = arith.minimumf %min3A_753, %min3A_754 : vector<50x300xf32>
    %max3A_756 = vector.broadcast %slice3A_690 : vector<1x300xf32> to vector<50x300xf32>
    %max3A_757 = vector.broadcast %slice3A_694 : vector<50x1xf32> to vector<50x300xf32>
    %max3A_758 = arith.maximumf %max3A_756, %max3A_757 : vector<50x300xf32>
    %max3A_759 = vector.broadcast %slice3A_691 : vector<1x300xf32> to vector<50x300xf32>
    %max3A_760 = vector.broadcast %slice3A_695 : vector<50x1xf32> to vector<50x300xf32>
    %max3A_761 = arith.maximumf %max3A_759, %max3A_760 : vector<50x300xf32>
    %sub3A_762 = arith.subf %max3A_758, %min3A_752 : vector<50x300xf32>
    %sub3A_763 = arith.subf %max3A_761, %min3A_755 : vector<50x300xf32>
    %mul3A_764 = arith.mulf %sub3A_762, %sub3A_763 : vector<50x300xf32>
    %sub3A_765 = arith.subf %mul3A_764, %sub3A_745 : vector<50x300xf32>
    %add3A_766 = arith.constant 1.000000e-07 : f32
    %add3A_767 = vector.broadcast %add3A_766 : f32 to vector<50x300xf32>
    %add3A_768 = arith.addf %mul3A_764, %add3A_767 : vector<50x300xf32>
    %div3A_769 = arith.divf %sub3A_765, %add3A_768 : vector<50x300xf32>
    %sub3A_770 = arith.subf %div3A_749, %div3A_769 : vector<50x300xf32>
    %mul3A_771 = arith.constant -1.000000e+00 : f32
    %mul3A_772 = vector.broadcast %mul3A_771 : f32 to vector<50x300xf32>
    %mul3A_773 = arith.mulf %mul3A_772, %exp3A_687 : vector<50x300xf32>
    %mul3A_774 = arith.constant 5.000000e+00 : f32
    %mul3A_775 = vector.broadcast %mul3A_774 : f32 to vector<50x300xf32>
    %mul3A_776 = arith.mulf %mul3A_775, %add3A_714 : vector<50x300xf32>
    %add3A_777 = arith.addf %mul3A_773, %mul3A_776 : vector<50x300xf32>
    %mul3A_778 = arith.constant 2.000000e+00 : f32
    %mul3A_779 = vector.broadcast %mul3A_778 : f32 to vector<50x300xf32>
    %mul3A_780 = arith.mulf %mul3A_779, %sub3A_770 : vector<50x300xf32>
    %sub3A_781 = arith.subf %add3A_777, %mul3A_780 : vector<50x300xf32>
    %eq3A_782 = arith.constant 0 : i32
    %eq3A_783 = vector.broadcast %eq3A_782 : i32 to vector<50x1xi32>
    %eq3A_784 = arith.cmpi eq, %get3A_664, %eq3A_783 : vector<50x1xi32>
    %jit3A_785 = arith.constant 1.000000e-01 : f32
    %jit3A_786 = arith.constant 1.000000e+00 : f32
    %broadcast_in_dim3A_787 = vector.broadcast %jit3A_785 : f32 to vector<50x1xf32>
    %broadcast_in_dim3A_788 = vector.broadcast %jit3A_786 : f32 to vector<50x1xf32>
    %select_n3A_789 = arith.select %eq3A_784, %broadcast_in_dim3A_787, %broadcast_in_dim3A_788 : vector<50x1xi1>, vector<50x1xf32>
    %ne3A_790 = arith.constant 0 : i32
    %ne3A_791 = vector.broadcast %ne3A_790 : i32 to vector<50x1xi32>
    %ne3A_792 = arith.cmpi ne, %get3A_664, %ne3A_791 : vector<50x1xi32>
    %convert_element_type3A_793 = arith.extui %ne3A_792 : vector<50x1xi1> to vector<50x1xi32>
    %convert_element_type3A_794 = arith.sitofp %convert_element_type3A_793 : vector<50x1xi32> to vector<50x1xf32>
    %neg3A_795 = arith.constant 0.000000e+00 : f32
    %neg3A_796 = vector.broadcast %neg3A_795 : f32 to vector<50x300xf32>
    %neg3A_797 = arith.subf %neg3A_796, %sub3A_686 : vector<50x300xf32>
    %mul3A_798 = vector.broadcast %select_n3A_789 : vector<50x1xf32> to vector<50x300xf32>
    %mul3A_799 = arith.mulf %mul3A_798, %neg3A_797 : vector<50x300xf32>
    %mul3A_800 = arith.constant 1.000000e-01 : f32
    %mul3A_801 = vector.broadcast %mul3A_800 : f32 to vector<1x300xf32>
    %mul3A_802 = arith.mulf %mul3A_801, %sub3A_678 : vector<1x300xf32>
    %add3A_803 = vector.broadcast %mul3A_802 : vector<1x300xf32> to vector<50x300xf32>
    %add3A_804 = arith.addf %mul3A_799, %add3A_803 : vector<50x300xf32>
    %mul3A_805 = arith.constant 1.000000e+00 : f32
    %mul3A_806 = vector.broadcast %mul3A_805 : f32 to vector<50x300xf32>
    %mul3A_807 = arith.mulf %mul3A_806, %add3A_804 : vector<50x300xf32>
    %div3A_808 = vector.broadcast %add3A_10 : f32 to vector<50x300xf32>
    %div3A_809 = arith.divf %mul3A_807, %div3A_808 : vector<50x300xf32>
    %mul3A_810 = arith.constant 5.000000e+00 : f32
    %mul3A_811 = vector.broadcast %mul3A_810 : f32 to vector<50x300xf32>
    %mul3A_812 = arith.mulf %mul3A_811, %add3A_714 : vector<50x300xf32>
    %sub3A_813 = arith.constant 1.000000e+00 : f32
    %sub3A_814 = vector.broadcast %sub3A_813 : f32 to vector<50x300xf32>
    %sub3A_815 = arith.subf %sub3A_814, %sub3A_770 : vector<50x300xf32>
    %mul3A_816 = arith.constant 2.000000e+00 : f32
    %mul3A_817 = vector.broadcast %mul3A_816 : f32 to vector<50x300xf32>
    %mul3A_818 = arith.mulf %mul3A_817, %sub3A_815 : vector<50x300xf32>
    %add3A_819 = arith.addf %mul3A_812, %mul3A_818 : vector<50x300xf32>
    %mul3A_820 = vector.broadcast %convert_element_type3A_794 : vector<50x1xf32> to vector<50x300xf32>
    %mul3A_821 = arith.mulf %mul3A_820, %add3A_819 : vector<50x300xf32>
    %div3A_822 = vector.broadcast %max3A_11 : f32 to vector<50x300xf32>
    %div3A_823 = arith.divf %mul3A_821, %div3A_822 : vector<50x300xf32>
    %add3A_824 = arith.addf %div3A_809, %div3A_823 : vector<50x300xf32>
    %reduce_sum3A_825 = vector.shape_cast %sub3A_678 : vector<1x300xf32> to vector<1x1x300xf32>
    %reduce_sum3A_826 = arith.constant dense<0.000000e+00> : vector<1xf32>
    %reduce_sum3A_827 = vector.multi_reduction <add>, %reduce_sum3A_825, %reduce_sum3A_826 [1, 2] : vector<1x1x300xf32> to vector<1xf32>
    %reduce_sum3A_828 = vector.shape_cast %reduce_sum3A_827 : vector<1xf32> to vector<1x1x1xf32>
    %reduce_sum3A_829 = vector.extract %reduce_sum3A_828[0, 0, 0] : f32 from vector<1x1x1xf32>
    %neg3A_830 = arith.constant 0.000000e+00 : f32
    %neg3A_831 = arith.subf %neg3A_830, %reduce_sum3A_829 : f32
    %mul3A_832 = arith.constant 1.000000e-01 : f32
    %mul3A_833 = arith.mulf %mul3A_832, %neg3A_831 : f32
    %div3A_834 = arith.divf %mul3A_833, %add3A_10 : f32
    %jit3A_835 = arith.constant 0.000000e+00 : f32
    %broadcast_in_dim3A_836 = vector.broadcast %div3A_834 : f32 to vector<50x300xf32>
    %broadcast_in_dim3A_837 = vector.broadcast %jit3A_835 : f32 to vector<50x300xf32>
    %select_n3A_838 = arith.select %eq3A_14, %broadcast_in_dim3A_836, %broadcast_in_dim3A_837 : vector<50x300xi1>, vector<50x300xf32>
    %add3A_839 = arith.addf %add3A_824, %select_n3A_838 : vector<50x300xf32>
    %swap3A_840 = arith.constant 3 : index
    %swap3A_841 = arith.constant 0 : index
    %swap3A_842 = arith.constant 0 : index
    %swap3A_843 = vector.load %arg6[%swap3A_840, %swap3A_841, %swap3A_842] : memref<8x56x384xf32, #tpu.memory_space<vmem>>, vector<1x50x300xf32>
    %swap3A_844 = vector.shape_cast %swap3A_843 : vector<1x50x300xf32> to vector<50x300xf32>
    %swap3A_845 = vector.shape_cast %sub3A_781 : vector<50x300xf32> to vector<1x50x300xf32>
    tpu.vector_store %arg6[%swap3A_840, %swap3A_841, %swap3A_842], %swap3A_845 {strides = array<i32>} : memref<8x56x384xf32, #tpu.memory_space<vmem>>, vector<1x50x300xf32>,
    %swap3A_846 = arith.constant 3 : index
    %swap3A_847 = arith.constant 0 : index
    %swap3A_848 = arith.constant 300 : index
    %swap3A_849 = vector.load %arg6[%swap3A_846, %swap3A_847, %swap3A_848] : memref<8x56x384xf32, #tpu.memory_space<vmem>>, vector<1x50x84xf32>
    %swap3A_850 = vector.shape_cast %swap3A_849 : vector<1x50x84xf32> to vector<50x84xf32>
    %swap3A_851 = vector.shape_cast %broadcast_in_dim3A_12 : vector<50x84xf32> to vector<1x50x84xf32>
    tpu.vector_store %arg6[%swap3A_846, %swap3A_847, %swap3A_848], %swap3A_851 {strides = array<i32>} : memref<8x56x384xf32, #tpu.memory_space<vmem>>, vector<1x50x84xf32>,
    %swap3A_852 = arith.constant 3 : index
    %swap3A_853 = arith.constant 0 : index
    %swap3A_854 = arith.constant 0 : index
    %swap3A_855 = vector.load %arg7[%swap3A_852, %swap3A_853, %swap3A_854] : memref<8x56x384xf32, #tpu.memory_space<vmem>>, vector<1x50x300xf32>
    %swap3A_856 = vector.shape_cast %swap3A_855 : vector<1x50x300xf32> to vector<50x300xf32>
    %swap3A_857 = vector.shape_cast %add3A_839 : vector<50x300xf32> to vector<1x50x300xf32>
    tpu.vector_store %arg7[%swap3A_852, %swap3A_853, %swap3A_854], %swap3A_857 {strides = array<i32>} : memref<8x56x384xf32, #tpu.memory_space<vmem>>, vector<1x50x300xf32>,
    %get3A_858 = arith.constant 4 : index
    %get3A_859 = arith.constant 0 : index
    %get3A_860 = arith.constant 0 : index
    %get3A_861 = vector.load %arg1[%get3A_858, %get3A_859, %get3A_860] : memref<8x300x92xf32, #tpu.memory_space<vmem>>, vector<1x300x92xf32>
    %get3A_862 = vector.shape_cast %get3A_861 : vector<1x300x92xf32> to vector<300x92xf32>
    %get3A_863 = arith.constant 4 : index
    %get3A_864 = arith.constant 0 : index
    %get3A_865 = arith.constant 0 : index
    %get3A_866 = vector.load %arg2[%get3A_863, %get3A_864, %get3A_865] : memref<8x300x4xf32, #tpu.memory_space<vmem>>, vector<1x300x4xf32>
    %get3A_867 = vector.shape_cast %get3A_866 : vector<1x300x4xf32> to vector<300x4xf32>
    %transpose3A_868 = tpu.transpose %get3A_867, [1, 0] : vector<300x4xf32> -> vector<4x300xf32>
    %get3A_869 = arith.constant 4 : index
    %get3A_870 = arith.constant 0 : index
    %get3A_871 = arith.constant 0 : index
    %get3A_872 = vector.load %arg3[%get3A_869, %get3A_870, %get3A_871] : memref<8x50x4xf32, #tpu.memory_space<vmem>>, vector<1x50x4xf32>
    %get3A_873 = vector.shape_cast %get3A_872 : vector<1x50x4xf32> to vector<50x4xf32>
    %get3A_874 = arith.constant 4 : index
    %get3A_875 = arith.constant 0 : index
    %get3A_876 = arith.constant 0 : index
    %get3A_877 = vector.load %arg4[%get3A_874, %get3A_875, %get3A_876] : memref<8x50x1xi32, #tpu.memory_space<vmem>>, vector<1x50x1xi32>
    %get3A_878 = vector.shape_cast %get3A_877 : vector<1x50x1xi32> to vector<50x1xi32>
    %transpose3A_879 = tpu.transpose %get3A_862, [1, 0] : vector<300x92xf32> -> vector<92x300xf32>
    %reduce_max3A_880 = arith.constant dense<0xFF800000> : vector<300xf32>
    %reduce_max3A_881 = vector.multi_reduction <maximumf>, %transpose3A_879, %reduce_max3A_880 [0] : vector<92x300xf32> to vector<300xf32>
    %broadcast_in_dim3A_882 = vector.shape_cast %reduce_max3A_881 : vector<300xf32> to vector<1x300xf32>
    %sub3A_883 = vector.broadcast %broadcast_in_dim3A_882 : vector<1x300xf32> to vector<92x300xf32>
    %sub3A_884 = arith.subf %transpose3A_879, %sub3A_883 : vector<92x300xf32>
    %exp3A_885 = math.exp %sub3A_884 : vector<92x300xf32>
    %reduce_sum3A_886 = arith.constant dense<0.000000e+00> : vector<300xf32>
    %reduce_sum3A_887 = vector.multi_reduction <add>, %exp3A_885, %reduce_sum3A_886 [0] : vector<92x300xf32> to vector<300xf32>
    %broadcast_in_dim3A_888 = vector.shape_cast %reduce_sum3A_887 : vector<300xf32> to vector<1x300xf32>
    %log3A_889 = math.log %broadcast_in_dim3A_888 : vector<1x300xf32>
    %add3A_890 = arith.addf %log3A_889, %broadcast_in_dim3A_882 : vector<1x300xf32>
    %slice3A_891 = vector.extract_strided_slice %transpose3A_879 {offsets = [0, 0], sizes = [1, 300], strides = [1, 1]} : vector<92x300xf32> to vector<1x300xf32>
    %sub3A_892 = arith.subf %slice3A_891, %add3A_890 : vector<1x300xf32>
    %eq3A_893 = vector.broadcast %get3A_878 : vector<50x1xi32> to vector<50x92xi32>
    %eq3A_894 = arith.cmpi eq, %iota3A_15, %eq3A_893 : vector<50x92xi32>
    %convert_element_type3A_895 = arith.extui %eq3A_894 : vector<50x92xi1> to vector<50x92xi32>
    %convert_element_type3A_896 = arith.sitofp %convert_element_type3A_895 : vector<50x92xi32> to vector<50x92xf32>
    %dot_general3A_897 = arith.constant dense<0.000000e+00> : vector<50x300xf32>
    %dot_general3A_898 = tpu.matmul %convert_element_type3A_896, %transpose3A_879, %dot_general3A_897 {dimension_numbers = #tpu.dot_dimension_numbers<[1], [0], [0], [1], [0, 0, 1, 1], [], []>, transpose_lhs_hint = false} : vector<50x92xf32>, vector<92x300xf32>, vector<50x300xf32> -> vector<50x300xf32>
    %sub3A_899 = vector.broadcast %add3A_890 : vector<1x300xf32> to vector<50x300xf32>
    %sub3A_900 = arith.subf %dot_general3A_898, %sub3A_899 : vector<50x300xf32>
    %exp3A_901 = math.exp %sub3A_900 : vector<50x300xf32>
    %slice3A_902 = vector.extract_strided_slice %transpose3A_868 {offsets = [0, 0], sizes = [1, 300], strides = [1, 1]} : vector<4x300xf32> to vector<1x300xf32>
    %slice3A_903 = vector.extract_strided_slice %transpose3A_868 {offsets = [1, 0], sizes = [1, 300], strides = [1, 1]} : vector<4x300xf32> to vector<1x300xf32>
    %slice3A_904 = vector.extract_strided_slice %transpose3A_868 {offsets = [2, 0], sizes = [1, 300], strides = [1, 1]} : vector<4x300xf32> to vector<1x300xf32>
    %slice3A_905 = vector.extract_strided_slice %transpose3A_868 {offsets = [3, 0], sizes = [1, 300], strides = [1, 1]} : vector<4x300xf32> to vector<1x300xf32>
    %slice3A_906 = vector.extract_strided_slice %get3A_873 {offsets = [0, 0], sizes = [50, 1], strides = [1, 1]} : vector<50x4xf32> to vector<50x1xf32>
    %slice3A_907 = vector.extract_strided_slice %get3A_873 {offsets = [0, 1], sizes = [50, 1], strides = [1, 1]} : vector<50x4xf32> to vector<50x1xf32>
    %slice3A_908 = vector.extract_strided_slice %get3A_873 {offsets = [0, 2], sizes = [50, 1], strides = [1, 1]} : vector<50x4xf32> to vector<50x1xf32>
    %slice3A_909 = vector.extract_strided_slice %get3A_873 {offsets = [0, 3], sizes = [50, 1], strides = [1, 1]} : vector<50x4xf32> to vector<50x1xf32>
    %sub3A_910 = vector.broadcast %slice3A_902 : vector<1x300xf32> to vector<50x300xf32>
    %sub3A_911 = vector.broadcast %slice3A_906 : vector<50x1xf32> to vector<50x300xf32>
    %sub3A_912 = arith.subf %sub3A_910, %sub3A_911 : vector<50x300xf32>
    %abs3A_913 = math.absf %sub3A_912 : vector<50x300xf32>
    %sub3A_914 = vector.broadcast %slice3A_903 : vector<1x300xf32> to vector<50x300xf32>
    %sub3A_915 = vector.broadcast %slice3A_907 : vector<50x1xf32> to vector<50x300xf32>
    %sub3A_916 = arith.subf %sub3A_914, %sub3A_915 : vector<50x300xf32>
    %abs3A_917 = math.absf %sub3A_916 : vector<50x300xf32>
    %add3A_918 = arith.addf %abs3A_913, %abs3A_917 : vector<50x300xf32>
    %sub3A_919 = vector.broadcast %slice3A_904 : vector<1x300xf32> to vector<50x300xf32>
    %sub3A_920 = vector.broadcast %slice3A_908 : vector<50x1xf32> to vector<50x300xf32>
    %sub3A_921 = arith.subf %sub3A_919, %sub3A_920 : vector<50x300xf32>
    %abs3A_922 = math.absf %sub3A_921 : vector<50x300xf32>
    %add3A_923 = arith.addf %add3A_918, %abs3A_922 : vector<50x300xf32>
    %sub3A_924 = vector.broadcast %slice3A_905 : vector<1x300xf32> to vector<50x300xf32>
    %sub3A_925 = vector.broadcast %slice3A_909 : vector<50x1xf32> to vector<50x300xf32>
    %sub3A_926 = arith.subf %sub3A_924, %sub3A_925 : vector<50x300xf32>
    %abs3A_927 = math.absf %sub3A_926 : vector<50x300xf32>
    %add3A_928 = arith.addf %add3A_923, %abs3A_927 : vector<50x300xf32>
    %max3A_929 = vector.broadcast %slice3A_902 : vector<1x300xf32> to vector<50x300xf32>
    %max3A_930 = vector.broadcast %slice3A_906 : vector<50x1xf32> to vector<50x300xf32>
    %max3A_931 = arith.maximumf %max3A_929, %max3A_930 : vector<50x300xf32>
    %max3A_932 = vector.broadcast %slice3A_903 : vector<1x300xf32> to vector<50x300xf32>
    %max3A_933 = vector.broadcast %slice3A_907 : vector<50x1xf32> to vector<50x300xf32>
    %max3A_934 = arith.maximumf %max3A_932, %max3A_933 : vector<50x300xf32>
    %min3A_935 = vector.broadcast %slice3A_904 : vector<1x300xf32> to vector<50x300xf32>
    %min3A_936 = vector.broadcast %slice3A_908 : vector<50x1xf32> to vector<50x300xf32>
    %min3A_937 = arith.minimumf %min3A_935, %min3A_936 : vector<50x300xf32>
    %min3A_938 = vector.broadcast %slice3A_905 : vector<1x300xf32> to vector<50x300xf32>
    %min3A_939 = vector.broadcast %slice3A_909 : vector<50x1xf32> to vector<50x300xf32>
    %min3A_940 = arith.minimumf %min3A_938, %min3A_939 : vector<50x300xf32>
    %sub3A_941 = arith.subf %min3A_937, %max3A_931 : vector<50x300xf32>
    %max3A_942 = arith.constant 0.000000e+00 : f32
    %max3A_943 = vector.broadcast %max3A_942 : f32 to vector<50x300xf32>
    %max3A_944 = arith.maximumf %sub3A_941, %max3A_943 : vector<50x300xf32>
    %sub3A_945 = arith.subf %min3A_940, %max3A_934 : vector<50x300xf32>
    %max3A_946 = arith.constant 0.000000e+00 : f32
    %max3A_947 = vector.broadcast %max3A_946 : f32 to vector<50x300xf32>
    %max3A_948 = arith.maximumf %sub3A_945, %max3A_947 : vector<50x300xf32>
    %mul3A_949 = arith.mulf %max3A_944, %max3A_948 : vector<50x300xf32>
    %sub3A_950 = arith.subf %slice3A_904, %slice3A_902 : vector<1x300xf32>
    %sub3A_951 = arith.subf %slice3A_905, %slice3A_903 : vector<1x300xf32>
    %mul3A_952 = arith.mulf %sub3A_950, %sub3A_951 : vector<1x300xf32>
    %sub3A_953 = arith.subf %slice3A_908, %slice3A_906 : vector<50x1xf32>
    %sub3A_954 = arith.subf %slice3A_909, %slice3A_907 : vector<50x1xf32>
    %mul3A_955 = arith.mulf %sub3A_953, %sub3A_954 : vector<50x1xf32>
    %add3A_956 = vector.broadcast %mul3A_952 : vector<1x300xf32> to vector<50x300xf32>
    %add3A_957 = vector.broadcast %mul3A_955 : vector<50x1xf32> to vector<50x300xf32>
    %add3A_958 = arith.addf %add3A_956, %add3A_957 : vector<50x300xf32>
    %sub3A_959 = arith.subf %add3A_958, %mul3A_949 : vector<50x300xf32>
    %add3A_960 = arith.constant 1.000000e-07 : f32
    %add3A_961 = vector.broadcast %add3A_960 : f32 to vector<50x300xf32>
    %add3A_962 = arith.addf %sub3A_959, %add3A_961 : vector<50x300xf32>
    %div3A_963 = arith.divf %mul3A_949, %add3A_962 : vector<50x300xf32>
    %min3A_964 = vector.broadcast %slice3A_902 : vector<1x300xf32> to vector<50x300xf32>
    %min3A_965 = vector.broadcast %slice3A_906 : vector<50x1xf32> to vector<50x300xf32>
    %min3A_966 = arith.minimumf %min3A_964, %min3A_965 : vector<50x300xf32>
    %min3A_967 = vector.broadcast %slice3A_903 : vector<1x300xf32> to vector<50x300xf32>
    %min3A_968 = vector.broadcast %slice3A_907 : vector<50x1xf32> to vector<50x300xf32>
    %min3A_969 = arith.minimumf %min3A_967, %min3A_968 : vector<50x300xf32>
    %max3A_970 = vector.broadcast %slice3A_904 : vector<1x300xf32> to vector<50x300xf32>
    %max3A_971 = vector.broadcast %slice3A_908 : vector<50x1xf32> to vector<50x300xf32>
    %max3A_972 = arith.maximumf %max3A_970, %max3A_971 : vector<50x300xf32>
    %max3A_973 = vector.broadcast %slice3A_905 : vector<1x300xf32> to vector<50x300xf32>
    %max3A_974 = vector.broadcast %slice3A_909 : vector<50x1xf32> to vector<50x300xf32>
    %max3A_975 = arith.maximumf %max3A_973, %max3A_974 : vector<50x300xf32>
    %sub3A_976 = arith.subf %max3A_972, %min3A_966 : vector<50x300xf32>
    %sub3A_977 = arith.subf %max3A_975, %min3A_969 : vector<50x300xf32>
    %mul3A_978 = arith.mulf %sub3A_976, %sub3A_977 : vector<50x300xf32>
    %sub3A_979 = arith.subf %mul3A_978, %sub3A_959 : vector<50x300xf32>
    %add3A_980 = arith.constant 1.000000e-07 : f32
    %add3A_981 = vector.broadcast %add3A_980 : f32 to vector<50x300xf32>
    %add3A_982 = arith.addf %mul3A_978, %add3A_981 : vector<50x300xf32>
    %div3A_983 = arith.divf %sub3A_979, %add3A_982 : vector<50x300xf32>
    %sub3A_984 = arith.subf %div3A_963, %div3A_983 : vector<50x300xf32>
    %mul3A_985 = arith.constant -1.000000e+00 : f32
    %mul3A_986 = vector.broadcast %mul3A_985 : f32 to vector<50x300xf32>
    %mul3A_987 = arith.mulf %mul3A_986, %exp3A_901 : vector<50x300xf32>
    %mul3A_988 = arith.constant 5.000000e+00 : f32
    %mul3A_989 = vector.broadcast %mul3A_988 : f32 to vector<50x300xf32>
    %mul3A_990 = arith.mulf %mul3A_989, %add3A_928 : vector<50x300xf32>
    %add3A_991 = arith.addf %mul3A_987, %mul3A_990 : vector<50x300xf32>
    %mul3A_992 = arith.constant 2.000000e+00 : f32
    %mul3A_993 = vector.broadcast %mul3A_992 : f32 to vector<50x300xf32>
    %mul3A_994 = arith.mulf %mul3A_993, %sub3A_984 : vector<50x300xf32>
    %sub3A_995 = arith.subf %add3A_991, %mul3A_994 : vector<50x300xf32>
    %eq3A_996 = arith.constant 0 : i32
    %eq3A_997 = vector.broadcast %eq3A_996 : i32 to vector<50x1xi32>
    %eq3A_998 = arith.cmpi eq, %get3A_878, %eq3A_997 : vector<50x1xi32>
    %jit3A_999 = arith.constant 1.000000e-01 : f32
    %jit3A_1000 = arith.constant 1.000000e+00 : f32
    %broadcast_in_dim3A_1001 = vector.broadcast %jit3A_999 : f32 to vector<50x1xf32>
    %broadcast_in_dim3A_1002 = vector.broadcast %jit3A_1000 : f32 to vector<50x1xf32>
    %select_n3A_1003 = arith.select %eq3A_998, %broadcast_in_dim3A_1001, %broadcast_in_dim3A_1002 : vector<50x1xi1>, vector<50x1xf32>
    %ne3A_1004 = arith.constant 0 : i32
    %ne3A_1005 = vector.broadcast %ne3A_1004 : i32 to vector<50x1xi32>
    %ne3A_1006 = arith.cmpi ne, %get3A_878, %ne3A_1005 : vector<50x1xi32>
    %convert_element_type3A_1007 = arith.extui %ne3A_1006 : vector<50x1xi1> to vector<50x1xi32>
    %convert_element_type3A_1008 = arith.sitofp %convert_element_type3A_1007 : vector<50x1xi32> to vector<50x1xf32>
    %neg3A_1009 = arith.constant 0.000000e+00 : f32
    %neg3A_1010 = vector.broadcast %neg3A_1009 : f32 to vector<50x300xf32>
    %neg3A_1011 = arith.subf %neg3A_1010, %sub3A_900 : vector<50x300xf32>
    %mul3A_1012 = vector.broadcast %select_n3A_1003 : vector<50x1xf32> to vector<50x300xf32>
    %mul3A_1013 = arith.mulf %mul3A_1012, %neg3A_1011 : vector<50x300xf32>
    %mul3A_1014 = arith.constant 1.000000e-01 : f32
    %mul3A_1015 = vector.broadcast %mul3A_1014 : f32 to vector<1x300xf32>
    %mul3A_1016 = arith.mulf %mul3A_1015, %sub3A_892 : vector<1x300xf32>
    %add3A_1017 = vector.broadcast %mul3A_1016 : vector<1x300xf32> to vector<50x300xf32>
    %add3A_1018 = arith.addf %mul3A_1013, %add3A_1017 : vector<50x300xf32>
    %mul3A_1019 = arith.constant 1.000000e+00 : f32
    %mul3A_1020 = vector.broadcast %mul3A_1019 : f32 to vector<50x300xf32>
    %mul3A_1021 = arith.mulf %mul3A_1020, %add3A_1018 : vector<50x300xf32>
    %div3A_1022 = vector.broadcast %add3A_10 : f32 to vector<50x300xf32>
    %div3A_1023 = arith.divf %mul3A_1021, %div3A_1022 : vector<50x300xf32>
    %mul3A_1024 = arith.constant 5.000000e+00 : f32
    %mul3A_1025 = vector.broadcast %mul3A_1024 : f32 to vector<50x300xf32>
    %mul3A_1026 = arith.mulf %mul3A_1025, %add3A_928 : vector<50x300xf32>
    %sub3A_1027 = arith.constant 1.000000e+00 : f32
    %sub3A_1028 = vector.broadcast %sub3A_1027 : f32 to vector<50x300xf32>
    %sub3A_1029 = arith.subf %sub3A_1028, %sub3A_984 : vector<50x300xf32>
    %mul3A_1030 = arith.constant 2.000000e+00 : f32
    %mul3A_1031 = vector.broadcast %mul3A_1030 : f32 to vector<50x300xf32>
    %mul3A_1032 = arith.mulf %mul3A_1031, %sub3A_1029 : vector<50x300xf32>
    %add3A_1033 = arith.addf %mul3A_1026, %mul3A_1032 : vector<50x300xf32>
    %mul3A_1034 = vector.broadcast %convert_element_type3A_1008 : vector<50x1xf32> to vector<50x300xf32>
    %mul3A_1035 = arith.mulf %mul3A_1034, %add3A_1033 : vector<50x300xf32>
    %div3A_1036 = vector.broadcast %max3A_11 : f32 to vector<50x300xf32>
    %div3A_1037 = arith.divf %mul3A_1035, %div3A_1036 : vector<50x300xf32>
    %add3A_1038 = arith.addf %div3A_1023, %div3A_1037 : vector<50x300xf32>
    %reduce_sum3A_1039 = vector.shape_cast %sub3A_892 : vector<1x300xf32> to vector<1x1x300xf32>
    %reduce_sum3A_1040 = arith.constant dense<0.000000e+00> : vector<1xf32>
    %reduce_sum3A_1041 = vector.multi_reduction <add>, %reduce_sum3A_1039, %reduce_sum3A_1040 [1, 2] : vector<1x1x300xf32> to vector<1xf32>
    %reduce_sum3A_1042 = vector.shape_cast %reduce_sum3A_1041 : vector<1xf32> to vector<1x1x1xf32>
    %reduce_sum3A_1043 = vector.extract %reduce_sum3A_1042[0, 0, 0] : f32 from vector<1x1x1xf32>
    %neg3A_1044 = arith.constant 0.000000e+00 : f32
    %neg3A_1045 = arith.subf %neg3A_1044, %reduce_sum3A_1043 : f32
    %mul3A_1046 = arith.constant 1.000000e-01 : f32
    %mul3A_1047 = arith.mulf %mul3A_1046, %neg3A_1045 : f32
    %div3A_1048 = arith.divf %mul3A_1047, %add3A_10 : f32
    %jit3A_1049 = arith.constant 0.000000e+00 : f32
    %broadcast_in_dim3A_1050 = vector.broadcast %div3A_1048 : f32 to vector<50x300xf32>
    %broadcast_in_dim3A_1051 = vector.broadcast %jit3A_1049 : f32 to vector<50x300xf32>
    %select_n3A_1052 = arith.select %eq3A_14, %broadcast_in_dim3A_1050, %broadcast_in_dim3A_1051 : vector<50x300xi1>, vector<50x300xf32>
    %add3A_1053 = arith.addf %add3A_1038, %select_n3A_1052 : vector<50x300xf32>
    %swap3A_1054 = arith.constant 4 : index
    %swap3A_1055 = arith.constant 0 : index
    %swap3A_1056 = arith.constant 0 : index
    %swap3A_1057 = vector.load %arg6[%swap3A_1054, %swap3A_1055, %swap3A_1056] : memref<8x56x384xf32, #tpu.memory_space<vmem>>, vector<1x50x300xf32>
    %swap3A_1058 = vector.shape_cast %swap3A_1057 : vector<1x50x300xf32> to vector<50x300xf32>
    %swap3A_1059 = vector.shape_cast %sub3A_995 : vector<50x300xf32> to vector<1x50x300xf32>
    tpu.vector_store %arg6[%swap3A_1054, %swap3A_1055, %swap3A_1056], %swap3A_1059 {strides = array<i32>} : memref<8x56x384xf32, #tpu.memory_space<vmem>>, vector<1x50x300xf32>,
    %swap3A_1060 = arith.constant 4 : index
    %swap3A_1061 = arith.constant 0 : index
    %swap3A_1062 = arith.constant 300 : index
    %swap3A_1063 = vector.load %arg6[%swap3A_1060, %swap3A_1061, %swap3A_1062] : memref<8x56x384xf32, #tpu.memory_space<vmem>>, vector<1x50x84xf32>
    %swap3A_1064 = vector.shape_cast %swap3A_1063 : vector<1x50x84xf32> to vector<50x84xf32>
    %swap3A_1065 = vector.shape_cast %broadcast_in_dim3A_12 : vector<50x84xf32> to vector<1x50x84xf32>
    tpu.vector_store %arg6[%swap3A_1060, %swap3A_1061, %swap3A_1062], %swap3A_1065 {strides = array<i32>} : memref<8x56x384xf32, #tpu.memory_space<vmem>>, vector<1x50x84xf32>,
    %swap3A_1066 = arith.constant 4 : index
    %swap3A_1067 = arith.constant 0 : index
    %swap3A_1068 = arith.constant 0 : index
    %swap3A_1069 = vector.load %arg7[%swap3A_1066, %swap3A_1067, %swap3A_1068] : memref<8x56x384xf32, #tpu.memory_space<vmem>>, vector<1x50x300xf32>
    %swap3A_1070 = vector.shape_cast %swap3A_1069 : vector<1x50x300xf32> to vector<50x300xf32>
    %swap3A_1071 = vector.shape_cast %add3A_1053 : vector<50x300xf32> to vector<1x50x300xf32>
    tpu.vector_store %arg7[%swap3A_1066, %swap3A_1067, %swap3A_1068], %swap3A_1071 {strides = array<i32>} : memref<8x56x384xf32, #tpu.memory_space<vmem>>, vector<1x50x300xf32>,
    %get3A_1072 = arith.constant 5 : index
    %get3A_1073 = arith.constant 0 : index
    %get3A_1074 = arith.constant 0 : index
    %get3A_1075 = vector.load %arg1[%get3A_1072, %get3A_1073, %get3A_1074] : memref<8x300x92xf32, #tpu.memory_space<vmem>>, vector<1x300x92xf32>
    %get3A_1076 = vector.shape_cast %get3A_1075 : vector<1x300x92xf32> to vector<300x92xf32>
    %get3A_1077 = arith.constant 5 : index
    %get3A_1078 = arith.constant 0 : index
    %get3A_1079 = arith.constant 0 : index
    %get3A_1080 = vector.load %arg2[%get3A_1077, %get3A_1078, %get3A_1079] : memref<8x300x4xf32, #tpu.memory_space<vmem>>, vector<1x300x4xf32>
    %get3A_1081 = vector.shape_cast %get3A_1080 : vector<1x300x4xf32> to vector<300x4xf32>
    %transpose3A_1082 = tpu.transpose %get3A_1081, [1, 0] : vector<300x4xf32> -> vector<4x300xf32>
    %get3A_1083 = arith.constant 5 : index
    %get3A_1084 = arith.constant 0 : index
    %get3A_1085 = arith.constant 0 : index
    %get3A_1086 = vector.load %arg3[%get3A_1083, %get3A_1084, %get3A_1085] : memref<8x50x4xf32, #tpu.memory_space<vmem>>, vector<1x50x4xf32>
    %get3A_1087 = vector.shape_cast %get3A_1086 : vector<1x50x4xf32> to vector<50x4xf32>
    %get3A_1088 = arith.constant 5 : index
    %get3A_1089 = arith.constant 0 : index
    %get3A_1090 = arith.constant 0 : index
    %get3A_1091 = vector.load %arg4[%get3A_1088, %get3A_1089, %get3A_1090] : memref<8x50x1xi32, #tpu.memory_space<vmem>>, vector<1x50x1xi32>
    %get3A_1092 = vector.shape_cast %get3A_1091 : vector<1x50x1xi32> to vector<50x1xi32>
    %transpose3A_1093 = tpu.transpose %get3A_1076, [1, 0] : vector<300x92xf32> -> vector<92x300xf32>
    %reduce_max3A_1094 = arith.constant dense<0xFF800000> : vector<300xf32>
    %reduce_max3A_1095 = vector.multi_reduction <maximumf>, %transpose3A_1093, %reduce_max3A_1094 [0] : vector<92x300xf32> to vector<300xf32>
    %broadcast_in_dim3A_1096 = vector.shape_cast %reduce_max3A_1095 : vector<300xf32> to vector<1x300xf32>
    %sub3A_1097 = vector.broadcast %broadcast_in_dim3A_1096 : vector<1x300xf32> to vector<92x300xf32>
    %sub3A_1098 = arith.subf %transpose3A_1093, %sub3A_1097 : vector<92x300xf32>
    %exp3A_1099 = math.exp %sub3A_1098 : vector<92x300xf32>
    %reduce_sum3A_1100 = arith.constant dense<0.000000e+00> : vector<300xf32>
    %reduce_sum3A_1101 = vector.multi_reduction <add>, %exp3A_1099, %reduce_sum3A_1100 [0] : vector<92x300xf32> to vector<300xf32>
    %broadcast_in_dim3A_1102 = vector.shape_cast %reduce_sum3A_1101 : vector<300xf32> to vector<1x300xf32>
    %log3A_1103 = math.log %broadcast_in_dim3A_1102 : vector<1x300xf32>
    %add3A_1104 = arith.addf %log3A_1103, %broadcast_in_dim3A_1096 : vector<1x300xf32>
    %slice3A_1105 = vector.extract_strided_slice %transpose3A_1093 {offsets = [0, 0], sizes = [1, 300], strides = [1, 1]} : vector<92x300xf32> to vector<1x300xf32>
    %sub3A_1106 = arith.subf %slice3A_1105, %add3A_1104 : vector<1x300xf32>
    %eq3A_1107 = vector.broadcast %get3A_1092 : vector<50x1xi32> to vector<50x92xi32>
    %eq3A_1108 = arith.cmpi eq, %iota3A_15, %eq3A_1107 : vector<50x92xi32>
    %convert_element_type3A_1109 = arith.extui %eq3A_1108 : vector<50x92xi1> to vector<50x92xi32>
    %convert_element_type3A_1110 = arith.sitofp %convert_element_type3A_1109 : vector<50x92xi32> to vector<50x92xf32>
    %dot_general3A_1111 = arith.constant dense<0.000000e+00> : vector<50x300xf32>
    %dot_general3A_1112 = tpu.matmul %convert_element_type3A_1110, %transpose3A_1093, %dot_general3A_1111 {dimension_numbers = #tpu.dot_dimension_numbers<[1], [0], [0], [1], [0, 0, 1, 1], [], []>, transpose_lhs_hint = false} : vector<50x92xf32>, vector<92x300xf32>, vector<50x300xf32> -> vector<50x300xf32>
    %sub3A_1113 = vector.broadcast %add3A_1104 : vector<1x300xf32> to vector<50x300xf32>
    %sub3A_1114 = arith.subf %dot_general3A_1112, %sub3A_1113 : vector<50x300xf32>
    %exp3A_1115 = math.exp %sub3A_1114 : vector<50x300xf32>
    %slice3A_1116 = vector.extract_strided_slice %transpose3A_1082 {offsets = [0, 0], sizes = [1, 300], strides = [1, 1]} : vector<4x300xf32> to vector<1x300xf32>
    %slice3A_1117 = vector.extract_strided_slice %transpose3A_1082 {offsets = [1, 0], sizes = [1, 300], strides = [1, 1]} : vector<4x300xf32> to vector<1x300xf32>
    %slice3A_1118 = vector.extract_strided_slice %transpose3A_1082 {offsets = [2, 0], sizes = [1, 300], strides = [1, 1]} : vector<4x300xf32> to vector<1x300xf32>
    %slice3A_1119 = vector.extract_strided_slice %transpose3A_1082 {offsets = [3, 0], sizes = [1, 300], strides = [1, 1]} : vector<4x300xf32> to vector<1x300xf32>
    %slice3A_1120 = vector.extract_strided_slice %get3A_1087 {offsets = [0, 0], sizes = [50, 1], strides = [1, 1]} : vector<50x4xf32> to vector<50x1xf32>
    %slice3A_1121 = vector.extract_strided_slice %get3A_1087 {offsets = [0, 1], sizes = [50, 1], strides = [1, 1]} : vector<50x4xf32> to vector<50x1xf32>
    %slice3A_1122 = vector.extract_strided_slice %get3A_1087 {offsets = [0, 2], sizes = [50, 1], strides = [1, 1]} : vector<50x4xf32> to vector<50x1xf32>
    %slice3A_1123 = vector.extract_strided_slice %get3A_1087 {offsets = [0, 3], sizes = [50, 1], strides = [1, 1]} : vector<50x4xf32> to vector<50x1xf32>
    %sub3A_1124 = vector.broadcast %slice3A_1116 : vector<1x300xf32> to vector<50x300xf32>
    %sub3A_1125 = vector.broadcast %slice3A_1120 : vector<50x1xf32> to vector<50x300xf32>
    %sub3A_1126 = arith.subf %sub3A_1124, %sub3A_1125 : vector<50x300xf32>
    %abs3A_1127 = math.absf %sub3A_1126 : vector<50x300xf32>
    %sub3A_1128 = vector.broadcast %slice3A_1117 : vector<1x300xf32> to vector<50x300xf32>
    %sub3A_1129 = vector.broadcast %slice3A_1121 : vector<50x1xf32> to vector<50x300xf32>
    %sub3A_1130 = arith.subf %sub3A_1128, %sub3A_1129 : vector<50x300xf32>
    %abs3A_1131 = math.absf %sub3A_1130 : vector<50x300xf32>
    %add3A_1132 = arith.addf %abs3A_1127, %abs3A_1131 : vector<50x300xf32>
    %sub3A_1133 = vector.broadcast %slice3A_1118 : vector<1x300xf32> to vector<50x300xf32>
    %sub3A_1134 = vector.broadcast %slice3A_1122 : vector<50x1xf32> to vector<50x300xf32>
    %sub3A_1135 = arith.subf %sub3A_1133, %sub3A_1134 : vector<50x300xf32>
    %abs3A_1136 = math.absf %sub3A_1135 : vector<50x300xf32>
    %add3A_1137 = arith.addf %add3A_1132, %abs3A_1136 : vector<50x300xf32>
    %sub3A_1138 = vector.broadcast %slice3A_1119 : vector<1x300xf32> to vector<50x300xf32>
    %sub3A_1139 = vector.broadcast %slice3A_1123 : vector<50x1xf32> to vector<50x300xf32>
    %sub3A_1140 = arith.subf %sub3A_1138, %sub3A_1139 : vector<50x300xf32>
    %abs3A_1141 = math.absf %sub3A_1140 : vector<50x300xf32>
    %add3A_1142 = arith.addf %add3A_1137, %abs3A_1141 : vector<50x300xf32>
    %max3A_1143 = vector.broadcast %slice3A_1116 : vector<1x300xf32> to vector<50x300xf32>
    %max3A_1144 = vector.broadcast %slice3A_1120 : vector<50x1xf32> to vector<50x300xf32>
    %max3A_1145 = arith.maximumf %max3A_1143, %max3A_1144 : vector<50x300xf32>
    %max3A_1146 = vector.broadcast %slice3A_1117 : vector<1x300xf32> to vector<50x300xf32>
    %max3A_1147 = vector.broadcast %slice3A_1121 : vector<50x1xf32> to vector<50x300xf32>
    %max3A_1148 = arith.maximumf %max3A_1146, %max3A_1147 : vector<50x300xf32>
    %min3A_1149 = vector.broadcast %slice3A_1118 : vector<1x300xf32> to vector<50x300xf32>
    %min3A_1150 = vector.broadcast %slice3A_1122 : vector<50x1xf32> to vector<50x300xf32>
    %min3A_1151 = arith.minimumf %min3A_1149, %min3A_1150 : vector<50x300xf32>
    %min3A_1152 = vector.broadcast %slice3A_1119 : vector<1x300xf32> to vector<50x300xf32>
    %min3A_1153 = vector.broadcast %slice3A_1123 : vector<50x1xf32> to vector<50x300xf32>
    %min3A_1154 = arith.minimumf %min3A_1152, %min3A_1153 : vector<50x300xf32>
    %sub3A_1155 = arith.subf %min3A_1151, %max3A_1145 : vector<50x300xf32>
    %max3A_1156 = arith.constant 0.000000e+00 : f32
    %max3A_1157 = vector.broadcast %max3A_1156 : f32 to vector<50x300xf32>
    %max3A_1158 = arith.maximumf %sub3A_1155, %max3A_1157 : vector<50x300xf32>
    %sub3A_1159 = arith.subf %min3A_1154, %max3A_1148 : vector<50x300xf32>
    %max3A_1160 = arith.constant 0.000000e+00 : f32
    %max3A_1161 = vector.broadcast %max3A_1160 : f32 to vector<50x300xf32>
    %max3A_1162 = arith.maximumf %sub3A_1159, %max3A_1161 : vector<50x300xf32>
    %mul3A_1163 = arith.mulf %max3A_1158, %max3A_1162 : vector<50x300xf32>
    %sub3A_1164 = arith.subf %slice3A_1118, %slice3A_1116 : vector<1x300xf32>
    %sub3A_1165 = arith.subf %slice3A_1119, %slice3A_1117 : vector<1x300xf32>
    %mul3A_1166 = arith.mulf %sub3A_1164, %sub3A_1165 : vector<1x300xf32>
    %sub3A_1167 = arith.subf %slice3A_1122, %slice3A_1120 : vector<50x1xf32>
    %sub3A_1168 = arith.subf %slice3A_1123, %slice3A_1121 : vector<50x1xf32>
    %mul3A_1169 = arith.mulf %sub3A_1167, %sub3A_1168 : vector<50x1xf32>
    %add3A_1170 = vector.broadcast %mul3A_1166 : vector<1x300xf32> to vector<50x300xf32>
    %add3A_1171 = vector.broadcast %mul3A_1169 : vector<50x1xf32> to vector<50x300xf32>
    %add3A_1172 = arith.addf %add3A_1170, %add3A_1171 : vector<50x300xf32>
    %sub3A_1173 = arith.subf %add3A_1172, %mul3A_1163 : vector<50x300xf32>
    %add3A_1174 = arith.constant 1.000000e-07 : f32
    %add3A_1175 = vector.broadcast %add3A_1174 : f32 to vector<50x300xf32>
    %add3A_1176 = arith.addf %sub3A_1173, %add3A_1175 : vector<50x300xf32>
    %div3A_1177 = arith.divf %mul3A_1163, %add3A_1176 : vector<50x300xf32>
    %min3A_1178 = vector.broadcast %slice3A_1116 : vector<1x300xf32> to vector<50x300xf32>
    %min3A_1179 = vector.broadcast %slice3A_1120 : vector<50x1xf32> to vector<50x300xf32>
    %min3A_1180 = arith.minimumf %min3A_1178, %min3A_1179 : vector<50x300xf32>
    %min3A_1181 = vector.broadcast %slice3A_1117 : vector<1x300xf32> to vector<50x300xf32>
    %min3A_1182 = vector.broadcast %slice3A_1121 : vector<50x1xf32> to vector<50x300xf32>
    %min3A_1183 = arith.minimumf %min3A_1181, %min3A_1182 : vector<50x300xf32>
    %max3A_1184 = vector.broadcast %slice3A_1118 : vector<1x300xf32> to vector<50x300xf32>
    %max3A_1185 = vector.broadcast %slice3A_1122 : vector<50x1xf32> to vector<50x300xf32>
    %max3A_1186 = arith.maximumf %max3A_1184, %max3A_1185 : vector<50x300xf32>
    %max3A_1187 = vector.broadcast %slice3A_1119 : vector<1x300xf32> to vector<50x300xf32>
    %max3A_1188 = vector.broadcast %slice3A_1123 : vector<50x1xf32> to vector<50x300xf32>
    %max3A_1189 = arith.maximumf %max3A_1187, %max3A_1188 : vector<50x300xf32>
    %sub3A_1190 = arith.subf %max3A_1186, %min3A_1180 : vector<50x300xf32>
    %sub3A_1191 = arith.subf %max3A_1189, %min3A_1183 : vector<50x300xf32>
    %mul3A_1192 = arith.mulf %sub3A_1190, %sub3A_1191 : vector<50x300xf32>
    %sub3A_1193 = arith.subf %mul3A_1192, %sub3A_1173 : vector<50x300xf32>
    %add3A_1194 = arith.constant 1.000000e-07 : f32
    %add3A_1195 = vector.broadcast %add3A_1194 : f32 to vector<50x300xf32>
    %add3A_1196 = arith.addf %mul3A_1192, %add3A_1195 : vector<50x300xf32>
    %div3A_1197 = arith.divf %sub3A_1193, %add3A_1196 : vector<50x300xf32>
    %sub3A_1198 = arith.subf %div3A_1177, %div3A_1197 : vector<50x300xf32>
    %mul3A_1199 = arith.constant -1.000000e+00 : f32
    %mul3A_1200 = vector.broadcast %mul3A_1199 : f32 to vector<50x300xf32>
    %mul3A_1201 = arith.mulf %mul3A_1200, %exp3A_1115 : vector<50x300xf32>
    %mul3A_1202 = arith.constant 5.000000e+00 : f32
    %mul3A_1203 = vector.broadcast %mul3A_1202 : f32 to vector<50x300xf32>
    %mul3A_1204 = arith.mulf %mul3A_1203, %add3A_1142 : vector<50x300xf32>
    %add3A_1205 = arith.addf %mul3A_1201, %mul3A_1204 : vector<50x300xf32>
    %mul3A_1206 = arith.constant 2.000000e+00 : f32
    %mul3A_1207 = vector.broadcast %mul3A_1206 : f32 to vector<50x300xf32>
    %mul3A_1208 = arith.mulf %mul3A_1207, %sub3A_1198 : vector<50x300xf32>
    %sub3A_1209 = arith.subf %add3A_1205, %mul3A_1208 : vector<50x300xf32>
    %eq3A_1210 = arith.constant 0 : i32
    %eq3A_1211 = vector.broadcast %eq3A_1210 : i32 to vector<50x1xi32>
    %eq3A_1212 = arith.cmpi eq, %get3A_1092, %eq3A_1211 : vector<50x1xi32>
    %jit3A_1213 = arith.constant 1.000000e-01 : f32
    %jit3A_1214 = arith.constant 1.000000e+00 : f32
    %broadcast_in_dim3A_1215 = vector.broadcast %jit3A_1213 : f32 to vector<50x1xf32>
    %broadcast_in_dim3A_1216 = vector.broadcast %jit3A_1214 : f32 to vector<50x1xf32>
    %select_n3A_1217 = arith.select %eq3A_1212, %broadcast_in_dim3A_1215, %broadcast_in_dim3A_1216 : vector<50x1xi1>, vector<50x1xf32>
    %ne3A_1218 = arith.constant 0 : i32
    %ne3A_1219 = vector.broadcast %ne3A_1218 : i32 to vector<50x1xi32>
    %ne3A_1220 = arith.cmpi ne, %get3A_1092, %ne3A_1219 : vector<50x1xi32>
    %convert_element_type3A_1221 = arith.extui %ne3A_1220 : vector<50x1xi1> to vector<50x1xi32>
    %convert_element_type3A_1222 = arith.sitofp %convert_element_type3A_1221 : vector<50x1xi32> to vector<50x1xf32>
    %neg3A_1223 = arith.constant 0.000000e+00 : f32
    %neg3A_1224 = vector.broadcast %neg3A_1223 : f32 to vector<50x300xf32>
    %neg3A_1225 = arith.subf %neg3A_1224, %sub3A_1114 : vector<50x300xf32>
    %mul3A_1226 = vector.broadcast %select_n3A_1217 : vector<50x1xf32> to vector<50x300xf32>
    %mul3A_1227 = arith.mulf %mul3A_1226, %neg3A_1225 : vector<50x300xf32>
    %mul3A_1228 = arith.constant 1.000000e-01 : f32
    %mul3A_1229 = vector.broadcast %mul3A_1228 : f32 to vector<1x300xf32>
    %mul3A_1230 = arith.mulf %mul3A_1229, %sub3A_1106 : vector<1x300xf32>
    %add3A_1231 = vector.broadcast %mul3A_1230 : vector<1x300xf32> to vector<50x300xf32>
    %add3A_1232 = arith.addf %mul3A_1227, %add3A_1231 : vector<50x300xf32>
    %mul3A_1233 = arith.constant 1.000000e+00 : f32
    %mul3A_1234 = vector.broadcast %mul3A_1233 : f32 to vector<50x300xf32>
    %mul3A_1235 = arith.mulf %mul3A_1234, %add3A_1232 : vector<50x300xf32>
    %div3A_1236 = vector.broadcast %add3A_10 : f32 to vector<50x300xf32>
    %div3A_1237 = arith.divf %mul3A_1235, %div3A_1236 : vector<50x300xf32>
    %mul3A_1238 = arith.constant 5.000000e+00 : f32
    %mul3A_1239 = vector.broadcast %mul3A_1238 : f32 to vector<50x300xf32>
    %mul3A_1240 = arith.mulf %mul3A_1239, %add3A_1142 : vector<50x300xf32>
    %sub3A_1241 = arith.constant 1.000000e+00 : f32
    %sub3A_1242 = vector.broadcast %sub3A_1241 : f32 to vector<50x300xf32>
    %sub3A_1243 = arith.subf %sub3A_1242, %sub3A_1198 : vector<50x300xf32>
    %mul3A_1244 = arith.constant 2.000000e+00 : f32
    %mul3A_1245 = vector.broadcast %mul3A_1244 : f32 to vector<50x300xf32>
    %mul3A_1246 = arith.mulf %mul3A_1245, %sub3A_1243 : vector<50x300xf32>
    %add3A_1247 = arith.addf %mul3A_1240, %mul3A_1246 : vector<50x300xf32>
    %mul3A_1248 = vector.broadcast %convert_element_type3A_1222 : vector<50x1xf32> to vector<50x300xf32>
    %mul3A_1249 = arith.mulf %mul3A_1248, %add3A_1247 : vector<50x300xf32>
    %div3A_1250 = vector.broadcast %max3A_11 : f32 to vector<50x300xf32>
    %div3A_1251 = arith.divf %mul3A_1249, %div3A_1250 : vector<50x300xf32>
    %add3A_1252 = arith.addf %div3A_1237, %div3A_1251 : vector<50x300xf32>
    %reduce_sum3A_1253 = vector.shape_cast %sub3A_1106 : vector<1x300xf32> to vector<1x1x300xf32>
    %reduce_sum3A_1254 = arith.constant dense<0.000000e+00> : vector<1xf32>
    %reduce_sum3A_1255 = vector.multi_reduction <add>, %reduce_sum3A_1253, %reduce_sum3A_1254 [1, 2] : vector<1x1x300xf32> to vector<1xf32>
    %reduce_sum3A_1256 = vector.shape_cast %reduce_sum3A_1255 : vector<1xf32> to vector<1x1x1xf32>
    %reduce_sum3A_1257 = vector.extract %reduce_sum3A_1256[0, 0, 0] : f32 from vector<1x1x1xf32>
    %neg3A_1258 = arith.constant 0.000000e+00 : f32
    %neg3A_1259 = arith.subf %neg3A_1258, %reduce_sum3A_1257 : f32
    %mul3A_1260 = arith.constant 1.000000e-01 : f32
    %mul3A_1261 = arith.mulf %mul3A_1260, %neg3A_1259 : f32
    %div3A_1262 = arith.divf %mul3A_1261, %add3A_10 : f32
    %jit3A_1263 = arith.constant 0.000000e+00 : f32
    %broadcast_in_dim3A_1264 = vector.broadcast %div3A_1262 : f32 to vector<50x300xf32>
    %broadcast_in_dim3A_1265 = vector.broadcast %jit3A_1263 : f32 to vector<50x300xf32>
    %select_n3A_1266 = arith.select %eq3A_14, %broadcast_in_dim3A_1264, %broadcast_in_dim3A_1265 : vector<50x300xi1>, vector<50x300xf32>
    %add3A_1267 = arith.addf %add3A_1252, %select_n3A_1266 : vector<50x300xf32>
    %swap3A_1268 = arith.constant 5 : index
    %swap3A_1269 = arith.constant 0 : index
    %swap3A_1270 = arith.constant 0 : index
    %swap3A_1271 = vector.load %arg6[%swap3A_1268, %swap3A_1269, %swap3A_1270] : memref<8x56x384xf32, #tpu.memory_space<vmem>>, vector<1x50x300xf32>
    %swap3A_1272 = vector.shape_cast %swap3A_1271 : vector<1x50x300xf32> to vector<50x300xf32>
    %swap3A_1273 = vector.shape_cast %sub3A_1209 : vector<50x300xf32> to vector<1x50x300xf32>
    tpu.vector_store %arg6[%swap3A_1268, %swap3A_1269, %swap3A_1270], %swap3A_1273 {strides = array<i32>} : memref<8x56x384xf32, #tpu.memory_space<vmem>>, vector<1x50x300xf32>,
    %swap3A_1274 = arith.constant 5 : index
    %swap3A_1275 = arith.constant 0 : index
    %swap3A_1276 = arith.constant 300 : index
    %swap3A_1277 = vector.load %arg6[%swap3A_1274, %swap3A_1275, %swap3A_1276] : memref<8x56x384xf32, #tpu.memory_space<vmem>>, vector<1x50x84xf32>
    %swap3A_1278 = vector.shape_cast %swap3A_1277 : vector<1x50x84xf32> to vector<50x84xf32>
    %swap3A_1279 = vector.shape_cast %broadcast_in_dim3A_12 : vector<50x84xf32> to vector<1x50x84xf32>
    tpu.vector_store %arg6[%swap3A_1274, %swap3A_1275, %swap3A_1276], %swap3A_1279 {strides = array<i32>} : memref<8x56x384xf32, #tpu.memory_space<vmem>>, vector<1x50x84xf32>,
    %swap3A_1280 = arith.constant 5 : index
    %swap3A_1281 = arith.constant 0 : index
    %swap3A_1282 = arith.constant 0 : index
    %swap3A_1283 = vector.load %arg7[%swap3A_1280, %swap3A_1281, %swap3A_1282] : memref<8x56x384xf32, #tpu.memory_space<vmem>>, vector<1x50x300xf32>
    %swap3A_1284 = vector.shape_cast %swap3A_1283 : vector<1x50x300xf32> to vector<50x300xf32>
    %swap3A_1285 = vector.shape_cast %add3A_1267 : vector<50x300xf32> to vector<1x50x300xf32>
    tpu.vector_store %arg7[%swap3A_1280, %swap3A_1281, %swap3A_1282], %swap3A_1285 {strides = array<i32>} : memref<8x56x384xf32, #tpu.memory_space<vmem>>, vector<1x50x300xf32>,
    %get3A_1286 = arith.constant 6 : index
    %get3A_1287 = arith.constant 0 : index
    %get3A_1288 = arith.constant 0 : index
    %get3A_1289 = vector.load %arg1[%get3A_1286, %get3A_1287, %get3A_1288] : memref<8x300x92xf32, #tpu.memory_space<vmem>>, vector<1x300x92xf32>
    %get3A_1290 = vector.shape_cast %get3A_1289 : vector<1x300x92xf32> to vector<300x92xf32>
    %get3A_1291 = arith.constant 6 : index
    %get3A_1292 = arith.constant 0 : index
    %get3A_1293 = arith.constant 0 : index
    %get3A_1294 = vector.load %arg2[%get3A_1291, %get3A_1292, %get3A_1293] : memref<8x300x4xf32, #tpu.memory_space<vmem>>, vector<1x300x4xf32>
    %get3A_1295 = vector.shape_cast %get3A_1294 : vector<1x300x4xf32> to vector<300x4xf32>
    %transpose3A_1296 = tpu.transpose %get3A_1295, [1, 0] : vector<300x4xf32> -> vector<4x300xf32>
    %get3A_1297 = arith.constant 6 : index
    %get3A_1298 = arith.constant 0 : index
    %get3A_1299 = arith.constant 0 : index
    %get3A_1300 = vector.load %arg3[%get3A_1297, %get3A_1298, %get3A_1299] : memref<8x50x4xf32, #tpu.memory_space<vmem>>, vector<1x50x4xf32>
    %get3A_1301 = vector.shape_cast %get3A_1300 : vector<1x50x4xf32> to vector<50x4xf32>
    %get3A_1302 = arith.constant 6 : index
    %get3A_1303 = arith.constant 0 : index
    %get3A_1304 = arith.constant 0 : index
    %get3A_1305 = vector.load %arg4[%get3A_1302, %get3A_1303, %get3A_1304] : memref<8x50x1xi32, #tpu.memory_space<vmem>>, vector<1x50x1xi32>
    %get3A_1306 = vector.shape_cast %get3A_1305 : vector<1x50x1xi32> to vector<50x1xi32>
    %transpose3A_1307 = tpu.transpose %get3A_1290, [1, 0] : vector<300x92xf32> -> vector<92x300xf32>
    %reduce_max3A_1308 = arith.constant dense<0xFF800000> : vector<300xf32>
    %reduce_max3A_1309 = vector.multi_reduction <maximumf>, %transpose3A_1307, %reduce_max3A_1308 [0] : vector<92x300xf32> to vector<300xf32>
    %broadcast_in_dim3A_1310 = vector.shape_cast %reduce_max3A_1309 : vector<300xf32> to vector<1x300xf32>
    %sub3A_1311 = vector.broadcast %broadcast_in_dim3A_1310 : vector<1x300xf32> to vector<92x300xf32>
    %sub3A_1312 = arith.subf %transpose3A_1307, %sub3A_1311 : vector<92x300xf32>
    %exp3A_1313 = math.exp %sub3A_1312 : vector<92x300xf32>
    %reduce_sum3A_1314 = arith.constant dense<0.000000e+00> : vector<300xf32>
    %reduce_sum3A_1315 = vector.multi_reduction <add>, %exp3A_1313, %reduce_sum3A_1314 [0] : vector<92x300xf32> to vector<300xf32>
    %broadcast_in_dim3A_1316 = vector.shape_cast %reduce_sum3A_1315 : vector<300xf32> to vector<1x300xf32>
    %log3A_1317 = math.log %broadcast_in_dim3A_1316 : vector<1x300xf32>
    %add3A_1318 = arith.addf %log3A_1317, %broadcast_in_dim3A_1310 : vector<1x300xf32>
    %slice3A_1319 = vector.extract_strided_slice %transpose3A_1307 {offsets = [0, 0], sizes = [1, 300], strides = [1, 1]} : vector<92x300xf32> to vector<1x300xf32>
    %sub3A_1320 = arith.subf %slice3A_1319, %add3A_1318 : vector<1x300xf32>
    %eq3A_1321 = vector.broadcast %get3A_1306 : vector<50x1xi32> to vector<50x92xi32>
    %eq3A_1322 = arith.cmpi eq, %iota3A_15, %eq3A_1321 : vector<50x92xi32>
    %convert_element_type3A_1323 = arith.extui %eq3A_1322 : vector<50x92xi1> to vector<50x92xi32>
    %convert_element_type3A_1324 = arith.sitofp %convert_element_type3A_1323 : vector<50x92xi32> to vector<50x92xf32>
    %dot_general3A_1325 = arith.constant dense<0.000000e+00> : vector<50x300xf32>
    %dot_general3A_1326 = tpu.matmul %convert_element_type3A_1324, %transpose3A_1307, %dot_general3A_1325 {dimension_numbers = #tpu.dot_dimension_numbers<[1], [0], [0], [1], [0, 0, 1, 1], [], []>, transpose_lhs_hint = false} : vector<50x92xf32>, vector<92x300xf32>, vector<50x300xf32> -> vector<50x300xf32>
    %sub3A_1327 = vector.broadcast %add3A_1318 : vector<1x300xf32> to vector<50x300xf32>
    %sub3A_1328 = arith.subf %dot_general3A_1326, %sub3A_1327 : vector<50x300xf32>
    %exp3A_1329 = math.exp %sub3A_1328 : vector<50x300xf32>
    %slice3A_1330 = vector.extract_strided_slice %transpose3A_1296 {offsets = [0, 0], sizes = [1, 300], strides = [1, 1]} : vector<4x300xf32> to vector<1x300xf32>
    %slice3A_1331 = vector.extract_strided_slice %transpose3A_1296 {offsets = [1, 0], sizes = [1, 300], strides = [1, 1]} : vector<4x300xf32> to vector<1x300xf32>
    %slice3A_1332 = vector.extract_strided_slice %transpose3A_1296 {offsets = [2, 0], sizes = [1, 300], strides = [1, 1]} : vector<4x300xf32> to vector<1x300xf32>
    %slice3A_1333 = vector.extract_strided_slice %transpose3A_1296 {offsets = [3, 0], sizes = [1, 300], strides = [1, 1]} : vector<4x300xf32> to vector<1x300xf32>
    %slice3A_1334 = vector.extract_strided_slice %get3A_1301 {offsets = [0, 0], sizes = [50, 1], strides = [1, 1]} : vector<50x4xf32> to vector<50x1xf32>
    %slice3A_1335 = vector.extract_strided_slice %get3A_1301 {offsets = [0, 1], sizes = [50, 1], strides = [1, 1]} : vector<50x4xf32> to vector<50x1xf32>
    %slice3A_1336 = vector.extract_strided_slice %get3A_1301 {offsets = [0, 2], sizes = [50, 1], strides = [1, 1]} : vector<50x4xf32> to vector<50x1xf32>
    %slice3A_1337 = vector.extract_strided_slice %get3A_1301 {offsets = [0, 3], sizes = [50, 1], strides = [1, 1]} : vector<50x4xf32> to vector<50x1xf32>
    %sub3A_1338 = vector.broadcast %slice3A_1330 : vector<1x300xf32> to vector<50x300xf32>
    %sub3A_1339 = vector.broadcast %slice3A_1334 : vector<50x1xf32> to vector<50x300xf32>
    %sub3A_1340 = arith.subf %sub3A_1338, %sub3A_1339 : vector<50x300xf32>
    %abs3A_1341 = math.absf %sub3A_1340 : vector<50x300xf32>
    %sub3A_1342 = vector.broadcast %slice3A_1331 : vector<1x300xf32> to vector<50x300xf32>
    %sub3A_1343 = vector.broadcast %slice3A_1335 : vector<50x1xf32> to vector<50x300xf32>
    %sub3A_1344 = arith.subf %sub3A_1342, %sub3A_1343 : vector<50x300xf32>
    %abs3A_1345 = math.absf %sub3A_1344 : vector<50x300xf32>
    %add3A_1346 = arith.addf %abs3A_1341, %abs3A_1345 : vector<50x300xf32>
    %sub3A_1347 = vector.broadcast %slice3A_1332 : vector<1x300xf32> to vector<50x300xf32>
    %sub3A_1348 = vector.broadcast %slice3A_1336 : vector<50x1xf32> to vector<50x300xf32>
    %sub3A_1349 = arith.subf %sub3A_1347, %sub3A_1348 : vector<50x300xf32>
    %abs3A_1350 = math.absf %sub3A_1349 : vector<50x300xf32>
    %add3A_1351 = arith.addf %add3A_1346, %abs3A_1350 : vector<50x300xf32>
    %sub3A_1352 = vector.broadcast %slice3A_1333 : vector<1x300xf32> to vector<50x300xf32>
    %sub3A_1353 = vector.broadcast %slice3A_1337 : vector<50x1xf32> to vector<50x300xf32>
    %sub3A_1354 = arith.subf %sub3A_1352, %sub3A_1353 : vector<50x300xf32>
    %abs3A_1355 = math.absf %sub3A_1354 : vector<50x300xf32>
    %add3A_1356 = arith.addf %add3A_1351, %abs3A_1355 : vector<50x300xf32>
    %max3A_1357 = vector.broadcast %slice3A_1330 : vector<1x300xf32> to vector<50x300xf32>
    %max3A_1358 = vector.broadcast %slice3A_1334 : vector<50x1xf32> to vector<50x300xf32>
    %max3A_1359 = arith.maximumf %max3A_1357, %max3A_1358 : vector<50x300xf32>
    %max3A_1360 = vector.broadcast %slice3A_1331 : vector<1x300xf32> to vector<50x300xf32>
    %max3A_1361 = vector.broadcast %slice3A_1335 : vector<50x1xf32> to vector<50x300xf32>
    %max3A_1362 = arith.maximumf %max3A_1360, %max3A_1361 : vector<50x300xf32>
    %min3A_1363 = vector.broadcast %slice3A_1332 : vector<1x300xf32> to vector<50x300xf32>
    %min3A_1364 = vector.broadcast %slice3A_1336 : vector<50x1xf32> to vector<50x300xf32>
    %min3A_1365 = arith.minimumf %min3A_1363, %min3A_1364 : vector<50x300xf32>
    %min3A_1366 = vector.broadcast %slice3A_1333 : vector<1x300xf32> to vector<50x300xf32>
    %min3A_1367 = vector.broadcast %slice3A_1337 : vector<50x1xf32> to vector<50x300xf32>
    %min3A_1368 = arith.minimumf %min3A_1366, %min3A_1367 : vector<50x300xf32>
    %sub3A_1369 = arith.subf %min3A_1365, %max3A_1359 : vector<50x300xf32>
    %max3A_1370 = arith.constant 0.000000e+00 : f32
    %max3A_1371 = vector.broadcast %max3A_1370 : f32 to vector<50x300xf32>
    %max3A_1372 = arith.maximumf %sub3A_1369, %max3A_1371 : vector<50x300xf32>
    %sub3A_1373 = arith.subf %min3A_1368, %max3A_1362 : vector<50x300xf32>
    %max3A_1374 = arith.constant 0.000000e+00 : f32
    %max3A_1375 = vector.broadcast %max3A_1374 : f32 to vector<50x300xf32>
    %max3A_1376 = arith.maximumf %sub3A_1373, %max3A_1375 : vector<50x300xf32>
    %mul3A_1377 = arith.mulf %max3A_1372, %max3A_1376 : vector<50x300xf32>
    %sub3A_1378 = arith.subf %slice3A_1332, %slice3A_1330 : vector<1x300xf32>
    %sub3A_1379 = arith.subf %slice3A_1333, %slice3A_1331 : vector<1x300xf32>
    %mul3A_1380 = arith.mulf %sub3A_1378, %sub3A_1379 : vector<1x300xf32>
    %sub3A_1381 = arith.subf %slice3A_1336, %slice3A_1334 : vector<50x1xf32>
    %sub3A_1382 = arith.subf %slice3A_1337, %slice3A_1335 : vector<50x1xf32>
    %mul3A_1383 = arith.mulf %sub3A_1381, %sub3A_1382 : vector<50x1xf32>
    %add3A_1384 = vector.broadcast %mul3A_1380 : vector<1x300xf32> to vector<50x300xf32>
    %add3A_1385 = vector.broadcast %mul3A_1383 : vector<50x1xf32> to vector<50x300xf32>
    %add3A_1386 = arith.addf %add3A_1384, %add3A_1385 : vector<50x300xf32>
    %sub3A_1387 = arith.subf %add3A_1386, %mul3A_1377 : vector<50x300xf32>
    %add3A_1388 = arith.constant 1.000000e-07 : f32
    %add3A_1389 = vector.broadcast %add3A_1388 : f32 to vector<50x300xf32>
    %add3A_1390 = arith.addf %sub3A_1387, %add3A_1389 : vector<50x300xf32>
    %div3A_1391 = arith.divf %mul3A_1377, %add3A_1390 : vector<50x300xf32>
    %min3A_1392 = vector.broadcast %slice3A_1330 : vector<1x300xf32> to vector<50x300xf32>
    %min3A_1393 = vector.broadcast %slice3A_1334 : vector<50x1xf32> to vector<50x300xf32>
    %min3A_1394 = arith.minimumf %min3A_1392, %min3A_1393 : vector<50x300xf32>
    %min3A_1395 = vector.broadcast %slice3A_1331 : vector<1x300xf32> to vector<50x300xf32>
    %min3A_1396 = vector.broadcast %slice3A_1335 : vector<50x1xf32> to vector<50x300xf32>
    %min3A_1397 = arith.minimumf %min3A_1395, %min3A_1396 : vector<50x300xf32>
    %max3A_1398 = vector.broadcast %slice3A_1332 : vector<1x300xf32> to vector<50x300xf32>
    %max3A_1399 = vector.broadcast %slice3A_1336 : vector<50x1xf32> to vector<50x300xf32>
    %max3A_1400 = arith.maximumf %max3A_1398, %max3A_1399 : vector<50x300xf32>
    %max3A_1401 = vector.broadcast %slice3A_1333 : vector<1x300xf32> to vector<50x300xf32>
    %max3A_1402 = vector.broadcast %slice3A_1337 : vector<50x1xf32> to vector<50x300xf32>
    %max3A_1403 = arith.maximumf %max3A_1401, %max3A_1402 : vector<50x300xf32>
    %sub3A_1404 = arith.subf %max3A_1400, %min3A_1394 : vector<50x300xf32>
    %sub3A_1405 = arith.subf %max3A_1403, %min3A_1397 : vector<50x300xf32>
    %mul3A_1406 = arith.mulf %sub3A_1404, %sub3A_1405 : vector<50x300xf32>
    %sub3A_1407 = arith.subf %mul3A_1406, %sub3A_1387 : vector<50x300xf32>
    %add3A_1408 = arith.constant 1.000000e-07 : f32
    %add3A_1409 = vector.broadcast %add3A_1408 : f32 to vector<50x300xf32>
    %add3A_1410 = arith.addf %mul3A_1406, %add3A_1409 : vector<50x300xf32>
    %div3A_1411 = arith.divf %sub3A_1407, %add3A_1410 : vector<50x300xf32>
    %sub3A_1412 = arith.subf %div3A_1391, %div3A_1411 : vector<50x300xf32>
    %mul3A_1413 = arith.constant -1.000000e+00 : f32
    %mul3A_1414 = vector.broadcast %mul3A_1413 : f32 to vector<50x300xf32>
    %mul3A_1415 = arith.mulf %mul3A_1414, %exp3A_1329 : vector<50x300xf32>
    %mul3A_1416 = arith.constant 5.000000e+00 : f32
    %mul3A_1417 = vector.broadcast %mul3A_1416 : f32 to vector<50x300xf32>
    %mul3A_1418 = arith.mulf %mul3A_1417, %add3A_1356 : vector<50x300xf32>
    %add3A_1419 = arith.addf %mul3A_1415, %mul3A_1418 : vector<50x300xf32>
    %mul3A_1420 = arith.constant 2.000000e+00 : f32
    %mul3A_1421 = vector.broadcast %mul3A_1420 : f32 to vector<50x300xf32>
    %mul3A_1422 = arith.mulf %mul3A_1421, %sub3A_1412 : vector<50x300xf32>
    %sub3A_1423 = arith.subf %add3A_1419, %mul3A_1422 : vector<50x300xf32>
    %eq3A_1424 = arith.constant 0 : i32
    %eq3A_1425 = vector.broadcast %eq3A_1424 : i32 to vector<50x1xi32>
    %eq3A_1426 = arith.cmpi eq, %get3A_1306, %eq3A_1425 : vector<50x1xi32>
    %jit3A_1427 = arith.constant 1.000000e-01 : f32
    %jit3A_1428 = arith.constant 1.000000e+00 : f32
    %broadcast_in_dim3A_1429 = vector.broadcast %jit3A_1427 : f32 to vector<50x1xf32>
    %broadcast_in_dim3A_1430 = vector.broadcast %jit3A_1428 : f32 to vector<50x1xf32>
    %select_n3A_1431 = arith.select %eq3A_1426, %broadcast_in_dim3A_1429, %broadcast_in_dim3A_1430 : vector<50x1xi1>, vector<50x1xf32>
    %ne3A_1432 = arith.constant 0 : i32
    %ne3A_1433 = vector.broadcast %ne3A_1432 : i32 to vector<50x1xi32>
    %ne3A_1434 = arith.cmpi ne, %get3A_1306, %ne3A_1433 : vector<50x1xi32>
    %convert_element_type3A_1435 = arith.extui %ne3A_1434 : vector<50x1xi1> to vector<50x1xi32>
    %convert_element_type3A_1436 = arith.sitofp %convert_element_type3A_1435 : vector<50x1xi32> to vector<50x1xf32>
    %neg3A_1437 = arith.constant 0.000000e+00 : f32
    %neg3A_1438 = vector.broadcast %neg3A_1437 : f32 to vector<50x300xf32>
    %neg3A_1439 = arith.subf %neg3A_1438, %sub3A_1328 : vector<50x300xf32>
    %mul3A_1440 = vector.broadcast %select_n3A_1431 : vector<50x1xf32> to vector<50x300xf32>
    %mul3A_1441 = arith.mulf %mul3A_1440, %neg3A_1439 : vector<50x300xf32>
    %mul3A_1442 = arith.constant 1.000000e-01 : f32
    %mul3A_1443 = vector.broadcast %mul3A_1442 : f32 to vector<1x300xf32>
    %mul3A_1444 = arith.mulf %mul3A_1443, %sub3A_1320 : vector<1x300xf32>
    %add3A_1445 = vector.broadcast %mul3A_1444 : vector<1x300xf32> to vector<50x300xf32>
    %add3A_1446 = arith.addf %mul3A_1441, %add3A_1445 : vector<50x300xf32>
    %mul3A_1447 = arith.constant 1.000000e+00 : f32
    %mul3A_1448 = vector.broadcast %mul3A_1447 : f32 to vector<50x300xf32>
    %mul3A_1449 = arith.mulf %mul3A_1448, %add3A_1446 : vector<50x300xf32>
    %div3A_1450 = vector.broadcast %add3A_10 : f32 to vector<50x300xf32>
    %div3A_1451 = arith.divf %mul3A_1449, %div3A_1450 : vector<50x300xf32>
    %mul3A_1452 = arith.constant 5.000000e+00 : f32
    %mul3A_1453 = vector.broadcast %mul3A_1452 : f32 to vector<50x300xf32>
    %mul3A_1454 = arith.mulf %mul3A_1453, %add3A_1356 : vector<50x300xf32>
    %sub3A_1455 = arith.constant 1.000000e+00 : f32
    %sub3A_1456 = vector.broadcast %sub3A_1455 : f32 to vector<50x300xf32>
    %sub3A_1457 = arith.subf %sub3A_1456, %sub3A_1412 : vector<50x300xf32>
    %mul3A_1458 = arith.constant 2.000000e+00 : f32
    %mul3A_1459 = vector.broadcast %mul3A_1458 : f32 to vector<50x300xf32>
    %mul3A_1460 = arith.mulf %mul3A_1459, %sub3A_1457 : vector<50x300xf32>
    %add3A_1461 = arith.addf %mul3A_1454, %mul3A_1460 : vector<50x300xf32>
    %mul3A_1462 = vector.broadcast %convert_element_type3A_1436 : vector<50x1xf32> to vector<50x300xf32>
    %mul3A_1463 = arith.mulf %mul3A_1462, %add3A_1461 : vector<50x300xf32>
    %div3A_1464 = vector.broadcast %max3A_11 : f32 to vector<50x300xf32>
    %div3A_1465 = arith.divf %mul3A_1463, %div3A_1464 : vector<50x300xf32>
    %add3A_1466 = arith.addf %div3A_1451, %div3A_1465 : vector<50x300xf32>
    %reduce_sum3A_1467 = vector.shape_cast %sub3A_1320 : vector<1x300xf32> to vector<1x1x300xf32>
    %reduce_sum3A_1468 = arith.constant dense<0.000000e+00> : vector<1xf32>
    %reduce_sum3A_1469 = vector.multi_reduction <add>, %reduce_sum3A_1467, %reduce_sum3A_1468 [1, 2] : vector<1x1x300xf32> to vector<1xf32>
    %reduce_sum3A_1470 = vector.shape_cast %reduce_sum3A_1469 : vector<1xf32> to vector<1x1x1xf32>
    %reduce_sum3A_1471 = vector.extract %reduce_sum3A_1470[0, 0, 0] : f32 from vector<1x1x1xf32>
    %neg3A_1472 = arith.constant 0.000000e+00 : f32
    %neg3A_1473 = arith.subf %neg3A_1472, %reduce_sum3A_1471 : f32
    %mul3A_1474 = arith.constant 1.000000e-01 : f32
    %mul3A_1475 = arith.mulf %mul3A_1474, %neg3A_1473 : f32
    %div3A_1476 = arith.divf %mul3A_1475, %add3A_10 : f32
    %jit3A_1477 = arith.constant 0.000000e+00 : f32
    %broadcast_in_dim3A_1478 = vector.broadcast %div3A_1476 : f32 to vector<50x300xf32>
    %broadcast_in_dim3A_1479 = vector.broadcast %jit3A_1477 : f32 to vector<50x300xf32>
    %select_n3A_1480 = arith.select %eq3A_14, %broadcast_in_dim3A_1478, %broadcast_in_dim3A_1479 : vector<50x300xi1>, vector<50x300xf32>
    %add3A_1481 = arith.addf %add3A_1466, %select_n3A_1480 : vector<50x300xf32>
    %swap3A_1482 = arith.constant 6 : index
    %swap3A_1483 = arith.constant 0 : index
    %swap3A_1484 = arith.constant 0 : index
    %swap3A_1485 = vector.load %arg6[%swap3A_1482, %swap3A_1483, %swap3A_1484] : memref<8x56x384xf32, #tpu.memory_space<vmem>>, vector<1x50x300xf32>
    %swap3A_1486 = vector.shape_cast %swap3A_1485 : vector<1x50x300xf32> to vector<50x300xf32>
    %swap3A_1487 = vector.shape_cast %sub3A_1423 : vector<50x300xf32> to vector<1x50x300xf32>
    tpu.vector_store %arg6[%swap3A_1482, %swap3A_1483, %swap3A_1484], %swap3A_1487 {strides = array<i32>} : memref<8x56x384xf32, #tpu.memory_space<vmem>>, vector<1x50x300xf32>,
    %swap3A_1488 = arith.constant 6 : index
    %swap3A_1489 = arith.constant 0 : index
    %swap3A_1490 = arith.constant 300 : index
    %swap3A_1491 = vector.load %arg6[%swap3A_1488, %swap3A_1489, %swap3A_1490] : memref<8x56x384xf32, #tpu.memory_space<vmem>>, vector<1x50x84xf32>
    %swap3A_1492 = vector.shape_cast %swap3A_1491 : vector<1x50x84xf32> to vector<50x84xf32>
    %swap3A_1493 = vector.shape_cast %broadcast_in_dim3A_12 : vector<50x84xf32> to vector<1x50x84xf32>
    tpu.vector_store %arg6[%swap3A_1488, %swap3A_1489, %swap3A_1490], %swap3A_1493 {strides = array<i32>} : memref<8x56x384xf32, #tpu.memory_space<vmem>>, vector<1x50x84xf32>,
    %swap3A_1494 = arith.constant 6 : index
    %swap3A_1495 = arith.constant 0 : index
    %swap3A_1496 = arith.constant 0 : index
    %swap3A_1497 = vector.load %arg7[%swap3A_1494, %swap3A_1495, %swap3A_1496] : memref<8x56x384xf32, #tpu.memory_space<vmem>>, vector<1x50x300xf32>
    %swap3A_1498 = vector.shape_cast %swap3A_1497 : vector<1x50x300xf32> to vector<50x300xf32>
    %swap3A_1499 = vector.shape_cast %add3A_1481 : vector<50x300xf32> to vector<1x50x300xf32>
    tpu.vector_store %arg7[%swap3A_1494, %swap3A_1495, %swap3A_1496], %swap3A_1499 {strides = array<i32>} : memref<8x56x384xf32, #tpu.memory_space<vmem>>, vector<1x50x300xf32>,
    %get3A_1500 = arith.constant 7 : index
    %get3A_1501 = arith.constant 0 : index
    %get3A_1502 = arith.constant 0 : index
    %get3A_1503 = vector.load %arg1[%get3A_1500, %get3A_1501, %get3A_1502] : memref<8x300x92xf32, #tpu.memory_space<vmem>>, vector<1x300x92xf32>
    %get3A_1504 = vector.shape_cast %get3A_1503 : vector<1x300x92xf32> to vector<300x92xf32>
    %get3A_1505 = arith.constant 7 : index
    %get3A_1506 = arith.constant 0 : index
    %get3A_1507 = arith.constant 0 : index
    %get3A_1508 = vector.load %arg2[%get3A_1505, %get3A_1506, %get3A_1507] : memref<8x300x4xf32, #tpu.memory_space<vmem>>, vector<1x300x4xf32>
    %get3A_1509 = vector.shape_cast %get3A_1508 : vector<1x300x4xf32> to vector<300x4xf32>
    %transpose3A_1510 = tpu.transpose %get3A_1509, [1, 0] : vector<300x4xf32> -> vector<4x300xf32>
    %get3A_1511 = arith.constant 7 : index
    %get3A_1512 = arith.constant 0 : index
    %get3A_1513 = arith.constant 0 : index
    %get3A_1514 = vector.load %arg3[%get3A_1511, %get3A_1512, %get3A_1513] : memref<8x50x4xf32, #tpu.memory_space<vmem>>, vector<1x50x4xf32>
    %get3A_1515 = vector.shape_cast %get3A_1514 : vector<1x50x4xf32> to vector<50x4xf32>
    %get3A_1516 = arith.constant 7 : index
    %get3A_1517 = arith.constant 0 : index
    %get3A_1518 = arith.constant 0 : index
    %get3A_1519 = vector.load %arg4[%get3A_1516, %get3A_1517, %get3A_1518] : memref<8x50x1xi32, #tpu.memory_space<vmem>>, vector<1x50x1xi32>
    %get3A_1520 = vector.shape_cast %get3A_1519 : vector<1x50x1xi32> to vector<50x1xi32>
    %transpose3A_1521 = tpu.transpose %get3A_1504, [1, 0] : vector<300x92xf32> -> vector<92x300xf32>
    %reduce_max3A_1522 = arith.constant dense<0xFF800000> : vector<300xf32>
    %reduce_max3A_1523 = vector.multi_reduction <maximumf>, %transpose3A_1521, %reduce_max3A_1522 [0] : vector<92x300xf32> to vector<300xf32>
    %broadcast_in_dim3A_1524 = vector.shape_cast %reduce_max3A_1523 : vector<300xf32> to vector<1x300xf32>
    %sub3A_1525 = vector.broadcast %broadcast_in_dim3A_1524 : vector<1x300xf32> to vector<92x300xf32>
    %sub3A_1526 = arith.subf %transpose3A_1521, %sub3A_1525 : vector<92x300xf32>
    %exp3A_1527 = math.exp %sub3A_1526 : vector<92x300xf32>
    %reduce_sum3A_1528 = arith.constant dense<0.000000e+00> : vector<300xf32>
    %reduce_sum3A_1529 = vector.multi_reduction <add>, %exp3A_1527, %reduce_sum3A_1528 [0] : vector<92x300xf32> to vector<300xf32>
    %broadcast_in_dim3A_1530 = vector.shape_cast %reduce_sum3A_1529 : vector<300xf32> to vector<1x300xf32>
    %log3A_1531 = math.log %broadcast_in_dim3A_1530 : vector<1x300xf32>
    %add3A_1532 = arith.addf %log3A_1531, %broadcast_in_dim3A_1524 : vector<1x300xf32>
    %slice3A_1533 = vector.extract_strided_slice %transpose3A_1521 {offsets = [0, 0], sizes = [1, 300], strides = [1, 1]} : vector<92x300xf32> to vector<1x300xf32>
    %sub3A_1534 = arith.subf %slice3A_1533, %add3A_1532 : vector<1x300xf32>
    %eq3A_1535 = vector.broadcast %get3A_1520 : vector<50x1xi32> to vector<50x92xi32>
    %eq3A_1536 = arith.cmpi eq, %iota3A_15, %eq3A_1535 : vector<50x92xi32>
    %convert_element_type3A_1537 = arith.extui %eq3A_1536 : vector<50x92xi1> to vector<50x92xi32>
    %convert_element_type3A_1538 = arith.sitofp %convert_element_type3A_1537 : vector<50x92xi32> to vector<50x92xf32>
    %dot_general3A_1539 = arith.constant dense<0.000000e+00> : vector<50x300xf32>
    %dot_general3A_1540 = tpu.matmul %convert_element_type3A_1538, %transpose3A_1521, %dot_general3A_1539 {dimension_numbers = #tpu.dot_dimension_numbers<[1], [0], [0], [1], [0, 0, 1, 1], [], []>, transpose_lhs_hint = false} : vector<50x92xf32>, vector<92x300xf32>, vector<50x300xf32> -> vector<50x300xf32>
    %sub3A_1541 = vector.broadcast %add3A_1532 : vector<1x300xf32> to vector<50x300xf32>
    %sub3A_1542 = arith.subf %dot_general3A_1540, %sub3A_1541 : vector<50x300xf32>
    %exp3A_1543 = math.exp %sub3A_1542 : vector<50x300xf32>
    %slice3A_1544 = vector.extract_strided_slice %transpose3A_1510 {offsets = [0, 0], sizes = [1, 300], strides = [1, 1]} : vector<4x300xf32> to vector<1x300xf32>
    %slice3A_1545 = vector.extract_strided_slice %transpose3A_1510 {offsets = [1, 0], sizes = [1, 300], strides = [1, 1]} : vector<4x300xf32> to vector<1x300xf32>
    %slice3A_1546 = vector.extract_strided_slice %transpose3A_1510 {offsets = [2, 0], sizes = [1, 300], strides = [1, 1]} : vector<4x300xf32> to vector<1x300xf32>
    %slice3A_1547 = vector.extract_strided_slice %transpose3A_1510 {offsets = [3, 0], sizes = [1, 300], strides = [1, 1]} : vector<4x300xf32> to vector<1x300xf32>
    %slice3A_1548 = vector.extract_strided_slice %get3A_1515 {offsets = [0, 0], sizes = [50, 1], strides = [1, 1]} : vector<50x4xf32> to vector<50x1xf32>
    %slice3A_1549 = vector.extract_strided_slice %get3A_1515 {offsets = [0, 1], sizes = [50, 1], strides = [1, 1]} : vector<50x4xf32> to vector<50x1xf32>
    %slice3A_1550 = vector.extract_strided_slice %get3A_1515 {offsets = [0, 2], sizes = [50, 1], strides = [1, 1]} : vector<50x4xf32> to vector<50x1xf32>
    %slice3A_1551 = vector.extract_strided_slice %get3A_1515 {offsets = [0, 3], sizes = [50, 1], strides = [1, 1]} : vector<50x4xf32> to vector<50x1xf32>
    %sub3A_1552 = vector.broadcast %slice3A_1544 : vector<1x300xf32> to vector<50x300xf32>
    %sub3A_1553 = vector.broadcast %slice3A_1548 : vector<50x1xf32> to vector<50x300xf32>
    %sub3A_1554 = arith.subf %sub3A_1552, %sub3A_1553 : vector<50x300xf32>
    %abs3A_1555 = math.absf %sub3A_1554 : vector<50x300xf32>
    %sub3A_1556 = vector.broadcast %slice3A_1545 : vector<1x300xf32> to vector<50x300xf32>
    %sub3A_1557 = vector.broadcast %slice3A_1549 : vector<50x1xf32> to vector<50x300xf32>
    %sub3A_1558 = arith.subf %sub3A_1556, %sub3A_1557 : vector<50x300xf32>
    %abs3A_1559 = math.absf %sub3A_1558 : vector<50x300xf32>
    %add3A_1560 = arith.addf %abs3A_1555, %abs3A_1559 : vector<50x300xf32>
    %sub3A_1561 = vector.broadcast %slice3A_1546 : vector<1x300xf32> to vector<50x300xf32>
    %sub3A_1562 = vector.broadcast %slice3A_1550 : vector<50x1xf32> to vector<50x300xf32>
    %sub3A_1563 = arith.subf %sub3A_1561, %sub3A_1562 : vector<50x300xf32>
    %abs3A_1564 = math.absf %sub3A_1563 : vector<50x300xf32>
    %add3A_1565 = arith.addf %add3A_1560, %abs3A_1564 : vector<50x300xf32>
    %sub3A_1566 = vector.broadcast %slice3A_1547 : vector<1x300xf32> to vector<50x300xf32>
    %sub3A_1567 = vector.broadcast %slice3A_1551 : vector<50x1xf32> to vector<50x300xf32>
    %sub3A_1568 = arith.subf %sub3A_1566, %sub3A_1567 : vector<50x300xf32>
    %abs3A_1569 = math.absf %sub3A_1568 : vector<50x300xf32>
    %add3A_1570 = arith.addf %add3A_1565, %abs3A_1569 : vector<50x300xf32>
    %max3A_1571 = vector.broadcast %slice3A_1544 : vector<1x300xf32> to vector<50x300xf32>
    %max3A_1572 = vector.broadcast %slice3A_1548 : vector<50x1xf32> to vector<50x300xf32>
    %max3A_1573 = arith.maximumf %max3A_1571, %max3A_1572 : vector<50x300xf32>
    %max3A_1574 = vector.broadcast %slice3A_1545 : vector<1x300xf32> to vector<50x300xf32>
    %max3A_1575 = vector.broadcast %slice3A_1549 : vector<50x1xf32> to vector<50x300xf32>
    %max3A_1576 = arith.maximumf %max3A_1574, %max3A_1575 : vector<50x300xf32>
    %min3A_1577 = vector.broadcast %slice3A_1546 : vector<1x300xf32> to vector<50x300xf32>
    %min3A_1578 = vector.broadcast %slice3A_1550 : vector<50x1xf32> to vector<50x300xf32>
    %min3A_1579 = arith.minimumf %min3A_1577, %min3A_1578 : vector<50x300xf32>
    %min3A_1580 = vector.broadcast %slice3A_1547 : vector<1x300xf32> to vector<50x300xf32>
    %min3A_1581 = vector.broadcast %slice3A_1551 : vector<50x1xf32> to vector<50x300xf32>
    %min3A_1582 = arith.minimumf %min3A_1580, %min3A_1581 : vector<50x300xf32>
    %sub3A_1583 = arith.subf %min3A_1579, %max3A_1573 : vector<50x300xf32>
    %max3A_1584 = arith.constant 0.000000e+00 : f32
    %max3A_1585 = vector.broadcast %max3A_1584 : f32 to vector<50x300xf32>
    %max3A_1586 = arith.maximumf %sub3A_1583, %max3A_1585 : vector<50x300xf32>
    %sub3A_1587 = arith.subf %min3A_1582, %max3A_1576 : vector<50x300xf32>
    %max3A_1588 = arith.constant 0.000000e+00 : f32
    %max3A_1589 = vector.broadcast %max3A_1588 : f32 to vector<50x300xf32>
    %max3A_1590 = arith.maximumf %sub3A_1587, %max3A_1589 : vector<50x300xf32>
    %mul3A_1591 = arith.mulf %max3A_1586, %max3A_1590 : vector<50x300xf32>
    %sub3A_1592 = arith.subf %slice3A_1546, %slice3A_1544 : vector<1x300xf32>
    %sub3A_1593 = arith.subf %slice3A_1547, %slice3A_1545 : vector<1x300xf32>
    %mul3A_1594 = arith.mulf %sub3A_1592, %sub3A_1593 : vector<1x300xf32>
    %sub3A_1595 = arith.subf %slice3A_1550, %slice3A_1548 : vector<50x1xf32>
    %sub3A_1596 = arith.subf %slice3A_1551, %slice3A_1549 : vector<50x1xf32>
    %mul3A_1597 = arith.mulf %sub3A_1595, %sub3A_1596 : vector<50x1xf32>
    %add3A_1598 = vector.broadcast %mul3A_1594 : vector<1x300xf32> to vector<50x300xf32>
    %add3A_1599 = vector.broadcast %mul3A_1597 : vector<50x1xf32> to vector<50x300xf32>
    %add3A_1600 = arith.addf %add3A_1598, %add3A_1599 : vector<50x300xf32>
    %sub3A_1601 = arith.subf %add3A_1600, %mul3A_1591 : vector<50x300xf32>
    %add3A_1602 = arith.constant 1.000000e-07 : f32
    %add3A_1603 = vector.broadcast %add3A_1602 : f32 to vector<50x300xf32>
    %add3A_1604 = arith.addf %sub3A_1601, %add3A_1603 : vector<50x300xf32>
    %div3A_1605 = arith.divf %mul3A_1591, %add3A_1604 : vector<50x300xf32>
    %min3A_1606 = vector.broadcast %slice3A_1544 : vector<1x300xf32> to vector<50x300xf32>
    %min3A_1607 = vector.broadcast %slice3A_1548 : vector<50x1xf32> to vector<50x300xf32>
    %min3A_1608 = arith.minimumf %min3A_1606, %min3A_1607 : vector<50x300xf32>
    %min3A_1609 = vector.broadcast %slice3A_1545 : vector<1x300xf32> to vector<50x300xf32>
    %min3A_1610 = vector.broadcast %slice3A_1549 : vector<50x1xf32> to vector<50x300xf32>
    %min3A_1611 = arith.minimumf %min3A_1609, %min3A_1610 : vector<50x300xf32>
    %max3A_1612 = vector.broadcast %slice3A_1546 : vector<1x300xf32> to vector<50x300xf32>
    %max3A_1613 = vector.broadcast %slice3A_1550 : vector<50x1xf32> to vector<50x300xf32>
    %max3A_1614 = arith.maximumf %max3A_1612, %max3A_1613 : vector<50x300xf32>
    %max3A_1615 = vector.broadcast %slice3A_1547 : vector<1x300xf32> to vector<50x300xf32>
    %max3A_1616 = vector.broadcast %slice3A_1551 : vector<50x1xf32> to vector<50x300xf32>
    %max3A_1617 = arith.maximumf %max3A_1615, %max3A_1616 : vector<50x300xf32>
    %sub3A_1618 = arith.subf %max3A_1614, %min3A_1608 : vector<50x300xf32>
    %sub3A_1619 = arith.subf %max3A_1617, %min3A_1611 : vector<50x300xf32>
    %mul3A_1620 = arith.mulf %sub3A_1618, %sub3A_1619 : vector<50x300xf32>
    %sub3A_1621 = arith.subf %mul3A_1620, %sub3A_1601 : vector<50x300xf32>
    %add3A_1622 = arith.constant 1.000000e-07 : f32
    %add3A_1623 = vector.broadcast %add3A_1622 : f32 to vector<50x300xf32>
    %add3A_1624 = arith.addf %mul3A_1620, %add3A_1623 : vector<50x300xf32>
    %div3A_1625 = arith.divf %sub3A_1621, %add3A_1624 : vector<50x300xf32>
    %sub3A_1626 = arith.subf %div3A_1605, %div3A_1625 : vector<50x300xf32>
    %mul3A_1627 = arith.constant -1.000000e+00 : f32
    %mul3A_1628 = vector.broadcast %mul3A_1627 : f32 to vector<50x300xf32>
    %mul3A_1629 = arith.mulf %mul3A_1628, %exp3A_1543 : vector<50x300xf32>
    %mul3A_1630 = arith.constant 5.000000e+00 : f32
    %mul3A_1631 = vector.broadcast %mul3A_1630 : f32 to vector<50x300xf32>
    %mul3A_1632 = arith.mulf %mul3A_1631, %add3A_1570 : vector<50x300xf32>
    %add3A_1633 = arith.addf %mul3A_1629, %mul3A_1632 : vector<50x300xf32>
    %mul3A_1634 = arith.constant 2.000000e+00 : f32
    %mul3A_1635 = vector.broadcast %mul3A_1634 : f32 to vector<50x300xf32>
    %mul3A_1636 = arith.mulf %mul3A_1635, %sub3A_1626 : vector<50x300xf32>
    %sub3A_1637 = arith.subf %add3A_1633, %mul3A_1636 : vector<50x300xf32>
    %eq3A_1638 = arith.constant 0 : i32
    %eq3A_1639 = vector.broadcast %eq3A_1638 : i32 to vector<50x1xi32>
    %eq3A_1640 = arith.cmpi eq, %get3A_1520, %eq3A_1639 : vector<50x1xi32>
    %jit3A_1641 = arith.constant 1.000000e-01 : f32
    %jit3A_1642 = arith.constant 1.000000e+00 : f32
    %broadcast_in_dim3A_1643 = vector.broadcast %jit3A_1641 : f32 to vector<50x1xf32>
    %broadcast_in_dim3A_1644 = vector.broadcast %jit3A_1642 : f32 to vector<50x1xf32>
    %select_n3A_1645 = arith.select %eq3A_1640, %broadcast_in_dim3A_1643, %broadcast_in_dim3A_1644 : vector<50x1xi1>, vector<50x1xf32>
    %ne3A_1646 = arith.constant 0 : i32
    %ne3A_1647 = vector.broadcast %ne3A_1646 : i32 to vector<50x1xi32>
    %ne3A_1648 = arith.cmpi ne, %get3A_1520, %ne3A_1647 : vector<50x1xi32>
    %convert_element_type3A_1649 = arith.extui %ne3A_1648 : vector<50x1xi1> to vector<50x1xi32>
    %convert_element_type3A_1650 = arith.sitofp %convert_element_type3A_1649 : vector<50x1xi32> to vector<50x1xf32>
    %neg3A_1651 = arith.constant 0.000000e+00 : f32
    %neg3A_1652 = vector.broadcast %neg3A_1651 : f32 to vector<50x300xf32>
    %neg3A_1653 = arith.subf %neg3A_1652, %sub3A_1542 : vector<50x300xf32>
    %mul3A_1654 = vector.broadcast %select_n3A_1645 : vector<50x1xf32> to vector<50x300xf32>
    %mul3A_1655 = arith.mulf %mul3A_1654, %neg3A_1653 : vector<50x300xf32>
    %mul3A_1656 = arith.constant 1.000000e-01 : f32
    %mul3A_1657 = vector.broadcast %mul3A_1656 : f32 to vector<1x300xf32>
    %mul3A_1658 = arith.mulf %mul3A_1657, %sub3A_1534 : vector<1x300xf32>
    %add3A_1659 = vector.broadcast %mul3A_1658 : vector<1x300xf32> to vector<50x300xf32>
    %add3A_1660 = arith.addf %mul3A_1655, %add3A_1659 : vector<50x300xf32>
    %mul3A_1661 = arith.constant 1.000000e+00 : f32
    %mul3A_1662 = vector.broadcast %mul3A_1661 : f32 to vector<50x300xf32>
    %mul3A_1663 = arith.mulf %mul3A_1662, %add3A_1660 : vector<50x300xf32>
    %div3A_1664 = vector.broadcast %add3A_10 : f32 to vector<50x300xf32>
    %div3A_1665 = arith.divf %mul3A_1663, %div3A_1664 : vector<50x300xf32>
    %mul3A_1666 = arith.constant 5.000000e+00 : f32
    %mul3A_1667 = vector.broadcast %mul3A_1666 : f32 to vector<50x300xf32>
    %mul3A_1668 = arith.mulf %mul3A_1667, %add3A_1570 : vector<50x300xf32>
    %sub3A_1669 = arith.constant 1.000000e+00 : f32
    %sub3A_1670 = vector.broadcast %sub3A_1669 : f32 to vector<50x300xf32>
    %sub3A_1671 = arith.subf %sub3A_1670, %sub3A_1626 : vector<50x300xf32>
    %mul3A_1672 = arith.constant 2.000000e+00 : f32
    %mul3A_1673 = vector.broadcast %mul3A_1672 : f32 to vector<50x300xf32>
    %mul3A_1674 = arith.mulf %mul3A_1673, %sub3A_1671 : vector<50x300xf32>
    %add3A_1675 = arith.addf %mul3A_1668, %mul3A_1674 : vector<50x300xf32>
    %mul3A_1676 = vector.broadcast %convert_element_type3A_1650 : vector<50x1xf32> to vector<50x300xf32>
    %mul3A_1677 = arith.mulf %mul3A_1676, %add3A_1675 : vector<50x300xf32>
    %div3A_1678 = vector.broadcast %max3A_11 : f32 to vector<50x300xf32>
    %div3A_1679 = arith.divf %mul3A_1677, %div3A_1678 : vector<50x300xf32>
    %add3A_1680 = arith.addf %div3A_1665, %div3A_1679 : vector<50x300xf32>
    %reduce_sum3A_1681 = vector.shape_cast %sub3A_1534 : vector<1x300xf32> to vector<1x1x300xf32>
    %reduce_sum3A_1682 = arith.constant dense<0.000000e+00> : vector<1xf32>
    %reduce_sum3A_1683 = vector.multi_reduction <add>, %reduce_sum3A_1681, %reduce_sum3A_1682 [1, 2] : vector<1x1x300xf32> to vector<1xf32>
    %reduce_sum3A_1684 = vector.shape_cast %reduce_sum3A_1683 : vector<1xf32> to vector<1x1x1xf32>
    %reduce_sum3A_1685 = vector.extract %reduce_sum3A_1684[0, 0, 0] : f32 from vector<1x1x1xf32>
    %neg3A_1686 = arith.constant 0.000000e+00 : f32
    %neg3A_1687 = arith.subf %neg3A_1686, %reduce_sum3A_1685 : f32
    %mul3A_1688 = arith.constant 1.000000e-01 : f32
    %mul3A_1689 = arith.mulf %mul3A_1688, %neg3A_1687 : f32
    %div3A_1690 = arith.divf %mul3A_1689, %add3A_10 : f32
    %jit3A_1691 = arith.constant 0.000000e+00 : f32
    %broadcast_in_dim3A_1692 = vector.broadcast %div3A_1690 : f32 to vector<50x300xf32>
    %broadcast_in_dim3A_1693 = vector.broadcast %jit3A_1691 : f32 to vector<50x300xf32>
    %select_n3A_1694 = arith.select %eq3A_14, %broadcast_in_dim3A_1692, %broadcast_in_dim3A_1693 : vector<50x300xi1>, vector<50x300xf32>
    %add3A_1695 = arith.addf %add3A_1680, %select_n3A_1694 : vector<50x300xf32>
    %swap3A_1696 = arith.constant 7 : index
    %swap3A_1697 = arith.constant 0 : index
    %swap3A_1698 = arith.constant 0 : index
    %swap3A_1699 = vector.load %arg6[%swap3A_1696, %swap3A_1697, %swap3A_1698] : memref<8x56x384xf32, #tpu.memory_space<vmem>>, vector<1x50x300xf32>
    %swap3A_1700 = vector.shape_cast %swap3A_1699 : vector<1x50x300xf32> to vector<50x300xf32>
    %swap3A_1701 = vector.shape_cast %sub3A_1637 : vector<50x300xf32> to vector<1x50x300xf32>
    tpu.vector_store %arg6[%swap3A_1696, %swap3A_1697, %swap3A_1698], %swap3A_1701 {strides = array<i32>} : memref<8x56x384xf32, #tpu.memory_space<vmem>>, vector<1x50x300xf32>,
    %swap3A_1702 = arith.constant 7 : index
    %swap3A_1703 = arith.constant 0 : index
    %swap3A_1704 = arith.constant 300 : index
    %swap3A_1705 = vector.load %arg6[%swap3A_1702, %swap3A_1703, %swap3A_1704] : memref<8x56x384xf32, #tpu.memory_space<vmem>>, vector<1x50x84xf32>
    %swap3A_1706 = vector.shape_cast %swap3A_1705 : vector<1x50x84xf32> to vector<50x84xf32>
    %swap3A_1707 = vector.shape_cast %broadcast_in_dim3A_12 : vector<50x84xf32> to vector<1x50x84xf32>
    tpu.vector_store %arg6[%swap3A_1702, %swap3A_1703, %swap3A_1704], %swap3A_1707 {strides = array<i32>} : memref<8x56x384xf32, #tpu.memory_space<vmem>>, vector<1x50x84xf32>,
    %swap3A_1708 = arith.constant 7 : index
    %swap3A_1709 = arith.constant 0 : index
    %swap3A_1710 = arith.constant 0 : index
    %swap3A_1711 = vector.load %arg7[%swap3A_1708, %swap3A_1709, %swap3A_1710] : memref<8x56x384xf32, #tpu.memory_space<vmem>>, vector<1x50x300xf32>
    %swap3A_1712 = vector.shape_cast %swap3A_1711 : vector<1x50x300xf32> to vector<50x300xf32>
    %swap3A_1713 = vector.shape_cast %add3A_1695 : vector<50x300xf32> to vector<1x50x300xf32>
    tpu.vector_store %arg7[%swap3A_1708, %swap3A_1709, %swap3A_1710], %swap3A_1713 {strides = array<i32>} : memref<8x56x384xf32, #tpu.memory_space<vmem>>, vector<1x50x300xf32>,
    return
  }
  func.func @transform_0(%arg0: i32) -> (i32, i32, i32) {
    %add3A = arith.constant 0 : i32
    %add3A_0 = arith.addi %arg0, %add3A : i32
    %c0_i32 = arith.constant 0 : i32
    %c0_i32_1 = arith.constant 0 : i32
    %c0_i32_2 = arith.constant 0 : i32
    return %add3A_0, %c0_i32, %c0_i32_1 : i32, i32, i32
  }
  func.func @transform_1(%arg0: i32) -> (i32, i32, i32) {
    %add3A = arith.constant 0 : i32
    %add3A_0 = arith.addi %arg0, %add3A : i32
    %c0_i32 = arith.constant 0 : i32
    %c0_i32_1 = arith.constant 0 : i32
    %c0_i32_2 = arith.constant 0 : i32
    return %add3A_0, %c0_i32, %c0_i32_1 : i32, i32, i32
  }
  func.func @transform_2(%arg0: i32) -> (i32, i32, i32) {
    %add3A = arith.constant 0 : i32
    %add3A_0 = arith.addi %arg0, %add3A : i32
    %c0_i32 = arith.constant 0 : i32
    %c0_i32_1 = arith.constant 0 : i32
    %c0_i32_2 = arith.constant 0 : i32
    return %add3A_0, %c0_i32, %c0_i32_1 : i32, i32, i32
  }
  func.func @transform_3(%arg0: i32) -> (i32, i32, i32) {
    %add3A = arith.constant 0 : i32
    %add3A_0 = arith.addi %arg0, %add3A : i32
    %c0_i32 = arith.constant 0 : i32
    %c0_i32_1 = arith.constant 0 : i32
    %c0_i32_2 = arith.constant 0 : i32
    return %add3A_0, %c0_i32, %c0_i32_1 : i32, i32, i32
  }
  func.func @transform_4(%arg0: i32) -> (i32, i32) {
    %c0_i32 = arith.constant 0 : i32
    %c0_i32_0 = arith.constant 0 : i32
    %c0_i32_1 = arith.constant 0 : i32
    return %c0_i32, %c0_i32_0 : i32, i32
  }
  func.func @transform_5(%arg0: i32) -> (i32, i32, i32) {
    %c0_i32 = arith.constant 0 : i32
    %c0_i32_0 = arith.constant 0 : i32
    %c0_i32_1 = arith.constant 0 : i32
    return %arg0, %c0_i32, %c0_i32_0 : i32, i32, i32
  }
  func.func @transform_6(%arg0: i32) -> (i32, i32, i32) {
    %c0_i32 = arith.constant 0 : i32
    %c0_i32_0 = arith.constant 0 : i32
    %c0_i32_1 = arith.constant 0 : i32
    return %arg0, %c0_i32, %c0_i32_0 : i32, i32, i32
  }
}

</mosaic_0001>

<sc_bundles>
// kernel: kernel.6.cloned.1.call-start
scs
__scs_entry_jumppad:
0x0: {  	(pc) =	sbr.rel $0x88, $3  }
0x1: {  	(tag) =	ssettag $0x0;
	lr =	simm.s32 $0x1  }
0x2: {  	[smem:$0x3F9D] =	sst lr;
	_ =	strace $0xD0000000  }
0x3: {  	_ = 	snop  }
0x4: {  	_ = 	snop  }
0x5: {  	_ = 	snop  }
0x6: {  	_ = 	snop  }
0x7: {  	_ = 	snop  }
__scs_overlays_trampoline_lowered:
0x8: {  	[smem:$0x3FAC] =	sst s0  }
0x9: {  	[smem:$0x3FAD] =	sst s1  }
0xa: {  	[smem:$0x3FAE] =	sst s2  }
0xb: {  	[smem:$0x3FAF] =	sst s3  }
0xc: {  	[smem:$0x3FB0] =	sst s4  }
0xd: {  	[smem:$0x3FB1] =	sst s5  }
0xe: {  	[smem:$0x3FB2] =	sst s6  }
0xf: {  	[smem:$0x3FB3] =	sst s7  }
0x10: {  	[smem:$0x3FB4] =	sst s8  }
0x11: {  	[smem:$0x3FB5] =	sst s9;
	s0 =	simm.s32 @!p0 $0x0  }
0x12: {  	s1 =	sld [smem:$0x3F9B];
	s0 =	simm.s32 @p0 $0x1  }
0x13: {  	[smem:$0x3FB6] =	sst s0;
	s0 =	simm.s32 @!p1 $0x0  }
0x14: {  	s2 =	sld [smem:$0x3F9A];
	s0 =	simm.s32 @p1 $0x1  }
0x15: {  	[smem:$0x3FB7] =	sst s0;
	s0 =	simm.s32 @!p2 $0x0  }
0x16: {  	s3 =	sld [smem:$0x3FDB];
	s0 =	simm.s32 @p2 $0x1  }
0x17: {  	s4 =	simm.s32 $0x1BF5;
	[smem:$0x3FB9] =	sst s0  }
0x18: {  	s0 =	sld [smem:$0x3F9C];
	_ =	swait.ge [sflag:s4], $0x0  }
0x19: {  	s7 =	sld [smem:$0x3F9D]  }
0x1a: {  	s8 =	sadd.s32 $0xFFFFE003, lr  }
0x1b: {  	s9 =	sadd.s32 $0xFFFFFEF7, lr;
	s5 =	simm.s32 $0xFFFFFFFF;
	p2 =	slt.u32 s8, $0xFFFFF086  }
0x1c: {  	p1 =	slt.u32 s9, $0xF7A;
	s5 =	simm.s32 @!p2 $0x0  }
0x1d: {  	s5 =	simm.s32 @p1 $0x1;
	p0 =	seq.s32 s7, s2  }
0x1e: {  	s7 =	smul.u32 @!p0 $0xF7A, s2;
	p2 =	seq.s32 @!p0 s5, $0x0  }
0x1f: {  	s9 =	smul.u32 $0xF7A, s1;
	s8 =	simm.s32 @!p0 $0x1BF5;
	p2 =	por !p2, p0  }
0x20: {  	[sflag:s8] =	ssyncset.s32 @!p0 $0xFFFFF086;
	s6 =	sadd.s32 @!p0 s3, s7;
	s7 =	simm.s32 @!p0 $0x108  }
0x21: {  	s3 =	sadd.s32 s3, s9;
	s6 =	sadd.s32 @!p0 $0x88, s6;
	s7 =	simm.s32 @p2 $0x1082  }
0x22: {  	[simem:s7], [sflag:s8] =	dma.local @!p0 [hbm:s6], $0xF7A  }
0x23: {  	s9 =	sor.u32 $0xD0000000, s2;
	s6 =	simm.s32 $0x108;
	_ =	swait.ge @!p0 [sflag:s8], $0x0  }
0x24: {  	s3 =	sadd.s32 $0x88, s3;
	s6 =	simm.s32 @!p1 $0x1082;
	[sflag:s4] =	ssyncset.s32 $0xFFFFF086  }
0x25: {  	[simem:s6], [sflag:s4] =	dma.local [hbm:s3], $0xF7A  }
0x26: {  	[smem:$0x3F9D] =	sst s1;
	(tag) =	ssettag s2;
	_ =	strace s9  }
0x27: {  	s1 =	sld [smem:$0x3FAD]  }
0x28: {  	s2 =	sld [smem:$0x3FAE]  }
0x29: {  	s4 =	sld [smem:$0x3FB0]  }
0x2a: {  	p0 =	seq.s32 s5, $0x0;
	s5 =	sld [smem:$0x3FB1]  }
0x2b: {  	s6 =	sld [smem:$0x3FB2]  }
0x2c: {  	s7 =	sld [smem:$0x3FB3]  }
0x2d: {  	s3 =	simm.s32 $0x108;
	s8 =	sld [smem:$0x3FB4]  }
0x2e: {  	s3 =	simm.s32 @!p0 $0x1082;
	s9 =	sld [smem:$0x3FB5]  }
0x2f: {  	lr =	sadd.s32 s0, s3;
	s0 =	sld [smem:$0x3FAC]  }
0x30: {  	s3 =	sld [smem:$0x3FAF]  }
0x31: {  	[smem:$0x3FB8] =	sst s10  }
0x32: {  	s10 =	sld [smem:$0x3FB6];
	_ =	sdelay $0x3  }
0x33: {  	p0 =	seq.s32 s10, $0x1;
	s10 =	sld [smem:$0x3FB8];
	_ =	sdelay $0x3  }
0x34: {  	[smem:$0x3FB8] =	sst s10  }
0x35: {  	s10 =	sld [smem:$0x3FB7];
	_ =	sdelay $0x3  }
0x36: {  	p1 =	seq.s32 s10, $0x1;
	s10 =	sld [smem:$0x3FB8];
	_ =	sdelay $0x3  }
0x37: {  	[smem:$0x3FB8] =	sst s10  }
0x38: {  	s10 =	sld [smem:$0x3FB9]  }
0x39: {  	_ = 	snop;
	(pc) =	sbr.ind lr, $3  }
0x3a: {  	_ = 	snop  }
0x3b: {  	_ = 	snop  }
0x3c: {  	p2 =	seq.s32 s10, $0x1;
	s10 =	sld [smem:$0x3FB8]  }
0x3d: {  	_ =	shalt  }
0x3e: {  	_ =	shalt  }
0x3f: {  	_ =	shalt  }
0x40: {  	_ =	shalt  }
0x41: {  	_ =	shalt  }
0x42: {  	_ =	shalt  }
0x43: {  	_ =	shalt  }
0x44: {  	_ =	shalt  }
0x45: {  	_ =	shalt  }
0x46: {  	_ =	shalt  }
0x47: {  	_ =	shalt  }
0x48: {  	_ =	shalt  }
0x49: {  	_ =	shalt  }
0x4a: {  	_ =	shalt  }
0x4b: {  	_ =	shalt  }
0x4c: {  	_ =	shalt  }
0x4d: {  	_ =	shalt  }
0x4e: {  	_ =	shalt  }
0x4f: {  	_ =	shalt  }
0x50: {  	_ =	shalt  }
0x51: {  	_ =	shalt  }
0x52: {  	_ =	shalt  }
0x53: {  	_ =	shalt  }
0x54: {  	_ =	shalt  }
0x55: {  	_ =	shalt  }
0x56: {  	_ =	shalt  }
0x57: {  	_ =	shalt  }
0x58: {  	_ =	shalt  }
0x59: {  	_ =	shalt  }
0x5a: {  	_ =	shalt  }
0x5b: {  	_ =	shalt  }
0x5c: {  	_ =	shalt  }
0x5d: {  	_ =	shalt  }
0x5e: {  	_ =	shalt  }
0x5f: {  	_ =	shalt  }
0x60: {  	_ =	shalt  }
0x61: {  	_ =	shalt  }
0x62: {  	_ =	shalt  }
0x63: {  	_ =	shalt  }
0x64: {  	_ =	shalt  }
0x65: {  	_ =	shalt  }
0x66: {  	_ =	shalt  }
0x67: {  	_ =	shalt  }
0x68: {  	_ =	shalt  }
0x69: {  	_ =	shalt  }
0x6a: {  	_ =	shalt  }
0x6b: {  	_ =	shalt  }
0x6c: {  	_ =	shalt  }
0x6d: {  	_ =	shalt  }
0x6e: {  	_ =	shalt  }
0x6f: {  	_ =	shalt  }
0x70: {  	_ =	shalt  }
0x71: {  	_ =	shalt  }
0x72: {  	_ =	shalt  }
0x73: {  	_ =	shalt  }
0x74: {  	_ =	shalt  }
0x75: {  	_ =	shalt  }
0x76: {  	_ =	shalt  }
0x77: {  	_ =	shalt  }
0x78: {  	_ =	shalt  }
0x79: {  	_ =	shalt  }
0x7a: {  	_ =	shalt  }
0x7b: {  	_ =	shalt  }
0x7c: {  	_ =	shalt  }
0x7d: {  	_ =	shalt  }
0x7e: {  	_ =	shalt  }
0x7f: {  	_ =	shalt  }
0x80: {  	_ =	shalt  }
0x81: {  	_ =	shalt  }
0x82: {  	_ =	shalt  }
0x83: {  	_ =	shalt  }
0x84: {  	_ =	shalt  }
0x85: {  	_ =	shalt  }
0x86: {  	_ =	shalt  }
0x87: {  	_ =	shalt  }
.Lfunc_end0:
.L_simem_size_0:
called_computation_lowered:
.L_overlay_start_0:
0x88: {  	s2 =	sld [smem:$0x3FD9]  }
0x89: {  	s3 =	sld [smem:$0x3FFE];
	_ =	sdelay $0x1  }
0x8a: {  	s1 =	srdreg.scid  }
0x8b: {  	s0 =	sand.u32 $0x1, s1  }
0x8c: {  	s17 =	sshll.u32 s0, $0xA;
	s2 =	sadd.s32 s3, s2  }
0x8d: {  	s2 =	sadd.s32 s2, s17  }
0x8e: {  	[smem:$0x3FC4] =	sst s2  }
0x8f: {  	_ = 	snop  }
0x90: {  	(tm) =	ssettm $0x1  }
0x91: {  	s18 =	sld [smem:$0x3FFB];
	_ =	sdelay $0x3  }
0x92: {  	_ =	strace s18  }
0x93: {  	s2 =	sld [smem:$0x3FFC];
	_ =	sdelay $0x3  }
0x94: {  	_ =	strace s2  }
0x95: {  	s2 =	sld [smem:$0x3FFD];
	_ =	sdelay $0x3  }
0x96: {  	_ =	strace s2  }
0x97: {  	_ =	strace $0x8FFFFFFF  }
0x98: {  	s19 =	sld [smem:$0x3FDB];
	_ =	sdelay $0x1  }
0x99: {  	s20 =	simm.s32 $_scs_section_size  }
0x9a: {  	s4 =	simm.s32 $_size__tile_overlayer_lowered;
	s5 =	simm.s32 $_tile_overlayer_lowered  }
0x9b: {  	s6 =	simm.s32 $0x1BFF;
	s21 =	sshll.u32 s5, $0x1;
	s3 =	sadd.s32 s20, s19  }
0x9c: {  	s22 =	simm.s32 $0x0;
	s4 =	sshll.u32 s4, $0x1;
	s5 =	sadd.s32 s21, s3  }
0x9d: {  	[timem:s22], [sflag:s6] =	dma.local [hbm:s5], s4  }
0x9e: {  	_ =	swait.ge [sflag:s6], s4  }
0x9f: {  	s4 =	ssub.s32 $0x0, s4;
	[sflag:s6] =	ssyncset.done $0x0  }
0xa0: {  	[sflag:s6] =	ssyncadd.s32 s4;
	_ =	sdelay $0x1  }
0xa1: {  	s23 =	simm.s32 $0x1B8B  }
0xa2: {  	_ =	swait.ge [sflag:s23], $0x1  }
0xa3: {  	[sflag:s23] =	ssyncset.done $0x0  }
0xa4: {  	[sflag:s23] =	ssyncadd.s32 $0xFFFFFFFF  }
0xa5: {  	s4 =	sld [smem:$0x0]  }
0xa6: {  	s5 =	sand.u32 $0xFFFFFFFE, s1  }
0xa7: {  	p0 =	sne.s32 s1, s5  }
0xa8: {  	s5 =	sshll.u32 @p0 s5, $0xE  }
0xa9: {  	s5 =	sadd.s32 @p0 $0x11B8D, s5;
	s6 =	sshll.u32 @p0 s4, $0x11  }
0xaa: {  	s5 =	sor.u32 @p0 s6, s5  }
0xab: {  	[sflag:s5] =	ssyncadd.remote.s32 @p0 $0x1;
	_ =	sdelay $0x1  }
0xac: {  	s5 =	simm.s32 @p0 $0x1B8D  }
0xad: {  	_ =	swait.eq @p0 [sflag:s5], $0x1  }
0xae: {  	[sflag:s5] =	ssyncadd.s32 @p0 $0xFFFFFFFF  }
0xaf: {  	s6 =	sshll.u32 @!p0 s1, $0xE  }
0xb0: {  	s6 =	sor.u32 @!p0 $0x4000, s6;
	s5 =	simm.s32 @!p0 $0x1B8D  }
0xb1: {  	s4 =	sshll.u32 @!p0 s4, $0x11;
	s6 =	sadd.s32 @!p0 $0x11B8D, s6;
	_ =	swait.eq @!p0 [sflag:s5], $0x1  }
0xb2: {  	s4 =	sor.u32 @!p0 s4, s6;
	[sflag:s5] =	ssyncadd.s32 @!p0 $0xFFFFFFFF  }
0xb3: {  	s25 =	simm.s32 $0x1B8E;
	s24 =	sld [smem:$0x3FFE];
	[sflag:s4] =	ssyncadd.remote.s32 @!p0 $0x1  }
0xb4: {  	s26 =	simm.s32 $execute0_lowered;
	[smem:$0x3FD2] =	sst s25  }
0xb5: {  	s5 =	sshll.u32 s26, $0x1;
	_ =	strace $0x80000049;
	[dreg:$0x1] =	wrdreg $0xFFFFFFFF  }
0xb6: {  	s28 =	simm.s32 $_size_execute0_lowered;
	s3 =	sadd.s32 s3, s5;
	[dreg:$0x0] =	wrdreg $0x0  }
0xb7: {  	s5 =	sshll.u32 s28, $0x1;
	[dreg:$0x2] =	wrdreg s3  }
0xb8: {  	[dreg:$0x3] =	wrdreg s5  }
0xb9: {  	[dreg:$0x4] =	wrdreg $0xC0  }
0xba: {  	_ =	task [dreg:s22], $0x5FFFF  }
0xbb: {  	[dreg:$0x1] =	wrdreg $0xFFFFFFFF  }
0xbc: {  	[dreg:$0x0] =	wrdreg $0x60  }
0xbd: {  	[dreg:$0x2] =	wrdreg s24  }
0xbe: {  	[dreg:$0x3] =	wrdreg $0x9  }
0xbf: {  	_ =	task.clear_ibuf [dreg:s22], $0x4FFFF;
	_ =	strace $0x90000049  }
0xc0: {  	s29 =	simm.s32 $0x9;
	_ =	strace $0x8000004B  }
0xc1: {  	_ =	swait.ge [sflag:s29], $0x1  }
0xc2: {  	[sflag:s29] =	ssyncadd.s32 $0xFFFFFFFF  }
0xc3: {  	_ =	strace $0x9000004B  }
0xc4: {  	_ =	sfence  }
0xc5: {  	s30 =	sld [smem:$0x0];
	_ =	sdelay $0x2  }
0xc6: {  	s31 =	sshll.u32 s1, $0xD;
	s1 =	sshrl.u32 s1, $0x2  }
0xc7: {  	s4 =	sand.u32 $0x4000, s31;
	s1 =	sadd.s32 s1, s30  }
0xc8: {  	s0 =	sor.u32 s4, s0;
	s1 =	sshll.u32 s1, $0x11  }
0xc9: {  	s0 =	sor.u32 s1, s0  }
0xca: {  	s0 =	sadd.s32 $0x8F2B, s0  }
0xcb: {  	[sflag:s0] =	ssyncadd.remote.s32 $0x1  }
0xcc: {  	_ =	sfence.sel $0xFFFF  }
0xcd: {  	[dreg:$0x0] =	wrdreg $0xFFFFFFFF;
	(pc) =	sbr.abs _section_cstart, $3  }
0xce: {  	[dreg:$0x1] =	wrdreg $0xFFFFFFFF  }
0xcf: {  	_ =	task.clear_ibuf [dreg:s22], $0x2FFFF;
	_ =	strace $0x9FFFFFFF  }
0xd0: {  	(tm) =	ssettm $0x7FFFFFFF  }
0xd1: {  	_ =	shalt  }
tec
execute0_lowered:
.L_overlay_start_1:
0x0: {  	(tag) =	ssettag $0x1  }
0x1: {  	s2 =	simm.s32 $0x0  }
0x2: {  	v18 =	vlaneseq.u32;
	vm0 =	vmmov $0x1;
	s9 =	simm.s32 $0xA800;
	s10 =	simm.s32 $0xA980;
	[smem:$0x7FF] =	sst s2  }
0x3: {  	s1 =	srdreg.scid;
	s0 =	stileid.u32;
	v1 =	vor.u32 $0x80000010, v18;
	v2 =	vor.u32 $0x80000020, v18;
	v3 =	vor.u32 $0x80000030, v18  }
0x4: {  	s7 =	sand.u32 $0x1, s1;
	s31 =	sshll.u32 s0, $0x1;
	v4 =	vor.u32 $0x80000040, v18;
	v5 =	vor.u32 $0x80000050, v18;
	v6 =	vor.u32 $0x80000060, v18  }
0x5: {  	s3 =	rddreg [dreg:$0x0];
	s11 =	simm.s32 $0x0;
	v7 =	vor.u32 $0x80000070, v18;
	v8 =	vor.u32 $0x80000080, v18;
	v9 =	vor.u32 $0x80000090, v18;
	s4 =	sor.u32 s7, s31  }
0x6: {  	s1 =	rddreg [dreg:$0x1];
	v0 =	vor.u32 $0x80000000, v18;
	v10 =	vor.u32 $0x800000A0, v18;
	v11 =	vor.u32 $0x800000B0, v18;
	s7 =	ssub.s32 $0x2, s7;
	s5 =	smul.u32 $0xA80, s4  }
0x7: {  	v19 =	vimm.s32 $0x0;
	v12 =	vor.u32 $0x800000C0, v18;
	v13 =	vor.u32 $0x800000D0, v18;
	_ =	strace $0x8000004A;
	s4 =	sshll.u32 s4, $0x4;
	s8 =	sshrl.u32 s7, $0x1  }
0x8: {  	v14 =	vor.u32 $0x800000E0, v18;
	v15 =	vor.u32 $0x800000F0, v18;
	v16 =	vor.u32 $0x80000100, v18;
	s6 =	sadd.s32 s4, s3;
	s7 =	ssub.s32 s7, s8;
	s5 =	sadd.s32 s5, s3  }
0x9: {  	v17 =	vor.u32 $0x80000110, v18;
	v18 =	vor.u32 $0x80000120, v18;
	v19 =	vsel vm0, $0xFFFFFFFF, v19;
	s8 =	simm.s32 $0x1;
	s7 =	smax.u32 s7, $0x1;
	s3 =	sadd.s32 $0x1000, s5  }
0xa: {  	[tilespmem:$0x1FFF0] =	vst v19;
	v19 =	vimm.f32 $1.000000000e+00;
	s4 =	sadd.s32 $0x16000, s5;
	s5 =	sadd.s32 $0x2B000, s6;
	s6 =	simm.s32 $0x5400  }
.LBB2_1:
0xb: {  	[tilespmem:s2], [sflag:$0x1] =	stream.linear.gather [hbm4b:s3+s2], $0x5400, $0x38;
	[tilespmem:$0xAA00] =	vst v63  }
0xc: {  	_ =	swait.ge [sflag:s8], $0x5400  }
0xd: {  	[sflag:s8] =	ssyncset.done $0x0  }
0xe: {  	[sflag:s8] =	ssyncadd.s32 $0xFFFFAC00  }
0xf: {  	[tilespmem:s6], [sflag:$0x1] =	stream.linear.gather [hbm4b:s4+s2], $0x5400, $0x38;
	[tilespmem:$0xAA00] =	vst v63  }
0x10: {  	_ =	swait.ge [sflag:s8], $0x5400  }
0x11: {  	[sflag:s8] =	ssyncset.done $0x0  }
0x12: {  	v20 =	vimm.f32 $0.0e+00;
	[sflag:s8] =	ssyncadd.s32 $0xFFFFAC00  }
0x13: {  	[tilespmem:$0xA800] =	vst v20  }
0x14: {  	[tilespmem:$0xA810] =	vst v20  }
0x15: {  	[tilespmem:$0xA820] =	vst v20  }
0x16: {  	[tilespmem:$0xA830] =	vst v20  }
0x17: {  	[tilespmem:$0xA840] =	vst v20  }
0x18: {  	[tilespmem:$0xA850] =	vst v20  }
0x19: {  	[tilespmem:$0xA860] =	vst v20  }
0x1a: {  	[tilespmem:$0xA870] =	vst v20  }
0x1b: {  	[tilespmem:$0xA880] =	vst v20  }
0x1c: {  	[tilespmem:$0xA890] =	vst v20  }
0x1d: {  	[tilespmem:$0xA8A0] =	vst v20  }
0x1e: {  	[tilespmem:$0xA8B0] =	vst v20  }
0x1f: {  	[tilespmem:$0xA8C0] =	vst v20  }
0x20: {  	[tilespmem:$0xA8D0] =	vst v20  }
0x21: {  	s12 =	simm.s32 $0x0;
	[tilespmem:$0xA8E0] =	vst v20  }
0x22: {  	s12 =	smul.u32 $0x3000, s12;
	[tilespmem:$0xA8F0] =	vst v20  }
0x23: {  	[tilespmem:$0xA900] =	vst v20  }
0x24: {  	s13 =	sand.u32 $0x380, s2;
	s12 =	sshra.s32 s12, $0x2;
	[tilespmem:$0xA910] =	vst v20  }
0x25: {  	s12 =	sor.u32 s13, s12;
	[tilespmem:$0xA920] =	vst v20;
	v21 =	vld [tilespmem:$0xA800]  }
0x26: {  	v22 =	vld [tilespmem:s12+$0x0]  }
0x27: {  	v23 =	vld [tilespmem:$0xA810]  }
0x28: {  	v24 =	vld [tilespmem:s12+$0x10]  }
0x29: {  	v25 =	vld [tilespmem:$0xA820]  }
0x2a: {  	vm1 =	vgt.f32 v21, $5.000000000e-01;
	v21 =	vld [tilespmem:s12+$0x20]  }
0x2b: {  	v26 =	vld [tilespmem:$0xA830];
	v22 =	vsel vm1, $0x7F800000, v22  }
0x2c: {  	vm2 =	vgt.f32 v23, $5.000000000e-01;
	v23 =	vld [tilespmem:s12+$0x30];
	vm1 =	vlt.f32 v22, $+Inf  }
0x2d: {  	v27 =	vld [tilespmem:$0xA840];
	v24 =	vsel vm2, $0x7F800000, v24;
	v22 =	vnsel vm1, $0x7F800000, v22  }
0x2e: {  	vm2 =	vgt.f32 v25, $5.000000000e-01;
	v25 =	vld [tilespmem:s12+$0x40];
	vm1 =	vlt.f32 v24, v22  }
0x2f: {  	v22 =	vsel vm1, v24, v22;
	v21 =	vsel vm2, $0x7F800000, v21;
	v24 =	vld [tilespmem:$0xA850]  }
0x30: {  	vm3 =	vgt.f32 v26, $5.000000000e-01;
	v26 =	vld [tilespmem:s12+$0x50];
	vm2 =	vlt.f32 v21, v22  }
0x31: {  	v21 =	vsel vm2, v21, v22;
	v22 =	vsel vm3, $0x7F800000, v23;
	v23 =	vld [tilespmem:$0xA860]  }
0x32: {  	vm4 =	vgt.f32 v27, $5.000000000e-01;
	v27 =	vld [tilespmem:s12+$0x60];
	vm3 =	vlt.f32 v22, v21  }
0x33: {  	v21 =	vsel vm3, v22, v21;
	v22 =	vsel vm4, $0x7F800000, v25;
	v25 =	vld [tilespmem:$0xA870]  }
0x34: {  	vm4 =	vlt.f32 v22, v21;
	vm5 =	vgt.f32 v24, $5.000000000e-01;
	v24 =	vld [tilespmem:s12+$0x70]  }
0x35: {  	v21 =	vsel vm4, v22, v21;
	v22 =	vsel vm5, $0x7F800000, v26;
	v26 =	vld [tilespmem:$0xA880]  }
0x36: {  	vm5 =	vlt.f32 v22, v21;
	vm6 =	vgt.f32 v23, $5.000000000e-01;
	v23 =	vld [tilespmem:s12+$0x400]  }
0x37: {  	v21 =	vsel vm5, v22, v21;
	v22 =	vsel vm6, $0x7F800000, v27;
	v27 =	vld [tilespmem:$0xA890]  }
0x38: {  	vm6 =	vlt.f32 v22, v21;
	vm7 =	vgt.f32 v25, $5.000000000e-01;
	v25 =	vld [tilespmem:s12+$0x410]  }
0x39: {  	v21 =	vsel vm6, v22, v21;
	v22 =	vsel vm7, $0x7F800000, v24;
	v24 =	vld [tilespmem:$0xA8A0]  }
0x3a: {  	vm7 =	vlt.f32 v22, v21;
	vm8 =	vgt.f32 v26, $5.000000000e-01;
	v26 =	vld [tilespmem:s12+$0x420]  }
0x3b: {  	v21 =	vsel vm7, v22, v21;
	v22 =	vsel vm8, $0x7F800000, v23;
	v23 =	vld [tilespmem:$0xA8B0]  }
0x3c: {  	vm8 =	vlt.f32 v22, v21;
	vm9 =	vgt.f32 v27, $5.000000000e-01;
	v27 =	vld [tilespmem:s12+$0x430]  }
0x3d: {  	v21 =	vsel vm8, v22, v21;
	v22 =	vsel vm9, $0x7F800000, v25;
	v25 =	vld [tilespmem:$0xA8C0]  }
0x3e: {  	vm9 =	vlt.f32 v22, v21;
	vm10 =	vgt.f32 v24, $5.000000000e-01;
	v24 =	vld [tilespmem:s12+$0x440]  }
0x3f: {  	v21 =	vsel vm9, v22, v21;
	v22 =	vsel vm10, $0x7F800000, v26;
	v26 =	vld [tilespmem:$0xA8D0]  }
0x40: {  	vm10 =	vlt.f32 v22, v21;
	vm11 =	vgt.f32 v23, $5.000000000e-01;
	v23 =	vld [tilespmem:s12+$0x450]  }
0x41: {  	v21 =	vsel vm10, v22, v21;
	v22 =	vsel vm11, $0x7F800000, v27;
	v27 =	vld [tilespmem:$0xA8E0]  }
0x42: {  	vm11 =	vlt.f32 v22, v21;
	vm12 =	vgt.f32 v25, $5.000000000e-01;
	v25 =	vld [tilespmem:s12+$0x460]  }
0x43: {  	v21 =	vsel vm11, v22, v21;
	v22 =	vsel vm12, $0x7F800000, v24;
	v24 =	vld [tilespmem:$0xA8F0]  }
0x44: {  	vm12 =	vlt.f32 v22, v21;
	vm13 =	vgt.f32 v26, $5.000000000e-01;
	v26 =	vld [tilespmem:s12+$0x470]  }
0x45: {  	v21 =	vsel vm12, v22, v21;
	v22 =	vsel vm13, $0x7F800000, v23;
	v23 =	vld [tilespmem:$0xA900]  }
0x46: {  	vm13 =	vlt.f32 v22, v21;
	vm14 =	vgt.f32 v27, $5.000000000e-01;
	v27 =	vld [tilespmem:s12+$0x800]  }
0x47: {  	v21 =	vsel vm13, v22, v21;
	v22 =	vsel vm14, $0x7F800000, v25;
	v25 =	vld [tilespmem:$0xA910]  }
0x48: {  	vm14 =	vlt.f32 v22, v21;
	vm15 =	vgt.f32 v24, $5.000000000e-01;
	v24 =	vld [tilespmem:s12+$0x810]  }
0x49: {  	v21 =	vsel vm14, v22, v21;
	v22 =	vsel vm15, $0x7F800000, v26;
	v26 =	vld [tilespmem:$0xA920]  }
0x4a: {  	v28 =	vsel vm1, v1, v0;
	vm15 =	vlt.f32 v22, v21;
	vm1 =	vgt.f32 v23, $5.000000000e-01;
	v23 =	vld [tilespmem:s12+$0x820]  }
0x4b: {  	v27 =	vsel vm1, $0x7F800000, v27;
	v21 =	vsel vm15, v22, v21;
	v22 =	vsel vm2, v2, v28  }
0x4c: {  	vm1 =	vlt.f32 v27, v21;
	v22 =	vsel vm3, v3, v22;
	vm2 =	vgt.f32 v25, $5.000000000e-01  }
0x4d: {  	v24 =	vsel vm2, $0x7F800000, v24;
	v21 =	vsel vm1, v27, v21;
	v22 =	vsel vm4, v4, v22  }
0x4e: {  	vm2 =	vlt.f32 v24, v21;
	v22 =	vsel vm5, v5, v22;
	vm3 =	vgt.f32 v26, $5.000000000e-01  }
0x4f: {  	v23 =	vsel vm3, $0x7F800000, v23;
	v22 =	vsel vm6, v6, v22;
	v21 =	vsel vm2, v24, v21  }
0x50: {  	v22 =	vsel vm7, v7, v22;
	vm3 =	vlt.f32 v23, v21  }
0x51: {  	v22 =	vsel vm8, v8, v22;
	v21 =	vsel vm3, v23, v21  }
0x52: {  	v22 =	vsel vm9, v9, v22;
	(xrf0) =	vmin.scan.msk.f32 $0xffff, v21  }
0x53: {  	v22 =	vsel vm10, v10, v22  }
0x54: {  	v22 =	vsel vm11, v11, v22  }
0x55: {  	v22 =	vsel vm12, v12, v22  }
0x56: {  	v22 =	vsel vm13, v13, v22  }
0x57: {  	v22 =	vsel vm14, v14, v22  }
0x58: {  	v22 =	vsel vm15, v15, v22;
	v23, _, _ =	vpop (xrf0)  }
0x59: {  	v22 =	vsel vm1, v16, v22;
	v23 =	vbroadcast v23, $0xF  }
0x5a: {  	v22 =	vsel vm2, v17, v22  }
0x5b: {  	vm1 =	veq.f32 v21, v23;
	v21 =	vsel vm3, v18, v22  }
0x5c: {  	v21 =	vnsel vm1, $0xC0000000, v21  }
0x5d: {  	(xrf0) =	vmin.scan.msk.u32 $0xffff, v21;
	_ =	sdelay $0x5  }
0x5e: {  	v21, _, _ =	vpop (xrf0)  }
0x5f: {  	(v2sf) =	vpush v21, $0xF;
	_ =	sdelay $0xe  }
0x60: {  	s30 =	spop (v2sf)  }
0x61: {  	s12 =	sxor.u32 $0x80000000, s30  }
0x62: {  	v22 =	vmov s12  }
0x63: {  	v21 =	vmov s2  }
0x64: {  	s31 =	simm.s32 $0x0;
	v23 =	vshrl.u32 v21, $0x3  }
0x65: {  	v23 =	vmul.u32 $0xC00, v23;
	s12 =	smul.u32 $0x3000, s31;
	v24 =	vshll.u32 v22, $0x3  }
0x66: {  	s13 =	simm.s32 $0x80;
	v21 =	vshll.u32 v21, $0x7;
	v24 =	vand.u32 $0xFFFFFC00, v24  }
0x67: {  	s14 =	sand.u32 $0x380, s13;
	v21 =	vand.u32 $0x380, v21;
	s12 =	sshra.s32 s12, $0x2;
	v23 =	vadd.s32 v23, v24;
	[tilespmem:v22+s9+$0x0] =	vst.idx.msk $0x1, v19  }
0x68: {  	s15 =	sor.u32 s14, s12;
	v21 =	vor.u32 v21, v23;
	v23 =	vld [tilespmem:$0xA810]  }
0x69: {  	v25 =	vld [tilespmem:s15+$0x10]  }
0x6a: {  	v24 =	vand.u32 $0x7F, v22;
	v29 =	vld [tilespmem:$0xA820]  }
0x6b: {  	v21 =	vor.u32 v24, v21  }
0x6c: {  	v22 =	vld [tilespmem:$0xA800]  }
0x6d: {  	v24 =	vld [tilespmem:s15+$0x0]  }
0x6e: {  	vm2 =	vgt.f32 v23, $5.000000000e-01  }
0x6f: {  	v28 =	vsel vm2, $0x7F800000, v25;
	vm2 =	vgt.f32 v29, $5.000000000e-01;
	v29 =	vld [tilespmem:$0x1FFF0]  }
0x70: {  	v21 =	vld.idx.msk [tilespmem:v21+s6+$0x0], $0xffff  }
0x71: {  	v26 =	vld [tilespmem:s15+$0x20];
	vm1 =	vgt.f32 v22, $5.000000000e-01  }
0x72: {  	v22 =	vld [tilespmem:$0xA830];
	v24 =	vsel vm1, $0x7F800000, v24  }
0x73: {  	v23 =	vld [tilespmem:s15+$0x30];
	vm1 =	vlt.f32 v24, $+Inf  }
0x74: {  	v25 =	vld [tilespmem:s15+$0x40];
	v27 =	vnsel vm1, $0x7F800000, v24;
	vm0 =	vnez.u8 v29  }
0x75: {  	s12 =	simm.s32 $0x1;
	s14 =	simm.s32 $0x2;
	v24 =	vld [tilespmem:$0xA840];
	vm1 =	vlt.f32 v28, v27;
	v21 =	vnsel vm0, $0x0, v21  }
.LBB2_2:
0x76: {  	_ = 	snop  }
0x77: {  	v27 =	vsel vm1, v28, v27;
	v28 =	vld [tilespmem:$0xA850];
	v26 =	vsel vm2, $0x7F800000, v26  }
0x78: {  	v20 =	vadd.f32 v21, v20;
	v21 =	vld [tilespmem:s15+$0x50];
	vm3 =	vgt.f32 v22, $5.000000000e-01;
	vm2 =	vlt.f32 v26, v27  }
0x79: {  	v23 =	vsel vm3, $0x7F800000, v23;
	v22 =	vsel vm2, v26, v27;
	v26 =	vld [tilespmem:$0xA860]  }
0x7a: {  	vm4 =	vgt.f32 v24, $5.000000000e-01;
	v24 =	vld [tilespmem:s15+$0x60];
	vm3 =	vlt.f32 v23, v22  }
0x7b: {  	v22 =	vsel vm3, v23, v22;
	v23 =	vsel vm4, $0x7F800000, v25;
	v25 =	vld [tilespmem:$0xA870]  }
0x7c: {  	vm5 =	vgt.f32 v28, $5.000000000e-01;
	v27 =	vld [tilespmem:s15+$0x70];
	vm4 =	vlt.f32 v23, v22  }
0x7d: {  	v21 =	vsel vm5, $0x7F800000, v21;
	v22 =	vsel vm4, v23, v22;
	v23 =	vld [tilespmem:$0xA880]  }
0x7e: {  	vm5 =	vlt.f32 v21, v22;
	vm6 =	vgt.f32 v26, $5.000000000e-01;
	v26 =	vld [tilespmem:s15+$0x400]  }
0x7f: {  	v21 =	vsel vm5, v21, v22;
	v22 =	vsel vm6, $0x7F800000, v24;
	v24 =	vld [tilespmem:$0xA890]  }
0x80: {  	vm6 =	vlt.f32 v22, v21;
	vm7 =	vgt.f32 v25, $5.000000000e-01;
	v25 =	vld [tilespmem:s15+$0x410]  }
0x81: {  	v21 =	vsel vm6, v22, v21;
	v22 =	vsel vm7, $0x7F800000, v27;
	v27 =	vld [tilespmem:$0xA8A0]  }
0x82: {  	vm7 =	vlt.f32 v22, v21;
	vm8 =	vgt.f32 v23, $5.000000000e-01;
	v23 =	vld [tilespmem:s15+$0x420]  }
0x83: {  	v21 =	vsel vm7, v22, v21;
	v22 =	vsel vm8, $0x7F800000, v26;
	v26 =	vld [tilespmem:$0xA8B0]  }
0x84: {  	vm8 =	vlt.f32 v22, v21;
	vm9 =	vgt.f32 v24, $5.000000000e-01;
	v24 =	vld [tilespmem:s15+$0x430]  }
0x85: {  	v21 =	vsel vm8, v22, v21;
	v22 =	vsel vm9, $0x7F800000, v25;
	v25 =	vld [tilespmem:$0xA8C0]  }
0x86: {  	vm9 =	vlt.f32 v22, v21;
	vm10 =	vgt.f32 v27, $5.000000000e-01;
	v27 =	vld [tilespmem:s15+$0x440]  }
0x87: {  	v21 =	vsel vm9, v22, v21;
	v22 =	vsel vm10, $0x7F800000, v23;
	v23 =	vld [tilespmem:$0xA8D0]  }
0x88: {  	vm10 =	vlt.f32 v22, v21;
	vm11 =	vgt.f32 v26, $5.000000000e-01;
	v26 =	vld [tilespmem:s15+$0x450]  }
0x89: {  	v21 =	vsel vm10, v22, v21;
	v22 =	vsel vm11, $0x7F800000, v24;
	v24 =	vld [tilespmem:$0xA8E0]  }
0x8a: {  	vm11 =	vlt.f32 v22, v21;
	vm12 =	vgt.f32 v25, $5.000000000e-01;
	v25 =	vld [tilespmem:s15+$0x460]  }
0x8b: {  	v21 =	vsel vm11, v22, v21;
	v22 =	vsel vm12, $0x7F800000, v27;
	v27 =	vld [tilespmem:$0xA8F0]  }
0x8c: {  	vm12 =	vlt.f32 v22, v21;
	vm13 =	vgt.f32 v23, $5.000000000e-01;
	v23 =	vld [tilespmem:s15+$0x470]  }
0x8d: {  	v21 =	vsel vm12, v22, v21;
	v22 =	vsel vm13, $0x7F800000, v26;
	v26 =	vld [tilespmem:$0xA900]  }
0x8e: {  	vm13 =	vlt.f32 v22, v21;
	vm14 =	vgt.f32 v24, $5.000000000e-01;
	v24 =	vld [tilespmem:s15+$0x800]  }
0x8f: {  	v21 =	vsel vm13, v22, v21;
	v22 =	vsel vm14, $0x7F800000, v25;
	v25 =	vld [tilespmem:$0xA910]  }
0x90: {  	vm14 =	vlt.f32 v22, v21;
	vm15 =	vgt.f32 v27, $5.000000000e-01;
	v27 =	vld [tilespmem:s15+$0x810]  }
0x91: {  	v21 =	vsel vm14, v22, v21;
	v22 =	vsel vm15, $0x7F800000, v23;
	v23 =	vld [tilespmem:$0xA920]  }
0x92: {  	v28 =	vsel vm1, v1, v0;
	vm15 =	vlt.f32 v22, v21;
	vm0 =	vgt.f32 v26, $5.000000000e-01;
	v26 =	vld [tilespmem:s15+$0x820]  }
0x93: {  	v21 =	vsel vm15, v22, v21;
	v22 =	vsel vm0, $0x7F800000, v24;
	v24 =	vsel vm2, v2, v28  }
0x94: {  	vm1 =	vlt.f32 v22, v21;
	vm0 =	vgt.f32 v25, $5.000000000e-01;
	v24 =	vsel vm3, v3, v24  }
0x95: {  	v21 =	vsel vm1, v22, v21;
	v22 =	vsel vm0, $0x7F800000, v27;
	v24 =	vsel vm4, v4, v24  }
0x96: {  	vm2 =	vlt.f32 v22, v21;
	vm0 =	vgt.f32 v23, $5.000000000e-01;
	v23 =	vsel vm5, v5, v24  }
0x97: {  	v21 =	vsel vm2, v22, v21;
	v22 =	vsel vm0, $0x7F800000, v26;
	v23 =	vsel vm6, v6, v23  }
0x98: {  	vm0 =	vlt.f32 v22, v21;
	v23 =	vsel vm7, v7, v23  }
0x99: {  	v21 =	vsel vm0, v22, v21;
	v22 =	vsel vm8, v8, v23  }
0x9a: {  	v22 =	vsel vm9, v9, v22;
	(xrf0) =	vmin.scan.msk.f32 $0xffff, v21  }
0x9b: {  	v22 =	vsel vm10, v10, v22  }
0x9c: {  	v22 =	vsel vm11, v11, v22  }
0x9d: {  	v22 =	vsel vm12, v12, v22  }
0x9e: {  	v22 =	vsel vm13, v13, v22  }
0x9f: {  	v22 =	vsel vm14, v14, v22  }
0xa0: {  	v22 =	vsel vm15, v15, v22;
	v23, _, _ =	vpop (xrf0)  }
0xa1: {  	v23 =	vbroadcast v23, $0xF;
	v22 =	vsel vm1, v16, v22  }
0xa2: {  	v22 =	vsel vm2, v17, v22  }
0xa3: {  	vm1 =	veq.f32 v21, v23;
	v21 =	vsel vm0, v18, v22  }
0xa4: {  	v21 =	vnsel vm1, $0xC0000000, v21  }
0xa5: {  	(xrf0) =	vmin.scan.msk.u32 $0xffff, v21;
	_ =	sdelay $0x5  }
0xa6: {  	v21, _, _ =	vpop (xrf0)  }
0xa7: {  	(v2sf) =	vpush v21, $0xF;
	_ =	sdelay $0xe  }
0xa8: {  	s29 =	spop (v2sf)  }
0xa9: {  	s15 =	sxor.u32 $0x80000000, s29  }
0xaa: {  	v22 =	vmov s15  }
0xab: {  	v21 =	vmov s12  }
0xac: {  	s16 =	smov.u32 s14;
	v23 =	vshrl.u32 v21, $0x3  }
0xad: {  	s12 =	smov.u32 s16;
	v23 =	vmul.u32 $0xC00, v23;
	v24 =	vshll.u32 v22, $0x3  }
0xae: {  	v21 =	vshll.u32 v21, $0x7;
	s30 =	sshrl.u32 s12, $0x3;
	v24 =	vand.u32 $0xFFFFFC00, v24  }
0xaf: {  	v21 =	vand.u32 $0x380, v21;
	s15 =	smul.u32 $0x3000, s30;
	v23 =	vadd.s32 v23, v24;
	[tilespmem:v22+s9+$0x0] =	vst.idx.msk $0x1, v19  }
0xb0: {  	s13 =	sadd.s32 $0x80, s13;
	v24 =	vand.u32 $0x7F, v22;
	v21 =	vor.u32 v21, v23;
	v29 =	vld [tilespmem:$0xA820]  }
0xb1: {  	s31 =	sand.u32 $0x380, s13;
	s15 =	sshra.s32 s15, $0x2;
	v21 =	vor.u32 v24, v21;
	v22 =	vld [tilespmem:$0xA800]  }
0xb2: {  	s15 =	sor.u32 s31, s15;
	v23 =	vld [tilespmem:$0xA810]  }
0xb3: {  	v24 =	vld [tilespmem:s15+$0x0]  }
0xb4: {  	v25 =	vld [tilespmem:s15+$0x10]  }
0xb5: {  	vm2 =	vgt.f32 v29, $5.000000000e-01;
	v29 =	vld [tilespmem:$0x1FFF0]  }
0xb6: {  	p0 =	sne.s32 s14, $0x31;
	v21 =	vld.idx.msk [tilespmem:v21+s6+$0x0], $0xffff  }
.Ltmp0:
0xb7: {  	v26 =	vld [tilespmem:s15+$0x20];
	vm0 =	vgt.f32 v22, $5.000000000e-01;
	(pc) =	sbr.rel @p0 .LBB2_2-.Ltmp0, $4  }
0xb8: {  	v22 =	vld [tilespmem:$0xA830];
	v24 =	vsel vm0, $0x7F800000, v24  }
0xb9: {  	vm1 =	vgt.f32 v23, $5.000000000e-01;
	v23 =	vld [tilespmem:s15+$0x30];
	vm0 =	vlt.f32 v24, $+Inf  }
0xba: {  	v28 =	vsel vm1, $0x7F800000, v25;
	v25 =	vld [tilespmem:s15+$0x40];
	v27 =	vnsel vm0, $0x7F800000, v24;
	vm0 =	vnez.u8 v29  }
0xbb: {  	s14 =	sadd.s32 $0x1, s14;
	v24 =	vld [tilespmem:$0xA840];
	vm1 =	vlt.f32 v28, v27;
	v21 =	vnsel vm0, $0x0, v21  }
0xbc: {  	_ = 	snop  }
0xbd: {  	v27 =	vsel vm1, v28, v27;
	v26 =	vsel vm2, $0x7F800000, v26;
	v50 =	vld [tilespmem:$0xA850]  }
0xbe: {  	v51 =	vld [tilespmem:s15+$0x50];
	vm2 =	vlt.f32 v26, v27;
	vm0 =	vgt.f32 v22, $5.000000000e-01  }
0xbf: {  	v52 =	vld [tilespmem:$0xA860];
	v26 =	vsel vm2, v26, v27;
	v23 =	vsel vm0, $0x7F800000, v23  }
0xc0: {  	v53 =	vld [tilespmem:s15+$0x60];
	vm3 =	vlt.f32 v23, v26;
	vm4 =	vgt.f32 v24, $5.000000000e-01  }
0xc1: {  	v54 =	vld [tilespmem:$0xA870];
	v23 =	vsel vm3, v23, v26;
	v25 =	vsel vm4, $0x7F800000, v25  }
0xc2: {  	v55 =	vld [tilespmem:s15+$0x70];
	vm5 =	vgt.f32 v50, $5.000000000e-01;
	vm4 =	vlt.f32 v25, v23  }
0xc3: {  	v56 =	vld [tilespmem:$0xA880];
	v22 =	vsel vm5, $0x7F800000, v51;
	v23 =	vsel vm4, v25, v23  }
0xc4: {  	v57 =	vld [tilespmem:s15+$0x400];
	vm6 =	vgt.f32 v52, $5.000000000e-01;
	vm5 =	vlt.f32 v22, v23  }
0xc5: {  	v59 =	vld [tilespmem:$0xA890];
	v58 =	vsel vm6, $0x7F800000, v53;
	v22 =	vsel vm5, v22, v23  }
0xc6: {  	v60 =	vld [tilespmem:s15+$0x410];
	vm7 =	vgt.f32 v54, $5.000000000e-01;
	vm6 =	vlt.f32 v58, v22  }
0xc7: {  	v62 =	vld [tilespmem:$0xA8A0];
	v61 =	vsel vm7, $0x7F800000, v55;
	v22 =	vsel vm6, v58, v22  }
0xc8: {  	v63 =	vld [tilespmem:s15+$0x420];
	vm8 =	vgt.f32 v56, $5.000000000e-01;
	vm7 =	vlt.f32 v61, v22  }
0xc9: {  	v32 =	vld [tilespmem:$0xA8B0];
	v31 =	vsel vm8, $0x7F800000, v57;
	v22 =	vsel vm7, v61, v22  }
0xca: {  	v33 =	vld [tilespmem:s15+$0x430];
	vm9 =	vgt.f32 v59, $5.000000000e-01;
	vm8 =	vlt.f32 v31, v22  }
0xcb: {  	v35 =	vld [tilespmem:$0xA8C0];
	v34 =	vsel vm9, $0x7F800000, v60;
	v22 =	vsel vm8, v31, v22  }
0xcc: {  	v36 =	vld [tilespmem:s15+$0x440];
	vm10 =	vgt.f32 v62, $5.000000000e-01;
	vm9 =	vlt.f32 v34, v22  }
0xcd: {  	v38 =	vld [tilespmem:$0xA8D0];
	v37 =	vsel vm10, $0x7F800000, v63;
	v22 =	vsel vm9, v34, v22  }
0xce: {  	v39 =	vld [tilespmem:s15+$0x450];
	vm11 =	vgt.f32 v32, $5.000000000e-01;
	vm10 =	vlt.f32 v37, v22  }
0xcf: {  	v41 =	vld [tilespmem:$0xA8E0];
	v40 =	vsel vm11, $0x7F800000, v33;
	v22 =	vsel vm10, v37, v22  }
0xd0: {  	v42 =	vld [tilespmem:s15+$0x460];
	vm12 =	vgt.f32 v35, $5.000000000e-01;
	vm11 =	vlt.f32 v40, v22  }
0xd1: {  	v44 =	vld [tilespmem:$0xA8F0];
	v43 =	vsel vm12, $0x7F800000, v36;
	v22 =	vsel vm11, v40, v22  }
0xd2: {  	v45 =	vld [tilespmem:s15+$0x470];
	vm13 =	vgt.f32 v38, $5.000000000e-01;
	vm12 =	vlt.f32 v43, v22  }
0xd3: {  	v47 =	vld [tilespmem:$0xA900];
	v46 =	vsel vm13, $0x7F800000, v39;
	v22 =	vsel vm12, v43, v22  }
0xd4: {  	v48 =	vld [tilespmem:s15+$0x800];
	vm14 =	vgt.f32 v41, $5.000000000e-01;
	vm13 =	vlt.f32 v46, v22  }
0xd5: {  	v50 =	vld [tilespmem:$0xA910];
	v49 =	vsel vm14, $0x7F800000, v42;
	v22 =	vsel vm13, v46, v22  }
0xd6: {  	vm15 =	vgt.f32 v44, $5.000000000e-01;
	v51 =	vld [tilespmem:s15+$0x810];
	vm14 =	vlt.f32 v49, v22  }
0xd7: {  	v52 =	vsel vm15, $0x7F800000, v45;
	v53 =	vld [tilespmem:$0xA920];
	v22 =	vsel vm14, v49, v22  }
0xd8: {  	v29 =	vsel vm1, v1, v0;
	v54 =	vld [tilespmem:s15+$0x820];
	vm15 =	vgt.f32 v47, $5.000000000e-01;
	vm0 =	vlt.f32 v52, v22  }
0xd9: {  	v55 =	vsel vm2, v2, v29;
	v24 =	vsel vm15, $0x7F800000, v48;
	v22 =	vsel vm0, v52, v22  }
0xda: {  	v23 =	vsel vm3, v3, v55;
	vm15 =	vgt.f32 v50, $5.000000000e-01;
	vm1 =	vlt.f32 v24, v22  }
0xdb: {  	v23 =	vsel vm4, v4, v23;
	v26 =	vsel vm15, $0x7F800000, v51;
	v22 =	vsel vm1, v24, v22  }
0xdc: {  	v23 =	vsel vm5, v5, v23;
	vm15 =	vgt.f32 v53, $5.000000000e-01;
	vm2 =	vlt.f32 v26, v22  }
0xdd: {  	v56 =	vsel vm15, $0x7F800000, v54;
	v23 =	vsel vm6, v6, v23;
	v22 =	vsel vm2, v26, v22  }
0xde: {  	v23 =	vsel vm7, v7, v23;
	vm3 =	vlt.f32 v56, v22  }
0xdf: {  	v23 =	vsel vm8, v8, v23;
	v22 =	vsel vm3, v56, v22  }
0xe0: {  	v23 =	vsel vm9, v9, v23;
	(xrf0) =	vmin.scan.msk.f32 $0xffff, v22  }
0xe1: {  	v23 =	vsel vm10, v10, v23  }
0xe2: {  	v23 =	vsel vm11, v11, v23  }
0xe3: {  	v23 =	vsel vm12, v12, v23  }
0xe4: {  	v23 =	vsel vm13, v13, v23  }
0xe5: {  	v23 =	vsel vm14, v14, v23  }
0xe6: {  	v23 =	vsel vm0, v15, v23;
	v57, _, _ =	vpop (xrf0)  }
0xe7: {  	v23 =	vsel vm1, v16, v23;
	v24 =	vbroadcast v57, $0xF  }
0xe8: {  	v23 =	vsel vm2, v17, v23  }
0xe9: {  	v23 =	vsel vm3, v18, v23;
	vm14 =	veq.f32 v22, v24  }
0xea: {  	v22 =	vnsel vm14, $0xC0000000, v23  }
0xeb: {  	(xrf0) =	vmin.scan.msk.u32 $0xffff, v22;
	_ =	sdelay $0x5  }
0xec: {  	v22, _, _ =	vpop (xrf0)  }
0xed: {  	(v2sf) =	vpush v22, $0xF;
	_ =	sdelay $0xe  }
0xee: {  	s13 =	spop (v2sf)  }
0xef: {  	v58 =	vmov s12;
	s13 =	sxor.u32 $0x80000000, s13  }
0xf0: {  	v60 =	vshrl.u32 v58, $0x3;
	v59 =	vmov s13  }
0xf1: {  	v24 =	vmul.u32 $0xC00, v60;
	v61 =	vshll.u32 v59, $0x3  }
0xf2: {  	v22 =	vshll.u32 v58, $0x7;
	v25 =	vand.u32 $0xFFFFFC00, v61  }
0xf3: {  	v22 =	vand.u32 $0x380, v22;
	v24 =	vadd.s32 v24, v25  }
0xf4: {  	v62 =	vand.u32 $0x7F, v59;
	v22 =	vor.u32 v22, v24  }
0xf5: {  	v22 =	vor.u32 v62, v22;
	_ =	sdelay $0x3  }
0xf6: {  	v63 =	vld [tilespmem:$0x1FFF0];
	[tilespmem:v59+s9+$0x0] =	vst.idx.msk $0x1, v19  }
0xf7: {  	v22 =	vld.idx.msk [tilespmem:v22+s6+$0x0], $0xffff;
	_ =	sdelay $0x3  }
0xf8: {  	v20 =	vadd.f32 v21, v20;
	vm15 =	vnez.u8 v63  }
0xf9: {  	v21 =	vnsel vm15, $0x0, v22  }
0xfa: {  	s11 =	sadd.s32 $0x1, s11;
	v20 =	vadd.f32 v21, v20  }
0xfb: {  	p0 =	sne.s32 s11, s7  }
.Ltmp1:
0xfc: {  	[tilespmem:$0xA980] =	vst v20;
	(pc) =	sbr.rel @p0 .LBB2_1-.Ltmp1, $4  }
0xfd: {  	[hbm4b:s5+s2] =	stream.linear.scatter [tilespmem:s10], [sflag:$0x1], $0x80, $0x38;
	[tilespmem:$0xAA00] =	vst v63  }
0xfe: {  	_ =	swait.ge [sflag:s8], $0x80  }
0xff: {  	[sflag:s8] =	ssyncset.done $0x0  }
0x100: {  	[sflag:s8] =	ssyncadd.s32 $0xFFFFFF80  }
0x101: {  	_ =	sfence.sel $0x180000  }
0x102: {  	[bflag:$0x0] =	sbarrier.arrive $0xFFFF  }
0x103: {  	p0 =	sne.s32 s0, $0x0;
	_ =	strace $0x9000004A  }
0x104: {  	s0 =	sadd.s32 @!p0 $0x100000, s1;
	[bflag:$0x2] =	sbarrier.arrive $0xFFFF  }
0x105: {  	[sflag:s0] =	ssyncadd.tile.s32 @!p0 $0x1;
	_ =	shalt  }
.Lfunc_end2:
_tile_overlayer_lowered:
.L_overlay_start_2:
0x106: {  	(tag) =	ssettag $0x2  }
0x107: {  	s0 =	rddreg [dreg:$0x0];
	s2 =	stileid.u32  }
0x108: {  	s1 =	rddreg [dreg:$0x1];
	p0 =	sne.s32 s2, $0x0  }
0x109: {  	s3 =	rddreg [dreg:$0x2];
	[bflag:$0x3] =	sbarrier.arrive $0xFFFF;
	s2 =	simm.s32 @!p0 $0x1C01  }
0x10a: {  	[timem:s3], [sflag:s2] =	dma.local @!p0 [hbm:s0], s1  }
0x10b: {  	s0 =	simm.s32 @!p0 $0x1  }
0x10c: {  	_ =	swait.ge @!p0 [sflag:s0], s1  }
0x10d: {  	s1 =	ssub.s32 @!p0 $0x0, s1;
	[sflag:s0] =	ssyncset.done @!p0 $0x0  }
0x10e: {  	[sflag:s0] =	ssyncadd.s32 @!p0 s1  }
0x10f: {  	[bflag:$0x3] =	sbarrier.arrive $0xFFFF  }
0x110: {  	_ =	shalt  }

// kernel: kernel.9.cloned.1.call-start
scs
__scs_entry_jumppad:
0x0: {  	(pc) =	sbr.rel $0x88, $3  }
0x1: {  	(tag) =	ssettag $0x0;
	lr =	simm.s32 $0x1  }
0x2: {  	[smem:$0x3F9D] =	sst lr;
	_ =	strace $0xD0000000  }
0x3: {  	_ = 	snop  }
0x4: {  	_ = 	snop  }
0x5: {  	_ = 	snop  }
0x6: {  	_ = 	snop  }
0x7: {  	_ = 	snop  }
__scs_overlays_trampoline_lowered:
0x8: {  	[smem:$0x3FAC] =	sst s0  }
0x9: {  	[smem:$0x3FAD] =	sst s1  }
0xa: {  	[smem:$0x3FAE] =	sst s2  }
0xb: {  	[smem:$0x3FAF] =	sst s3  }
0xc: {  	[smem:$0x3FB0] =	sst s4  }
0xd: {  	[smem:$0x3FB1] =	sst s5  }
0xe: {  	[smem:$0x3FB2] =	sst s6  }
0xf: {  	[smem:$0x3FB3] =	sst s7  }
0x10: {  	[smem:$0x3FB4] =	sst s8  }
0x11: {  	[smem:$0x3FB5] =	sst s9;
	s0 =	simm.s32 @!p0 $0x0  }
0x12: {  	s1 =	sld [smem:$0x3F9B];
	s0 =	simm.s32 @p0 $0x1  }
0x13: {  	[smem:$0x3FB6] =	sst s0;
	s0 =	simm.s32 @!p1 $0x0  }
0x14: {  	s2 =	sld [smem:$0x3F9A];
	s0 =	simm.s32 @p1 $0x1  }
0x15: {  	[smem:$0x3FB7] =	sst s0;
	s0 =	simm.s32 @!p2 $0x0  }
0x16: {  	s3 =	sld [smem:$0x3FDB];
	s0 =	simm.s32 @p2 $0x1  }
0x17: {  	s4 =	simm.s32 $0x1BF5;
	[smem:$0x3FB9] =	sst s0  }
0x18: {  	s0 =	sld [smem:$0x3F9C];
	_ =	swait.ge [sflag:s4], $0x0  }
0x19: {  	s7 =	sld [smem:$0x3F9D]  }
0x1a: {  	s8 =	sadd.s32 $0xFFFFE003, lr  }
0x1b: {  	s9 =	sadd.s32 $0xFFFFFEF7, lr;
	s5 =	simm.s32 $0xFFFFFFFF;
	p2 =	slt.u32 s8, $0xFFFFF086  }
0x1c: {  	p1 =	slt.u32 s9, $0xF7A;
	s5 =	simm.s32 @!p2 $0x0  }
0x1d: {  	s5 =	simm.s32 @p1 $0x1;
	p0 =	seq.s32 s7, s2  }
0x1e: {  	s7 =	smul.u32 @!p0 $0xF7A, s2;
	p2 =	seq.s32 @!p0 s5, $0x0  }
0x1f: {  	s9 =	smul.u32 $0xF7A, s1;
	s8 =	simm.s32 @!p0 $0x1BF5;
	p2 =	por !p2, p0  }
0x20: {  	[sflag:s8] =	ssyncset.s32 @!p0 $0xFFFFF086;
	s6 =	sadd.s32 @!p0 s3, s7;
	s7 =	simm.s32 @!p0 $0x108  }
0x21: {  	s3 =	sadd.s32 s3, s9;
	s6 =	sadd.s32 @!p0 $0x88, s6;
	s7 =	simm.s32 @p2 $0x1082  }
0x22: {  	[simem:s7], [sflag:s8] =	dma.local @!p0 [hbm:s6], $0xF7A  }
0x23: {  	s9 =	sor.u32 $0xD0000000, s2;
	s6 =	simm.s32 $0x108;
	_ =	swait.ge @!p0 [sflag:s8], $0x0  }
0x24: {  	s3 =	sadd.s32 $0x88, s3;
	s6 =	simm.s32 @!p1 $0x1082;
	[sflag:s4] =	ssyncset.s32 $0xFFFFF086  }
0x25: {  	[simem:s6], [sflag:s4] =	dma.local [hbm:s3], $0xF7A  }
0x26: {  	[smem:$0x3F9D] =	sst s1;
	(tag) =	ssettag s2;
	_ =	strace s9  }
0x27: {  	s1 =	sld [smem:$0x3FAD]  }
0x28: {  	s2 =	sld [smem:$0x3FAE]  }
0x29: {  	s4 =	sld [smem:$0x3FB0]  }
0x2a: {  	p0 =	seq.s32 s5, $0x0;
	s5 =	sld [smem:$0x3FB1]  }
0x2b: {  	s6 =	sld [smem:$0x3FB2]  }
0x2c: {  	s7 =	sld [smem:$0x3FB3]  }
0x2d: {  	s3 =	simm.s32 $0x108;
	s8 =	sld [smem:$0x3FB4]  }
0x2e: {  	s3 =	simm.s32 @!p0 $0x1082;
	s9 =	sld [smem:$0x3FB5]  }
0x2f: {  	lr =	sadd.s32 s0, s3;
	s0 =	sld [smem:$0x3FAC]  }
0x30: {  	s3 =	sld [smem:$0x3FAF]  }
0x31: {  	[smem:$0x3FB8] =	sst s10  }
0x32: {  	s10 =	sld [smem:$0x3FB6];
	_ =	sdelay $0x3  }
0x33: {  	p0 =	seq.s32 s10, $0x1;
	s10 =	sld [smem:$0x3FB8];
	_ =	sdelay $0x3  }
0x34: {  	[smem:$0x3FB8] =	sst s10  }
0x35: {  	s10 =	sld [smem:$0x3FB7];
	_ =	sdelay $0x3  }
0x36: {  	p1 =	seq.s32 s10, $0x1;
	s10 =	sld [smem:$0x3FB8];
	_ =	sdelay $0x3  }
0x37: {  	[smem:$0x3FB8] =	sst s10  }
0x38: {  	s10 =	sld [smem:$0x3FB9]  }
0x39: {  	_ = 	snop;
	(pc) =	sbr.ind lr, $3  }
0x3a: {  	_ = 	snop  }
0x3b: {  	_ = 	snop  }
0x3c: {  	p2 =	seq.s32 s10, $0x1;
	s10 =	sld [smem:$0x3FB8]  }
0x3d: {  	_ =	shalt  }
0x3e: {  	_ =	shalt  }
0x3f: {  	_ =	shalt  }
0x40: {  	_ =	shalt  }
0x41: {  	_ =	shalt  }
0x42: {  	_ =	shalt  }
0x43: {  	_ =	shalt  }
0x44: {  	_ =	shalt  }
0x45: {  	_ =	shalt  }
0x46: {  	_ =	shalt  }
0x47: {  	_ =	shalt  }
0x48: {  	_ =	shalt  }
0x49: {  	_ =	shalt  }
0x4a: {  	_ =	shalt  }
0x4b: {  	_ =	shalt  }
0x4c: {  	_ =	shalt  }
0x4d: {  	_ =	shalt  }
0x4e: {  	_ =	shalt  }
0x4f: {  	_ =	shalt  }
0x50: {  	_ =	shalt  }
0x51: {  	_ =	shalt  }
0x52: {  	_ =	shalt  }
0x53: {  	_ =	shalt  }
0x54: {  	_ =	shalt  }
0x55: {  	_ =	shalt  }
0x56: {  	_ =	shalt  }
0x57: {  	_ =	shalt  }
0x58: {  	_ =	shalt  }
0x59: {  	_ =	shalt  }
0x5a: {  	_ =	shalt  }
0x5b: {  	_ =	shalt  }
0x5c: {  	_ =	shalt  }
0x5d: {  	_ =	shalt  }
0x5e: {  	_ =	shalt  }
0x5f: {  	_ =	shalt  }
0x60: {  	_ =	shalt  }
0x61: {  	_ =	shalt  }
0x62: {  	_ =	shalt  }
0x63: {  	_ =	shalt  }
0x64: {  	_ =	shalt  }
0x65: {  	_ =	shalt  }
0x66: {  	_ =	shalt  }
0x67: {  	_ =	shalt  }
0x68: {  	_ =	shalt  }
0x69: {  	_ =	shalt  }
0x6a: {  	_ =	shalt  }
0x6b: {  	_ =	shalt  }
0x6c: {  	_ =	shalt  }
0x6d: {  	_ =	shalt  }
0x6e: {  	_ =	shalt  }
0x6f: {  	_ =	shalt  }
0x70: {  	_ =	shalt  }
0x71: {  	_ =	shalt  }
0x72: {  	_ =	shalt  }
0x73: {  	_ =	shalt  }
0x74: {  	_ =	shalt  }
0x75: {  	_ =	shalt  }
0x76: {  	_ =	shalt  }
0x77: {  	_ =	shalt  }
0x78: {  	_ =	shalt  }
0x79: {  	_ =	shalt  }
0x7a: {  	_ =	shalt  }
0x7b: {  	_ =	shalt  }
0x7c: {  	_ =	shalt  }
0x7d: {  	_ =	shalt  }
0x7e: {  	_ =	shalt  }
0x7f: {  	_ =	shalt  }
0x80: {  	_ =	shalt  }
0x81: {  	_ =	shalt  }
0x82: {  	_ =	shalt  }
0x83: {  	_ =	shalt  }
0x84: {  	_ =	shalt  }
0x85: {  	_ =	shalt  }
0x86: {  	_ =	shalt  }
0x87: {  	_ =	shalt  }
.Lfunc_end0:
.L_simem_size_0:
called_computation.1_lowered:
.L_overlay_start_0:
0x88: {  	s2 =	sld [smem:$0x3FD9]  }
0x89: {  	s3 =	sld [smem:$0x3FFE];
	_ =	sdelay $0x1  }
0x8a: {  	s1 =	srdreg.scid  }
0x8b: {  	s0 =	sand.u32 $0x1, s1  }
0x8c: {  	s16 =	sshll.u32 s0, $0xA;
	s2 =	sadd.s32 s3, s2  }
0x8d: {  	s2 =	sadd.s32 s2, s16  }
0x8e: {  	[smem:$0x3FC4] =	sst s2  }
0x8f: {  	_ = 	snop  }
0x90: {  	(tm) =	ssettm $0x1  }
0x91: {  	s17 =	sld [smem:$0x3FFB];
	_ =	sdelay $0x3  }
0x92: {  	_ =	strace s17  }
0x93: {  	s2 =	sld [smem:$0x3FFC];
	_ =	sdelay $0x3  }
0x94: {  	_ =	strace s2  }
0x95: {  	s2 =	sld [smem:$0x3FFD];
	_ =	sdelay $0x3  }
0x96: {  	_ =	strace s2  }
0x97: {  	_ =	strace $0x8FFFFFFF  }
0x98: {  	s18 =	sld [smem:$0x3FDB];
	_ =	sdelay $0x1  }
0x99: {  	s19 =	simm.s32 $_scs_section_size  }
0x9a: {  	s4 =	simm.s32 $_size__tile_overlayer_lowered;
	s5 =	simm.s32 $_tile_overlayer_lowered  }
0x9b: {  	s22 =	simm.s32 $0x1BFF;
	s21 =	sshll.u32 s5, $0x1;
	s2 =	sadd.s32 s19, s18  }
0x9c: {  	s6 =	simm.s32 $0x0;
	s20 =	sshll.u32 s4, $0x1;
	s4 =	sadd.s32 s21, s2  }
0x9d: {  	[timem:s6], [sflag:s22] =	dma.local [hbm:s4], s20  }
0x9e: {  	_ =	swait.ge [sflag:s22], s20  }
0x9f: {  	s3 =	ssub.s32 $0x0, s20;
	[sflag:s22] =	ssyncset.done $0x0  }
0xa0: {  	[sflag:s22] =	ssyncadd.s32 s3;
	_ =	sdelay $0x1  }
0xa1: {  	s23 =	simm.s32 $0x1B8B  }
0xa2: {  	_ =	swait.ge [sflag:s23], $0x1  }
0xa3: {  	[sflag:s23] =	ssyncset.done $0x0  }
0xa4: {  	s25 =	simm.s32 $0x1B8E;
	s24 =	sld [smem:$0x3FFE];
	[sflag:s23] =	ssyncadd.s32 $0xFFFFFFFF  }
0xa5: {  	s26 =	simm.s32 $execute0_lowered;
	[smem:$0x3FD2] =	sst s25  }
0xa6: {  	s4 =	sshll.u32 s26, $0x1;
	_ =	strace $0x80000046;
	[dreg:$0x1] =	wrdreg $0xFFFFFFFF  }
0xa7: {  	s28 =	simm.s32 $_size_execute0_lowered;
	s2 =	sadd.s32 s2, s4;
	[dreg:$0x0] =	wrdreg $0x0  }
0xa8: {  	s4 =	sshll.u32 s28, $0x1;
	[dreg:$0x2] =	wrdreg s2  }
0xa9: {  	[dreg:$0x3] =	wrdreg s4  }
0xaa: {  	[dreg:$0x4] =	wrdreg $0xC0  }
0xab: {  	_ =	task [dreg:s6], $0x5FFFF  }
0xac: {  	[dreg:$0x1] =	wrdreg $0xFFFFFFFF  }
0xad: {  	[dreg:$0x0] =	wrdreg $0x60  }
0xae: {  	[dreg:$0x2] =	wrdreg s24  }
0xaf: {  	[dreg:$0x3] =	wrdreg $0xA  }
0xb0: {  	_ =	task.clear_ibuf [dreg:s6], $0x4FFFF;
	_ =	strace $0x90000046  }
0xb1: {  	s29 =	simm.s32 $0xA;
	_ =	strace $0x80000048  }
0xb2: {  	_ =	swait.ge [sflag:s29], $0x1  }
0xb3: {  	[sflag:s29] =	ssyncadd.s32 $0xFFFFFFFF  }
0xb4: {  	_ =	strace $0x90000048  }
0xb5: {  	_ =	sfence  }
0xb6: {  	s30 =	sld [smem:$0x0];
	_ =	sdelay $0x2  }
0xb7: {  	s31 =	sshll.u32 s1, $0xD;
	s1 =	sshrl.u32 s1, $0x2  }
0xb8: {  	s3 =	sand.u32 $0x4000, s31;
	s1 =	sadd.s32 s1, s30  }
0xb9: {  	s0 =	sor.u32 s3, s0;
	s1 =	sshll.u32 s1, $0x11  }
0xba: {  	s0 =	sor.u32 s1, s0  }
0xbb: {  	s0 =	sadd.s32 $0x8F2B, s0  }
0xbc: {  	[sflag:s0] =	ssyncadd.remote.s32 $0x1  }
0xbd: {  	_ =	sfence.sel $0xFFFF  }
0xbe: {  	[dreg:$0x0] =	wrdreg $0xFFFFFFFF;
	(pc) =	sbr.abs _section_cstart, $3  }
0xbf: {  	[dreg:$0x1] =	wrdreg $0xFFFFFFFF  }
0xc0: {  	_ =	task.clear_ibuf [dreg:s6], $0x2FFFF;
	_ =	strace $0x9FFFFFFF  }
0xc1: {  	(tm) =	ssettm $0x7FFFFFFF  }
tec
execute0_lowered:
.L_overlay_start_1:
0x0: {  	(tag) =	ssettag $0x1  }
0x1: {  	s2 =	simm.s32 $0x0  }
0x2: {  	v18 =	vlaneseq.u32;
	vm0 =	vmmov $0x1;
	s9 =	simm.s32 $0xA800;
	s10 =	simm.s32 $0xA980;
	[smem:$0x7FF] =	sst s2  }
0x3: {  	s1 =	srdreg.scid;
	s0 =	stileid.u32;
	v1 =	vor.u32 $0x80000010, v18;
	v2 =	vor.u32 $0x80000020, v18;
	v3 =	vor.u32 $0x80000030, v18  }
0x4: {  	s7 =	sand.u32 $0x1, s1;
	s31 =	sshll.u32 s0, $0x1;
	v4 =	vor.u32 $0x80000040, v18;
	v5 =	vor.u32 $0x80000050, v18;
	v6 =	vor.u32 $0x80000060, v18  }
0x5: {  	s3 =	rddreg [dreg:$0x0];
	s11 =	simm.s32 $0x0;
	v7 =	vor.u32 $0x80000070, v18;
	v8 =	vor.u32 $0x80000080, v18;
	v9 =	vor.u32 $0x80000090, v18;
	s4 =	sor.u32 s7, s31  }
0x6: {  	s1 =	rddreg [dreg:$0x1];
	v0 =	vor.u32 $0x80000000, v18;
	v10 =	vor.u32 $0x800000A0, v18;
	v11 =	vor.u32 $0x800000B0, v18;
	s7 =	ssub.s32 $0x2, s7;
	s5 =	smul.u32 $0xA80, s4  }
0x7: {  	v19 =	vimm.s32 $0x0;
	v12 =	vor.u32 $0x800000C0, v18;
	v13 =	vor.u32 $0x800000D0, v18;
	_ =	strace $0x80000047;
	s4 =	sshll.u32 s4, $0x4;
	s8 =	sshrl.u32 s7, $0x1  }
0x8: {  	v14 =	vor.u32 $0x800000E0, v18;
	v15 =	vor.u32 $0x800000F0, v18;
	v16 =	vor.u32 $0x80000100, v18;
	s6 =	sadd.s32 s4, s3;
	s7 =	ssub.s32 s7, s8;
	s5 =	sadd.s32 s5, s3  }
0x9: {  	v17 =	vor.u32 $0x80000110, v18;
	v18 =	vor.u32 $0x80000120, v18;
	v19 =	vsel vm0, $0xFFFFFFFF, v19;
	s8 =	simm.s32 $0x1;
	s7 =	smax.u32 s7, $0x1;
	s3 =	sadd.s32 $0x4D000, s5  }
0xa: {  	[tilespmem:$0x1FFF0] =	vst v19;
	v19 =	vimm.f32 $1.000000000e+00;
	s4 =	sadd.s32 $0x62000, s5;
	s5 =	sadd.s32 $0x77000, s6;
	s6 =	simm.s32 $0x5400  }
.LBB2_1:
0xb: {  	[tilespmem:s2], [sflag:$0x1] =	stream.linear.gather [hbm4b:s3+s2], $0x5400, $0x38;
	[tilespmem:$0xAA00] =	vst v63  }
0xc: {  	_ =	swait.ge [sflag:s8], $0x5400  }
0xd: {  	[sflag:s8] =	ssyncset.done $0x0  }
0xe: {  	[sflag:s8] =	ssyncadd.s32 $0xFFFFAC00  }
0xf: {  	[tilespmem:s6], [sflag:$0x1] =	stream.linear.gather [hbm4b:s4+s2], $0x5400, $0x38;
	[tilespmem:$0xAA00] =	vst v63  }
0x10: {  	_ =	swait.ge [sflag:s8], $0x5400  }
0x11: {  	[sflag:s8] =	ssyncset.done $0x0  }
0x12: {  	v20 =	vimm.f32 $0.0e+00;
	[sflag:s8] =	ssyncadd.s32 $0xFFFFAC00  }
0x13: {  	[tilespmem:$0xA800] =	vst v20  }
0x14: {  	[tilespmem:$0xA810] =	vst v20  }
0x15: {  	[tilespmem:$0xA820] =	vst v20  }
0x16: {  	[tilespmem:$0xA830] =	vst v20  }
0x17: {  	[tilespmem:$0xA840] =	vst v20  }
0x18: {  	[tilespmem:$0xA850] =	vst v20  }
0x19: {  	[tilespmem:$0xA860] =	vst v20  }
0x1a: {  	[tilespmem:$0xA870] =	vst v20  }
0x1b: {  	[tilespmem:$0xA880] =	vst v20  }
0x1c: {  	[tilespmem:$0xA890] =	vst v20  }
0x1d: {  	[tilespmem:$0xA8A0] =	vst v20  }
0x1e: {  	[tilespmem:$0xA8B0] =	vst v20  }
0x1f: {  	[tilespmem:$0xA8C0] =	vst v20  }
0x20: {  	[tilespmem:$0xA8D0] =	vst v20  }
0x21: {  	s12 =	simm.s32 $0x0;
	[tilespmem:$0xA8E0] =	vst v20  }
0x22: {  	s12 =	smul.u32 $0x3000, s12;
	[tilespmem:$0xA8F0] =	vst v20  }
0x23: {  	[tilespmem:$0xA900] =	vst v20  }
0x24: {  	s13 =	sand.u32 $0x380, s2;
	s12 =	sshra.s32 s12, $0x2;
	[tilespmem:$0xA910] =	vst v20  }
0x25: {  	s12 =	sor.u32 s13, s12;
	[tilespmem:$0xA920] =	vst v20;
	v21 =	vld [tilespmem:$0xA800]  }
0x26: {  	v22 =	vld [tilespmem:s12+$0x0]  }
0x27: {  	v23 =	vld [tilespmem:$0xA810]  }
0x28: {  	v24 =	vld [tilespmem:s12+$0x10]  }
0x29: {  	v25 =	vld [tilespmem:$0xA820]  }
0x2a: {  	vm1 =	vgt.f32 v21, $5.000000000e-01;
	v21 =	vld [tilespmem:s12+$0x20]  }
0x2b: {  	v26 =	vld [tilespmem:$0xA830];
	v22 =	vsel vm1, $0x7F800000, v22  }
0x2c: {  	vm2 =	vgt.f32 v23, $5.000000000e-01;
	v23 =	vld [tilespmem:s12+$0x30];
	vm1 =	vlt.f32 v22, $+Inf  }
0x2d: {  	v27 =	vld [tilespmem:$0xA840];
	v24 =	vsel vm2, $0x7F800000, v24;
	v22 =	vnsel vm1, $0x7F800000, v22  }
0x2e: {  	vm2 =	vgt.f32 v25, $5.000000000e-01;
	v25 =	vld [tilespmem:s12+$0x40];
	vm1 =	vlt.f32 v24, v22  }
0x2f: {  	v22 =	vsel vm1, v24, v22;
	v21 =	vsel vm2, $0x7F800000, v21;
	v24 =	vld [tilespmem:$0xA850]  }
0x30: {  	vm3 =	vgt.f32 v26, $5.000000000e-01;
	v26 =	vld [tilespmem:s12+$0x50];
	vm2 =	vlt.f32 v21, v22  }
0x31: {  	v21 =	vsel vm2, v21, v22;
	v22 =	vsel vm3, $0x7F800000, v23;
	v23 =	vld [tilespmem:$0xA860]  }
0x32: {  	vm4 =	vgt.f32 v27, $5.000000000e-01;
	v27 =	vld [tilespmem:s12+$0x60];
	vm3 =	vlt.f32 v22, v21  }
0x33: {  	v21 =	vsel vm3, v22, v21;
	v22 =	vsel vm4, $0x7F800000, v25;
	v25 =	vld [tilespmem:$0xA870]  }
0x34: {  	vm4 =	vlt.f32 v22, v21;
	vm5 =	vgt.f32 v24, $5.000000000e-01;
	v24 =	vld [tilespmem:s12+$0x70]  }
0x35: {  	v21 =	vsel vm4, v22, v21;
	v22 =	vsel vm5, $0x7F800000, v26;
	v26 =	vld [tilespmem:$0xA880]  }
0x36: {  	vm5 =	vlt.f32 v22, v21;
	vm6 =	vgt.f32 v23, $5.000000000e-01;
	v23 =	vld [tilespmem:s12+$0x400]  }
0x37: {  	v21 =	vsel vm5, v22, v21;
	v22 =	vsel vm6, $0x7F800000, v27;
	v27 =	vld [tilespmem:$0xA890]  }
0x38: {  	vm6 =	vlt.f32 v22, v21;
	vm7 =	vgt.f32 v25, $5.000000000e-01;
	v25 =	vld [tilespmem:s12+$0x410]  }
0x39: {  	v21 =	vsel vm6, v22, v21;
	v22 =	vsel vm7, $0x7F800000, v24;
	v24 =	vld [tilespmem:$0xA8A0]  }
0x3a: {  	vm7 =	vlt.f32 v22, v21;
	vm8 =	vgt.f32 v26, $5.000000000e-01;
	v26 =	vld [tilespmem:s12+$0x420]  }
0x3b: {  	v21 =	vsel vm7, v22, v21;
	v22 =	vsel vm8, $0x7F800000, v23;
	v23 =	vld [tilespmem:$0xA8B0]  }
0x3c: {  	vm8 =	vlt.f32 v22, v21;
	vm9 =	vgt.f32 v27, $5.000000000e-01;
	v27 =	vld [tilespmem:s12+$0x430]  }
0x3d: {  	v21 =	vsel vm8, v22, v21;
	v22 =	vsel vm9, $0x7F800000, v25;
	v25 =	vld [tilespmem:$0xA8C0]  }
0x3e: {  	vm9 =	vlt.f32 v22, v21;
	vm10 =	vgt.f32 v24, $5.000000000e-01;
	v24 =	vld [tilespmem:s12+$0x440]  }
0x3f: {  	v21 =	vsel vm9, v22, v21;
	v22 =	vsel vm10, $0x7F800000, v26;
	v26 =	vld [tilespmem:$0xA8D0]  }
0x40: {  	vm10 =	vlt.f32 v22, v21;
	vm11 =	vgt.f32 v23, $5.000000000e-01;
	v23 =	vld [tilespmem:s12+$0x450]  }
0x41: {  	v21 =	vsel vm10, v22, v21;
	v22 =	vsel vm11, $0x7F800000, v27;
	v27 =	vld [tilespmem:$0xA8E0]  }
0x42: {  	vm11 =	vlt.f32 v22, v21;
	vm12 =	vgt.f32 v25, $5.000000000e-01;
	v25 =	vld [tilespmem:s12+$0x460]  }
0x43: {  	v21 =	vsel vm11, v22, v21;
	v22 =	vsel vm12, $0x7F800000, v24;
	v24 =	vld [tilespmem:$0xA8F0]  }
0x44: {  	vm12 =	vlt.f32 v22, v21;
	vm13 =	vgt.f32 v26, $5.000000000e-01;
	v26 =	vld [tilespmem:s12+$0x470]  }
0x45: {  	v21 =	vsel vm12, v22, v21;
	v22 =	vsel vm13, $0x7F800000, v23;
	v23 =	vld [tilespmem:$0xA900]  }
0x46: {  	vm13 =	vlt.f32 v22, v21;
	vm14 =	vgt.f32 v27, $5.000000000e-01;
	v27 =	vld [tilespmem:s12+$0x800]  }
0x47: {  	v21 =	vsel vm13, v22, v21;
	v22 =	vsel vm14, $0x7F800000, v25;
	v25 =	vld [tilespmem:$0xA910]  }
0x48: {  	vm14 =	vlt.f32 v22, v21;
	vm15 =	vgt.f32 v24, $5.000000000e-01;
	v24 =	vld [tilespmem:s12+$0x810]  }
0x49: {  	v21 =	vsel vm14, v22, v21;
	v22 =	vsel vm15, $0x7F800000, v26;
	v26 =	vld [tilespmem:$0xA920]  }
0x4a: {  	v28 =	vsel vm1, v1, v0;
	vm15 =	vlt.f32 v22, v21;
	vm1 =	vgt.f32 v23, $5.000000000e-01;
	v23 =	vld [tilespmem:s12+$0x820]  }
0x4b: {  	v27 =	vsel vm1, $0x7F800000, v27;
	v21 =	vsel vm15, v22, v21;
	v22 =	vsel vm2, v2, v28  }
0x4c: {  	vm1 =	vlt.f32 v27, v21;
	v22 =	vsel vm3, v3, v22;
	vm2 =	vgt.f32 v25, $5.000000000e-01  }
0x4d: {  	v24 =	vsel vm2, $0x7F800000, v24;
	v21 =	vsel vm1, v27, v21;
	v22 =	vsel vm4, v4, v22  }
0x4e: {  	vm2 =	vlt.f32 v24, v21;
	v22 =	vsel vm5, v5, v22;
	vm3 =	vgt.f32 v26, $5.000000000e-01  }
0x4f: {  	v23 =	vsel vm3, $0x7F800000, v23;
	v22 =	vsel vm6, v6, v22;
	v21 =	vsel vm2, v24, v21  }
0x50: {  	v22 =	vsel vm7, v7, v22;
	vm3 =	vlt.f32 v23, v21  }
0x51: {  	v22 =	vsel vm8, v8, v22;
	v21 =	vsel vm3, v23, v21  }
0x52: {  	v22 =	vsel vm9, v9, v22;
	(xrf0) =	vmin.scan.msk.f32 $0xffff, v21  }
0x53: {  	v22 =	vsel vm10, v10, v22  }
0x54: {  	v22 =	vsel vm11, v11, v22  }
0x55: {  	v22 =	vsel vm12, v12, v22  }
0x56: {  	v22 =	vsel vm13, v13, v22  }
0x57: {  	v22 =	vsel vm14, v14, v22  }
0x58: {  	v22 =	vsel vm15, v15, v22;
	v23, _, _ =	vpop (xrf0)  }
0x59: {  	v22 =	vsel vm1, v16, v22;
	v23 =	vbroadcast v23, $0xF  }
0x5a: {  	v22 =	vsel vm2, v17, v22  }
0x5b: {  	vm1 =	veq.f32 v21, v23;
	v21 =	vsel vm3, v18, v22  }
0x5c: {  	v21 =	vnsel vm1, $0xC0000000, v21  }
0x5d: {  	(xrf0) =	vmin.scan.msk.u32 $0xffff, v21;
	_ =	sdelay $0x5  }
0x5e: {  	v21, _, _ =	vpop (xrf0)  }
0x5f: {  	(v2sf) =	vpush v21, $0xF;
	_ =	sdelay $0xe  }
0x60: {  	s30 =	spop (v2sf)  }
0x61: {  	s12 =	sxor.u32 $0x80000000, s30  }
0x62: {  	v22 =	vmov s12  }
0x63: {  	v21 =	vmov s2  }
0x64: {  	s31 =	simm.s32 $0x0;
	v23 =	vshrl.u32 v21, $0x3  }
0x65: {  	v23 =	vmul.u32 $0xC00, v23;
	s12 =	smul.u32 $0x3000, s31;
	v24 =	vshll.u32 v22, $0x3  }
0x66: {  	s13 =	simm.s32 $0x80;
	v21 =	vshll.u32 v21, $0x7;
	v24 =	vand.u32 $0xFFFFFC00, v24  }
0x67: {  	s14 =	sand.u32 $0x380, s13;
	v21 =	vand.u32 $0x380, v21;
	s12 =	sshra.s32 s12, $0x2;
	v23 =	vadd.s32 v23, v24;
	[tilespmem:v22+s9+$0x0] =	vst.idx.msk $0x1, v19  }
0x68: {  	s15 =	sor.u32 s14, s12;
	v21 =	vor.u32 v21, v23;
	v23 =	vld [tilespmem:$0xA810]  }
0x69: {  	v25 =	vld [tilespmem:s15+$0x10]  }
0x6a: {  	v24 =	vand.u32 $0x7F, v22;
	v29 =	vld [tilespmem:$0xA820]  }
0x6b: {  	v21 =	vor.u32 v24, v21  }
0x6c: {  	v22 =	vld [tilespmem:$0xA800]  }
0x6d: {  	v24 =	vld [tilespmem:s15+$0x0]  }
0x6e: {  	vm2 =	vgt.f32 v23, $5.000000000e-01  }
0x6f: {  	v28 =	vsel vm2, $0x7F800000, v25;
	vm2 =	vgt.f32 v29, $5.000000000e-01;
	v29 =	vld [tilespmem:$0x1FFF0]  }
0x70: {  	v21 =	vld.idx.msk [tilespmem:v21+s6+$0x0], $0xffff  }
0x71: {  	v26 =	vld [tilespmem:s15+$0x20];
	vm1 =	vgt.f32 v22, $5.000000000e-01  }
0x72: {  	v22 =	vld [tilespmem:$0xA830];
	v24 =	vsel vm1, $0x7F800000, v24  }
0x73: {  	v23 =	vld [tilespmem:s15+$0x30];
	vm1 =	vlt.f32 v24, $+Inf  }
0x74: {  	v25 =	vld [tilespmem:s15+$0x40];
	v27 =	vnsel vm1, $0x7F800000, v24;
	vm0 =	vnez.u8 v29  }
0x75: {  	s12 =	simm.s32 $0x1;
	s14 =	simm.s32 $0x2;
	v24 =	vld [tilespmem:$0xA840];
	vm1 =	vlt.f32 v28, v27;
	v21 =	vnsel vm0, $0x0, v21  }
.LBB2_2:
0x76: {  	_ = 	snop  }
0x77: {  	v27 =	vsel vm1, v28, v27;
	v28 =	vld [tilespmem:$0xA850];
	v26 =	vsel vm2, $0x7F800000, v26  }
0x78: {  	v20 =	vadd.f32 v21, v20;
	v21 =	vld [tilespmem:s15+$0x50];
	vm3 =	vgt.f32 v22, $5.000000000e-01;
	vm2 =	vlt.f32 v26, v27  }
0x79: {  	v23 =	vsel vm3, $0x7F800000, v23;
	v22 =	vsel vm2, v26, v27;
	v26 =	vld [tilespmem:$0xA860]  }
0x7a: {  	vm4 =	vgt.f32 v24, $5.000000000e-01;
	v24 =	vld [tilespmem:s15+$0x60];
	vm3 =	vlt.f32 v23, v22  }
0x7b: {  	v22 =	vsel vm3, v23, v22;
	v23 =	vsel vm4, $0x7F800000, v25;
	v25 =	vld [tilespmem:$0xA870]  }
0x7c: {  	vm5 =	vgt.f32 v28, $5.000000000e-01;
	v27 =	vld [tilespmem:s15+$0x70];
	vm4 =	vlt.f32 v23, v22  }
0x7d: {  	v21 =	vsel vm5, $0x7F800000, v21;
	v22 =	vsel vm4, v23, v22;
	v23 =	vld [tilespmem:$0xA880]  }
0x7e: {  	vm5 =	vlt.f32 v21, v22;
	vm6 =	vgt.f32 v26, $5.000000000e-01;
	v26 =	vld [tilespmem:s15+$0x400]  }
0x7f: {  	v21 =	vsel vm5, v21, v22;
	v22 =	vsel vm6, $0x7F800000, v24;
	v24 =	vld [tilespmem:$0xA890]  }
0x80: {  	vm6 =	vlt.f32 v22, v21;
	vm7 =	vgt.f32 v25, $5.000000000e-01;
	v25 =	vld [tilespmem:s15+$0x410]  }
0x81: {  	v21 =	vsel vm6, v22, v21;
	v22 =	vsel vm7, $0x7F800000, v27;
	v27 =	vld [tilespmem:$0xA8A0]  }
0x82: {  	vm7 =	vlt.f32 v22, v21;
	vm8 =	vgt.f32 v23, $5.000000000e-01;
	v23 =	vld [tilespmem:s15+$0x420]  }
0x83: {  	v21 =	vsel vm7, v22, v21;
	v22 =	vsel vm8, $0x7F800000, v26;
	v26 =	vld [tilespmem:$0xA8B0]  }
0x84: {  	vm8 =	vlt.f32 v22, v21;
	vm9 =	vgt.f32 v24, $5.000000000e-01;
	v24 =	vld [tilespmem:s15+$0x430]  }
0x85: {  	v21 =	vsel vm8, v22, v21;
	v22 =	vsel vm9, $0x7F800000, v25;
	v25 =	vld [tilespmem:$0xA8C0]  }
0x86: {  	vm9 =	vlt.f32 v22, v21;
	vm10 =	vgt.f32 v27, $5.000000000e-01;
	v27 =	vld [tilespmem:s15+$0x440]  }
0x87: {  	v21 =	vsel vm9, v22, v21;
	v22 =	vsel vm10, $0x7F800000, v23;
	v23 =	vld [tilespmem:$0xA8D0]  }
0x88: {  	vm10 =	vlt.f32 v22, v21;
	vm11 =	vgt.f32 v26, $5.000000000e-01;
	v26 =	vld [tilespmem:s15+$0x450]  }
0x89: {  	v21 =	vsel vm10, v22, v21;
	v22 =	vsel vm11, $0x7F800000, v24;
	v24 =	vld [tilespmem:$0xA8E0]  }
0x8a: {  	vm11 =	vlt.f32 v22, v21;
	vm12 =	vgt.f32 v25, $5.000000000e-01;
	v25 =	vld [tilespmem:s15+$0x460]  }
0x8b: {  	v21 =	vsel vm11, v22, v21;
	v22 =	vsel vm12, $0x7F800000, v27;
	v27 =	vld [tilespmem:$0xA8F0]  }
0x8c: {  	vm12 =	vlt.f32 v22, v21;
	vm13 =	vgt.f32 v23, $5.000000000e-01;
	v23 =	vld [tilespmem:s15+$0x470]  }
0x8d: {  	v21 =	vsel vm12, v22, v21;
	v22 =	vsel vm13, $0x7F800000, v26;
	v26 =	vld [tilespmem:$0xA900]  }
0x8e: {  	vm13 =	vlt.f32 v22, v21;
	vm14 =	vgt.f32 v24, $5.000000000e-01;
	v24 =	vld [tilespmem:s15+$0x800]  }
0x8f: {  	v21 =	vsel vm13, v22, v21;
	v22 =	vsel vm14, $0x7F800000, v25;
	v25 =	vld [tilespmem:$0xA910]  }
0x90: {  	vm14 =	vlt.f32 v22, v21;
	vm15 =	vgt.f32 v27, $5.000000000e-01;
	v27 =	vld [tilespmem:s15+$0x810]  }
0x91: {  	v21 =	vsel vm14, v22, v21;
	v22 =	vsel vm15, $0x7F800000, v23;
	v23 =	vld [tilespmem:$0xA920]  }
0x92: {  	v28 =	vsel vm1, v1, v0;
	vm15 =	vlt.f32 v22, v21;
	vm0 =	vgt.f32 v26, $5.000000000e-01;
	v26 =	vld [tilespmem:s15+$0x820]  }
0x93: {  	v21 =	vsel vm15, v22, v21;
	v22 =	vsel vm0, $0x7F800000, v24;
	v24 =	vsel vm2, v2, v28  }
0x94: {  	vm1 =	vlt.f32 v22, v21;
	vm0 =	vgt.f32 v25, $5.000000000e-01;
	v24 =	vsel vm3, v3, v24  }
0x95: {  	v21 =	vsel vm1, v22, v21;
	v22 =	vsel vm0, $0x7F800000, v27;
	v24 =	vsel vm4, v4, v24  }
0x96: {  	vm2 =	vlt.f32 v22, v21;
	vm0 =	vgt.f32 v23, $5.000000000e-01;
	v23 =	vsel vm5, v5, v24  }
0x97: {  	v21 =	vsel vm2, v22, v21;
	v22 =	vsel vm0, $0x7F800000, v26;
	v23 =	vsel vm6, v6, v23  }
0x98: {  	vm0 =	vlt.f32 v22, v21;
	v23 =	vsel vm7, v7, v23  }
0x99: {  	v21 =	vsel vm0, v22, v21;
	v22 =	vsel vm8, v8, v23  }
0x9a: {  	v22 =	vsel vm9, v9, v22;
	(xrf0) =	vmin.scan.msk.f32 $0xffff, v21  }
0x9b: {  	v22 =	vsel vm10, v10, v22  }
0x9c: {  	v22 =	vsel vm11, v11, v22  }
0x9d: {  	v22 =	vsel vm12, v12, v22  }
0x9e: {  	v22 =	vsel vm13, v13, v22  }
0x9f: {  	v22 =	vsel vm14, v14, v22  }
0xa0: {  	v22 =	vsel vm15, v15, v22;
	v23, _, _ =	vpop (xrf0)  }
0xa1: {  	v23 =	vbroadcast v23, $0xF;
	v22 =	vsel vm1, v16, v22  }
0xa2: {  	v22 =	vsel vm2, v17, v22  }
0xa3: {  	vm1 =	veq.f32 v21, v23;
	v21 =	vsel vm0, v18, v22  }
0xa4: {  	v21 =	vnsel vm1, $0xC0000000, v21  }
0xa5: {  	(xrf0) =	vmin.scan.msk.u32 $0xffff, v21;
	_ =	sdelay $0x5  }
0xa6: {  	v21, _, _ =	vpop (xrf0)  }
0xa7: {  	(v2sf) =	vpush v21, $0xF;
	_ =	sdelay $0xe  }
0xa8: {  	s29 =	spop (v2sf)  }
0xa9: {  	s15 =	sxor.u32 $0x80000000, s29  }
0xaa: {  	v22 =	vmov s15  }
0xab: {  	v21 =	vmov s12  }
0xac: {  	s16 =	smov.u32 s14;
	v23 =	vshrl.u32 v21, $0x3  }
0xad: {  	s12 =	smov.u32 s16;
	v23 =	vmul.u32 $0xC00, v23;
	v24 =	vshll.u32 v22, $0x3  }
0xae: {  	v21 =	vshll.u32 v21, $0x7;
	s30 =	sshrl.u32 s12, $0x3;
	v24 =	vand.u32 $0xFFFFFC00, v24  }
0xaf: {  	v21 =	vand.u32 $0x380, v21;
	s15 =	smul.u32 $0x3000, s30;
	v23 =	vadd.s32 v23, v24;
	[tilespmem:v22+s9+$0x0] =	vst.idx.msk $0x1, v19  }
0xb0: {  	s13 =	sadd.s32 $0x80, s13;
	v24 =	vand.u32 $0x7F, v22;
	v21 =	vor.u32 v21, v23;
	v29 =	vld [tilespmem:$0xA820]  }
0xb1: {  	s31 =	sand.u32 $0x380, s13;
	s15 =	sshra.s32 s15, $0x2;
	v21 =	vor.u32 v24, v21;
	v22 =	vld [tilespmem:$0xA800]  }
0xb2: {  	s15 =	sor.u32 s31, s15;
	v23 =	vld [tilespmem:$0xA810]  }
0xb3: {  	v24 =	vld [tilespmem:s15+$0x0]  }
0xb4: {  	v25 =	vld [tilespmem:s15+$0x10]  }
0xb5: {  	vm2 =	vgt.f32 v29, $5.000000000e-01;
	v29 =	vld [tilespmem:$0x1FFF0]  }
0xb6: {  	p0 =	sne.s32 s14, $0x31;
	v21 =	vld.idx.msk [tilespmem:v21+s6+$0x0], $0xffff  }
.Ltmp0:
0xb7: {  	v26 =	vld [tilespmem:s15+$0x20];
	vm0 =	vgt.f32 v22, $5.000000000e-01;
	(pc) =	sbr.rel @p0 .LBB2_2-.Ltmp0, $4  }
0xb8: {  	v22 =	vld [tilespmem:$0xA830];
	v24 =	vsel vm0, $0x7F800000, v24  }
0xb9: {  	vm1 =	vgt.f32 v23, $5.000000000e-01;
	v23 =	vld [tilespmem:s15+$0x30];
	vm0 =	vlt.f32 v24, $+Inf  }
0xba: {  	v28 =	vsel vm1, $0x7F800000, v25;
	v25 =	vld [tilespmem:s15+$0x40];
	v27 =	vnsel vm0, $0x7F800000, v24;
	vm0 =	vnez.u8 v29  }
0xbb: {  	s14 =	sadd.s32 $0x1, s14;
	v24 =	vld [tilespmem:$0xA840];
	vm1 =	vlt.f32 v28, v27;
	v21 =	vnsel vm0, $0x0, v21  }
0xbc: {  	_ = 	snop  }
0xbd: {  	v27 =	vsel vm1, v28, v27;
	v26 =	vsel vm2, $0x7F800000, v26;
	v50 =	vld [tilespmem:$0xA850]  }
0xbe: {  	v51 =	vld [tilespmem:s15+$0x50];
	vm2 =	vlt.f32 v26, v27;
	vm0 =	vgt.f32 v22, $5.000000000e-01  }
0xbf: {  	v52 =	vld [tilespmem:$0xA860];
	v26 =	vsel vm2, v26, v27;
	v23 =	vsel vm0, $0x7F800000, v23  }
0xc0: {  	v53 =	vld [tilespmem:s15+$0x60];
	vm3 =	vlt.f32 v23, v26;
	vm4 =	vgt.f32 v24, $5.000000000e-01  }
0xc1: {  	v54 =	vld [tilespmem:$0xA870];
	v23 =	vsel vm3, v23, v26;
	v25 =	vsel vm4, $0x7F800000, v25  }
0xc2: {  	v55 =	vld [tilespmem:s15+$0x70];
	vm5 =	vgt.f32 v50, $5.000000000e-01;
	vm4 =	vlt.f32 v25, v23  }
0xc3: {  	v56 =	vld [tilespmem:$0xA880];
	v22 =	vsel vm5, $0x7F800000, v51;
	v23 =	vsel vm4, v25, v23  }
0xc4: {  	v57 =	vld [tilespmem:s15+$0x400];
	vm6 =	vgt.f32 v52, $5.000000000e-01;
	vm5 =	vlt.f32 v22, v23  }
0xc5: {  	v59 =	vld [tilespmem:$0xA890];
	v58 =	vsel vm6, $0x7F800000, v53;
	v22 =	vsel vm5, v22, v23  }
0xc6: {  	v60 =	vld [tilespmem:s15+$0x410];
	vm7 =	vgt.f32 v54, $5.000000000e-01;
	vm6 =	vlt.f32 v58, v22  }
0xc7: {  	v62 =	vld [tilespmem:$0xA8A0];
	v61 =	vsel vm7, $0x7F800000, v55;
	v22 =	vsel vm6, v58, v22  }
0xc8: {  	v63 =	vld [tilespmem:s15+$0x420];
	vm8 =	vgt.f32 v56, $5.000000000e-01;
	vm7 =	vlt.f32 v61, v22  }
0xc9: {  	v32 =	vld [tilespmem:$0xA8B0];
	v31 =	vsel vm8, $0x7F800000, v57;
	v22 =	vsel vm7, v61, v22  }
0xca: {  	v33 =	vld [tilespmem:s15+$0x430];
	vm9 =	vgt.f32 v59, $5.000000000e-01;
	vm8 =	vlt.f32 v31, v22  }
0xcb: {  	v35 =	vld [tilespmem:$0xA8C0];
	v34 =	vsel vm9, $0x7F800000, v60;
	v22 =	vsel vm8, v31, v22  }
0xcc: {  	v36 =	vld [tilespmem:s15+$0x440];
	vm10 =	vgt.f32 v62, $5.000000000e-01;
	vm9 =	vlt.f32 v34, v22  }
0xcd: {  	v38 =	vld [tilespmem:$0xA8D0];
	v37 =	vsel vm10, $0x7F800000, v63;
	v22 =	vsel vm9, v34, v22  }
0xce: {  	v39 =	vld [tilespmem:s15+$0x450];
	vm11 =	vgt.f32 v32, $5.000000000e-01;
	vm10 =	vlt.f32 v37, v22  }
0xcf: {  	v41 =	vld [tilespmem:$0xA8E0];
	v40 =	vsel vm11, $0x7F800000, v33;
	v22 =	vsel vm10, v37, v22  }
0xd0: {  	v42 =	vld [tilespmem:s15+$0x460];
	vm12 =	vgt.f32 v35, $5.000000000e-01;
	vm11 =	vlt.f32 v40, v22  }
0xd1: {  	v44 =	vld [tilespmem:$0xA8F0];
	v43 =	vsel vm12, $0x7F800000, v36;
	v22 =	vsel vm11, v40, v22  }
0xd2: {  	v45 =	vld [tilespmem:s15+$0x470];
	vm13 =	vgt.f32 v38, $5.000000000e-01;
	vm12 =	vlt.f32 v43, v22  }
0xd3: {  	v47 =	vld [tilespmem:$0xA900];
	v46 =	vsel vm13, $0x7F800000, v39;
	v22 =	vsel vm12, v43, v22  }
0xd4: {  	v48 =	vld [tilespmem:s15+$0x800];
	vm14 =	vgt.f32 v41, $5.000000000e-01;
	vm13 =	vlt.f32 v46, v22  }
0xd5: {  	v50 =	vld [tilespmem:$0xA910];
	v49 =	vsel vm14, $0x7F800000, v42;
	v22 =	vsel vm13, v46, v22  }
0xd6: {  	vm15 =	vgt.f32 v44, $5.000000000e-01;
	v51 =	vld [tilespmem:s15+$0x810];
	vm14 =	vlt.f32 v49, v22  }
0xd7: {  	v52 =	vsel vm15, $0x7F800000, v45;
	v53 =	vld [tilespmem:$0xA920];
	v22 =	vsel vm14, v49, v22  }
0xd8: {  	v29 =	vsel vm1, v1, v0;
	v54 =	vld [tilespmem:s15+$0x820];
	vm15 =	vgt.f32 v47, $5.000000000e-01;
	vm0 =	vlt.f32 v52, v22  }
0xd9: {  	v55 =	vsel vm2, v2, v29;
	v24 =	vsel vm15, $0x7F800000, v48;
	v22 =	vsel vm0, v52, v22  }
0xda: {  	v23 =	vsel vm3, v3, v55;
	vm15 =	vgt.f32 v50, $5.000000000e-01;
	vm1 =	vlt.f32 v24, v22  }
0xdb: {  	v23 =	vsel vm4, v4, v23;
	v26 =	vsel vm15, $0x7F800000, v51;
	v22 =	vsel vm1, v24, v22  }
0xdc: {  	v23 =	vsel vm5, v5, v23;
	vm15 =	vgt.f32 v53, $5.000000000e-01;
	vm2 =	vlt.f32 v26, v22  }
0xdd: {  	v56 =	vsel vm15, $0x7F800000, v54;
	v23 =	vsel vm6, v6, v23;
	v22 =	vsel vm2, v26, v22  }
0xde: {  	v23 =	vsel vm7, v7, v23;
	vm3 =	vlt.f32 v56, v22  }
0xdf: {  	v23 =	vsel vm8, v8, v23;
	v22 =	vsel vm3, v56, v22  }
0xe0: {  	v23 =	vsel vm9, v9, v23;
	(xrf0) =	vmin.scan.msk.f32 $0xffff, v22  }
0xe1: {  	v23 =	vsel vm10, v10, v23  }
0xe2: {  	v23 =	vsel vm11, v11, v23  }
0xe3: {  	v23 =	vsel vm12, v12, v23  }
0xe4: {  	v23 =	vsel vm13, v13, v23  }
0xe5: {  	v23 =	vsel vm14, v14, v23  }
0xe6: {  	v23 =	vsel vm0, v15, v23;
	v57, _, _ =	vpop (xrf0)  }
0xe7: {  	v23 =	vsel vm1, v16, v23;
	v24 =	vbroadcast v57, $0xF  }
0xe8: {  	v23 =	vsel vm2, v17, v23  }
0xe9: {  	v23 =	vsel vm3, v18, v23;
	vm14 =	veq.f32 v22, v24  }
0xea: {  	v22 =	vnsel vm14, $0xC0000000, v23  }
0xeb: {  	(xrf0) =	vmin.scan.msk.u32 $0xffff, v22;
	_ =	sdelay $0x5  }
0xec: {  	v22, _, _ =	vpop (xrf0)  }
0xed: {  	(v2sf) =	vpush v22, $0xF;
	_ =	sdelay $0xe  }
0xee: {  	s13 =	spop (v2sf)  }
0xef: {  	v58 =	vmov s12;
	s13 =	sxor.u32 $0x80000000, s13  }
0xf0: {  	v60 =	vshrl.u32 v58, $0x3;
	v59 =	vmov s13  }
0xf1: {  	v24 =	vmul.u32 $0xC00, v60;
	v61 =	vshll.u32 v59, $0x3  }
0xf2: {  	v22 =	vshll.u32 v58, $0x7;
	v25 =	vand.u32 $0xFFFFFC00, v61  }
0xf3: {  	v22 =	vand.u32 $0x380, v22;
	v24 =	vadd.s32 v24, v25  }
0xf4: {  	v62 =	vand.u32 $0x7F, v59;
	v22 =	vor.u32 v22, v24  }
0xf5: {  	v22 =	vor.u32 v62, v22;
	_ =	sdelay $0x3  }
0xf6: {  	v63 =	vld [tilespmem:$0x1FFF0];
	[tilespmem:v59+s9+$0x0] =	vst.idx.msk $0x1, v19  }
0xf7: {  	v22 =	vld.idx.msk [tilespmem:v22+s6+$0x0], $0xffff;
	_ =	sdelay $0x3  }
0xf8: {  	v20 =	vadd.f32 v21, v20;
	vm15 =	vnez.u8 v63  }
0xf9: {  	v21 =	vnsel vm15, $0x0, v22  }
0xfa: {  	s11 =	sadd.s32 $0x1, s11;
	v20 =	vadd.f32 v21, v20  }
0xfb: {  	p0 =	sne.s32 s11, s7  }
.Ltmp1:
0xfc: {  	[tilespmem:$0xA980] =	vst v20;
	(pc) =	sbr.rel @p0 .LBB2_1-.Ltmp1, $4  }
0xfd: {  	[hbm4b:s5+s2] =	stream.linear.scatter [tilespmem:s10], [sflag:$0x1], $0x80, $0x38;
	[tilespmem:$0xAA00] =	vst v63  }
0xfe: {  	_ =	swait.ge [sflag:s8], $0x80  }
0xff: {  	[sflag:s8] =	ssyncset.done $0x0  }
0x100: {  	[sflag:s8] =	ssyncadd.s32 $0xFFFFFF80  }
0x101: {  	_ =	sfence.sel $0x180000  }
0x102: {  	[bflag:$0x0] =	sbarrier.arrive $0xFFFF  }
0x103: {  	p0 =	sne.s32 s0, $0x0;
	_ =	strace $0x90000047  }
0x104: {  	s0 =	sadd.s32 @!p0 $0x100000, s1;
	[bflag:$0x2] =	sbarrier.arrive $0xFFFF  }
0x105: {  	[sflag:s0] =	ssyncadd.tile.s32 @!p0 $0x1;
	_ =	shalt  }
.Lfunc_end2:
_tile_overlayer_lowered:
.L_overlay_start_2:
0x106: {  	(tag) =	ssettag $0x2  }
0x107: {  	s0 =	rddreg [dreg:$0x0];
	s2 =	stileid.u32  }
0x108: {  	s1 =	rddreg [dreg:$0x1];
	p0 =	sne.s32 s2, $0x0  }
0x109: {  	s3 =	rddreg [dreg:$0x2];
	[bflag:$0x3] =	sbarrier.arrive $0xFFFF;
	s2 =	simm.s32 @!p0 $0x1C01  }
0x10a: {  	[timem:s3], [sflag:s2] =	dma.local @!p0 [hbm:s0], s1  }
0x10b: {  	s0 =	simm.s32 @!p0 $0x1  }
0x10c: {  	_ =	swait.ge @!p0 [sflag:s0], s1  }
0x10d: {  	s1 =	ssub.s32 @!p0 $0x0, s1;
	[sflag:s0] =	ssyncset.done @!p0 $0x0  }
0x10e: {  	[sflag:s0] =	ssyncadd.s32 @!p0 s1  }
0x10f: {  	[bflag:$0x3] =	sbarrier.arrive $0xFFFF  }
0x110: {  	_ =	shalt  }

</sc_bundles>
